<compile_context>
chip_gen: v7x
topology: tpu7x:2x2x1
jax: 0.10.2.dev20260603
libtpu: 0.0.44.dev20260713+nightly
codegen_flags: <defaults>
</compile_context>

<pallas_src>
import functools

import jax
import jax.numpy as jnp
from jax import lax
from jax.experimental import pallas as pl
from jax.experimental.pallas import tpu as pltpu
from jax.experimental.pallas import tpu_sc as plsc

NC = 2
NS = 16
NW = NC * NS

_SC_PARAMS = dict(
    compiler_params=pltpu.CompilerParams(use_tc_tiling_on_sc=False,
                                         needs_layout_passes=False),
)


def _mesh():
    return plsc.VectorSubcoreMesh(core_axis_name="c", subcore_axis_name="s")


def _fast_rsqrt(x):
    i = plsc.bitcast(x, jnp.int32)
    i = jnp.full((16,), 0x5F3759DF, jnp.int32) - lax.shift_right_logical(i, 1)
    y = plsc.bitcast(i, jnp.float32)
    half = x * 0.5
    for _ in range(3):
        y = y * (1.5 - half * y * y)
    return y


def _make_sc_deg(r_pad, ew):
    dz = r_pad // NS
    rw = r_pad // NW
    eb = 104
    nb = ew // eb
    tail = ew - nb * eb
    assert tail % 16 == 0

    @functools.partial(
        pl.kernel,
        out_type=jax.ShapeDtypeStruct((r_pad, 16), jnp.float32),
        mesh=_mesh(),
        scratch_types=[
            pltpu.VMEM_SHARED((r_pad,), jnp.float32),
            pltpu.VMEM((ew,), jnp.int32),
            pltpu.VMEM((-(-eb // 16) * 16,), jnp.float32),
            pltpu.VMEM((rw,), jnp.float32),
            pltpu.VMEM((rw, 16), jnp.float32),
            pltpu.SemaphoreType.DMA,
        ],
        **_SC_PARAMS,
    )
    def deg_kernel(e4_hbm, dv_hbm, acc, idx_v, ones_v, ybuf, obuf, sem):
        c = lax.axis_index("c")
        s = lax.axis_index("s")
        wid = c * NS + s

        zero16 = jnp.zeros((16,), jnp.float32)

        def zfill(i, carry):
            ybuf[pl.ds(i * 16, 16)] = zero16
            return carry

        lax.fori_loop(0, rw // 16, zfill, 0)

        def zcopy(i, carry):
            pltpu.sync_copy(ybuf, acc.at[pl.ds(s * dz + i * rw, rw)])
            return carry

        lax.fori_loop(0, dz // rw, zcopy, 0)

        one16 = jnp.full((16,), 1.0, jnp.float32)

        def ofill(i, carry):
            ones_v[pl.ds(i * 16, 16)] = one16
            return carry

        lax.fori_loop(0, -(-eb // 16), ofill, 0)
        ones_s = ones_v.at[pl.ds(0, eb)]
        ones_t = ones_v.at[pl.ds(0, tail)]
        pltpu.sync_copy(e4_hbm.at[1, pl.ds(s * ew, ew)], idx_v)
        plsc.subcore_barrier()

        def fire(j, carry):
            pltpu.async_copy(ones_s, acc.at[idx_v.at[pl.ds(j * eb, eb)]],
                             sem, add=True)
            return carry

        lax.fori_loop(0, nb, fire, 0)
        if tail:
            pltpu.async_copy(ones_t, acc.at[idx_v.at[pl.ds(nb * eb, tail)]],
                             sem, add=True)

        def drain(j, carry):
            pltpu.make_async_copy(ones_s, acc.at[idx_v.at[pl.ds(0, eb)]],
                                  sem).wait()
            return carry

        lax.fori_loop(0, nb, drain, 0)
        if tail:
            pltpu.make_async_copy(ones_t, acc.at[idx_v.at[pl.ds(0, tail)]],
                                  sem).wait()
        plsc.subcore_barrier()

        pltpu.sync_copy(acc.at[pl.ds(wid * rw, rw)], ybuf)

        def rsq(i, carry):
            sl = pl.ds(i * 16, 16)
            deg = ybuf[sl] + 1.0
            ybuf[sl] = _fast_rsqrt(deg)
            return carry

        lax.fori_loop(0, rw // 16, rsq, 0)

        def rows(k4, carry):
            for u in range(4):
                k = 4 * k4 + u
                obuf[k] = plsc.load_gather(ybuf, [jnp.full((16,), k, jnp.int32)])
            return carry

        lax.fori_loop(0, rw // 4, rows, 0)
        pltpu.sync_copy(obuf, dv_hbm.at[pl.ds(wid * rw, rw)])

    return deg_kernel


def _make_sc_prop(r_pad, ew, n_chunk):
    rz = r_pad // NS
    eb = 104
    nb = ew // eb
    tail = ew - nb * eb
    cb = nb // n_chunk
    assert nb % n_chunk == 0 and tail % 8 == 0

    @functools.partial(
        pl.kernel,
        out_type=jax.ShapeDtypeStruct((NC, r_pad, 16), jnp.float32),
        mesh=_mesh(),
        scratch_types=[
            pltpu.VMEM_SHARED((r_pad, 16), jnp.float32),
            pltpu.VMEM((ew,), jnp.int32),
            pltpu.VMEM((ew,), jnp.int32),
            pltpu.VMEM((ew, 16), jnp.float32),
        ] + [pltpu.SemaphoreType.DMA] * n_chunk,
        **_SC_PARAMS,
    )
    def prop_kernel(g_hbm, e4_hbm, out_hbm, acc, sidx, didx, rows, *sems):
        c = lax.axis_index("c")
        s = lax.axis_index("s")
        wid = c * NS + s
        zero16 = jnp.zeros((16,), jnp.float32)

        def zero(i, carry):
            for u in range(4):
                rows[4 * i + u] = zero16
            return carry

        lax.fori_loop(0, rz // 4, zero, 0)
        pltpu.sync_copy(rows.at[pl.ds(0, rz)], acc.at[pl.ds(s * rz, rz)])
        pltpu.sync_copy(e4_hbm.at[0, pl.ds(wid * ew, ew)], sidx)
        pltpu.sync_copy(e4_hbm.at[1, pl.ds(wid * ew, ew)], didx)
        plsc.subcore_barrier()

        def gfire(k):
            def go(j, carry):
                b = k * cb + j
                pltpu.async_copy(g_hbm.at[sidx.at[pl.ds(b * eb, eb)]],
                                 rows.at[pl.ds(b * eb, eb)], sems[k])
                return carry
            lax.fori_loop(0, cb, go, 0)
            if k == n_chunk - 1 and tail:
                pltpu.async_copy(g_hbm.at[sidx.at[pl.ds(nb * eb, tail)]],
                                 rows.at[pl.ds(nb * eb, tail)], sems[k])

        def sfire(k):
            def go(j, carry):
                b = k * cb + j
                pltpu.async_copy(rows.at[pl.ds(b * eb, eb)],
                                 acc.at[didx.at[pl.ds(b * eb, eb)]],
                                 sems[k], add=True)
                return carry
            lax.fori_loop(0, cb, go, 0)
            if k == n_chunk - 1 and tail:
                pltpu.async_copy(rows.at[pl.ds(nb * eb, tail)],
                                 acc.at[didx.at[pl.ds(nb * eb, tail)]],
                                 sems[k], add=True)

        def drain(k):
            ce = cb * eb + (tail if k == n_chunk - 1 else 0)
            pltpu.make_async_copy(g_hbm.at[pl.ds(0, ce)],
                                  rows.at[pl.ds(0, ce)], sems[k]).wait()

        for k in range(n_chunk):
            gfire(k)
        for k in range(n_chunk):
            drain(k)
            sfire(k)
        for k in range(n_chunk):
            drain(k)
        plsc.subcore_barrier()
        pltpu.sync_copy(acc.at[pl.ds(s * rz, rz)],
                        out_hbm.at[c, pl.ds(s * rz, rz)])

    return prop_kernel




def _make_sc_layer1(r_pad):
    rw = r_pad // NW

    @functools.partial(
        pl.kernel,
        out_type=jax.ShapeDtypeStruct((r_pad, 16), jnp.float32),
        mesh=_mesh(),
        scratch_types=[
            pltpu.VMEM((rw, 16), jnp.float32),
            pltpu.VMEM((rw, 16), jnp.float32),
            pltpu.VMEM((rw, 16), jnp.float32),
            pltpu.VMEM((rw, 16), jnp.float32),
            pltpu.VMEM((16,), jnp.float32),
        ],
        **_SC_PARAMS,
    )
    def l1_kernel(s1_hbm, g0_hbm, dv_hbm, b1_hbm, g1_hbm,
                  abuf, bbuf, gbuf, dbuf, bias):
        c = lax.axis_index("c")
        s = lax.axis_index("s")
        wid = c * NS + s
        sl = pl.ds(wid * rw, rw)
        pltpu.sync_copy(s1_hbm.at[0, sl], abuf)
        pltpu.sync_copy(s1_hbm.at[1, sl], bbuf)
        pltpu.sync_copy(g0_hbm.at[sl], gbuf)
        pltpu.sync_copy(dv_hbm.at[sl], dbuf)
        pltpu.sync_copy(b1_hbm, bias)
        b1v = bias[...]

        def rows(k4, carry):
            for u in range(4):
                k = 4 * k4 + u
                t = abuf[k] + bbuf[k] + gbuf[k]
                h1 = jnp.maximum(dbuf[k] * t + b1v, 0.0)
                gbuf[k] = dbuf[k] * h1
            return carry

        lax.fori_loop(0, rw // 4, rows, 0)
        pltpu.sync_copy(gbuf, g1_hbm.at[sl])

    return l1_kernel


def _make_sc_layer2c(r_pad):
    rw = r_pad // NW

    @functools.partial(
        pl.kernel,
        out_type=jax.ShapeDtypeStruct((r_pad, 128), jnp.float32),
        mesh=_mesh(),
        scratch_types=[
            pltpu.VMEM((rw, 16), jnp.float32),
            pltpu.VMEM((rw, 16), jnp.float32),
            pltpu.VMEM((rw, 16), jnp.float32),
            pltpu.VMEM((rw, 16), jnp.float32),
        ],
        **_SC_PARAMS,
    )
    def l2_kernel(s2_hbm, g1_hbm, dv_hbm, t_hbm, abuf, bbuf, gbuf, dbuf):
        c = lax.axis_index("c")
        s = lax.axis_index("s")
        wid = c * NS + s
        sl = pl.ds(wid * rw, rw)
        pltpu.sync_copy(s2_hbm.at[0, sl], abuf)
        pltpu.sync_copy(s2_hbm.at[1, sl], bbuf)
        pltpu.sync_copy(g1_hbm.at[sl], gbuf)
        pltpu.sync_copy(dv_hbm.at[sl], dbuf)

        def rows(k4, carry):
            for u in range(4):
                k = 4 * k4 + u
                gbuf[k] = dbuf[k] * (abuf[k] + bbuf[k] + gbuf[k])
            return carry

        lax.fori_loop(0, rw // 4, rows, 0)
        pltpu.sync_copy(gbuf, t_hbm.at[sl, pl.ds(0, 16)])

    return l2_kernel




def _tc_matmul(x, wp, r_pad, bn):
    m, k = x.shape

    def body(x_ref, w_ref, o_ref):
        o_ref[...] = jnp.dot(x_ref[...], w_ref[...],
                             preferred_element_type=jnp.float32)

    return pl.pallas_call(
        body,
        grid=(m // bn,),
        in_specs=[
            pl.BlockSpec((bn, k), lambda i: (i, 0)),
            pl.BlockSpec((k, 128), lambda i: (0, 0)),
        ],
        out_specs=pl.BlockSpec((bn, 128), lambda i: (i, 0)),
        out_shape=jax.ShapeDtypeStruct((r_pad, 128), jnp.float32),
    )(x, wp)


def _tc_final(t, w2, b2, n, bn):
    cdim = w2.shape[1]

    def body(t_ref, w2_ref, b2_ref, o_ref):
        t16 = t_ref[:, :16]
        z = jnp.dot(t16, w2_ref[...], preferred_element_type=jnp.float32)
        z = z + b2_ref[...]
        m = jnp.max(z, axis=1, keepdims=True)
        ez = jnp.exp(z - m)
        lse = jnp.log(jnp.sum(ez, axis=1, keepdims=True)) + m
        o_ref[...] = (z - lse).T

    r_pad = t.shape[0]
    return pl.pallas_call(
        body,
        grid=(r_pad // bn,),
        in_specs=[
            pl.BlockSpec((bn, 128), lambda i: (i, 0)),
            pl.BlockSpec((16, cdim), lambda i: (0, 0)),
            pl.BlockSpec((1, cdim), lambda i: (0, 0)),
        ],
        out_specs=pl.BlockSpec((cdim, bn), lambda i: (0, i)),
        out_shape=jax.ShapeDtypeStruct((cdim, n), jnp.float32),
    )(t, w2, b2)


def _make_sc_scale(r_pad):
    rw = r_pad // NW

    @functools.partial(
        pl.kernel,
        out_type=jax.ShapeDtypeStruct((r_pad, 16), jnp.float32),
        mesh=_mesh(),
        scratch_types=[
            pltpu.VMEM((rw, 16), jnp.float32),
            pltpu.VMEM((rw, 16), jnp.float32),
        ],
        **_SC_PARAMS,
    )
    def scale_kernel(dv_hbm, h0_hbm, g0_hbm, dbuf, hbuf):
        c = lax.axis_index("c")
        s = lax.axis_index("s")
        wid = c * NS + s
        pltpu.sync_copy(dv_hbm.at[pl.ds(wid * rw, rw)], dbuf)
        pltpu.sync_copy(h0_hbm.at[pl.ds(wid * rw, rw), pl.ds(0, 16)], hbuf)

        def rows(k4, carry):
            for u in range(4):
                k = 4 * k4 + u
                hbuf[k] = dbuf[k] * hbuf[k]
            return carry

        lax.fori_loop(0, rw // 4, rows, 0)
        pltpu.sync_copy(hbuf, g0_hbm.at[pl.ds(wid * rw, rw)])

    return scale_kernel




def kernel(input_matrix, edge_index, W1, b1, W2, b2):
    n, d = input_matrix.shape
    h = W1.shape[1]
    c = W2.shape[1]
    e = edge_index.shape[1]

    assert e % (NW * 8) == 0

    r_pad = -(-n // (16 * NS)) * (16 * NS)

    bn = 2000

    dv = _make_sc_deg(r_pad, e // NS)(edge_index)
    w1p = jnp.pad(W1, ((0, 0), (0, 128 - h)))
    h0 = _tc_matmul(input_matrix, w1p, r_pad, bn)
    g0 = _make_sc_scale(r_pad)(dv, h0)

    prop = _make_sc_prop(r_pad, e // NW, 8)
    s1 = prop(g0, edge_index)
    g1 = _make_sc_layer1(r_pad)(s1, g0, dv, b1)

    s2 = prop(g1, edge_index)
    t = _make_sc_layer2c(r_pad)(s2, g1, dv)
    return _tc_final(t, W2, b2.reshape(1, c), n, 2048).T

# --- scband reference (transcript-rebuilt; emitter-appended) ---
"""Pipeline reference for scband-gcnnet-64836826301045 (READ-ONLY COPY).

The authoritative reference and input builder live on the scoring server;
editing this copy changes nothing except your own understanding.
"""

import jax, jax.numpy as jnp
import numpy as np

N = 10000
E = 160000
D = 256
H = 16
C = 16


def setup_inputs(seed: int = 0) -> dict:
    key = jax.random.key(seed)
    k1, k2, k3, k4 = jax.random.split(key, 4)
    input_matrix = jax.random.normal(k1, (N, D), dtype=jnp.float32)
    edge_index = jax.random.randint(k2, (2, E), 0, N, dtype=jnp.int32)
    W1 = jax.random.normal(k3, (D, H), dtype=jnp.float32) * (1.0 / np.sqrt(D))
    b1 = jnp.zeros((H,), dtype=jnp.float32)
    W2 = jax.random.normal(k4, (H, C), dtype=jnp.float32) * (1.0 / np.sqrt(H))
    b2 = jnp.zeros((C,), dtype=jnp.float32)
    return {"input_matrix": input_matrix, "edge_index": edge_index, "W1": W1, "b1": b1, "W2": W2, "b2": b2}


def _propagate(h, src, dst, norm, n_nodes):
    # message = h[src] * norm; scatter-add into dst
    msg = jnp.take(h, src, axis=0) * norm[:, None]
    return jnp.zeros((n_nodes, h.shape[1]), dtype=h.dtype).at[dst].add(msg)


def reference(input_matrix, edge_index, W1, b1, W2, b2):
    n_nodes = input_matrix.shape[0]
    src = edge_index[0]
    dst = edge_index[1]
    # add self-loops (standard GCN normalization: D^-1/2 (A+I) D^-1/2)
    loops = jnp.arange(n_nodes, dtype=src.dtype)
    src = jnp.concatenate([src, loops])
    dst = jnp.concatenate([dst, loops])
    deg = jnp.zeros((n_nodes,), dtype=input_matrix.dtype).at[dst].add(1.0)
    dinv = jax.lax.rsqrt(jnp.maximum(deg, 1.0))
    norm = dinv[src] * dinv[dst]
    # layer 1: transform -> propagate -> bias -> relu (default activation)
    h = input_matrix @ W1
    h = _propagate(h, src, dst, norm, n_nodes) + b1
    h = jax.nn.relu(h)
    # dropout p=0.5 is identity in eval mode
    # layer 2: transform -> propagate -> bias -> log_softmax(dim=1)
    z = h @ W2
    z = _propagate(z, src, dst, norm, n_nodes) + b2
    return jax.nn.log_softmax(z, axis=1)

if __name__ == "__main__":
    import jax
    _d = setup_inputs()
    print(jax.jit(kernel)(*tuple(_d.values())))

</pallas_src>

<mosaic_0001>
#map = affine_map<(d0, d1) -> (0, 0)>
module attributes {stable_mosaic.version = 14 : i64} {
  func.func @scale_kernel(%arg0: i32, %arg1: i32, %arg2: memref<10240x16xf32, #tpu.memory_space<hbm>>, %arg3: memref<10240x128xf32, #tpu.memory_space<hbm>>, %arg4: memref<10240x16xf32, #tpu.memory_space<hbm>>, %arg5: memref<320x16xf32, #tpu.memory_space<vmem>>, %arg6: memref<320x16xf32, #tpu.memory_space<vmem>>) attributes {dimension_semantics = [#tpu.dimension_semantics<core_parallel>, #tpu.dimension_semantics<subcore_parallel>], iteration_bounds = array<i64: 2, 16>, scalar_prefetch = 0 : i64, scratch_operands = 2 : i64, tpu.core_type = #tpu.core_type<sc_vector_subcore>, window_params = [{transform_indices = #map}, {transform_indices = #map}, {transform_indices = #map}]} {
    %mul3A = arith.constant 16 : i32
    %mul3A_0 = arith.muli %arg0, %mul3A : i32
    %add3A = arith.addi %mul3A_0, %arg1 : i32
    %mul3A_1 = arith.constant 320 : i32
    %mul3A_2 = arith.muli %add3A, %mul3A_1 : i32
    "tpu.region"() ({
      %run_scoped3A = tpu.sem_alloc : memref<!tpu.dma_semaphore, #tpu.memory_space<semaphore_mem>>
      %dma_start3A = arith.constant 0 : i32
      %dma_start3A_12 = tpu.memref_slice %arg2[%mul3A_2, %dma_start3A] : memref<10240x16xf32, #tpu.memory_space<hbm>> -> memref<320x16xf32, #tpu.memory_space<hbm>>
      %dma_start3A_13 = arith.constant 0 : i32
      %dma_start3A_14 = tpu.memref_slice %arg2[%mul3A_2, %dma_start3A_13] : memref<10240x16xf32, #tpu.memory_space<hbm>> -> memref<320x16xf32, #tpu.memory_space<hbm>>
      tpu.enqueue_dma source(%dma_start3A_14 : memref<320x16xf32, #tpu.memory_space<hbm>>) target(%arg5 : memref<320x16xf32, #tpu.memory_space<vmem>>) target_semaphore(%run_scoped3A : memref<!tpu.dma_semaphore, #tpu.memory_space<semaphore_mem>>)
      %dma_wait3A = arith.constant 0 : i32
      %dma_wait3A_15 = tpu.memref_slice %arg2[%mul3A_2, %dma_wait3A] : memref<10240x16xf32, #tpu.memory_space<hbm>> -> memref<320x16xf32, #tpu.memory_space<hbm>>
      %dma_wait3A_16 = arith.constant 0 : i32
      %dma_wait3A_17 = tpu.memref_slice %arg2[%mul3A_2, %dma_wait3A_16] : memref<10240x16xf32, #tpu.memory_space<hbm>> -> memref<320x16xf32, #tpu.memory_space<hbm>>
      tpu.wait_dma2 semaphore(%run_scoped3A : memref<!tpu.dma_semaphore, #tpu.memory_space<semaphore_mem>>) src(%dma_wait3A_17 : memref<320x16xf32, #tpu.memory_space<hbm>>) dst(%arg5 : memref<320x16xf32, #tpu.memory_space<vmem>>)
      tpu.yield
    }) : () -> ()
    %mul3A_3 = arith.constant 320 : i32
    %mul3A_4 = arith.muli %add3A, %mul3A_3 : i32
    "tpu.region"() ({
      %run_scoped3A = tpu.sem_alloc : memref<!tpu.dma_semaphore, #tpu.memory_space<semaphore_mem>>
      %dma_start3A = arith.constant 0 : i32
      %dma_start3A_12 = tpu.memref_slice %arg3[%mul3A_4, %dma_start3A] : memref<10240x128xf32, #tpu.memory_space<hbm>> -> memref<320x16xf32, #tpu.memory_space<hbm>>
      %dma_start3A_13 = arith.constant 0 : i32
      %dma_start3A_14 = tpu.memref_slice %arg3[%mul3A_4, %dma_start3A_13] : memref<10240x128xf32, #tpu.memory_space<hbm>> -> memref<320x16xf32, #tpu.memory_space<hbm>>
      tpu.enqueue_dma source(%dma_start3A_14 : memref<320x16xf32, #tpu.memory_space<hbm>>) target(%arg6 : memref<320x16xf32, #tpu.memory_space<vmem>>) target_semaphore(%run_scoped3A : memref<!tpu.dma_semaphore, #tpu.memory_space<semaphore_mem>>)
      %dma_wait3A = arith.constant 0 : i32
      %dma_wait3A_15 = tpu.memref_slice %arg3[%mul3A_4, %dma_wait3A] : memref<10240x128xf32, #tpu.memory_space<hbm>> -> memref<320x16xf32, #tpu.memory_space<hbm>>
      %dma_wait3A_16 = arith.constant 0 : i32
      %dma_wait3A_17 = tpu.memref_slice %arg3[%mul3A_4, %dma_wait3A_16] : memref<10240x128xf32, #tpu.memory_space<hbm>> -> memref<320x16xf32, #tpu.memory_space<hbm>>
      tpu.wait_dma2 semaphore(%run_scoped3A : memref<!tpu.dma_semaphore, #tpu.memory_space<semaphore_mem>>) src(%dma_wait3A_17 : memref<320x16xf32, #tpu.memory_space<hbm>>) dst(%arg6 : memref<320x16xf32, #tpu.memory_space<vmem>>)
      tpu.yield
    }) : () -> ()
    %scan3A = arith.constant 0 : i32
    %scan3A_5 = arith.constant 0 : i32
    %scan3A_6 = arith.constant 80 : i32
    %scan3A_7 = arith.addi %scan3A_5, %scan3A_6 : i32
    %scan3A_8 = arith.constant 1 : i32
    scf.for %scan3A_12 = %scan3A_5 to %scan3A_7 step %scan3A_8  : i32 {
      %mul3A_13 = arith.constant 4 : i32
      %mul3A_14 = arith.muli %mul3A_13, %scan3A_12 : i32
      %add3A_15 = arith.constant 0 : i32
      %add3A_16 = arith.addi %mul3A_14, %add3A_15 : i32
      %get3A = arith.index_cast %add3A_16 : i32 to index
      %get3A_17 = arith.constant 0 : index
      %get3A_18 = tpu.vector_load %arg5[%get3A, %get3A_17] {strides = array<i32>} : memref<320x16xf32, #tpu.memory_space<vmem>>, vector<16xf32>,
      %get3A_19 = arith.index_cast %add3A_16 : i32 to index
      %get3A_20 = arith.constant 0 : index
      %get3A_21 = tpu.vector_load %arg6[%get3A_19, %get3A_20] {strides = array<i32>} : memref<320x16xf32, #tpu.memory_space<vmem>>, vector<16xf32>,
      %mul3A_22 = arith.mulf %get3A_18, %get3A_21 : vector<16xf32>
      %swap3A = arith.index_cast %add3A_16 : i32 to index
      %swap3A_23 = arith.constant 0 : index
      %swap3A_24 = tpu.vector_load %arg6[%swap3A, %swap3A_23] {strides = array<i32>} : memref<320x16xf32, #tpu.memory_space<vmem>>, vector<16xf32>,
      tpu.vector_store %arg6[%swap3A, %swap3A_23], %mul3A_22 {strides = array<i32>} : memref<320x16xf32, #tpu.memory_space<vmem>>, vector<16xf32>,
      %mul3A_25 = arith.constant 4 : i32
      %mul3A_26 = arith.muli %mul3A_25, %scan3A_12 : i32
      %add3A_27 = arith.constant 1 : i32
      %add3A_28 = arith.addi %mul3A_26, %add3A_27 : i32
      %get3A_29 = arith.index_cast %add3A_28 : i32 to index
      %get3A_30 = arith.constant 0 : index
      %get3A_31 = tpu.vector_load %arg5[%get3A_29, %get3A_30] {strides = array<i32>} : memref<320x16xf32, #tpu.memory_space<vmem>>, vector<16xf32>,
      %get3A_32 = arith.index_cast %add3A_28 : i32 to index
      %get3A_33 = arith.constant 0 : index
      %get3A_34 = tpu.vector_load %arg6[%get3A_32, %get3A_33] {strides = array<i32>} : memref<320x16xf32, #tpu.memory_space<vmem>>, vector<16xf32>,
      %mul3A_35 = arith.mulf %get3A_31, %get3A_34 : vector<16xf32>
      %swap3A_36 = arith.index_cast %add3A_28 : i32 to index
      %swap3A_37 = arith.constant 0 : index
      %swap3A_38 = tpu.vector_load %arg6[%swap3A_36, %swap3A_37] {strides = array<i32>} : memref<320x16xf32, #tpu.memory_space<vmem>>, vector<16xf32>,
      tpu.vector_store %arg6[%swap3A_36, %swap3A_37], %mul3A_35 {strides = array<i32>} : memref<320x16xf32, #tpu.memory_space<vmem>>, vector<16xf32>,
      %mul3A_39 = arith.constant 4 : i32
      %mul3A_40 = arith.muli %mul3A_39, %scan3A_12 : i32
      %add3A_41 = arith.constant 2 : i32
      %add3A_42 = arith.addi %mul3A_40, %add3A_41 : i32
      %get3A_43 = arith.index_cast %add3A_42 : i32 to index
      %get3A_44 = arith.constant 0 : index
      %get3A_45 = tpu.vector_load %arg5[%get3A_43, %get3A_44] {strides = array<i32>} : memref<320x16xf32, #tpu.memory_space<vmem>>, vector<16xf32>,
      %get3A_46 = arith.index_cast %add3A_42 : i32 to index
      %get3A_47 = arith.constant 0 : index
      %get3A_48 = tpu.vector_load %arg6[%get3A_46, %get3A_47] {strides = array<i32>} : memref<320x16xf32, #tpu.memory_space<vmem>>, vector<16xf32>,
      %mul3A_49 = arith.mulf %get3A_45, %get3A_48 : vector<16xf32>
      %swap3A_50 = arith.index_cast %add3A_42 : i32 to index
      %swap3A_51 = arith.constant 0 : index
      %swap3A_52 = tpu.vector_load %arg6[%swap3A_50, %swap3A_51] {strides = array<i32>} : memref<320x16xf32, #tpu.memory_space<vmem>>, vector<16xf32>,
      tpu.vector_store %arg6[%swap3A_50, %swap3A_51], %mul3A_49 {strides = array<i32>} : memref<320x16xf32, #tpu.memory_space<vmem>>, vector<16xf32>,
      %mul3A_53 = arith.constant 4 : i32
      %mul3A_54 = arith.muli %mul3A_53, %scan3A_12 : i32
      %add3A_55 = arith.constant 3 : i32
      %add3A_56 = arith.addi %mul3A_54, %add3A_55 : i32
      %get3A_57 = arith.index_cast %add3A_56 : i32 to index
      %get3A_58 = arith.constant 0 : index
      %get3A_59 = tpu.vector_load %arg5[%get3A_57, %get3A_58] {strides = array<i32>} : memref<320x16xf32, #tpu.memory_space<vmem>>, vector<16xf32>,
      %get3A_60 = arith.index_cast %add3A_56 : i32 to index
      %get3A_61 = arith.constant 0 : index
      %get3A_62 = tpu.vector_load %arg6[%get3A_60, %get3A_61] {strides = array<i32>} : memref<320x16xf32, #tpu.memory_space<vmem>>, vector<16xf32>,
      %mul3A_63 = arith.mulf %get3A_59, %get3A_62 : vector<16xf32>
      %swap3A_64 = arith.index_cast %add3A_56 : i32 to index
      %swap3A_65 = arith.constant 0 : index
      %swap3A_66 = tpu.vector_load %arg6[%swap3A_64, %swap3A_65] {strides = array<i32>} : memref<320x16xf32, #tpu.memory_space<vmem>>, vector<16xf32>,
      tpu.vector_store %arg6[%swap3A_64, %swap3A_65], %mul3A_63 {strides = array<i32>} : memref<320x16xf32, #tpu.memory_space<vmem>>, vector<16xf32>,
    }
    %scan3A_9 = arith.constant 80 : i32
    %mul3A_10 = arith.constant 320 : i32
    %mul3A_11 = arith.muli %add3A, %mul3A_10 : i32
    "tpu.region"() ({
      %run_scoped3A = tpu.sem_alloc : memref<!tpu.dma_semaphore, #tpu.memory_space<semaphore_mem>>
      %dma_start3A = arith.constant 0 : i32
      %dma_start3A_12 = tpu.memref_slice %arg4[%mul3A_11, %dma_start3A] : memref<10240x16xf32, #tpu.memory_space<hbm>> -> memref<320x16xf32, #tpu.memory_space<hbm>>
      %dma_start3A_13 = arith.constant 0 : i32
      %dma_start3A_14 = tpu.memref_slice %arg4[%mul3A_11, %dma_start3A_13] : memref<10240x16xf32, #tpu.memory_space<hbm>> -> memref<320x16xf32, #tpu.memory_space<hbm>>
      tpu.enqueue_dma source(%arg6 : memref<320x16xf32, #tpu.memory_space<vmem>>) target(%dma_start3A_14 : memref<320x16xf32, #tpu.memory_space<hbm>>) target_semaphore(%run_scoped3A : memref<!tpu.dma_semaphore, #tpu.memory_space<semaphore_mem>>)
      %dma_wait3A = arith.constant 0 : i32
      %dma_wait3A_15 = tpu.memref_slice %arg4[%mul3A_11, %dma_wait3A] : memref<10240x16xf32, #tpu.memory_space<hbm>> -> memref<320x16xf32, #tpu.memory_space<hbm>>
      %dma_wait3A_16 = arith.constant 0 : i32
      %dma_wait3A_17 = tpu.memref_slice %arg4[%mul3A_11, %dma_wait3A_16] : memref<10240x16xf32, #tpu.memory_space<hbm>> -> memref<320x16xf32, #tpu.memory_space<hbm>>
      tpu.wait_dma2 semaphore(%run_scoped3A : memref<!tpu.dma_semaphore, #tpu.memory_space<semaphore_mem>>) src(%arg6 : memref<320x16xf32, #tpu.memory_space<vmem>>) dst(%dma_wait3A_17 : memref<320x16xf32, #tpu.memory_space<hbm>>)
      tpu.yield
    }) : () -> ()
    return
  }
}

#map = affine_map<(d0, d1) -> (0, 0)>
module attributes {stable_mosaic.version = 14 : i64} {
  func.func @deg_kernel(%arg0: i32, %arg1: i32, %arg2: memref<2x160000xi32, #tpu.memory_space<hbm>>, %arg3: memref<10240x16xf32, #tpu.memory_space<hbm>>, %arg4: memref<10240xf32, #tpu.memory_space<vmem_shared>>, %arg5: memref<10000xi32, #tpu.memory_space<vmem>>, %arg6: memref<112xf32, #tpu.memory_space<vmem>>, %arg7: memref<320xf32, #tpu.memory_space<vmem>>, %arg8: memref<320x16xf32, #tpu.memory_space<vmem>>, %arg9: memref<!tpu.dma_semaphore, #tpu.memory_space<semaphore_mem>>) attributes {dimension_semantics = [#tpu.dimension_semantics<core_parallel>, #tpu.dimension_semantics<subcore_parallel>], iteration_bounds = array<i64: 2, 16>, scalar_prefetch = 0 : i64, scratch_operands = 6 : i64, tpu.core_type = #tpu.core_type<sc_vector_subcore>, window_params = [{transform_indices = #map}, {transform_indices = #map}]} {
    %mul3A = arith.constant 16 : i32
    %mul3A_0 = arith.muli %arg0, %mul3A : i32
    %add3A = arith.addi %mul3A_0, %arg1 : i32
    %broadcast_in_dim3A = arith.constant 0.000000e+00 : f32
    %broadcast_in_dim3A_1 = vector.broadcast %broadcast_in_dim3A : f32 to vector<16xf32>
    %scan3A = arith.constant 0 : i32
    %scan3A_2 = arith.constant 0 : i32
    %scan3A_3 = arith.constant 20 : i32
    %scan3A_4 = arith.addi %scan3A_2, %scan3A_3 : i32
    %scan3A_5 = arith.constant 1 : i32
    scf.for %scan3A_62 = %scan3A_2 to %scan3A_4 step %scan3A_5  : i32 {
      %mul3A_63 = arith.constant 16 : i32
      %mul3A_64 = arith.muli %scan3A_62, %mul3A_63 : i32
      %swap3A = arith.index_cast %mul3A_64 : i32 to index
      %swap3A_65 = tpu.vector_load %arg7[%swap3A] {strides = array<i32>} : memref<320xf32, #tpu.memory_space<vmem>>, vector<16xf32>,
      tpu.vector_store %arg7[%swap3A], %broadcast_in_dim3A_1 {strides = array<i32>} : memref<320xf32, #tpu.memory_space<vmem>>, vector<16xf32>,
    }
    %scan3A_6 = arith.constant 20 : i32
    %scan3A_7 = arith.constant 0 : i32
    %scan3A_8 = arith.constant 0 : i32
    %scan3A_9 = arith.constant 2 : i32
    %scan3A_10 = arith.addi %scan3A_8, %scan3A_9 : i32
    %scan3A_11 = arith.constant 1 : i32
    scf.for %scan3A_62 = %scan3A_8 to %scan3A_10 step %scan3A_11  : i32 {
      %mul3A_63 = arith.constant 640 : i32
      %mul3A_64 = arith.muli %arg1, %mul3A_63 : i32
      %mul3A_65 = arith.constant 320 : i32
      %mul3A_66 = arith.muli %scan3A_62, %mul3A_65 : i32
      %add3A_67 = arith.addi %mul3A_64, %mul3A_66 : i32
      "tpu.region"() ({
        %run_scoped3A_68 = tpu.sem_alloc : memref<!tpu.dma_semaphore, #tpu.memory_space<semaphore_mem>>
        %dma_start3A_69 = tpu.memref_slice %arg4[%add3A_67] : memref<10240xf32, #tpu.memory_space<vmem_shared>> -> memref<320xf32, #tpu.memory_space<vmem_shared>>
        %dma_start3A_70 = tpu.memref_slice %arg4[%add3A_67] : memref<10240xf32, #tpu.memory_space<vmem_shared>> -> memref<320xf32, #tpu.memory_space<vmem_shared>>
        tpu.enqueue_dma source(%arg7 : memref<320xf32, #tpu.memory_space<vmem>>) target(%dma_start3A_70 : memref<320xf32, #tpu.memory_space<vmem_shared>>) target_semaphore(%run_scoped3A_68 : memref<!tpu.dma_semaphore, #tpu.memory_space<semaphore_mem>>)
        %dma_wait3A_71 = tpu.memref_slice %arg4[%add3A_67] : memref<10240xf32, #tpu.memory_space<vmem_shared>> -> memref<320xf32, #tpu.memory_space<vmem_shared>>
        %dma_wait3A_72 = tpu.memref_slice %arg4[%add3A_67] : memref<10240xf32, #tpu.memory_space<vmem_shared>> -> memref<320xf32, #tpu.memory_space<vmem_shared>>
        tpu.wait_dma2 semaphore(%run_scoped3A_68 : memref<!tpu.dma_semaphore, #tpu.memory_space<semaphore_mem>>) src(%arg7 : memref<320xf32, #tpu.memory_space<vmem>>) dst(%dma_wait3A_72 : memref<320xf32, #tpu.memory_space<vmem_shared>>)
        tpu.yield
      }) : () -> ()
    }
    %scan3A_12 = arith.constant 2 : i32
    %broadcast_in_dim3A_13 = arith.constant 1.000000e+00 : f32
    %broadcast_in_dim3A_14 = vector.broadcast %broadcast_in_dim3A_13 : f32 to vector<16xf32>
    %scan3A_15 = arith.constant 0 : i32
    %scan3A_16 = arith.constant 0 : i32
    %scan3A_17 = arith.constant 7 : i32
    %scan3A_18 = arith.addi %scan3A_16, %scan3A_17 : i32
    %scan3A_19 = arith.constant 1 : i32
    scf.for %scan3A_62 = %scan3A_16 to %scan3A_18 step %scan3A_19  : i32 {
      %mul3A_63 = arith.constant 16 : i32
      %mul3A_64 = arith.muli %scan3A_62, %mul3A_63 : i32
      %swap3A = arith.index_cast %mul3A_64 : i32 to index
      %swap3A_65 = tpu.vector_load %arg6[%swap3A] {strides = array<i32>} : memref<112xf32, #tpu.memory_space<vmem>>, vector<16xf32>,
      tpu.vector_store %arg6[%swap3A], %broadcast_in_dim3A_14 {strides = array<i32>} : memref<112xf32, #tpu.memory_space<vmem>>, vector<16xf32>,
    }
    %scan3A_20 = arith.constant 7 : i32
    %mul3A_21 = arith.constant 10000 : i32
    %mul3A_22 = arith.muli %arg1, %mul3A_21 : i32
    %run_scoped3A = arith.constant 1 : i32
    "tpu.region"() ({
      %run_scoped3A_62 = tpu.sem_alloc : memref<!tpu.dma_semaphore, #tpu.memory_space<semaphore_mem>>
      %dma_start3A_63 = tpu.memref_slice %arg2[%run_scoped3A, %mul3A_22] : memref<2x160000xi32, #tpu.memory_space<hbm>> -> memref<1x10000xi32, #tpu.memory_space<hbm>>
      %dma_start3A_64 = tpu.memref_squeeze %dma_start3A_63 : memref<1x10000xi32, #tpu.memory_space<hbm>> -> memref<10000xi32, #tpu.memory_space<hbm>>
      %dma_start3A_65 = tpu.memref_slice %arg2[%run_scoped3A, %mul3A_22] : memref<2x160000xi32, #tpu.memory_space<hbm>> -> memref<1x10000xi32, #tpu.memory_space<hbm>>
      %dma_start3A_66 = tpu.memref_squeeze %dma_start3A_65 : memref<1x10000xi32, #tpu.memory_space<hbm>> -> memref<10000xi32, #tpu.memory_space<hbm>>
      tpu.enqueue_dma source(%dma_start3A_66 : memref<10000xi32, #tpu.memory_space<hbm>>) target(%arg5 : memref<10000xi32, #tpu.memory_space<vmem>>) target_semaphore(%run_scoped3A_62 : memref<!tpu.dma_semaphore, #tpu.memory_space<semaphore_mem>>)
      %dma_wait3A_67 = tpu.memref_slice %arg2[%run_scoped3A, %mul3A_22] : memref<2x160000xi32, #tpu.memory_space<hbm>> -> memref<1x10000xi32, #tpu.memory_space<hbm>>
      %dma_wait3A_68 = tpu.memref_squeeze %dma_wait3A_67 : memref<1x10000xi32, #tpu.memory_space<hbm>> -> memref<10000xi32, #tpu.memory_space<hbm>>
      %dma_wait3A_69 = tpu.memref_slice %arg2[%run_scoped3A, %mul3A_22] : memref<2x160000xi32, #tpu.memory_space<hbm>> -> memref<1x10000xi32, #tpu.memory_space<hbm>>
      %dma_wait3A_70 = tpu.memref_squeeze %dma_wait3A_69 : memref<1x10000xi32, #tpu.memory_space<hbm>> -> memref<10000xi32, #tpu.memory_space<hbm>>
      tpu.wait_dma2 semaphore(%run_scoped3A_62 : memref<!tpu.dma_semaphore, #tpu.memory_space<semaphore_mem>>) src(%dma_wait3A_70 : memref<10000xi32, #tpu.memory_space<hbm>>) dst(%arg5 : memref<10000xi32, #tpu.memory_space<vmem>>)
      tpu.yield
    }) : () -> ()
    %barrier3A = arith.constant 0 : index
    tpu.barrier barrier_id(%barrier3A)
    %scan3A_23 = arith.constant 0 : i32
    %scan3A_24 = arith.constant 0 : i32
    %scan3A_25 = arith.constant 96 : i32
    %scan3A_26 = arith.addi %scan3A_24, %scan3A_25 : i32
    %scan3A_27 = arith.constant 1 : i32
    scf.for %scan3A_62 = %scan3A_24 to %scan3A_26 step %scan3A_27  : i32 {
      %mul3A_63 = arith.constant 104 : i32
      %mul3A_64 = arith.muli %scan3A_62, %mul3A_63 : i32
      %dma_start3A_65 = arith.constant 0 : i32
      %dma_start3A_66 = tpu.memref_slice %arg6[%dma_start3A_65] : memref<112xf32, #tpu.memory_space<vmem>> -> memref<104xf32, #tpu.memory_space<vmem>>
      %dma_start3A_67 = tpu.memref_slice %arg5[%mul3A_64] : memref<10000xi32, #tpu.memory_space<vmem>> -> memref<104xi32, #tpu.memory_space<vmem>>
      %dma_start3A_68 = arith.constant 0 : i32
      %dma_start3A_69 = tpu.memref_slice %arg4[%dma_start3A_68] : memref<10240xf32, #tpu.memory_space<vmem_shared>> -> memref<10240xf32, #tpu.memory_space<vmem_shared>>
      tpu.enqueue_indirect_dma source(%dma_start3A_66 : memref<104xf32, #tpu.memory_space<vmem>>) target(%dma_start3A_69 : memref<10240xf32, #tpu.memory_space<vmem_shared>>) offsets(%dma_start3A_67 : memref<104xi32, #tpu.memory_space<vmem>>) semaphore(%arg9 : memref<!tpu.dma_semaphore, #tpu.memory_space<semaphore_mem>>) {add = true}
    }
    %scan3A_28 = arith.constant 96 : i32
    %dma_start3A = arith.constant 0 : i32
    %dma_start3A_29 = tpu.memref_slice %arg6[%dma_start3A] : memref<112xf32, #tpu.memory_space<vmem>> -> memref<16xf32, #tpu.memory_space<vmem>>
    %dma_start3A_30 = arith.constant 9984 : i32
    %dma_start3A_31 = tpu.memref_slice %arg5[%dma_start3A_30] : memref<10000xi32, #tpu.memory_space<vmem>> -> memref<16xi32, #tpu.memory_space<vmem>>
    %dma_start3A_32 = arith.constant 0 : i32
    %dma_start3A_33 = tpu.memref_slice %arg4[%dma_start3A_32] : memref<10240xf32, #tpu.memory_space<vmem_shared>> -> memref<10240xf32, #tpu.memory_space<vmem_shared>>
    tpu.enqueue_indirect_dma source(%dma_start3A_29 : memref<16xf32, #tpu.memory_space<vmem>>) target(%dma_start3A_33 : memref<10240xf32, #tpu.memory_space<vmem_shared>>) offsets(%dma_start3A_31 : memref<16xi32, #tpu.memory_space<vmem>>) semaphore(%arg9 : memref<!tpu.dma_semaphore, #tpu.memory_space<semaphore_mem>>) {add = true}
    %scan3A_34 = arith.constant 0 : i32
    %scan3A_35 = arith.constant 0 : i32
    %scan3A_36 = arith.constant 96 : i32
    %scan3A_37 = arith.addi %scan3A_35, %scan3A_36 : i32
    %scan3A_38 = arith.constant 1 : i32
    scf.for %scan3A_62 = %scan3A_35 to %scan3A_37 step %scan3A_38  : i32 {
      %dma_wait3A_63 = arith.constant 0 : i32
      %dma_wait3A_64 = tpu.memref_slice %arg6[%dma_wait3A_63] : memref<112xf32, #tpu.memory_space<vmem>> -> memref<104xf32, #tpu.memory_space<vmem>>
      %dma_wait3A_65 = arith.constant 0 : i32
      %dma_wait3A_66 = tpu.memref_slice %arg5[%dma_wait3A_65] : memref<10000xi32, #tpu.memory_space<vmem>> -> memref<104xi32, #tpu.memory_space<vmem>>
      %dma_wait3A_67 = arith.constant 0 : i32
      %dma_wait3A_68 = tpu.memref_slice %arg4[%dma_wait3A_67] : memref<10240xf32, #tpu.memory_space<vmem_shared>> -> memref<10240xf32, #tpu.memory_space<vmem_shared>>
      tpu.wait_indirect_dma semaphore(%arg9 : memref<!tpu.dma_semaphore, #tpu.memory_space<semaphore_mem>>) src(%dma_wait3A_64 : memref<104xf32, #tpu.memory_space<vmem>>) dst(%dma_wait3A_68 : memref<10240xf32, #tpu.memory_space<vmem_shared>>)
    }
    %scan3A_39 = arith.constant 96 : i32
    %dma_wait3A = arith.constant 0 : i32
    %dma_wait3A_40 = tpu.memref_slice %arg6[%dma_wait3A] : memref<112xf32, #tpu.memory_space<vmem>> -> memref<16xf32, #tpu.memory_space<vmem>>
    %dma_wait3A_41 = arith.constant 0 : i32
    %dma_wait3A_42 = tpu.memref_slice %arg5[%dma_wait3A_41] : memref<10000xi32, #tpu.memory_space<vmem>> -> memref<16xi32, #tpu.memory_space<vmem>>
    %dma_wait3A_43 = arith.constant 0 : i32
    %dma_wait3A_44 = tpu.memref_slice %arg4[%dma_wait3A_43] : memref<10240xf32, #tpu.memory_space<vmem_shared>> -> memref<10240xf32, #tpu.memory_space<vmem_shared>>
    tpu.wait_indirect_dma semaphore(%arg9 : memref<!tpu.dma_semaphore, #tpu.memory_space<semaphore_mem>>) src(%dma_wait3A_40 : memref<16xf32, #tpu.memory_space<vmem>>) dst(%dma_wait3A_44 : memref<10240xf32, #tpu.memory_space<vmem_shared>>)
    %barrier3A_45 = arith.constant 0 : index
    tpu.barrier barrier_id(%barrier3A_45)
    %mul3A_46 = arith.constant 320 : i32
    %mul3A_47 = arith.muli %add3A, %mul3A_46 : i32
    "tpu.region"() ({
      %run_scoped3A_62 = tpu.sem_alloc : memref<!tpu.dma_semaphore, #tpu.memory_space<semaphore_mem>>
      %dma_start3A_63 = tpu.memref_slice %arg4[%mul3A_47] : memref<10240xf32, #tpu.memory_space<vmem_shared>> -> memref<320xf32, #tpu.memory_space<vmem_shared>>
      %dma_start3A_64 = tpu.memref_slice %arg4[%mul3A_47] : memref<10240xf32, #tpu.memory_space<vmem_shared>> -> memref<320xf32, #tpu.memory_space<vmem_shared>>
      tpu.enqueue_dma source(%dma_start3A_64 : memref<320xf32, #tpu.memory_space<vmem_shared>>) target(%arg7 : memref<320xf32, #tpu.memory_space<vmem>>) target_semaphore(%run_scoped3A_62 : memref<!tpu.dma_semaphore, #tpu.memory_space<semaphore_mem>>)
      %dma_wait3A_65 = tpu.memref_slice %arg4[%mul3A_47] : memref<10240xf32, #tpu.memory_space<vmem_shared>> -> memref<320xf32, #tpu.memory_space<vmem_shared>>
      %dma_wait3A_66 = tpu.memref_slice %arg4[%mul3A_47] : memref<10240xf32, #tpu.memory_space<vmem_shared>> -> memref<320xf32, #tpu.memory_space<vmem_shared>>
      tpu.wait_dma2 semaphore(%run_scoped3A_62 : memref<!tpu.dma_semaphore, #tpu.memory_space<semaphore_mem>>) src(%dma_wait3A_66 : memref<320xf32, #tpu.memory_space<vmem_shared>>) dst(%arg7 : memref<320xf32, #tpu.memory_space<vmem>>)
      tpu.yield
    }) : () -> ()
    %scan3A_48 = arith.constant 0 : i32
    %scan3A_49 = arith.constant 0 : i32
    %scan3A_50 = arith.constant 20 : i32
    %scan3A_51 = arith.addi %scan3A_49, %scan3A_50 : i32
    %scan3A_52 = arith.constant 1 : i32
    scf.for %scan3A_62 = %scan3A_49 to %scan3A_51 step %scan3A_52  : i32 {
      %mul3A_63 = arith.constant 16 : i32
      %mul3A_64 = arith.muli %scan3A_62, %mul3A_63 : i32
      %get3A = arith.index_cast %mul3A_64 : i32 to index
      %get3A_65 = tpu.vector_load %arg7[%get3A] {strides = array<i32>} : memref<320xf32, #tpu.memory_space<vmem>>, vector<16xf32>,
      %add3A_66 = arith.constant 1.000000e+00 : f32
      %add3A_67 = vector.broadcast %add3A_66 : f32 to vector<16xf32>
      %add3A_68 = arith.addf %get3A_65, %add3A_67 : vector<16xf32>
      %bitcast3A = vector.bitcast %add3A_68 : vector<16xf32> to vector<16xi32>
      %broadcast_in_dim3A_69 = arith.constant 1597463007 : i32
      %broadcast_in_dim3A_70 = vector.broadcast %broadcast_in_dim3A_69 : i32 to vector<16xi32>
      %shift_right_logical3A = arith.constant 1 : i32
      %shift_right_logical3A_71 = vector.broadcast %shift_right_logical3A : i32 to vector<16xi32>
      %shift_right_logical3A_72 = arith.shrui %bitcast3A, %shift_right_logical3A_71 : vector<16xi32>
      %sub3A = arith.subi %broadcast_in_dim3A_70, %shift_right_logical3A_72 : vector<16xi32>
      %bitcast3A_73 = vector.bitcast %sub3A : vector<16xi32> to vector<16xf32>
      %mul3A_74 = arith.constant 5.000000e-01 : f32
      %mul3A_75 = vector.broadcast %mul3A_74 : f32 to vector<16xf32>
      %mul3A_76 = arith.mulf %add3A_68, %mul3A_75 : vector<16xf32>
      %mul3A_77 = arith.mulf %mul3A_76, %bitcast3A_73 : vector<16xf32>
      %mul3A_78 = arith.mulf %mul3A_77, %bitcast3A_73 : vector<16xf32>
      %sub3A_79 = arith.constant 1.500000e+00 : f32
      %sub3A_80 = vector.broadcast %sub3A_79 : f32 to vector<16xf32>
      %sub3A_81 = arith.subf %sub3A_80, %mul3A_78 : vector<16xf32>
      %mul3A_82 = arith.mulf %bitcast3A_73, %sub3A_81 : vector<16xf32>
      %mul3A_83 = arith.mulf %mul3A_76, %mul3A_82 : vector<16xf32>
      %mul3A_84 = arith.mulf %mul3A_83, %mul3A_82 : vector<16xf32>
      %sub3A_85 = arith.constant 1.500000e+00 : f32
      %sub3A_86 = vector.broadcast %sub3A_85 : f32 to vector<16xf32>
      %sub3A_87 = arith.subf %sub3A_86, %mul3A_84 : vector<16xf32>
      %mul3A_88 = arith.mulf %mul3A_82, %sub3A_87 : vector<16xf32>
      %mul3A_89 = arith.mulf %mul3A_76, %mul3A_88 : vector<16xf32>
      %mul3A_90 = arith.mulf %mul3A_89, %mul3A_88 : vector<16xf32>
      %sub3A_91 = arith.constant 1.500000e+00 : f32
      %sub3A_92 = vector.broadcast %sub3A_91 : f32 to vector<16xf32>
      %sub3A_93 = arith.subf %sub3A_92, %mul3A_90 : vector<16xf32>
      %mul3A_94 = arith.mulf %mul3A_88, %sub3A_93 : vector<16xf32>
      %swap3A = arith.index_cast %mul3A_64 : i32 to index
      %swap3A_95 = tpu.vector_load %arg7[%swap3A] {strides = array<i32>} : memref<320xf32, #tpu.memory_space<vmem>>, vector<16xf32>,
      tpu.vector_store %arg7[%swap3A], %mul3A_94 {strides = array<i32>} : memref<320xf32, #tpu.memory_space<vmem>>, vector<16xf32>,
    }
    %scan3A_53 = arith.constant 20 : i32
    %scan3A_54 = arith.constant 0 : i32
    %scan3A_55 = arith.constant 0 : i32
    %scan3A_56 = arith.constant 80 : i32
    %scan3A_57 = arith.addi %scan3A_55, %scan3A_56 : i32
    %scan3A_58 = arith.constant 1 : i32
    scf.for %scan3A_62 = %scan3A_55 to %scan3A_57 step %scan3A_58  : i32 {
      %mul3A_63 = arith.constant 4 : i32
      %mul3A_64 = arith.muli %mul3A_63, %scan3A_62 : i32
      %add3A_65 = arith.constant 0 : i32
      %add3A_66 = arith.addi %mul3A_64, %add3A_65 : i32
      %broadcast_in_dim3A_67 = vector.broadcast %add3A_66 : i32 to vector<16xi32>
      %gather3A = tpu.vector_load_idx %arg7[%broadcast_in_dim3A_67] : memref<320xf32, #tpu.memory_space<vmem>>[vector<16xi32>], vector<16xf32>,
      %swap3A = arith.index_cast %add3A_66 : i32 to index
      %swap3A_68 = arith.constant 0 : index
      %swap3A_69 = tpu.vector_load %arg8[%swap3A, %swap3A_68] {strides = array<i32>} : memref<320x16xf32, #tpu.memory_space<vmem>>, vector<16xf32>,
      tpu.vector_store %arg8[%swap3A, %swap3A_68], %gather3A {strides = array<i32>} : memref<320x16xf32, #tpu.memory_space<vmem>>, vector<16xf32>,
      %mul3A_70 = arith.constant 4 : i32
      %mul3A_71 = arith.muli %mul3A_70, %scan3A_62 : i32
      %add3A_72 = arith.constant 1 : i32
      %add3A_73 = arith.addi %mul3A_71, %add3A_72 : i32
      %broadcast_in_dim3A_74 = vector.broadcast %add3A_73 : i32 to vector<16xi32>
      %gather3A_75 = tpu.vector_load_idx %arg7[%broadcast_in_dim3A_74] : memref<320xf32, #tpu.memory_space<vmem>>[vector<16xi32>], vector<16xf32>,
      %swap3A_76 = arith.index_cast %add3A_73 : i32 to index
      %swap3A_77 = arith.constant 0 : index
      %swap3A_78 = tpu.vector_load %arg8[%swap3A_76, %swap3A_77] {strides = array<i32>} : memref<320x16xf32, #tpu.memory_space<vmem>>, vector<16xf32>,
      tpu.vector_store %arg8[%swap3A_76, %swap3A_77], %gather3A_75 {strides = array<i32>} : memref<320x16xf32, #tpu.memory_space<vmem>>, vector<16xf32>,
      %mul3A_79 = arith.constant 4 : i32
      %mul3A_80 = arith.muli %mul3A_79, %scan3A_62 : i32
      %add3A_81 = arith.constant 2 : i32
      %add3A_82 = arith.addi %mul3A_80, %add3A_81 : i32
      %broadcast_in_dim3A_83 = vector.broadcast %add3A_82 : i32 to vector<16xi32>
      %gather3A_84 = tpu.vector_load_idx %arg7[%broadcast_in_dim3A_83] : memref<320xf32, #tpu.memory_space<vmem>>[vector<16xi32>], vector<16xf32>,
      %swap3A_85 = arith.index_cast %add3A_82 : i32 to index
      %swap3A_86 = arith.constant 0 : index
      %swap3A_87 = tpu.vector_load %arg8[%swap3A_85, %swap3A_86] {strides = array<i32>} : memref<320x16xf32, #tpu.memory_space<vmem>>, vector<16xf32>,
      tpu.vector_store %arg8[%swap3A_85, %swap3A_86], %gather3A_84 {strides = array<i32>} : memref<320x16xf32, #tpu.memory_space<vmem>>, vector<16xf32>,
      %mul3A_88 = arith.constant 4 : i32
      %mul3A_89 = arith.muli %mul3A_88, %scan3A_62 : i32
      %add3A_90 = arith.constant 3 : i32
      %add3A_91 = arith.addi %mul3A_89, %add3A_90 : i32
      %broadcast_in_dim3A_92 = vector.broadcast %add3A_91 : i32 to vector<16xi32>
      %gather3A_93 = tpu.vector_load_idx %arg7[%broadcast_in_dim3A_92] : memref<320xf32, #tpu.memory_space<vmem>>[vector<16xi32>], vector<16xf32>,
      %swap3A_94 = arith.index_cast %add3A_91 : i32 to index
      %swap3A_95 = arith.constant 0 : index
      %swap3A_96 = tpu.vector_load %arg8[%swap3A_94, %swap3A_95] {strides = array<i32>} : memref<320x16xf32, #tpu.memory_space<vmem>>, vector<16xf32>,
      tpu.vector_store %arg8[%swap3A_94, %swap3A_95], %gather3A_93 {strides = array<i32>} : memref<320x16xf32, #tpu.memory_space<vmem>>, vector<16xf32>,
    }
    %scan3A_59 = arith.constant 80 : i32
    %mul3A_60 = arith.constant 320 : i32
    %mul3A_61 = arith.muli %add3A, %mul3A_60 : i32
    "tpu.region"() ({
      %run_scoped3A_62 = tpu.sem_alloc : memref<!tpu.dma_semaphore, #tpu.memory_space<semaphore_mem>>
      %dma_start3A_63 = arith.constant 0 : i32
      %dma_start3A_64 = tpu.memref_slice %arg3[%mul3A_61, %dma_start3A_63] : memref<10240x16xf32, #tpu.memory_space<hbm>> -> memref<320x16xf32, #tpu.memory_space<hbm>>
      %dma_start3A_65 = arith.constant 0 : i32
      %dma_start3A_66 = tpu.memref_slice %arg3[%mul3A_61, %dma_start3A_65] : memref<10240x16xf32, #tpu.memory_space<hbm>> -> memref<320x16xf32, #tpu.memory_space<hbm>>
      tpu.enqueue_dma source(%arg8 : memref<320x16xf32, #tpu.memory_space<vmem>>) target(%dma_start3A_66 : memref<320x16xf32, #tpu.memory_space<hbm>>) target_semaphore(%run_scoped3A_62 : memref<!tpu.dma_semaphore, #tpu.memory_space<semaphore_mem>>)
      %dma_wait3A_67 = arith.constant 0 : i32
      %dma_wait3A_68 = tpu.memref_slice %arg3[%mul3A_61, %dma_wait3A_67] : memref<10240x16xf32, #tpu.memory_space<hbm>> -> memref<320x16xf32, #tpu.memory_space<hbm>>
      %dma_wait3A_69 = arith.constant 0 : i32
      %dma_wait3A_70 = tpu.memref_slice %arg3[%mul3A_61, %dma_wait3A_69] : memref<10240x16xf32, #tpu.memory_space<hbm>> -> memref<320x16xf32, #tpu.memory_space<hbm>>
      tpu.wait_dma2 semaphore(%run_scoped3A_62 : memref<!tpu.dma_semaphore, #tpu.memory_space<semaphore_mem>>) src(%arg8 : memref<320x16xf32, #tpu.memory_space<vmem>>) dst(%dma_wait3A_70 : memref<320x16xf32, #tpu.memory_space<hbm>>)
      tpu.yield
    }) : () -> ()
    return
  }
}

#map = affine_map<(d0, d1) -> (0, 0)>
#map1 = affine_map<(d0, d1) -> (0, 0, 0)>
module attributes {stable_mosaic.version = 14 : i64} {
  func.func @prop_kernel(%arg0: i32, %arg1: i32, %arg2: memref<10240x16xf32, #tpu.memory_space<hbm>>, %arg3: memref<2x160000xi32, #tpu.memory_space<hbm>>, %arg4: memref<2x10240x16xf32, #tpu.memory_space<hbm>>, %arg5: memref<10240x16xf32, #tpu.memory_space<vmem_shared>>, %arg6: memref<5000xi32, #tpu.memory_space<vmem>>, %arg7: memref<5000xi32, #tpu.memory_space<vmem>>, %arg8: memref<5000x16xf32, #tpu.memory_space<vmem>>, %arg9: memref<!tpu.dma_semaphore, #tpu.memory_space<semaphore_mem>>, %arg10: memref<!tpu.dma_semaphore, #tpu.memory_space<semaphore_mem>>, %arg11: memref<!tpu.dma_semaphore, #tpu.memory_space<semaphore_mem>>, %arg12: memref<!tpu.dma_semaphore, #tpu.memory_space<semaphore_mem>>, %arg13: memref<!tpu.dma_semaphore, #tpu.memory_space<semaphore_mem>>, %arg14: memref<!tpu.dma_semaphore, #tpu.memory_space<semaphore_mem>>, %arg15: memref<!tpu.dma_semaphore, #tpu.memory_space<semaphore_mem>>, %arg16: memref<!tpu.dma_semaphore, #tpu.memory_space<semaphore_mem>>) attributes {dimension_semantics = [#tpu.dimension_semantics<core_parallel>, #tpu.dimension_semantics<subcore_parallel>], iteration_bounds = array<i64: 2, 16>, scalar_prefetch = 0 : i64, scratch_operands = 12 : i64, tpu.core_type = #tpu.core_type<sc_vector_subcore>, window_params = [{transform_indices = #map}, {transform_indices = #map}, {transform_indices = #map1}]} {
    %mul3A = arith.constant 16 : i32
    %mul3A_0 = arith.muli %arg0, %mul3A : i32
    %add3A = arith.addi %mul3A_0, %arg1 : i32
    %broadcast_in_dim3A = arith.constant 0.000000e+00 : f32
    %broadcast_in_dim3A_1 = vector.broadcast %broadcast_in_dim3A : f32 to vector<16xf32>
    %scan3A = arith.constant 0 : i32
    %scan3A_2 = arith.constant 0 : i32
    %scan3A_3 = arith.constant 160 : i32
    %scan3A_4 = arith.addi %scan3A_2, %scan3A_3 : i32
    %scan3A_5 = arith.constant 1 : i32
    scf.for %scan3A_321 = %scan3A_2 to %scan3A_4 step %scan3A_5  : i32 {
      %mul3A_322 = arith.constant 4 : i32
      %mul3A_323 = arith.muli %mul3A_322, %scan3A_321 : i32
      %add3A_324 = arith.constant 0 : i32
      %add3A_325 = arith.addi %mul3A_323, %add3A_324 : i32
      %swap3A = arith.index_cast %add3A_325 : i32 to index
      %swap3A_326 = arith.constant 0 : index
      %swap3A_327 = tpu.vector_load %arg8[%swap3A, %swap3A_326] {strides = array<i32>} : memref<5000x16xf32, #tpu.memory_space<vmem>>, vector<16xf32>,
      tpu.vector_store %arg8[%swap3A, %swap3A_326], %broadcast_in_dim3A_1 {strides = array<i32>} : memref<5000x16xf32, #tpu.memory_space<vmem>>, vector<16xf32>,
      %mul3A_328 = arith.constant 4 : i32
      %mul3A_329 = arith.muli %mul3A_328, %scan3A_321 : i32
      %add3A_330 = arith.constant 1 : i32
      %add3A_331 = arith.addi %mul3A_329, %add3A_330 : i32
      %swap3A_332 = arith.index_cast %add3A_331 : i32 to index
      %swap3A_333 = arith.constant 0 : index
      %swap3A_334 = tpu.vector_load %arg8[%swap3A_332, %swap3A_333] {strides = array<i32>} : memref<5000x16xf32, #tpu.memory_space<vmem>>, vector<16xf32>,
      tpu.vector_store %arg8[%swap3A_332, %swap3A_333], %broadcast_in_dim3A_1 {strides = array<i32>} : memref<5000x16xf32, #tpu.memory_space<vmem>>, vector<16xf32>,
      %mul3A_335 = arith.constant 4 : i32
      %mul3A_336 = arith.muli %mul3A_335, %scan3A_321 : i32
      %add3A_337 = arith.constant 2 : i32
      %add3A_338 = arith.addi %mul3A_336, %add3A_337 : i32
      %swap3A_339 = arith.index_cast %add3A_338 : i32 to index
      %swap3A_340 = arith.constant 0 : index
      %swap3A_341 = tpu.vector_load %arg8[%swap3A_339, %swap3A_340] {strides = array<i32>} : memref<5000x16xf32, #tpu.memory_space<vmem>>, vector<16xf32>,
      tpu.vector_store %arg8[%swap3A_339, %swap3A_340], %broadcast_in_dim3A_1 {strides = array<i32>} : memref<5000x16xf32, #tpu.memory_space<vmem>>, vector<16xf32>,
      %mul3A_342 = arith.constant 4 : i32
      %mul3A_343 = arith.muli %mul3A_342, %scan3A_321 : i32
      %add3A_344 = arith.constant 3 : i32
      %add3A_345 = arith.addi %mul3A_343, %add3A_344 : i32
      %swap3A_346 = arith.index_cast %add3A_345 : i32 to index
      %swap3A_347 = arith.constant 0 : index
      %swap3A_348 = tpu.vector_load %arg8[%swap3A_346, %swap3A_347] {strides = array<i32>} : memref<5000x16xf32, #tpu.memory_space<vmem>>, vector<16xf32>,
      tpu.vector_store %arg8[%swap3A_346, %swap3A_347], %broadcast_in_dim3A_1 {strides = array<i32>} : memref<5000x16xf32, #tpu.memory_space<vmem>>, vector<16xf32>,
    }
    %scan3A_6 = arith.constant 160 : i32
    %mul3A_7 = arith.constant 640 : i32
    %mul3A_8 = arith.muli %arg1, %mul3A_7 : i32
    "tpu.region"() ({
      %run_scoped3A_321 = tpu.sem_alloc : memref<!tpu.dma_semaphore, #tpu.memory_space<semaphore_mem>>
      %dma_start3A_322 = arith.constant 0 : i32
      %dma_start3A_323 = arith.constant 0 : i32
      %dma_start3A_324 = tpu.memref_slice %arg8[%dma_start3A_322, %dma_start3A_323] : memref<5000x16xf32, #tpu.memory_space<vmem>> -> memref<640x16xf32, #tpu.memory_space<vmem>>
      %dma_start3A_325 = arith.constant 0 : i32
      %dma_start3A_326 = tpu.memref_slice %arg5[%mul3A_8, %dma_start3A_325] : memref<10240x16xf32, #tpu.memory_space<vmem_shared>> -> memref<640x16xf32, #tpu.memory_space<vmem_shared>>
      %dma_start3A_327 = arith.constant 0 : i32
      %dma_start3A_328 = tpu.memref_slice %arg5[%mul3A_8, %dma_start3A_327] : memref<10240x16xf32, #tpu.memory_space<vmem_shared>> -> memref<640x16xf32, #tpu.memory_space<vmem_shared>>
      %dma_start3A_329 = arith.constant 0 : i32
      %dma_start3A_330 = arith.constant 0 : i32
      %dma_start3A_331 = tpu.memref_slice %arg8[%dma_start3A_329, %dma_start3A_330] : memref<5000x16xf32, #tpu.memory_space<vmem>> -> memref<640x16xf32, #tpu.memory_space<vmem>>
      tpu.enqueue_dma source(%dma_start3A_331 : memref<640x16xf32, #tpu.memory_space<vmem>>) target(%dma_start3A_328 : memref<640x16xf32, #tpu.memory_space<vmem_shared>>) target_semaphore(%run_scoped3A_321 : memref<!tpu.dma_semaphore, #tpu.memory_space<semaphore_mem>>)
      %dma_wait3A_332 = arith.constant 0 : i32
      %dma_wait3A_333 = arith.constant 0 : i32
      %dma_wait3A_334 = tpu.memref_slice %arg8[%dma_wait3A_332, %dma_wait3A_333] : memref<5000x16xf32, #tpu.memory_space<vmem>> -> memref<640x16xf32, #tpu.memory_space<vmem>>
      %dma_wait3A_335 = arith.constant 0 : i32
      %dma_wait3A_336 = tpu.memref_slice %arg5[%mul3A_8, %dma_wait3A_335] : memref<10240x16xf32, #tpu.memory_space<vmem_shared>> -> memref<640x16xf32, #tpu.memory_space<vmem_shared>>
      %dma_wait3A_337 = arith.constant 0 : i32
      %dma_wait3A_338 = tpu.memref_slice %arg5[%mul3A_8, %dma_wait3A_337] : memref<10240x16xf32, #tpu.memory_space<vmem_shared>> -> memref<640x16xf32, #tpu.memory_space<vmem_shared>>
      %dma_wait3A_339 = arith.constant 0 : i32
      %dma_wait3A_340 = arith.constant 0 : i32
      %dma_wait3A_341 = tpu.memref_slice %arg8[%dma_wait3A_339, %dma_wait3A_340] : memref<5000x16xf32, #tpu.memory_space<vmem>> -> memref<640x16xf32, #tpu.memory_space<vmem>>
      tpu.wait_dma2 semaphore(%run_scoped3A_321 : memref<!tpu.dma_semaphore, #tpu.memory_space<semaphore_mem>>) src(%dma_wait3A_341 : memref<640x16xf32, #tpu.memory_space<vmem>>) dst(%dma_wait3A_338 : memref<640x16xf32, #tpu.memory_space<vmem_shared>>)
      tpu.yield
    }) : () -> ()
    %mul3A_9 = arith.constant 5000 : i32
    %mul3A_10 = arith.muli %add3A, %mul3A_9 : i32
    %run_scoped3A = arith.constant 0 : i32
    "tpu.region"() ({
      %run_scoped3A_321 = tpu.sem_alloc : memref<!tpu.dma_semaphore, #tpu.memory_space<semaphore_mem>>
      %dma_start3A_322 = tpu.memref_slice %arg3[%run_scoped3A, %mul3A_10] : memref<2x160000xi32, #tpu.memory_space<hbm>> -> memref<1x5000xi32, #tpu.memory_space<hbm>>
      %dma_start3A_323 = tpu.memref_squeeze %dma_start3A_322 : memref<1x5000xi32, #tpu.memory_space<hbm>> -> memref<5000xi32, #tpu.memory_space<hbm>>
      %dma_start3A_324 = tpu.memref_slice %arg3[%run_scoped3A, %mul3A_10] : memref<2x160000xi32, #tpu.memory_space<hbm>> -> memref<1x5000xi32, #tpu.memory_space<hbm>>
      %dma_start3A_325 = tpu.memref_squeeze %dma_start3A_324 : memref<1x5000xi32, #tpu.memory_space<hbm>> -> memref<5000xi32, #tpu.memory_space<hbm>>
      tpu.enqueue_dma source(%dma_start3A_325 : memref<5000xi32, #tpu.memory_space<hbm>>) target(%arg6 : memref<5000xi32, #tpu.memory_space<vmem>>) target_semaphore(%run_scoped3A_321 : memref<!tpu.dma_semaphore, #tpu.memory_space<semaphore_mem>>)
      %dma_wait3A_326 = tpu.memref_slice %arg3[%run_scoped3A, %mul3A_10] : memref<2x160000xi32, #tpu.memory_space<hbm>> -> memref<1x5000xi32, #tpu.memory_space<hbm>>
      %dma_wait3A_327 = tpu.memref_squeeze %dma_wait3A_326 : memref<1x5000xi32, #tpu.memory_space<hbm>> -> memref<5000xi32, #tpu.memory_space<hbm>>
      %dma_wait3A_328 = tpu.memref_slice %arg3[%run_scoped3A, %mul3A_10] : memref<2x160000xi32, #tpu.memory_space<hbm>> -> memref<1x5000xi32, #tpu.memory_space<hbm>>
      %dma_wait3A_329 = tpu.memref_squeeze %dma_wait3A_328 : memref<1x5000xi32, #tpu.memory_space<hbm>> -> memref<5000xi32, #tpu.memory_space<hbm>>
      tpu.wait_dma2 semaphore(%run_scoped3A_321 : memref<!tpu.dma_semaphore, #tpu.memory_space<semaphore_mem>>) src(%dma_wait3A_329 : memref<5000xi32, #tpu.memory_space<hbm>>) dst(%arg6 : memref<5000xi32, #tpu.memory_space<vmem>>)
      tpu.yield
    }) : () -> ()
    %mul3A_11 = arith.constant 5000 : i32
    %mul3A_12 = arith.muli %add3A, %mul3A_11 : i32
    %run_scoped3A_13 = arith.constant 1 : i32
    "tpu.region"() ({
      %run_scoped3A_321 = tpu.sem_alloc : memref<!tpu.dma_semaphore, #tpu.memory_space<semaphore_mem>>
      %dma_start3A_322 = tpu.memref_slice %arg3[%run_scoped3A_13, %mul3A_12] : memref<2x160000xi32, #tpu.memory_space<hbm>> -> memref<1x5000xi32, #tpu.memory_space<hbm>>
      %dma_start3A_323 = tpu.memref_squeeze %dma_start3A_322 : memref<1x5000xi32, #tpu.memory_space<hbm>> -> memref<5000xi32, #tpu.memory_space<hbm>>
      %dma_start3A_324 = tpu.memref_slice %arg3[%run_scoped3A_13, %mul3A_12] : memref<2x160000xi32, #tpu.memory_space<hbm>> -> memref<1x5000xi32, #tpu.memory_space<hbm>>
      %dma_start3A_325 = tpu.memref_squeeze %dma_start3A_324 : memref<1x5000xi32, #tpu.memory_space<hbm>> -> memref<5000xi32, #tpu.memory_space<hbm>>
      tpu.enqueue_dma source(%dma_start3A_325 : memref<5000xi32, #tpu.memory_space<hbm>>) target(%arg7 : memref<5000xi32, #tpu.memory_space<vmem>>) target_semaphore(%run_scoped3A_321 : memref<!tpu.dma_semaphore, #tpu.memory_space<semaphore_mem>>)
      %dma_wait3A_326 = tpu.memref_slice %arg3[%run_scoped3A_13, %mul3A_12] : memref<2x160000xi32, #tpu.memory_space<hbm>> -> memref<1x5000xi32, #tpu.memory_space<hbm>>
      %dma_wait3A_327 = tpu.memref_squeeze %dma_wait3A_326 : memref<1x5000xi32, #tpu.memory_space<hbm>> -> memref<5000xi32, #tpu.memory_space<hbm>>
      %dma_wait3A_328 = tpu.memref_slice %arg3[%run_scoped3A_13, %mul3A_12] : memref<2x160000xi32, #tpu.memory_space<hbm>> -> memref<1x5000xi32, #tpu.memory_space<hbm>>
      %dma_wait3A_329 = tpu.memref_squeeze %dma_wait3A_328 : memref<1x5000xi32, #tpu.memory_space<hbm>> -> memref<5000xi32, #tpu.memory_space<hbm>>
      tpu.wait_dma2 semaphore(%run_scoped3A_321 : memref<!tpu.dma_semaphore, #tpu.memory_space<semaphore_mem>>) src(%dma_wait3A_329 : memref<5000xi32, #tpu.memory_space<hbm>>) dst(%arg7 : memref<5000xi32, #tpu.memory_space<vmem>>)
      tpu.yield
    }) : () -> ()
    %barrier3A = arith.constant 0 : index
    tpu.barrier barrier_id(%barrier3A)
    %scan3A_14 = arith.constant 0 : i32
    %scan3A_15 = arith.constant 0 : i32
    %scan3A_16 = arith.constant 6 : i32
    %scan3A_17 = arith.addi %scan3A_15, %scan3A_16 : i32
    %scan3A_18 = arith.constant 1 : i32
    scf.for %scan3A_321 = %scan3A_15 to %scan3A_17 step %scan3A_18  : i32 {
      %add3A_322 = arith.constant 0 : i32
      %add3A_323 = arith.addi %add3A_322, %scan3A_321 : i32
      %mul3A_324 = arith.constant 104 : i32
      %mul3A_325 = arith.muli %add3A_323, %mul3A_324 : i32
      %mul3A_326 = arith.constant 104 : i32
      %mul3A_327 = arith.muli %add3A_323, %mul3A_326 : i32
      %dma_start3A_328 = arith.constant 0 : i32
      %dma_start3A_329 = tpu.memref_slice %arg8[%mul3A_327, %dma_start3A_328] : memref<5000x16xf32, #tpu.memory_space<vmem>> -> memref<104x16xf32, #tpu.memory_space<vmem>>
      %dma_start3A_330 = tpu.memref_slice %arg6[%mul3A_325] : memref<5000xi32, #tpu.memory_space<vmem>> -> memref<104xi32, #tpu.memory_space<vmem>>
      %dma_start3A_331 = arith.constant 0 : i32
      %dma_start3A_332 = arith.constant 0 : i32
      %dma_start3A_333 = tpu.memref_slice %arg2[%dma_start3A_331, %dma_start3A_332] : memref<10240x16xf32, #tpu.memory_space<hbm>> -> memref<10240x16xf32, #tpu.memory_space<hbm>>
      tpu.enqueue_indirect_dma source(%dma_start3A_333 : memref<10240x16xf32, #tpu.memory_space<hbm>>) target(%dma_start3A_329 : memref<104x16xf32, #tpu.memory_space<vmem>>) offsets(%dma_start3A_330 : memref<104xi32, #tpu.memory_space<vmem>>) semaphore(%arg9 : memref<!tpu.dma_semaphore, #tpu.memory_space<semaphore_mem>>)
    }
    %scan3A_19 = arith.constant 6 : i32
    %scan3A_20 = arith.constant 0 : i32
    %scan3A_21 = arith.constant 0 : i32
    %scan3A_22 = arith.constant 6 : i32
    %scan3A_23 = arith.addi %scan3A_21, %scan3A_22 : i32
    %scan3A_24 = arith.constant 1 : i32
    scf.for %scan3A_321 = %scan3A_21 to %scan3A_23 step %scan3A_24  : i32 {
      %add3A_322 = arith.constant 6 : i32
      %add3A_323 = arith.addi %add3A_322, %scan3A_321 : i32
      %mul3A_324 = arith.constant 104 : i32
      %mul3A_325 = arith.muli %add3A_323, %mul3A_324 : i32
      %mul3A_326 = arith.constant 104 : i32
      %mul3A_327 = arith.muli %add3A_323, %mul3A_326 : i32
      %dma_start3A_328 = arith.constant 0 : i32
      %dma_start3A_329 = tpu.memref_slice %arg8[%mul3A_327, %dma_start3A_328] : memref<5000x16xf32, #tpu.memory_space<vmem>> -> memref<104x16xf32, #tpu.memory_space<vmem>>
      %dma_start3A_330 = tpu.memref_slice %arg6[%mul3A_325] : memref<5000xi32, #tpu.memory_space<vmem>> -> memref<104xi32, #tpu.memory_space<vmem>>
      %dma_start3A_331 = arith.constant 0 : i32
      %dma_start3A_332 = arith.constant 0 : i32
      %dma_start3A_333 = tpu.memref_slice %arg2[%dma_start3A_331, %dma_start3A_332] : memref<10240x16xf32, #tpu.memory_space<hbm>> -> memref<10240x16xf32, #tpu.memory_space<hbm>>
      tpu.enqueue_indirect_dma source(%dma_start3A_333 : memref<10240x16xf32, #tpu.memory_space<hbm>>) target(%dma_start3A_329 : memref<104x16xf32, #tpu.memory_space<vmem>>) offsets(%dma_start3A_330 : memref<104xi32, #tpu.memory_space<vmem>>) semaphore(%arg10 : memref<!tpu.dma_semaphore, #tpu.memory_space<semaphore_mem>>)
    }
    %scan3A_25 = arith.constant 6 : i32
    %scan3A_26 = arith.constant 0 : i32
    %scan3A_27 = arith.constant 0 : i32
    %scan3A_28 = arith.constant 6 : i32
    %scan3A_29 = arith.addi %scan3A_27, %scan3A_28 : i32
    %scan3A_30 = arith.constant 1 : i32
    scf.for %scan3A_321 = %scan3A_27 to %scan3A_29 step %scan3A_30  : i32 {
      %add3A_322 = arith.constant 12 : i32
      %add3A_323 = arith.addi %add3A_322, %scan3A_321 : i32
      %mul3A_324 = arith.constant 104 : i32
      %mul3A_325 = arith.muli %add3A_323, %mul3A_324 : i32
      %mul3A_326 = arith.constant 104 : i32
      %mul3A_327 = arith.muli %add3A_323, %mul3A_326 : i32
      %dma_start3A_328 = arith.constant 0 : i32
      %dma_start3A_329 = tpu.memref_slice %arg8[%mul3A_327, %dma_start3A_328] : memref<5000x16xf32, #tpu.memory_space<vmem>> -> memref<104x16xf32, #tpu.memory_space<vmem>>
      %dma_start3A_330 = tpu.memref_slice %arg6[%mul3A_325] : memref<5000xi32, #tpu.memory_space<vmem>> -> memref<104xi32, #tpu.memory_space<vmem>>
      %dma_start3A_331 = arith.constant 0 : i32
      %dma_start3A_332 = arith.constant 0 : i32
      %dma_start3A_333 = tpu.memref_slice %arg2[%dma_start3A_331, %dma_start3A_332] : memref<10240x16xf32, #tpu.memory_space<hbm>> -> memref<10240x16xf32, #tpu.memory_space<hbm>>
      tpu.enqueue_indirect_dma source(%dma_start3A_333 : memref<10240x16xf32, #tpu.memory_space<hbm>>) target(%dma_start3A_329 : memref<104x16xf32, #tpu.memory_space<vmem>>) offsets(%dma_start3A_330 : memref<104xi32, #tpu.memory_space<vmem>>) semaphore(%arg11 : memref<!tpu.dma_semaphore, #tpu.memory_space<semaphore_mem>>)
    }
    %scan3A_31 = arith.constant 6 : i32
    %scan3A_32 = arith.constant 0 : i32
    %scan3A_33 = arith.constant 0 : i32
    %scan3A_34 = arith.constant 6 : i32
    %scan3A_35 = arith.addi %scan3A_33, %scan3A_34 : i32
    %scan3A_36 = arith.constant 1 : i32
    scf.for %scan3A_321 = %scan3A_33 to %scan3A_35 step %scan3A_36  : i32 {
      %add3A_322 = arith.constant 18 : i32
      %add3A_323 = arith.addi %add3A_322, %scan3A_321 : i32
      %mul3A_324 = arith.constant 104 : i32
      %mul3A_325 = arith.muli %add3A_323, %mul3A_324 : i32
      %mul3A_326 = arith.constant 104 : i32
      %mul3A_327 = arith.muli %add3A_323, %mul3A_326 : i32
      %dma_start3A_328 = arith.constant 0 : i32
      %dma_start3A_329 = tpu.memref_slice %arg8[%mul3A_327, %dma_start3A_328] : memref<5000x16xf32, #tpu.memory_space<vmem>> -> memref<104x16xf32, #tpu.memory_space<vmem>>
      %dma_start3A_330 = tpu.memref_slice %arg6[%mul3A_325] : memref<5000xi32, #tpu.memory_space<vmem>> -> memref<104xi32, #tpu.memory_space<vmem>>
      %dma_start3A_331 = arith.constant 0 : i32
      %dma_start3A_332 = arith.constant 0 : i32
      %dma_start3A_333 = tpu.memref_slice %arg2[%dma_start3A_331, %dma_start3A_332] : memref<10240x16xf32, #tpu.memory_space<hbm>> -> memref<10240x16xf32, #tpu.memory_space<hbm>>
      tpu.enqueue_indirect_dma source(%dma_start3A_333 : memref<10240x16xf32, #tpu.memory_space<hbm>>) target(%dma_start3A_329 : memref<104x16xf32, #tpu.memory_space<vmem>>) offsets(%dma_start3A_330 : memref<104xi32, #tpu.memory_space<vmem>>) semaphore(%arg12 : memref<!tpu.dma_semaphore, #tpu.memory_space<semaphore_mem>>)
    }
    %scan3A_37 = arith.constant 6 : i32
    %scan3A_38 = arith.constant 0 : i32
    %scan3A_39 = arith.constant 0 : i32
    %scan3A_40 = arith.constant 6 : i32
    %scan3A_41 = arith.addi %scan3A_39, %scan3A_40 : i32
    %scan3A_42 = arith.constant 1 : i32
    scf.for %scan3A_321 = %scan3A_39 to %scan3A_41 step %scan3A_42  : i32 {
      %add3A_322 = arith.constant 24 : i32
      %add3A_323 = arith.addi %add3A_322, %scan3A_321 : i32
      %mul3A_324 = arith.constant 104 : i32
      %mul3A_325 = arith.muli %add3A_323, %mul3A_324 : i32
      %mul3A_326 = arith.constant 104 : i32
      %mul3A_327 = arith.muli %add3A_323, %mul3A_326 : i32
      %dma_start3A_328 = arith.constant 0 : i32
      %dma_start3A_329 = tpu.memref_slice %arg8[%mul3A_327, %dma_start3A_328] : memref<5000x16xf32, #tpu.memory_space<vmem>> -> memref<104x16xf32, #tpu.memory_space<vmem>>
      %dma_start3A_330 = tpu.memref_slice %arg6[%mul3A_325] : memref<5000xi32, #tpu.memory_space<vmem>> -> memref<104xi32, #tpu.memory_space<vmem>>
      %dma_start3A_331 = arith.constant 0 : i32
      %dma_start3A_332 = arith.constant 0 : i32
      %dma_start3A_333 = tpu.memref_slice %arg2[%dma_start3A_331, %dma_start3A_332] : memref<10240x16xf32, #tpu.memory_space<hbm>> -> memref<10240x16xf32, #tpu.memory_space<hbm>>
      tpu.enqueue_indirect_dma source(%dma_start3A_333 : memref<10240x16xf32, #tpu.memory_space<hbm>>) target(%dma_start3A_329 : memref<104x16xf32, #tpu.memory_space<vmem>>) offsets(%dma_start3A_330 : memref<104xi32, #tpu.memory_space<vmem>>) semaphore(%arg13 : memref<!tpu.dma_semaphore, #tpu.memory_space<semaphore_mem>>)
    }
    %scan3A_43 = arith.constant 6 : i32
    %scan3A_44 = arith.constant 0 : i32
    %scan3A_45 = arith.constant 0 : i32
    %scan3A_46 = arith.constant 6 : i32
    %scan3A_47 = arith.addi %scan3A_45, %scan3A_46 : i32
    %scan3A_48 = arith.constant 1 : i32
    scf.for %scan3A_321 = %scan3A_45 to %scan3A_47 step %scan3A_48  : i32 {
      %add3A_322 = arith.constant 30 : i32
      %add3A_323 = arith.addi %add3A_322, %scan3A_321 : i32
      %mul3A_324 = arith.constant 104 : i32
      %mul3A_325 = arith.muli %add3A_323, %mul3A_324 : i32
      %mul3A_326 = arith.constant 104 : i32
      %mul3A_327 = arith.muli %add3A_323, %mul3A_326 : i32
      %dma_start3A_328 = arith.constant 0 : i32
      %dma_start3A_329 = tpu.memref_slice %arg8[%mul3A_327, %dma_start3A_328] : memref<5000x16xf32, #tpu.memory_space<vmem>> -> memref<104x16xf32, #tpu.memory_space<vmem>>
      %dma_start3A_330 = tpu.memref_slice %arg6[%mul3A_325] : memref<5000xi32, #tpu.memory_space<vmem>> -> memref<104xi32, #tpu.memory_space<vmem>>
      %dma_start3A_331 = arith.constant 0 : i32
      %dma_start3A_332 = arith.constant 0 : i32
      %dma_start3A_333 = tpu.memref_slice %arg2[%dma_start3A_331, %dma_start3A_332] : memref<10240x16xf32, #tpu.memory_space<hbm>> -> memref<10240x16xf32, #tpu.memory_space<hbm>>
      tpu.enqueue_indirect_dma source(%dma_start3A_333 : memref<10240x16xf32, #tpu.memory_space<hbm>>) target(%dma_start3A_329 : memref<104x16xf32, #tpu.memory_space<vmem>>) offsets(%dma_start3A_330 : memref<104xi32, #tpu.memory_space<vmem>>) semaphore(%arg14 : memref<!tpu.dma_semaphore, #tpu.memory_space<semaphore_mem>>)
    }
    %scan3A_49 = arith.constant 6 : i32
    %scan3A_50 = arith.constant 0 : i32
    %scan3A_51 = arith.constant 0 : i32
    %scan3A_52 = arith.constant 6 : i32
    %scan3A_53 = arith.addi %scan3A_51, %scan3A_52 : i32
    %scan3A_54 = arith.constant 1 : i32
    scf.for %scan3A_321 = %scan3A_51 to %scan3A_53 step %scan3A_54  : i32 {
      %add3A_322 = arith.constant 36 : i32
      %add3A_323 = arith.addi %add3A_322, %scan3A_321 : i32
      %mul3A_324 = arith.constant 104 : i32
      %mul3A_325 = arith.muli %add3A_323, %mul3A_324 : i32
      %mul3A_326 = arith.constant 104 : i32
      %mul3A_327 = arith.muli %add3A_323, %mul3A_326 : i32
      %dma_start3A_328 = arith.constant 0 : i32
      %dma_start3A_329 = tpu.memref_slice %arg8[%mul3A_327, %dma_start3A_328] : memref<5000x16xf32, #tpu.memory_space<vmem>> -> memref<104x16xf32, #tpu.memory_space<vmem>>
      %dma_start3A_330 = tpu.memref_slice %arg6[%mul3A_325] : memref<5000xi32, #tpu.memory_space<vmem>> -> memref<104xi32, #tpu.memory_space<vmem>>
      %dma_start3A_331 = arith.constant 0 : i32
      %dma_start3A_332 = arith.constant 0 : i32
      %dma_start3A_333 = tpu.memref_slice %arg2[%dma_start3A_331, %dma_start3A_332] : memref<10240x16xf32, #tpu.memory_space<hbm>> -> memref<10240x16xf32, #tpu.memory_space<hbm>>
      tpu.enqueue_indirect_dma source(%dma_start3A_333 : memref<10240x16xf32, #tpu.memory_space<hbm>>) target(%dma_start3A_329 : memref<104x16xf32, #tpu.memory_space<vmem>>) offsets(%dma_start3A_330 : memref<104xi32, #tpu.memory_space<vmem>>) semaphore(%arg15 : memref<!tpu.dma_semaphore, #tpu.memory_space<semaphore_mem>>)
    }
    %scan3A_55 = arith.constant 6 : i32
    %scan3A_56 = arith.constant 0 : i32
    %scan3A_57 = arith.constant 0 : i32
    %scan3A_58 = arith.constant 6 : i32
    %scan3A_59 = arith.addi %scan3A_57, %scan3A_58 : i32
    %scan3A_60 = arith.constant 1 : i32
    scf.for %scan3A_321 = %scan3A_57 to %scan3A_59 step %scan3A_60  : i32 {
      %add3A_322 = arith.constant 42 : i32
      %add3A_323 = arith.addi %add3A_322, %scan3A_321 : i32
      %mul3A_324 = arith.constant 104 : i32
      %mul3A_325 = arith.muli %add3A_323, %mul3A_324 : i32
      %mul3A_326 = arith.constant 104 : i32
      %mul3A_327 = arith.muli %add3A_323, %mul3A_326 : i32
      %dma_start3A_328 = arith.constant 0 : i32
      %dma_start3A_329 = tpu.memref_slice %arg8[%mul3A_327, %dma_start3A_328] : memref<5000x16xf32, #tpu.memory_space<vmem>> -> memref<104x16xf32, #tpu.memory_space<vmem>>
      %dma_start3A_330 = tpu.memref_slice %arg6[%mul3A_325] : memref<5000xi32, #tpu.memory_space<vmem>> -> memref<104xi32, #tpu.memory_space<vmem>>
      %dma_start3A_331 = arith.constant 0 : i32
      %dma_start3A_332 = arith.constant 0 : i32
      %dma_start3A_333 = tpu.memref_slice %arg2[%dma_start3A_331, %dma_start3A_332] : memref<10240x16xf32, #tpu.memory_space<hbm>> -> memref<10240x16xf32, #tpu.memory_space<hbm>>
      tpu.enqueue_indirect_dma source(%dma_start3A_333 : memref<10240x16xf32, #tpu.memory_space<hbm>>) target(%dma_start3A_329 : memref<104x16xf32, #tpu.memory_space<vmem>>) offsets(%dma_start3A_330 : memref<104xi32, #tpu.memory_space<vmem>>) semaphore(%arg16 : memref<!tpu.dma_semaphore, #tpu.memory_space<semaphore_mem>>)
    }
    %scan3A_61 = arith.constant 6 : i32
    %dma_start3A = arith.constant 4992 : i32
    %dma_start3A_62 = arith.constant 0 : i32
    %dma_start3A_63 = tpu.memref_slice %arg8[%dma_start3A, %dma_start3A_62] : memref<5000x16xf32, #tpu.memory_space<vmem>> -> memref<8x16xf32, #tpu.memory_space<vmem>>
    %dma_start3A_64 = arith.constant 4992 : i32
    %dma_start3A_65 = tpu.memref_slice %arg6[%dma_start3A_64] : memref<5000xi32, #tpu.memory_space<vmem>> -> memref<8xi32, #tpu.memory_space<vmem>>
    %dma_start3A_66 = arith.constant 0 : i32
    %dma_start3A_67 = arith.constant 0 : i32
    %dma_start3A_68 = tpu.memref_slice %arg2[%dma_start3A_66, %dma_start3A_67] : memref<10240x16xf32, #tpu.memory_space<hbm>> -> memref<10240x16xf32, #tpu.memory_space<hbm>>
    tpu.enqueue_indirect_dma source(%dma_start3A_68 : memref<10240x16xf32, #tpu.memory_space<hbm>>) target(%dma_start3A_63 : memref<8x16xf32, #tpu.memory_space<vmem>>) offsets(%dma_start3A_65 : memref<8xi32, #tpu.memory_space<vmem>>) semaphore(%arg16 : memref<!tpu.dma_semaphore, #tpu.memory_space<semaphore_mem>>)
    %dma_wait3A = arith.constant 0 : i32
    %dma_wait3A_69 = arith.constant 0 : i32
    %dma_wait3A_70 = tpu.memref_slice %arg8[%dma_wait3A, %dma_wait3A_69] : memref<5000x16xf32, #tpu.memory_space<vmem>> -> memref<624x16xf32, #tpu.memory_space<vmem>>
    %dma_wait3A_71 = arith.constant 0 : i32
    %dma_wait3A_72 = arith.constant 0 : i32
    %dma_wait3A_73 = tpu.memref_slice %arg2[%dma_wait3A_71, %dma_wait3A_72] : memref<10240x16xf32, #tpu.memory_space<hbm>> -> memref<624x16xf32, #tpu.memory_space<hbm>>
    %dma_wait3A_74 = arith.constant 0 : i32
    %dma_wait3A_75 = arith.constant 0 : i32
    %dma_wait3A_76 = tpu.memref_slice %arg8[%dma_wait3A_74, %dma_wait3A_75] : memref<5000x16xf32, #tpu.memory_space<vmem>> -> memref<624x16xf32, #tpu.memory_space<vmem>>
    %dma_wait3A_77 = arith.constant 0 : i32
    %dma_wait3A_78 = arith.constant 0 : i32
    %dma_wait3A_79 = tpu.memref_slice %arg2[%dma_wait3A_77, %dma_wait3A_78] : memref<10240x16xf32, #tpu.memory_space<hbm>> -> memref<624x16xf32, #tpu.memory_space<hbm>>
    tpu.wait_dma2 semaphore(%arg9 : memref<!tpu.dma_semaphore, #tpu.memory_space<semaphore_mem>>) src(%dma_wait3A_79 : memref<624x16xf32, #tpu.memory_space<hbm>>) dst(%dma_wait3A_76 : memref<624x16xf32, #tpu.memory_space<vmem>>)
    %scan3A_80 = arith.constant 0 : i32
    %scan3A_81 = arith.constant 0 : i32
    %scan3A_82 = arith.constant 6 : i32
    %scan3A_83 = arith.addi %scan3A_81, %scan3A_82 : i32
    %scan3A_84 = arith.constant 1 : i32
    scf.for %scan3A_321 = %scan3A_81 to %scan3A_83 step %scan3A_84  : i32 {
      %add3A_322 = arith.constant 0 : i32
      %add3A_323 = arith.addi %add3A_322, %scan3A_321 : i32
      %mul3A_324 = arith.constant 104 : i32
      %mul3A_325 = arith.muli %add3A_323, %mul3A_324 : i32
      %mul3A_326 = arith.constant 104 : i32
      %mul3A_327 = arith.muli %add3A_323, %mul3A_326 : i32
      %dma_start3A_328 = arith.constant 0 : i32
      %dma_start3A_329 = tpu.memref_slice %arg8[%mul3A_325, %dma_start3A_328] : memref<5000x16xf32, #tpu.memory_space<vmem>> -> memref<104x16xf32, #tpu.memory_space<vmem>>
      %dma_start3A_330 = tpu.memref_slice %arg7[%mul3A_327] : memref<5000xi32, #tpu.memory_space<vmem>> -> memref<104xi32, #tpu.memory_space<vmem>>
      %dma_start3A_331 = arith.constant 0 : i32
      %dma_start3A_332 = arith.constant 0 : i32
      %dma_start3A_333 = tpu.memref_slice %arg5[%dma_start3A_331, %dma_start3A_332] : memref<10240x16xf32, #tpu.memory_space<vmem_shared>> -> memref<10240x16xf32, #tpu.memory_space<vmem_shared>>
      tpu.enqueue_indirect_dma source(%dma_start3A_329 : memref<104x16xf32, #tpu.memory_space<vmem>>) target(%dma_start3A_333 : memref<10240x16xf32, #tpu.memory_space<vmem_shared>>) offsets(%dma_start3A_330 : memref<104xi32, #tpu.memory_space<vmem>>) semaphore(%arg9 : memref<!tpu.dma_semaphore, #tpu.memory_space<semaphore_mem>>) {add = true}
    }
    %scan3A_85 = arith.constant 6 : i32
    %dma_wait3A_86 = arith.constant 0 : i32
    %dma_wait3A_87 = arith.constant 0 : i32
    %dma_wait3A_88 = tpu.memref_slice %arg8[%dma_wait3A_86, %dma_wait3A_87] : memref<5000x16xf32, #tpu.memory_space<vmem>> -> memref<624x16xf32, #tpu.memory_space<vmem>>
    %dma_wait3A_89 = arith.constant 0 : i32
    %dma_wait3A_90 = arith.constant 0 : i32
    %dma_wait3A_91 = tpu.memref_slice %arg2[%dma_wait3A_89, %dma_wait3A_90] : memref<10240x16xf32, #tpu.memory_space<hbm>> -> memref<624x16xf32, #tpu.memory_space<hbm>>
    %dma_wait3A_92 = arith.constant 0 : i32
    %dma_wait3A_93 = arith.constant 0 : i32
    %dma_wait3A_94 = tpu.memref_slice %arg8[%dma_wait3A_92, %dma_wait3A_93] : memref<5000x16xf32, #tpu.memory_space<vmem>> -> memref<624x16xf32, #tpu.memory_space<vmem>>
    %dma_wait3A_95 = arith.constant 0 : i32
    %dma_wait3A_96 = arith.constant 0 : i32
    %dma_wait3A_97 = tpu.memref_slice %arg2[%dma_wait3A_95, %dma_wait3A_96] : memref<10240x16xf32, #tpu.memory_space<hbm>> -> memref<624x16xf32, #tpu.memory_space<hbm>>
    tpu.wait_dma2 semaphore(%arg10 : memref<!tpu.dma_semaphore, #tpu.memory_space<semaphore_mem>>) src(%dma_wait3A_97 : memref<624x16xf32, #tpu.memory_space<hbm>>) dst(%dma_wait3A_94 : memref<624x16xf32, #tpu.memory_space<vmem>>)
    %scan3A_98 = arith.constant 0 : i32
    %scan3A_99 = arith.constant 0 : i32
    %scan3A_100 = arith.constant 6 : i32
    %scan3A_101 = arith.addi %scan3A_99, %scan3A_100 : i32
    %scan3A_102 = arith.constant 1 : i32
    scf.for %scan3A_321 = %scan3A_99 to %scan3A_101 step %scan3A_102  : i32 {
      %add3A_322 = arith.constant 6 : i32
      %add3A_323 = arith.addi %add3A_322, %scan3A_321 : i32
      %mul3A_324 = arith.constant 104 : i32
      %mul3A_325 = arith.muli %add3A_323, %mul3A_324 : i32
      %mul3A_326 = arith.constant 104 : i32
      %mul3A_327 = arith.muli %add3A_323, %mul3A_326 : i32
      %dma_start3A_328 = arith.constant 0 : i32
      %dma_start3A_329 = tpu.memref_slice %arg8[%mul3A_325, %dma_start3A_328] : memref<5000x16xf32, #tpu.memory_space<vmem>> -> memref<104x16xf32, #tpu.memory_space<vmem>>
      %dma_start3A_330 = tpu.memref_slice %arg7[%mul3A_327] : memref<5000xi32, #tpu.memory_space<vmem>> -> memref<104xi32, #tpu.memory_space<vmem>>
      %dma_start3A_331 = arith.constant 0 : i32
      %dma_start3A_332 = arith.constant 0 : i32
      %dma_start3A_333 = tpu.memref_slice %arg5[%dma_start3A_331, %dma_start3A_332] : memref<10240x16xf32, #tpu.memory_space<vmem_shared>> -> memref<10240x16xf32, #tpu.memory_space<vmem_shared>>
      tpu.enqueue_indirect_dma source(%dma_start3A_329 : memref<104x16xf32, #tpu.memory_space<vmem>>) target(%dma_start3A_333 : memref<10240x16xf32, #tpu.memory_space<vmem_shared>>) offsets(%dma_start3A_330 : memref<104xi32, #tpu.memory_space<vmem>>) semaphore(%arg10 : memref<!tpu.dma_semaphore, #tpu.memory_space<semaphore_mem>>) {add = true}
    }
    %scan3A_103 = arith.constant 6 : i32
    %dma_wait3A_104 = arith.constant 0 : i32
    %dma_wait3A_105 = arith.constant 0 : i32
    %dma_wait3A_106 = tpu.memref_slice %arg8[%dma_wait3A_104, %dma_wait3A_105] : memref<5000x16xf32, #tpu.memory_space<vmem>> -> memref<624x16xf32, #tpu.memory_space<vmem>>
    %dma_wait3A_107 = arith.constant 0 : i32
    %dma_wait3A_108 = arith.constant 0 : i32
    %dma_wait3A_109 = tpu.memref_slice %arg2[%dma_wait3A_107, %dma_wait3A_108] : memref<10240x16xf32, #tpu.memory_space<hbm>> -> memref<624x16xf32, #tpu.memory_space<hbm>>
    %dma_wait3A_110 = arith.constant 0 : i32
    %dma_wait3A_111 = arith.constant 0 : i32
    %dma_wait3A_112 = tpu.memref_slice %arg8[%dma_wait3A_110, %dma_wait3A_111] : memref<5000x16xf32, #tpu.memory_space<vmem>> -> memref<624x16xf32, #tpu.memory_space<vmem>>
    %dma_wait3A_113 = arith.constant 0 : i32
    %dma_wait3A_114 = arith.constant 0 : i32
    %dma_wait3A_115 = tpu.memref_slice %arg2[%dma_wait3A_113, %dma_wait3A_114] : memref<10240x16xf32, #tpu.memory_space<hbm>> -> memref<624x16xf32, #tpu.memory_space<hbm>>
    tpu.wait_dma2 semaphore(%arg11 : memref<!tpu.dma_semaphore, #tpu.memory_space<semaphore_mem>>) src(%dma_wait3A_115 : memref<624x16xf32, #tpu.memory_space<hbm>>) dst(%dma_wait3A_112 : memref<624x16xf32, #tpu.memory_space<vmem>>)
    %scan3A_116 = arith.constant 0 : i32
    %scan3A_117 = arith.constant 0 : i32
    %scan3A_118 = arith.constant 6 : i32
    %scan3A_119 = arith.addi %scan3A_117, %scan3A_118 : i32
    %scan3A_120 = arith.constant 1 : i32
    scf.for %scan3A_321 = %scan3A_117 to %scan3A_119 step %scan3A_120  : i32 {
      %add3A_322 = arith.constant 12 : i32
      %add3A_323 = arith.addi %add3A_322, %scan3A_321 : i32
      %mul3A_324 = arith.constant 104 : i32
      %mul3A_325 = arith.muli %add3A_323, %mul3A_324 : i32
      %mul3A_326 = arith.constant 104 : i32
      %mul3A_327 = arith.muli %add3A_323, %mul3A_326 : i32
      %dma_start3A_328 = arith.constant 0 : i32
      %dma_start3A_329 = tpu.memref_slice %arg8[%mul3A_325, %dma_start3A_328] : memref<5000x16xf32, #tpu.memory_space<vmem>> -> memref<104x16xf32, #tpu.memory_space<vmem>>
      %dma_start3A_330 = tpu.memref_slice %arg7[%mul3A_327] : memref<5000xi32, #tpu.memory_space<vmem>> -> memref<104xi32, #tpu.memory_space<vmem>>
      %dma_start3A_331 = arith.constant 0 : i32
      %dma_start3A_332 = arith.constant 0 : i32
      %dma_start3A_333 = tpu.memref_slice %arg5[%dma_start3A_331, %dma_start3A_332] : memref<10240x16xf32, #tpu.memory_space<vmem_shared>> -> memref<10240x16xf32, #tpu.memory_space<vmem_shared>>
      tpu.enqueue_indirect_dma source(%dma_start3A_329 : memref<104x16xf32, #tpu.memory_space<vmem>>) target(%dma_start3A_333 : memref<10240x16xf32, #tpu.memory_space<vmem_shared>>) offsets(%dma_start3A_330 : memref<104xi32, #tpu.memory_space<vmem>>) semaphore(%arg11 : memref<!tpu.dma_semaphore, #tpu.memory_space<semaphore_mem>>) {add = true}
    }
    %scan3A_121 = arith.constant 6 : i32
    %dma_wait3A_122 = arith.constant 0 : i32
    %dma_wait3A_123 = arith.constant 0 : i32
    %dma_wait3A_124 = tpu.memref_slice %arg8[%dma_wait3A_122, %dma_wait3A_123] : memref<5000x16xf32, #tpu.memory_space<vmem>> -> memref<624x16xf32, #tpu.memory_space<vmem>>
    %dma_wait3A_125 = arith.constant 0 : i32
    %dma_wait3A_126 = arith.constant 0 : i32
    %dma_wait3A_127 = tpu.memref_slice %arg2[%dma_wait3A_125, %dma_wait3A_126] : memref<10240x16xf32, #tpu.memory_space<hbm>> -> memref<624x16xf32, #tpu.memory_space<hbm>>
    %dma_wait3A_128 = arith.constant 0 : i32
    %dma_wait3A_129 = arith.constant 0 : i32
    %dma_wait3A_130 = tpu.memref_slice %arg8[%dma_wait3A_128, %dma_wait3A_129] : memref<5000x16xf32, #tpu.memory_space<vmem>> -> memref<624x16xf32, #tpu.memory_space<vmem>>
    %dma_wait3A_131 = arith.constant 0 : i32
    %dma_wait3A_132 = arith.constant 0 : i32
    %dma_wait3A_133 = tpu.memref_slice %arg2[%dma_wait3A_131, %dma_wait3A_132] : memref<10240x16xf32, #tpu.memory_space<hbm>> -> memref<624x16xf32, #tpu.memory_space<hbm>>
    tpu.wait_dma2 semaphore(%arg12 : memref<!tpu.dma_semaphore, #tpu.memory_space<semaphore_mem>>) src(%dma_wait3A_133 : memref<624x16xf32, #tpu.memory_space<hbm>>) dst(%dma_wait3A_130 : memref<624x16xf32, #tpu.memory_space<vmem>>)
    %scan3A_134 = arith.constant 0 : i32
    %scan3A_135 = arith.constant 0 : i32
    %scan3A_136 = arith.constant 6 : i32
    %scan3A_137 = arith.addi %scan3A_135, %scan3A_136 : i32
    %scan3A_138 = arith.constant 1 : i32
    scf.for %scan3A_321 = %scan3A_135 to %scan3A_137 step %scan3A_138  : i32 {
      %add3A_322 = arith.constant 18 : i32
      %add3A_323 = arith.addi %add3A_322, %scan3A_321 : i32
      %mul3A_324 = arith.constant 104 : i32
      %mul3A_325 = arith.muli %add3A_323, %mul3A_324 : i32
      %mul3A_326 = arith.constant 104 : i32
      %mul3A_327 = arith.muli %add3A_323, %mul3A_326 : i32
      %dma_start3A_328 = arith.constant 0 : i32
      %dma_start3A_329 = tpu.memref_slice %arg8[%mul3A_325, %dma_start3A_328] : memref<5000x16xf32, #tpu.memory_space<vmem>> -> memref<104x16xf32, #tpu.memory_space<vmem>>
      %dma_start3A_330 = tpu.memref_slice %arg7[%mul3A_327] : memref<5000xi32, #tpu.memory_space<vmem>> -> memref<104xi32, #tpu.memory_space<vmem>>
      %dma_start3A_331 = arith.constant 0 : i32
      %dma_start3A_332 = arith.constant 0 : i32
      %dma_start3A_333 = tpu.memref_slice %arg5[%dma_start3A_331, %dma_start3A_332] : memref<10240x16xf32, #tpu.memory_space<vmem_shared>> -> memref<10240x16xf32, #tpu.memory_space<vmem_shared>>
      tpu.enqueue_indirect_dma source(%dma_start3A_329 : memref<104x16xf32, #tpu.memory_space<vmem>>) target(%dma_start3A_333 : memref<10240x16xf32, #tpu.memory_space<vmem_shared>>) offsets(%dma_start3A_330 : memref<104xi32, #tpu.memory_space<vmem>>) semaphore(%arg12 : memref<!tpu.dma_semaphore, #tpu.memory_space<semaphore_mem>>) {add = true}
    }
    %scan3A_139 = arith.constant 6 : i32
    %dma_wait3A_140 = arith.constant 0 : i32
    %dma_wait3A_141 = arith.constant 0 : i32
    %dma_wait3A_142 = tpu.memref_slice %arg8[%dma_wait3A_140, %dma_wait3A_141] : memref<5000x16xf32, #tpu.memory_space<vmem>> -> memref<624x16xf32, #tpu.memory_space<vmem>>
    %dma_wait3A_143 = arith.constant 0 : i32
    %dma_wait3A_144 = arith.constant 0 : i32
    %dma_wait3A_145 = tpu.memref_slice %arg2[%dma_wait3A_143, %dma_wait3A_144] : memref<10240x16xf32, #tpu.memory_space<hbm>> -> memref<624x16xf32, #tpu.memory_space<hbm>>
    %dma_wait3A_146 = arith.constant 0 : i32
    %dma_wait3A_147 = arith.constant 0 : i32
    %dma_wait3A_148 = tpu.memref_slice %arg8[%dma_wait3A_146, %dma_wait3A_147] : memref<5000x16xf32, #tpu.memory_space<vmem>> -> memref<624x16xf32, #tpu.memory_space<vmem>>
    %dma_wait3A_149 = arith.constant 0 : i32
    %dma_wait3A_150 = arith.constant 0 : i32
    %dma_wait3A_151 = tpu.memref_slice %arg2[%dma_wait3A_149, %dma_wait3A_150] : memref<10240x16xf32, #tpu.memory_space<hbm>> -> memref<624x16xf32, #tpu.memory_space<hbm>>
    tpu.wait_dma2 semaphore(%arg13 : memref<!tpu.dma_semaphore, #tpu.memory_space<semaphore_mem>>) src(%dma_wait3A_151 : memref<624x16xf32, #tpu.memory_space<hbm>>) dst(%dma_wait3A_148 : memref<624x16xf32, #tpu.memory_space<vmem>>)
    %scan3A_152 = arith.constant 0 : i32
    %scan3A_153 = arith.constant 0 : i32
    %scan3A_154 = arith.constant 6 : i32
    %scan3A_155 = arith.addi %scan3A_153, %scan3A_154 : i32
    %scan3A_156 = arith.constant 1 : i32
    scf.for %scan3A_321 = %scan3A_153 to %scan3A_155 step %scan3A_156  : i32 {
      %add3A_322 = arith.constant 24 : i32
      %add3A_323 = arith.addi %add3A_322, %scan3A_321 : i32
      %mul3A_324 = arith.constant 104 : i32
      %mul3A_325 = arith.muli %add3A_323, %mul3A_324 : i32
      %mul3A_326 = arith.constant 104 : i32
      %mul3A_327 = arith.muli %add3A_323, %mul3A_326 : i32
      %dma_start3A_328 = arith.constant 0 : i32
      %dma_start3A_329 = tpu.memref_slice %arg8[%mul3A_325, %dma_start3A_328] : memref<5000x16xf32, #tpu.memory_space<vmem>> -> memref<104x16xf32, #tpu.memory_space<vmem>>
      %dma_start3A_330 = tpu.memref_slice %arg7[%mul3A_327] : memref<5000xi32, #tpu.memory_space<vmem>> -> memref<104xi32, #tpu.memory_space<vmem>>
      %dma_start3A_331 = arith.constant 0 : i32
      %dma_start3A_332 = arith.constant 0 : i32
      %dma_start3A_333 = tpu.memref_slice %arg5[%dma_start3A_331, %dma_start3A_332] : memref<10240x16xf32, #tpu.memory_space<vmem_shared>> -> memref<10240x16xf32, #tpu.memory_space<vmem_shared>>
      tpu.enqueue_indirect_dma source(%dma_start3A_329 : memref<104x16xf32, #tpu.memory_space<vmem>>) target(%dma_start3A_333 : memref<10240x16xf32, #tpu.memory_space<vmem_shared>>) offsets(%dma_start3A_330 : memref<104xi32, #tpu.memory_space<vmem>>) semaphore(%arg13 : memref<!tpu.dma_semaphore, #tpu.memory_space<semaphore_mem>>) {add = true}
    }
    %scan3A_157 = arith.constant 6 : i32
    %dma_wait3A_158 = arith.constant 0 : i32
    %dma_wait3A_159 = arith.constant 0 : i32
    %dma_wait3A_160 = tpu.memref_slice %arg8[%dma_wait3A_158, %dma_wait3A_159] : memref<5000x16xf32, #tpu.memory_space<vmem>> -> memref<624x16xf32, #tpu.memory_space<vmem>>
    %dma_wait3A_161 = arith.constant 0 : i32
    %dma_wait3A_162 = arith.constant 0 : i32
    %dma_wait3A_163 = tpu.memref_slice %arg2[%dma_wait3A_161, %dma_wait3A_162] : memref<10240x16xf32, #tpu.memory_space<hbm>> -> memref<624x16xf32, #tpu.memory_space<hbm>>
    %dma_wait3A_164 = arith.constant 0 : i32
    %dma_wait3A_165 = arith.constant 0 : i32
    %dma_wait3A_166 = tpu.memref_slice %arg8[%dma_wait3A_164, %dma_wait3A_165] : memref<5000x16xf32, #tpu.memory_space<vmem>> -> memref<624x16xf32, #tpu.memory_space<vmem>>
    %dma_wait3A_167 = arith.constant 0 : i32
    %dma_wait3A_168 = arith.constant 0 : i32
    %dma_wait3A_169 = tpu.memref_slice %arg2[%dma_wait3A_167, %dma_wait3A_168] : memref<10240x16xf32, #tpu.memory_space<hbm>> -> memref<624x16xf32, #tpu.memory_space<hbm>>
    tpu.wait_dma2 semaphore(%arg14 : memref<!tpu.dma_semaphore, #tpu.memory_space<semaphore_mem>>) src(%dma_wait3A_169 : memref<624x16xf32, #tpu.memory_space<hbm>>) dst(%dma_wait3A_166 : memref<624x16xf32, #tpu.memory_space<vmem>>)
    %scan3A_170 = arith.constant 0 : i32
    %scan3A_171 = arith.constant 0 : i32
    %scan3A_172 = arith.constant 6 : i32
    %scan3A_173 = arith.addi %scan3A_171, %scan3A_172 : i32
    %scan3A_174 = arith.constant 1 : i32
    scf.for %scan3A_321 = %scan3A_171 to %scan3A_173 step %scan3A_174  : i32 {
      %add3A_322 = arith.constant 30 : i32
      %add3A_323 = arith.addi %add3A_322, %scan3A_321 : i32
      %mul3A_324 = arith.constant 104 : i32
      %mul3A_325 = arith.muli %add3A_323, %mul3A_324 : i32
      %mul3A_326 = arith.constant 104 : i32
      %mul3A_327 = arith.muli %add3A_323, %mul3A_326 : i32
      %dma_start3A_328 = arith.constant 0 : i32
      %dma_start3A_329 = tpu.memref_slice %arg8[%mul3A_325, %dma_start3A_328] : memref<5000x16xf32, #tpu.memory_space<vmem>> -> memref<104x16xf32, #tpu.memory_space<vmem>>
      %dma_start3A_330 = tpu.memref_slice %arg7[%mul3A_327] : memref<5000xi32, #tpu.memory_space<vmem>> -> memref<104xi32, #tpu.memory_space<vmem>>
      %dma_start3A_331 = arith.constant 0 : i32
      %dma_start3A_332 = arith.constant 0 : i32
      %dma_start3A_333 = tpu.memref_slice %arg5[%dma_start3A_331, %dma_start3A_332] : memref<10240x16xf32, #tpu.memory_space<vmem_shared>> -> memref<10240x16xf32, #tpu.memory_space<vmem_shared>>
      tpu.enqueue_indirect_dma source(%dma_start3A_329 : memref<104x16xf32, #tpu.memory_space<vmem>>) target(%dma_start3A_333 : memref<10240x16xf32, #tpu.memory_space<vmem_shared>>) offsets(%dma_start3A_330 : memref<104xi32, #tpu.memory_space<vmem>>) semaphore(%arg14 : memref<!tpu.dma_semaphore, #tpu.memory_space<semaphore_mem>>) {add = true}
    }
    %scan3A_175 = arith.constant 6 : i32
    %dma_wait3A_176 = arith.constant 0 : i32
    %dma_wait3A_177 = arith.constant 0 : i32
    %dma_wait3A_178 = tpu.memref_slice %arg8[%dma_wait3A_176, %dma_wait3A_177] : memref<5000x16xf32, #tpu.memory_space<vmem>> -> memref<624x16xf32, #tpu.memory_space<vmem>>
    %dma_wait3A_179 = arith.constant 0 : i32
    %dma_wait3A_180 = arith.constant 0 : i32
    %dma_wait3A_181 = tpu.memref_slice %arg2[%dma_wait3A_179, %dma_wait3A_180] : memref<10240x16xf32, #tpu.memory_space<hbm>> -> memref<624x16xf32, #tpu.memory_space<hbm>>
    %dma_wait3A_182 = arith.constant 0 : i32
    %dma_wait3A_183 = arith.constant 0 : i32
    %dma_wait3A_184 = tpu.memref_slice %arg8[%dma_wait3A_182, %dma_wait3A_183] : memref<5000x16xf32, #tpu.memory_space<vmem>> -> memref<624x16xf32, #tpu.memory_space<vmem>>
    %dma_wait3A_185 = arith.constant 0 : i32
    %dma_wait3A_186 = arith.constant 0 : i32
    %dma_wait3A_187 = tpu.memref_slice %arg2[%dma_wait3A_185, %dma_wait3A_186] : memref<10240x16xf32, #tpu.memory_space<hbm>> -> memref<624x16xf32, #tpu.memory_space<hbm>>
    tpu.wait_dma2 semaphore(%arg15 : memref<!tpu.dma_semaphore, #tpu.memory_space<semaphore_mem>>) src(%dma_wait3A_187 : memref<624x16xf32, #tpu.memory_space<hbm>>) dst(%dma_wait3A_184 : memref<624x16xf32, #tpu.memory_space<vmem>>)
    %scan3A_188 = arith.constant 0 : i32
    %scan3A_189 = arith.constant 0 : i32
    %scan3A_190 = arith.constant 6 : i32
    %scan3A_191 = arith.addi %scan3A_189, %scan3A_190 : i32
    %scan3A_192 = arith.constant 1 : i32
    scf.for %scan3A_321 = %scan3A_189 to %scan3A_191 step %scan3A_192  : i32 {
      %add3A_322 = arith.constant 36 : i32
      %add3A_323 = arith.addi %add3A_322, %scan3A_321 : i32
      %mul3A_324 = arith.constant 104 : i32
      %mul3A_325 = arith.muli %add3A_323, %mul3A_324 : i32
      %mul3A_326 = arith.constant 104 : i32
      %mul3A_327 = arith.muli %add3A_323, %mul3A_326 : i32
      %dma_start3A_328 = arith.constant 0 : i32
      %dma_start3A_329 = tpu.memref_slice %arg8[%mul3A_325, %dma_start3A_328] : memref<5000x16xf32, #tpu.memory_space<vmem>> -> memref<104x16xf32, #tpu.memory_space<vmem>>
      %dma_start3A_330 = tpu.memref_slice %arg7[%mul3A_327] : memref<5000xi32, #tpu.memory_space<vmem>> -> memref<104xi32, #tpu.memory_space<vmem>>
      %dma_start3A_331 = arith.constant 0 : i32
      %dma_start3A_332 = arith.constant 0 : i32
      %dma_start3A_333 = tpu.memref_slice %arg5[%dma_start3A_331, %dma_start3A_332] : memref<10240x16xf32, #tpu.memory_space<vmem_shared>> -> memref<10240x16xf32, #tpu.memory_space<vmem_shared>>
      tpu.enqueue_indirect_dma source(%dma_start3A_329 : memref<104x16xf32, #tpu.memory_space<vmem>>) target(%dma_start3A_333 : memref<10240x16xf32, #tpu.memory_space<vmem_shared>>) offsets(%dma_start3A_330 : memref<104xi32, #tpu.memory_space<vmem>>) semaphore(%arg15 : memref<!tpu.dma_semaphore, #tpu.memory_space<semaphore_mem>>) {add = true}
    }
    %scan3A_193 = arith.constant 6 : i32
    %dma_wait3A_194 = arith.constant 0 : i32
    %dma_wait3A_195 = arith.constant 0 : i32
    %dma_wait3A_196 = tpu.memref_slice %arg8[%dma_wait3A_194, %dma_wait3A_195] : memref<5000x16xf32, #tpu.memory_space<vmem>> -> memref<632x16xf32, #tpu.memory_space<vmem>>
    %dma_wait3A_197 = arith.constant 0 : i32
    %dma_wait3A_198 = arith.constant 0 : i32
    %dma_wait3A_199 = tpu.memref_slice %arg2[%dma_wait3A_197, %dma_wait3A_198] : memref<10240x16xf32, #tpu.memory_space<hbm>> -> memref<632x16xf32, #tpu.memory_space<hbm>>
    %dma_wait3A_200 = arith.constant 0 : i32
    %dma_wait3A_201 = arith.constant 0 : i32
    %dma_wait3A_202 = tpu.memref_slice %arg8[%dma_wait3A_200, %dma_wait3A_201] : memref<5000x16xf32, #tpu.memory_space<vmem>> -> memref<632x16xf32, #tpu.memory_space<vmem>>
    %dma_wait3A_203 = arith.constant 0 : i32
    %dma_wait3A_204 = arith.constant 0 : i32
    %dma_wait3A_205 = tpu.memref_slice %arg2[%dma_wait3A_203, %dma_wait3A_204] : memref<10240x16xf32, #tpu.memory_space<hbm>> -> memref<632x16xf32, #tpu.memory_space<hbm>>
    tpu.wait_dma2 semaphore(%arg16 : memref<!tpu.dma_semaphore, #tpu.memory_space<semaphore_mem>>) src(%dma_wait3A_205 : memref<632x16xf32, #tpu.memory_space<hbm>>) dst(%dma_wait3A_202 : memref<632x16xf32, #tpu.memory_space<vmem>>)
    %scan3A_206 = arith.constant 0 : i32
    %scan3A_207 = arith.constant 0 : i32
    %scan3A_208 = arith.constant 6 : i32
    %scan3A_209 = arith.addi %scan3A_207, %scan3A_208 : i32
    %scan3A_210 = arith.constant 1 : i32
    scf.for %scan3A_321 = %scan3A_207 to %scan3A_209 step %scan3A_210  : i32 {
      %add3A_322 = arith.constant 42 : i32
      %add3A_323 = arith.addi %add3A_322, %scan3A_321 : i32
      %mul3A_324 = arith.constant 104 : i32
      %mul3A_325 = arith.muli %add3A_323, %mul3A_324 : i32
      %mul3A_326 = arith.constant 104 : i32
      %mul3A_327 = arith.muli %add3A_323, %mul3A_326 : i32
      %dma_start3A_328 = arith.constant 0 : i32
      %dma_start3A_329 = tpu.memref_slice %arg8[%mul3A_325, %dma_start3A_328] : memref<5000x16xf32, #tpu.memory_space<vmem>> -> memref<104x16xf32, #tpu.memory_space<vmem>>
      %dma_start3A_330 = tpu.memref_slice %arg7[%mul3A_327] : memref<5000xi32, #tpu.memory_space<vmem>> -> memref<104xi32, #tpu.memory_space<vmem>>
      %dma_start3A_331 = arith.constant 0 : i32
      %dma_start3A_332 = arith.constant 0 : i32
      %dma_start3A_333 = tpu.memref_slice %arg5[%dma_start3A_331, %dma_start3A_332] : memref<10240x16xf32, #tpu.memory_space<vmem_shared>> -> memref<10240x16xf32, #tpu.memory_space<vmem_shared>>
      tpu.enqueue_indirect_dma source(%dma_start3A_329 : memref<104x16xf32, #tpu.memory_space<vmem>>) target(%dma_start3A_333 : memref<10240x16xf32, #tpu.memory_space<vmem_shared>>) offsets(%dma_start3A_330 : memref<104xi32, #tpu.memory_space<vmem>>) semaphore(%arg16 : memref<!tpu.dma_semaphore, #tpu.memory_space<semaphore_mem>>) {add = true}
    }
    %scan3A_211 = arith.constant 6 : i32
    %dma_start3A_212 = arith.constant 4992 : i32
    %dma_start3A_213 = arith.constant 0 : i32
    %dma_start3A_214 = tpu.memref_slice %arg8[%dma_start3A_212, %dma_start3A_213] : memref<5000x16xf32, #tpu.memory_space<vmem>> -> memref<8x16xf32, #tpu.memory_space<vmem>>
    %dma_start3A_215 = arith.constant 4992 : i32
    %dma_start3A_216 = tpu.memref_slice %arg7[%dma_start3A_215] : memref<5000xi32, #tpu.memory_space<vmem>> -> memref<8xi32, #tpu.memory_space<vmem>>
    %dma_start3A_217 = arith.constant 0 : i32
    %dma_start3A_218 = arith.constant 0 : i32
    %dma_start3A_219 = tpu.memref_slice %arg5[%dma_start3A_217, %dma_start3A_218] : memref<10240x16xf32, #tpu.memory_space<vmem_shared>> -> memref<10240x16xf32, #tpu.memory_space<vmem_shared>>
    tpu.enqueue_indirect_dma source(%dma_start3A_214 : memref<8x16xf32, #tpu.memory_space<vmem>>) target(%dma_start3A_219 : memref<10240x16xf32, #tpu.memory_space<vmem_shared>>) offsets(%dma_start3A_216 : memref<8xi32, #tpu.memory_space<vmem>>) semaphore(%arg16 : memref<!tpu.dma_semaphore, #tpu.memory_space<semaphore_mem>>) {add = true}
    %dma_wait3A_220 = arith.constant 0 : i32
    %dma_wait3A_221 = arith.constant 0 : i32
    %dma_wait3A_222 = tpu.memref_slice %arg8[%dma_wait3A_220, %dma_wait3A_221] : memref<5000x16xf32, #tpu.memory_space<vmem>> -> memref<624x16xf32, #tpu.memory_space<vmem>>
    %dma_wait3A_223 = arith.constant 0 : i32
    %dma_wait3A_224 = arith.constant 0 : i32
    %dma_wait3A_225 = tpu.memref_slice %arg2[%dma_wait3A_223, %dma_wait3A_224] : memref<10240x16xf32, #tpu.memory_space<hbm>> -> memref<624x16xf32, #tpu.memory_space<hbm>>
    %dma_wait3A_226 = arith.constant 0 : i32
    %dma_wait3A_227 = arith.constant 0 : i32
    %dma_wait3A_228 = tpu.memref_slice %arg8[%dma_wait3A_226, %dma_wait3A_227] : memref<5000x16xf32, #tpu.memory_space<vmem>> -> memref<624x16xf32, #tpu.memory_space<vmem>>
    %dma_wait3A_229 = arith.constant 0 : i32
    %dma_wait3A_230 = arith.constant 0 : i32
    %dma_wait3A_231 = tpu.memref_slice %arg2[%dma_wait3A_229, %dma_wait3A_230] : memref<10240x16xf32, #tpu.memory_space<hbm>> -> memref<624x16xf32, #tpu.memory_space<hbm>>
    tpu.wait_dma2 semaphore(%arg9 : memref<!tpu.dma_semaphore, #tpu.memory_space<semaphore_mem>>) src(%dma_wait3A_231 : memref<624x16xf32, #tpu.memory_space<hbm>>) dst(%dma_wait3A_228 : memref<624x16xf32, #tpu.memory_space<vmem>>)
    %dma_wait3A_232 = arith.constant 0 : i32
    %dma_wait3A_233 = arith.constant 0 : i32
    %dma_wait3A_234 = tpu.memref_slice %arg8[%dma_wait3A_232, %dma_wait3A_233] : memref<5000x16xf32, #tpu.memory_space<vmem>> -> memref<624x16xf32, #tpu.memory_space<vmem>>
    %dma_wait3A_235 = arith.constant 0 : i32
    %dma_wait3A_236 = arith.constant 0 : i32
    %dma_wait3A_237 = tpu.memref_slice %arg2[%dma_wait3A_235, %dma_wait3A_236] : memref<10240x16xf32, #tpu.memory_space<hbm>> -> memref<624x16xf32, #tpu.memory_space<hbm>>
    %dma_wait3A_238 = arith.constant 0 : i32
    %dma_wait3A_239 = arith.constant 0 : i32
    %dma_wait3A_240 = tpu.memref_slice %arg8[%dma_wait3A_238, %dma_wait3A_239] : memref<5000x16xf32, #tpu.memory_space<vmem>> -> memref<624x16xf32, #tpu.memory_space<vmem>>
    %dma_wait3A_241 = arith.constant 0 : i32
    %dma_wait3A_242 = arith.constant 0 : i32
    %dma_wait3A_243 = tpu.memref_slice %arg2[%dma_wait3A_241, %dma_wait3A_242] : memref<10240x16xf32, #tpu.memory_space<hbm>> -> memref<624x16xf32, #tpu.memory_space<hbm>>
    tpu.wait_dma2 semaphore(%arg10 : memref<!tpu.dma_semaphore, #tpu.memory_space<semaphore_mem>>) src(%dma_wait3A_243 : memref<624x16xf32, #tpu.memory_space<hbm>>) dst(%dma_wait3A_240 : memref<624x16xf32, #tpu.memory_space<vmem>>)
    %dma_wait3A_244 = arith.constant 0 : i32
    %dma_wait3A_245 = arith.constant 0 : i32
    %dma_wait3A_246 = tpu.memref_slice %arg8[%dma_wait3A_244, %dma_wait3A_245] : memref<5000x16xf32, #tpu.memory_space<vmem>> -> memref<624x16xf32, #tpu.memory_space<vmem>>
    %dma_wait3A_247 = arith.constant 0 : i32
    %dma_wait3A_248 = arith.constant 0 : i32
    %dma_wait3A_249 = tpu.memref_slice %arg2[%dma_wait3A_247, %dma_wait3A_248] : memref<10240x16xf32, #tpu.memory_space<hbm>> -> memref<624x16xf32, #tpu.memory_space<hbm>>
    %dma_wait3A_250 = arith.constant 0 : i32
    %dma_wait3A_251 = arith.constant 0 : i32
    %dma_wait3A_252 = tpu.memref_slice %arg8[%dma_wait3A_250, %dma_wait3A_251] : memref<5000x16xf32, #tpu.memory_space<vmem>> -> memref<624x16xf32, #tpu.memory_space<vmem>>
    %dma_wait3A_253 = arith.constant 0 : i32
    %dma_wait3A_254 = arith.constant 0 : i32
    %dma_wait3A_255 = tpu.memref_slice %arg2[%dma_wait3A_253, %dma_wait3A_254] : memref<10240x16xf32, #tpu.memory_space<hbm>> -> memref<624x16xf32, #tpu.memory_space<hbm>>
    tpu.wait_dma2 semaphore(%arg11 : memref<!tpu.dma_semaphore, #tpu.memory_space<semaphore_mem>>) src(%dma_wait3A_255 : memref<624x16xf32, #tpu.memory_space<hbm>>) dst(%dma_wait3A_252 : memref<624x16xf32, #tpu.memory_space<vmem>>)
    %dma_wait3A_256 = arith.constant 0 : i32
    %dma_wait3A_257 = arith.constant 0 : i32
    %dma_wait3A_258 = tpu.memref_slice %arg8[%dma_wait3A_256, %dma_wait3A_257] : memref<5000x16xf32, #tpu.memory_space<vmem>> -> memref<624x16xf32, #tpu.memory_space<vmem>>
    %dma_wait3A_259 = arith.constant 0 : i32
    %dma_wait3A_260 = arith.constant 0 : i32
    %dma_wait3A_261 = tpu.memref_slice %arg2[%dma_wait3A_259, %dma_wait3A_260] : memref<10240x16xf32, #tpu.memory_space<hbm>> -> memref<624x16xf32, #tpu.memory_space<hbm>>
    %dma_wait3A_262 = arith.constant 0 : i32
    %dma_wait3A_263 = arith.constant 0 : i32
    %dma_wait3A_264 = tpu.memref_slice %arg8[%dma_wait3A_262, %dma_wait3A_263] : memref<5000x16xf32, #tpu.memory_space<vmem>> -> memref<624x16xf32, #tpu.memory_space<vmem>>
    %dma_wait3A_265 = arith.constant 0 : i32
    %dma_wait3A_266 = arith.constant 0 : i32
    %dma_wait3A_267 = tpu.memref_slice %arg2[%dma_wait3A_265, %dma_wait3A_266] : memref<10240x16xf32, #tpu.memory_space<hbm>> -> memref<624x16xf32, #tpu.memory_space<hbm>>
    tpu.wait_dma2 semaphore(%arg12 : memref<!tpu.dma_semaphore, #tpu.memory_space<semaphore_mem>>) src(%dma_wait3A_267 : memref<624x16xf32, #tpu.memory_space<hbm>>) dst(%dma_wait3A_264 : memref<624x16xf32, #tpu.memory_space<vmem>>)
    %dma_wait3A_268 = arith.constant 0 : i32
    %dma_wait3A_269 = arith.constant 0 : i32
    %dma_wait3A_270 = tpu.memref_slice %arg8[%dma_wait3A_268, %dma_wait3A_269] : memref<5000x16xf32, #tpu.memory_space<vmem>> -> memref<624x16xf32, #tpu.memory_space<vmem>>
    %dma_wait3A_271 = arith.constant 0 : i32
    %dma_wait3A_272 = arith.constant 0 : i32
    %dma_wait3A_273 = tpu.memref_slice %arg2[%dma_wait3A_271, %dma_wait3A_272] : memref<10240x16xf32, #tpu.memory_space<hbm>> -> memref<624x16xf32, #tpu.memory_space<hbm>>
    %dma_wait3A_274 = arith.constant 0 : i32
    %dma_wait3A_275 = arith.constant 0 : i32
    %dma_wait3A_276 = tpu.memref_slice %arg8[%dma_wait3A_274, %dma_wait3A_275] : memref<5000x16xf32, #tpu.memory_space<vmem>> -> memref<624x16xf32, #tpu.memory_space<vmem>>
    %dma_wait3A_277 = arith.constant 0 : i32
    %dma_wait3A_278 = arith.constant 0 : i32
    %dma_wait3A_279 = tpu.memref_slice %arg2[%dma_wait3A_277, %dma_wait3A_278] : memref<10240x16xf32, #tpu.memory_space<hbm>> -> memref<624x16xf32, #tpu.memory_space<hbm>>
    tpu.wait_dma2 semaphore(%arg13 : memref<!tpu.dma_semaphore, #tpu.memory_space<semaphore_mem>>) src(%dma_wait3A_279 : memref<624x16xf32, #tpu.memory_space<hbm>>) dst(%dma_wait3A_276 : memref<624x16xf32, #tpu.memory_space<vmem>>)
    %dma_wait3A_280 = arith.constant 0 : i32
    %dma_wait3A_281 = arith.constant 0 : i32
    %dma_wait3A_282 = tpu.memref_slice %arg8[%dma_wait3A_280, %dma_wait3A_281] : memref<5000x16xf32, #tpu.memory_space<vmem>> -> memref<624x16xf32, #tpu.memory_space<vmem>>
    %dma_wait3A_283 = arith.constant 0 : i32
    %dma_wait3A_284 = arith.constant 0 : i32
    %dma_wait3A_285 = tpu.memref_slice %arg2[%dma_wait3A_283, %dma_wait3A_284] : memref<10240x16xf32, #tpu.memory_space<hbm>> -> memref<624x16xf32, #tpu.memory_space<hbm>>
    %dma_wait3A_286 = arith.constant 0 : i32
    %dma_wait3A_287 = arith.constant 0 : i32
    %dma_wait3A_288 = tpu.memref_slice %arg8[%dma_wait3A_286, %dma_wait3A_287] : memref<5000x16xf32, #tpu.memory_space<vmem>> -> memref<624x16xf32, #tpu.memory_space<vmem>>
    %dma_wait3A_289 = arith.constant 0 : i32
    %dma_wait3A_290 = arith.constant 0 : i32
    %dma_wait3A_291 = tpu.memref_slice %arg2[%dma_wait3A_289, %dma_wait3A_290] : memref<10240x16xf32, #tpu.memory_space<hbm>> -> memref<624x16xf32, #tpu.memory_space<hbm>>
    tpu.wait_dma2 semaphore(%arg14 : memref<!tpu.dma_semaphore, #tpu.memory_space<semaphore_mem>>) src(%dma_wait3A_291 : memref<624x16xf32, #tpu.memory_space<hbm>>) dst(%dma_wait3A_288 : memref<624x16xf32, #tpu.memory_space<vmem>>)
    %dma_wait3A_292 = arith.constant 0 : i32
    %dma_wait3A_293 = arith.constant 0 : i32
    %dma_wait3A_294 = tpu.memref_slice %arg8[%dma_wait3A_292, %dma_wait3A_293] : memref<5000x16xf32, #tpu.memory_space<vmem>> -> memref<624x16xf32, #tpu.memory_space<vmem>>
    %dma_wait3A_295 = arith.constant 0 : i32
    %dma_wait3A_296 = arith.constant 0 : i32
    %dma_wait3A_297 = tpu.memref_slice %arg2[%dma_wait3A_295, %dma_wait3A_296] : memref<10240x16xf32, #tpu.memory_space<hbm>> -> memref<624x16xf32, #tpu.memory_space<hbm>>
    %dma_wait3A_298 = arith.constant 0 : i32
    %dma_wait3A_299 = arith.constant 0 : i32
    %dma_wait3A_300 = tpu.memref_slice %arg8[%dma_wait3A_298, %dma_wait3A_299] : memref<5000x16xf32, #tpu.memory_space<vmem>> -> memref<624x16xf32, #tpu.memory_space<vmem>>
    %dma_wait3A_301 = arith.constant 0 : i32
    %dma_wait3A_302 = arith.constant 0 : i32
    %dma_wait3A_303 = tpu.memref_slice %arg2[%dma_wait3A_301, %dma_wait3A_302] : memref<10240x16xf32, #tpu.memory_space<hbm>> -> memref<624x16xf32, #tpu.memory_space<hbm>>
    tpu.wait_dma2 semaphore(%arg15 : memref<!tpu.dma_semaphore, #tpu.memory_space<semaphore_mem>>) src(%dma_wait3A_303 : memref<624x16xf32, #tpu.memory_space<hbm>>) dst(%dma_wait3A_300 : memref<624x16xf32, #tpu.memory_space<vmem>>)
    %dma_wait3A_304 = arith.constant 0 : i32
    %dma_wait3A_305 = arith.constant 0 : i32
    %dma_wait3A_306 = tpu.memref_slice %arg8[%dma_wait3A_304, %dma_wait3A_305] : memref<5000x16xf32, #tpu.memory_space<vmem>> -> memref<632x16xf32, #tpu.memory_space<vmem>>
    %dma_wait3A_307 = arith.constant 0 : i32
    %dma_wait3A_308 = arith.constant 0 : i32
    %dma_wait3A_309 = tpu.memref_slice %arg2[%dma_wait3A_307, %dma_wait3A_308] : memref<10240x16xf32, #tpu.memory_space<hbm>> -> memref<632x16xf32, #tpu.memory_space<hbm>>
    %dma_wait3A_310 = arith.constant 0 : i32
    %dma_wait3A_311 = arith.constant 0 : i32
    %dma_wait3A_312 = tpu.memref_slice %arg8[%dma_wait3A_310, %dma_wait3A_311] : memref<5000x16xf32, #tpu.memory_space<vmem>> -> memref<632x16xf32, #tpu.memory_space<vmem>>
    %dma_wait3A_313 = arith.constant 0 : i32
    %dma_wait3A_314 = arith.constant 0 : i32
    %dma_wait3A_315 = tpu.memref_slice %arg2[%dma_wait3A_313, %dma_wait3A_314] : memref<10240x16xf32, #tpu.memory_space<hbm>> -> memref<632x16xf32, #tpu.memory_space<hbm>>
    tpu.wait_dma2 semaphore(%arg16 : memref<!tpu.dma_semaphore, #tpu.memory_space<semaphore_mem>>) src(%dma_wait3A_315 : memref<632x16xf32, #tpu.memory_space<hbm>>) dst(%dma_wait3A_312 : memref<632x16xf32, #tpu.memory_space<vmem>>)
    %barrier3A_316 = arith.constant 0 : index
    tpu.barrier barrier_id(%barrier3A_316)
    %mul3A_317 = arith.constant 640 : i32
    %mul3A_318 = arith.muli %arg1, %mul3A_317 : i32
    %mul3A_319 = arith.constant 640 : i32
    %mul3A_320 = arith.muli %arg1, %mul3A_319 : i32
    "tpu.region"() ({
      %run_scoped3A_321 = tpu.sem_alloc : memref<!tpu.dma_semaphore, #tpu.memory_space<semaphore_mem>>
      %dma_start3A_322 = arith.constant 0 : i32
      %dma_start3A_323 = tpu.memref_slice %arg4[%arg0, %mul3A_320, %dma_start3A_322] : memref<2x10240x16xf32, #tpu.memory_space<hbm>> -> memref<1x640x16xf32, #tpu.memory_space<hbm>>
      %dma_start3A_324 = tpu.memref_squeeze %dma_start3A_323 : memref<1x640x16xf32, #tpu.memory_space<hbm>> -> memref<640x16xf32, #tpu.memory_space<hbm>>
      %dma_start3A_325 = arith.constant 0 : i32
      %dma_start3A_326 = tpu.memref_slice %arg5[%mul3A_318, %dma_start3A_325] : memref<10240x16xf32, #tpu.memory_space<vmem_shared>> -> memref<640x16xf32, #tpu.memory_space<vmem_shared>>
      tpu.enqueue_dma source(%dma_start3A_326 : memref<640x16xf32, #tpu.memory_space<vmem_shared>>) target(%dma_start3A_324 : memref<640x16xf32, #tpu.memory_space<hbm>>) target_semaphore(%run_scoped3A_321 : memref<!tpu.dma_semaphore, #tpu.memory_space<semaphore_mem>>)
      %dma_wait3A_327 = arith.constant 0 : i32
      %dma_wait3A_328 = tpu.memref_slice %arg4[%arg0, %mul3A_320, %dma_wait3A_327] : memref<2x10240x16xf32, #tpu.memory_space<hbm>> -> memref<1x640x16xf32, #tpu.memory_space<hbm>>
      %dma_wait3A_329 = tpu.memref_squeeze %dma_wait3A_328 : memref<1x640x16xf32, #tpu.memory_space<hbm>> -> memref<640x16xf32, #tpu.memory_space<hbm>>
      %dma_wait3A_330 = arith.constant 0 : i32
      %dma_wait3A_331 = tpu.memref_slice %arg5[%mul3A_318, %dma_wait3A_330] : memref<10240x16xf32, #tpu.memory_space<vmem_shared>> -> memref<640x16xf32, #tpu.memory_space<vmem_shared>>
      tpu.wait_dma2 semaphore(%run_scoped3A_321 : memref<!tpu.dma_semaphore, #tpu.memory_space<semaphore_mem>>) src(%dma_wait3A_331 : memref<640x16xf32, #tpu.memory_space<vmem_shared>>) dst(%dma_wait3A_329 : memref<640x16xf32, #tpu.memory_space<hbm>>)
      tpu.yield
    }) : () -> ()
    return
  }
}

#map = affine_map<(d0, d1) -> (0, 0, 0)>
#map1 = affine_map<(d0, d1) -> (0, 0)>
#map2 = affine_map<(d0, d1) -> (0)>
module attributes {stable_mosaic.version = 14 : i64} {
  func.func @l1_kernel(%arg0: i32, %arg1: i32, %arg2: memref<2x10240x16xf32, #tpu.memory_space<hbm>>, %arg3: memref<10240x16xf32, #tpu.memory_space<hbm>>, %arg4: memref<10240x16xf32, #tpu.memory_space<hbm>>, %arg5: memref<16xf32, #tpu.memory_space<hbm>>, %arg6: memref<10240x16xf32, #tpu.memory_space<hbm>>, %arg7: memref<320x16xf32, #tpu.memory_space<vmem>>, %arg8: memref<320x16xf32, #tpu.memory_space<vmem>>, %arg9: memref<320x16xf32, #tpu.memory_space<vmem>>, %arg10: memref<320x16xf32, #tpu.memory_space<vmem>>, %arg11: memref<16xf32, #tpu.memory_space<vmem>>) attributes {dimension_semantics = [#tpu.dimension_semantics<core_parallel>, #tpu.dimension_semantics<subcore_parallel>], iteration_bounds = array<i64: 2, 16>, scalar_prefetch = 0 : i64, scratch_operands = 5 : i64, tpu.core_type = #tpu.core_type<sc_vector_subcore>, window_params = [{transform_indices = #map}, {transform_indices = #map1}, {transform_indices = #map1}, {transform_indices = #map2}, {transform_indices = #map1}]} {
    %mul3A = arith.constant 16 : i32
    %mul3A_0 = arith.muli %arg0, %mul3A : i32
    %add3A = arith.addi %mul3A_0, %arg1 : i32
    %mul3A_1 = arith.constant 320 : i32
    %mul3A_2 = arith.muli %add3A, %mul3A_1 : i32
    %run_scoped3A = arith.constant 0 : i32
    "tpu.region"() ({
      %run_scoped3A_10 = tpu.sem_alloc : memref<!tpu.dma_semaphore, #tpu.memory_space<semaphore_mem>>
      %dma_start3A = arith.constant 0 : i32
      %dma_start3A_11 = tpu.memref_slice %arg2[%run_scoped3A, %mul3A_2, %dma_start3A] : memref<2x10240x16xf32, #tpu.memory_space<hbm>> -> memref<1x320x16xf32, #tpu.memory_space<hbm>>
      %dma_start3A_12 = tpu.memref_squeeze %dma_start3A_11 : memref<1x320x16xf32, #tpu.memory_space<hbm>> -> memref<320x16xf32, #tpu.memory_space<hbm>>
      %dma_start3A_13 = arith.constant 0 : i32
      %dma_start3A_14 = tpu.memref_slice %arg2[%run_scoped3A, %mul3A_2, %dma_start3A_13] : memref<2x10240x16xf32, #tpu.memory_space<hbm>> -> memref<1x320x16xf32, #tpu.memory_space<hbm>>
      %dma_start3A_15 = tpu.memref_squeeze %dma_start3A_14 : memref<1x320x16xf32, #tpu.memory_space<hbm>> -> memref<320x16xf32, #tpu.memory_space<hbm>>
      tpu.enqueue_dma source(%dma_start3A_15 : memref<320x16xf32, #tpu.memory_space<hbm>>) target(%arg7 : memref<320x16xf32, #tpu.memory_space<vmem>>) target_semaphore(%run_scoped3A_10 : memref<!tpu.dma_semaphore, #tpu.memory_space<semaphore_mem>>)
      %dma_wait3A = arith.constant 0 : i32
      %dma_wait3A_16 = tpu.memref_slice %arg2[%run_scoped3A, %mul3A_2, %dma_wait3A] : memref<2x10240x16xf32, #tpu.memory_space<hbm>> -> memref<1x320x16xf32, #tpu.memory_space<hbm>>
      %dma_wait3A_17 = tpu.memref_squeeze %dma_wait3A_16 : memref<1x320x16xf32, #tpu.memory_space<hbm>> -> memref<320x16xf32, #tpu.memory_space<hbm>>
      %dma_wait3A_18 = arith.constant 0 : i32
      %dma_wait3A_19 = tpu.memref_slice %arg2[%run_scoped3A, %mul3A_2, %dma_wait3A_18] : memref<2x10240x16xf32, #tpu.memory_space<hbm>> -> memref<1x320x16xf32, #tpu.memory_space<hbm>>
      %dma_wait3A_20 = tpu.memref_squeeze %dma_wait3A_19 : memref<1x320x16xf32, #tpu.memory_space<hbm>> -> memref<320x16xf32, #tpu.memory_space<hbm>>
      tpu.wait_dma2 semaphore(%run_scoped3A_10 : memref<!tpu.dma_semaphore, #tpu.memory_space<semaphore_mem>>) src(%dma_wait3A_20 : memref<320x16xf32, #tpu.memory_space<hbm>>) dst(%arg7 : memref<320x16xf32, #tpu.memory_space<vmem>>)
      tpu.yield
    }) : () -> ()
    %run_scoped3A_3 = arith.constant 1 : i32
    "tpu.region"() ({
      %run_scoped3A_10 = tpu.sem_alloc : memref<!tpu.dma_semaphore, #tpu.memory_space<semaphore_mem>>
      %dma_start3A = arith.constant 0 : i32
      %dma_start3A_11 = tpu.memref_slice %arg2[%run_scoped3A_3, %mul3A_2, %dma_start3A] : memref<2x10240x16xf32, #tpu.memory_space<hbm>> -> memref<1x320x16xf32, #tpu.memory_space<hbm>>
      %dma_start3A_12 = tpu.memref_squeeze %dma_start3A_11 : memref<1x320x16xf32, #tpu.memory_space<hbm>> -> memref<320x16xf32, #tpu.memory_space<hbm>>
      %dma_start3A_13 = arith.constant 0 : i32
      %dma_start3A_14 = tpu.memref_slice %arg2[%run_scoped3A_3, %mul3A_2, %dma_start3A_13] : memref<2x10240x16xf32, #tpu.memory_space<hbm>> -> memref<1x320x16xf32, #tpu.memory_space<hbm>>
      %dma_start3A_15 = tpu.memref_squeeze %dma_start3A_14 : memref<1x320x16xf32, #tpu.memory_space<hbm>> -> memref<320x16xf32, #tpu.memory_space<hbm>>
      tpu.enqueue_dma source(%dma_start3A_15 : memref<320x16xf32, #tpu.memory_space<hbm>>) target(%arg8 : memref<320x16xf32, #tpu.memory_space<vmem>>) target_semaphore(%run_scoped3A_10 : memref<!tpu.dma_semaphore, #tpu.memory_space<semaphore_mem>>)
      %dma_wait3A = arith.constant 0 : i32
      %dma_wait3A_16 = tpu.memref_slice %arg2[%run_scoped3A_3, %mul3A_2, %dma_wait3A] : memref<2x10240x16xf32, #tpu.memory_space<hbm>> -> memref<1x320x16xf32, #tpu.memory_space<hbm>>
      %dma_wait3A_17 = tpu.memref_squeeze %dma_wait3A_16 : memref<1x320x16xf32, #tpu.memory_space<hbm>> -> memref<320x16xf32, #tpu.memory_space<hbm>>
      %dma_wait3A_18 = arith.constant 0 : i32
      %dma_wait3A_19 = tpu.memref_slice %arg2[%run_scoped3A_3, %mul3A_2, %dma_wait3A_18] : memref<2x10240x16xf32, #tpu.memory_space<hbm>> -> memref<1x320x16xf32, #tpu.memory_space<hbm>>
      %dma_wait3A_20 = tpu.memref_squeeze %dma_wait3A_19 : memref<1x320x16xf32, #tpu.memory_space<hbm>> -> memref<320x16xf32, #tpu.memory_space<hbm>>
      tpu.wait_dma2 semaphore(%run_scoped3A_10 : memref<!tpu.dma_semaphore, #tpu.memory_space<semaphore_mem>>) src(%dma_wait3A_20 : memref<320x16xf32, #tpu.memory_space<hbm>>) dst(%arg8 : memref<320x16xf32, #tpu.memory_space<vmem>>)
      tpu.yield
    }) : () -> ()
    "tpu.region"() ({
      %run_scoped3A_10 = tpu.sem_alloc : memref<!tpu.dma_semaphore, #tpu.memory_space<semaphore_mem>>
      %dma_start3A = arith.constant 0 : i32
      %dma_start3A_11 = tpu.memref_slice %arg3[%mul3A_2, %dma_start3A] : memref<10240x16xf32, #tpu.memory_space<hbm>> -> memref<320x16xf32, #tpu.memory_space<hbm>>
      %dma_start3A_12 = arith.constant 0 : i32
      %dma_start3A_13 = tpu.memref_slice %arg3[%mul3A_2, %dma_start3A_12] : memref<10240x16xf32, #tpu.memory_space<hbm>> -> memref<320x16xf32, #tpu.memory_space<hbm>>
      tpu.enqueue_dma source(%dma_start3A_13 : memref<320x16xf32, #tpu.memory_space<hbm>>) target(%arg9 : memref<320x16xf32, #tpu.memory_space<vmem>>) target_semaphore(%run_scoped3A_10 : memref<!tpu.dma_semaphore, #tpu.memory_space<semaphore_mem>>)
      %dma_wait3A = arith.constant 0 : i32
      %dma_wait3A_14 = tpu.memref_slice %arg3[%mul3A_2, %dma_wait3A] : memref<10240x16xf32, #tpu.memory_space<hbm>> -> memref<320x16xf32, #tpu.memory_space<hbm>>
      %dma_wait3A_15 = arith.constant 0 : i32
      %dma_wait3A_16 = tpu.memref_slice %arg3[%mul3A_2, %dma_wait3A_15] : memref<10240x16xf32, #tpu.memory_space<hbm>> -> memref<320x16xf32, #tpu.memory_space<hbm>>
      tpu.wait_dma2 semaphore(%run_scoped3A_10 : memref<!tpu.dma_semaphore, #tpu.memory_space<semaphore_mem>>) src(%dma_wait3A_16 : memref<320x16xf32, #tpu.memory_space<hbm>>) dst(%arg9 : memref<320x16xf32, #tpu.memory_space<vmem>>)
      tpu.yield
    }) : () -> ()
    "tpu.region"() ({
      %run_scoped3A_10 = tpu.sem_alloc : memref<!tpu.dma_semaphore, #tpu.memory_space<semaphore_mem>>
      %dma_start3A = arith.constant 0 : i32
      %dma_start3A_11 = tpu.memref_slice %arg4[%mul3A_2, %dma_start3A] : memref<10240x16xf32, #tpu.memory_space<hbm>> -> memref<320x16xf32, #tpu.memory_space<hbm>>
      %dma_start3A_12 = arith.constant 0 : i32
      %dma_start3A_13 = tpu.memref_slice %arg4[%mul3A_2, %dma_start3A_12] : memref<10240x16xf32, #tpu.memory_space<hbm>> -> memref<320x16xf32, #tpu.memory_space<hbm>>
      tpu.enqueue_dma source(%dma_start3A_13 : memref<320x16xf32, #tpu.memory_space<hbm>>) target(%arg10 : memref<320x16xf32, #tpu.memory_space<vmem>>) target_semaphore(%run_scoped3A_10 : memref<!tpu.dma_semaphore, #tpu.memory_space<semaphore_mem>>)
      %dma_wait3A = arith.constant 0 : i32
      %dma_wait3A_14 = tpu.memref_slice %arg4[%mul3A_2, %dma_wait3A] : memref<10240x16xf32, #tpu.memory_space<hbm>> -> memref<320x16xf32, #tpu.memory_space<hbm>>
      %dma_wait3A_15 = arith.constant 0 : i32
      %dma_wait3A_16 = tpu.memref_slice %arg4[%mul3A_2, %dma_wait3A_15] : memref<10240x16xf32, #tpu.memory_space<hbm>> -> memref<320x16xf32, #tpu.memory_space<hbm>>
      tpu.wait_dma2 semaphore(%run_scoped3A_10 : memref<!tpu.dma_semaphore, #tpu.memory_space<semaphore_mem>>) src(%dma_wait3A_16 : memref<320x16xf32, #tpu.memory_space<hbm>>) dst(%arg10 : memref<320x16xf32, #tpu.memory_space<vmem>>)
      tpu.yield
    }) : () -> ()
    "tpu.region"() ({
      %run_scoped3A_10 = tpu.sem_alloc : memref<!tpu.dma_semaphore, #tpu.memory_space<semaphore_mem>>
      tpu.enqueue_dma source(%arg5 : memref<16xf32, #tpu.memory_space<hbm>>) target(%arg11 : memref<16xf32, #tpu.memory_space<vmem>>) target_semaphore(%run_scoped3A_10 : memref<!tpu.dma_semaphore, #tpu.memory_space<semaphore_mem>>)
      tpu.wait_dma2 semaphore(%run_scoped3A_10 : memref<!tpu.dma_semaphore, #tpu.memory_space<semaphore_mem>>) src(%arg5 : memref<16xf32, #tpu.memory_space<hbm>>) dst(%arg11 : memref<16xf32, #tpu.memory_space<vmem>>)
      tpu.yield
    }) : () -> ()
    %get3A = arith.constant 0 : index
    %get3A_4 = tpu.vector_load %arg11[%get3A] {strides = array<i32>} : memref<16xf32, #tpu.memory_space<vmem>>, vector<16xf32>,
    %scan3A = arith.constant 0 : i32
    %scan3A_5 = arith.constant 0 : i32
    %scan3A_6 = arith.constant 80 : i32
    %scan3A_7 = arith.addi %scan3A_5, %scan3A_6 : i32
    %scan3A_8 = arith.constant 1 : i32
    scf.for %scan3A_10 = %scan3A_5 to %scan3A_7 step %scan3A_8  : i32 {
      %mul3A_11 = arith.constant 4 : i32
      %mul3A_12 = arith.muli %mul3A_11, %scan3A_10 : i32
      %add3A_13 = arith.constant 0 : i32
      %add3A_14 = arith.addi %mul3A_12, %add3A_13 : i32
      %get3A_15 = arith.index_cast %add3A_14 : i32 to index
      %get3A_16 = arith.constant 0 : index
      %get3A_17 = tpu.vector_load %arg7[%get3A_15, %get3A_16] {strides = array<i32>} : memref<320x16xf32, #tpu.memory_space<vmem>>, vector<16xf32>,
      %get3A_18 = arith.index_cast %add3A_14 : i32 to index
      %get3A_19 = arith.constant 0 : index
      %get3A_20 = tpu.vector_load %arg8[%get3A_18, %get3A_19] {strides = array<i32>} : memref<320x16xf32, #tpu.memory_space<vmem>>, vector<16xf32>,
      %add3A_21 = arith.addf %get3A_17, %get3A_20 : vector<16xf32>
      %get3A_22 = arith.index_cast %add3A_14 : i32 to index
      %get3A_23 = arith.constant 0 : index
      %get3A_24 = tpu.vector_load %arg9[%get3A_22, %get3A_23] {strides = array<i32>} : memref<320x16xf32, #tpu.memory_space<vmem>>, vector<16xf32>,
      %add3A_25 = arith.addf %add3A_21, %get3A_24 : vector<16xf32>
      %get3A_26 = arith.index_cast %add3A_14 : i32 to index
      %get3A_27 = arith.constant 0 : index
      %get3A_28 = tpu.vector_load %arg10[%get3A_26, %get3A_27] {strides = array<i32>} : memref<320x16xf32, #tpu.memory_space<vmem>>, vector<16xf32>,
      %mul3A_29 = arith.mulf %get3A_28, %add3A_25 : vector<16xf32>
      %add3A_30 = arith.addf %mul3A_29, %get3A_4 : vector<16xf32>
      %max3A = arith.constant 0.000000e+00 : f32
      %max3A_31 = vector.broadcast %max3A : f32 to vector<16xf32>
      %max3A_32 = arith.maximumf %add3A_30, %max3A_31 : vector<16xf32>
      %get3A_33 = arith.index_cast %add3A_14 : i32 to index
      %get3A_34 = arith.constant 0 : index
      %get3A_35 = tpu.vector_load %arg10[%get3A_33, %get3A_34] {strides = array<i32>} : memref<320x16xf32, #tpu.memory_space<vmem>>, vector<16xf32>,
      %mul3A_36 = arith.mulf %get3A_35, %max3A_32 : vector<16xf32>
      %swap3A = arith.index_cast %add3A_14 : i32 to index
      %swap3A_37 = arith.constant 0 : index
      %swap3A_38 = tpu.vector_load %arg9[%swap3A, %swap3A_37] {strides = array<i32>} : memref<320x16xf32, #tpu.memory_space<vmem>>, vector<16xf32>,
      tpu.vector_store %arg9[%swap3A, %swap3A_37], %mul3A_36 {strides = array<i32>} : memref<320x16xf32, #tpu.memory_space<vmem>>, vector<16xf32>,
      %mul3A_39 = arith.constant 4 : i32
      %mul3A_40 = arith.muli %mul3A_39, %scan3A_10 : i32
      %add3A_41 = arith.constant 1 : i32
      %add3A_42 = arith.addi %mul3A_40, %add3A_41 : i32
      %get3A_43 = arith.index_cast %add3A_42 : i32 to index
      %get3A_44 = arith.constant 0 : index
      %get3A_45 = tpu.vector_load %arg7[%get3A_43, %get3A_44] {strides = array<i32>} : memref<320x16xf32, #tpu.memory_space<vmem>>, vector<16xf32>,
      %get3A_46 = arith.index_cast %add3A_42 : i32 to index
      %get3A_47 = arith.constant 0 : index
      %get3A_48 = tpu.vector_load %arg8[%get3A_46, %get3A_47] {strides = array<i32>} : memref<320x16xf32, #tpu.memory_space<vmem>>, vector<16xf32>,
      %add3A_49 = arith.addf %get3A_45, %get3A_48 : vector<16xf32>
      %get3A_50 = arith.index_cast %add3A_42 : i32 to index
      %get3A_51 = arith.constant 0 : index
      %get3A_52 = tpu.vector_load %arg9[%get3A_50, %get3A_51] {strides = array<i32>} : memref<320x16xf32, #tpu.memory_space<vmem>>, vector<16xf32>,
      %add3A_53 = arith.addf %add3A_49, %get3A_52 : vector<16xf32>
      %get3A_54 = arith.index_cast %add3A_42 : i32 to index
      %get3A_55 = arith.constant 0 : index
      %get3A_56 = tpu.vector_load %arg10[%get3A_54, %get3A_55] {strides = array<i32>} : memref<320x16xf32, #tpu.memory_space<vmem>>, vector<16xf32>,
      %mul3A_57 = arith.mulf %get3A_56, %add3A_53 : vector<16xf32>
      %add3A_58 = arith.addf %mul3A_57, %get3A_4 : vector<16xf32>
      %max3A_59 = arith.constant 0.000000e+00 : f32
      %max3A_60 = vector.broadcast %max3A_59 : f32 to vector<16xf32>
      %max3A_61 = arith.maximumf %add3A_58, %max3A_60 : vector<16xf32>
      %get3A_62 = arith.index_cast %add3A_42 : i32 to index
      %get3A_63 = arith.constant 0 : index
      %get3A_64 = tpu.vector_load %arg10[%get3A_62, %get3A_63] {strides = array<i32>} : memref<320x16xf32, #tpu.memory_space<vmem>>, vector<16xf32>,
      %mul3A_65 = arith.mulf %get3A_64, %max3A_61 : vector<16xf32>
      %swap3A_66 = arith.index_cast %add3A_42 : i32 to index
      %swap3A_67 = arith.constant 0 : index
      %swap3A_68 = tpu.vector_load %arg9[%swap3A_66, %swap3A_67] {strides = array<i32>} : memref<320x16xf32, #tpu.memory_space<vmem>>, vector<16xf32>,
      tpu.vector_store %arg9[%swap3A_66, %swap3A_67], %mul3A_65 {strides = array<i32>} : memref<320x16xf32, #tpu.memory_space<vmem>>, vector<16xf32>,
      %mul3A_69 = arith.constant 4 : i32
      %mul3A_70 = arith.muli %mul3A_69, %scan3A_10 : i32
      %add3A_71 = arith.constant 2 : i32
      %add3A_72 = arith.addi %mul3A_70, %add3A_71 : i32
      %get3A_73 = arith.index_cast %add3A_72 : i32 to index
      %get3A_74 = arith.constant 0 : index
      %get3A_75 = tpu.vector_load %arg7[%get3A_73, %get3A_74] {strides = array<i32>} : memref<320x16xf32, #tpu.memory_space<vmem>>, vector<16xf32>,
      %get3A_76 = arith.index_cast %add3A_72 : i32 to index
      %get3A_77 = arith.constant 0 : index
      %get3A_78 = tpu.vector_load %arg8[%get3A_76, %get3A_77] {strides = array<i32>} : memref<320x16xf32, #tpu.memory_space<vmem>>, vector<16xf32>,
      %add3A_79 = arith.addf %get3A_75, %get3A_78 : vector<16xf32>
      %get3A_80 = arith.index_cast %add3A_72 : i32 to index
      %get3A_81 = arith.constant 0 : index
      %get3A_82 = tpu.vector_load %arg9[%get3A_80, %get3A_81] {strides = array<i32>} : memref<320x16xf32, #tpu.memory_space<vmem>>, vector<16xf32>,
      %add3A_83 = arith.addf %add3A_79, %get3A_82 : vector<16xf32>
      %get3A_84 = arith.index_cast %add3A_72 : i32 to index
      %get3A_85 = arith.constant 0 : index
      %get3A_86 = tpu.vector_load %arg10[%get3A_84, %get3A_85] {strides = array<i32>} : memref<320x16xf32, #tpu.memory_space<vmem>>, vector<16xf32>,
      %mul3A_87 = arith.mulf %get3A_86, %add3A_83 : vector<16xf32>
      %add3A_88 = arith.addf %mul3A_87, %get3A_4 : vector<16xf32>
      %max3A_89 = arith.constant 0.000000e+00 : f32
      %max3A_90 = vector.broadcast %max3A_89 : f32 to vector<16xf32>
      %max3A_91 = arith.maximumf %add3A_88, %max3A_90 : vector<16xf32>
      %get3A_92 = arith.index_cast %add3A_72 : i32 to index
      %get3A_93 = arith.constant 0 : index
      %get3A_94 = tpu.vector_load %arg10[%get3A_92, %get3A_93] {strides = array<i32>} : memref<320x16xf32, #tpu.memory_space<vmem>>, vector<16xf32>,
      %mul3A_95 = arith.mulf %get3A_94, %max3A_91 : vector<16xf32>
      %swap3A_96 = arith.index_cast %add3A_72 : i32 to index
      %swap3A_97 = arith.constant 0 : index
      %swap3A_98 = tpu.vector_load %arg9[%swap3A_96, %swap3A_97] {strides = array<i32>} : memref<320x16xf32, #tpu.memory_space<vmem>>, vector<16xf32>,
      tpu.vector_store %arg9[%swap3A_96, %swap3A_97], %mul3A_95 {strides = array<i32>} : memref<320x16xf32, #tpu.memory_space<vmem>>, vector<16xf32>,
      %mul3A_99 = arith.constant 4 : i32
      %mul3A_100 = arith.muli %mul3A_99, %scan3A_10 : i32
      %add3A_101 = arith.constant 3 : i32
      %add3A_102 = arith.addi %mul3A_100, %add3A_101 : i32
      %get3A_103 = arith.index_cast %add3A_102 : i32 to index
      %get3A_104 = arith.constant 0 : index
      %get3A_105 = tpu.vector_load %arg7[%get3A_103, %get3A_104] {strides = array<i32>} : memref<320x16xf32, #tpu.memory_space<vmem>>, vector<16xf32>,
      %get3A_106 = arith.index_cast %add3A_102 : i32 to index
      %get3A_107 = arith.constant 0 : index
      %get3A_108 = tpu.vector_load %arg8[%get3A_106, %get3A_107] {strides = array<i32>} : memref<320x16xf32, #tpu.memory_space<vmem>>, vector<16xf32>,
      %add3A_109 = arith.addf %get3A_105, %get3A_108 : vector<16xf32>
      %get3A_110 = arith.index_cast %add3A_102 : i32 to index
      %get3A_111 = arith.constant 0 : index
      %get3A_112 = tpu.vector_load %arg9[%get3A_110, %get3A_111] {strides = array<i32>} : memref<320x16xf32, #tpu.memory_space<vmem>>, vector<16xf32>,
      %add3A_113 = arith.addf %add3A_109, %get3A_112 : vector<16xf32>
      %get3A_114 = arith.index_cast %add3A_102 : i32 to index
      %get3A_115 = arith.constant 0 : index
      %get3A_116 = tpu.vector_load %arg10[%get3A_114, %get3A_115] {strides = array<i32>} : memref<320x16xf32, #tpu.memory_space<vmem>>, vector<16xf32>,
      %mul3A_117 = arith.mulf %get3A_116, %add3A_113 : vector<16xf32>
      %add3A_118 = arith.addf %mul3A_117, %get3A_4 : vector<16xf32>
      %max3A_119 = arith.constant 0.000000e+00 : f32
      %max3A_120 = vector.broadcast %max3A_119 : f32 to vector<16xf32>
      %max3A_121 = arith.maximumf %add3A_118, %max3A_120 : vector<16xf32>
      %get3A_122 = arith.index_cast %add3A_102 : i32 to index
      %get3A_123 = arith.constant 0 : index
      %get3A_124 = tpu.vector_load %arg10[%get3A_122, %get3A_123] {strides = array<i32>} : memref<320x16xf32, #tpu.memory_space<vmem>>, vector<16xf32>,
      %mul3A_125 = arith.mulf %get3A_124, %max3A_121 : vector<16xf32>
      %swap3A_126 = arith.index_cast %add3A_102 : i32 to index
      %swap3A_127 = arith.constant 0 : index
      %swap3A_128 = tpu.vector_load %arg9[%swap3A_126, %swap3A_127] {strides = array<i32>} : memref<320x16xf32, #tpu.memory_space<vmem>>, vector<16xf32>,
      tpu.vector_store %arg9[%swap3A_126, %swap3A_127], %mul3A_125 {strides = array<i32>} : memref<320x16xf32, #tpu.memory_space<vmem>>, vector<16xf32>,
    }
    %scan3A_9 = arith.constant 80 : i32
    "tpu.region"() ({
      %run_scoped3A_10 = tpu.sem_alloc : memref<!tpu.dma_semaphore, #tpu.memory_space<semaphore_mem>>
      %dma_start3A = arith.constant 0 : i32
      %dma_start3A_11 = tpu.memref_slice %arg6[%mul3A_2, %dma_start3A] : memref<10240x16xf32, #tpu.memory_space<hbm>> -> memref<320x16xf32, #tpu.memory_space<hbm>>
      %dma_start3A_12 = arith.constant 0 : i32
      %dma_start3A_13 = tpu.memref_slice %arg6[%mul3A_2, %dma_start3A_12] : memref<10240x16xf32, #tpu.memory_space<hbm>> -> memref<320x16xf32, #tpu.memory_space<hbm>>
      tpu.enqueue_dma source(%arg9 : memref<320x16xf32, #tpu.memory_space<vmem>>) target(%dma_start3A_13 : memref<320x16xf32, #tpu.memory_space<hbm>>) target_semaphore(%run_scoped3A_10 : memref<!tpu.dma_semaphore, #tpu.memory_space<semaphore_mem>>)
      %dma_wait3A = arith.constant 0 : i32
      %dma_wait3A_14 = tpu.memref_slice %arg6[%mul3A_2, %dma_wait3A] : memref<10240x16xf32, #tpu.memory_space<hbm>> -> memref<320x16xf32, #tpu.memory_space<hbm>>
      %dma_wait3A_15 = arith.constant 0 : i32
      %dma_wait3A_16 = tpu.memref_slice %arg6[%mul3A_2, %dma_wait3A_15] : memref<10240x16xf32, #tpu.memory_space<hbm>> -> memref<320x16xf32, #tpu.memory_space<hbm>>
      tpu.wait_dma2 semaphore(%run_scoped3A_10 : memref<!tpu.dma_semaphore, #tpu.memory_space<semaphore_mem>>) src(%arg9 : memref<320x16xf32, #tpu.memory_space<vmem>>) dst(%dma_wait3A_16 : memref<320x16xf32, #tpu.memory_space<hbm>>)
      tpu.yield
    }) : () -> ()
    return
  }
}

#map = affine_map<(d0, d1) -> (0, 0)>
#map1 = affine_map<(d0, d1) -> (0, 0, 0)>
module attributes {stable_mosaic.version = 14 : i64} {
  func.func @prop_kernel(%arg0: i32, %arg1: i32, %arg2: memref<10240x16xf32, #tpu.memory_space<hbm>>, %arg3: memref<2x160000xi32, #tpu.memory_space<hbm>>, %arg4: memref<2x10240x16xf32, #tpu.memory_space<hbm>>, %arg5: memref<10240x16xf32, #tpu.memory_space<vmem_shared>>, %arg6: memref<5000xi32, #tpu.memory_space<vmem>>, %arg7: memref<5000xi32, #tpu.memory_space<vmem>>, %arg8: memref<5000x16xf32, #tpu.memory_space<vmem>>, %arg9: memref<!tpu.dma_semaphore, #tpu.memory_space<semaphore_mem>>, %arg10: memref<!tpu.dma_semaphore, #tpu.memory_space<semaphore_mem>>, %arg11: memref<!tpu.dma_semaphore, #tpu.memory_space<semaphore_mem>>, %arg12: memref<!tpu.dma_semaphore, #tpu.memory_space<semaphore_mem>>, %arg13: memref<!tpu.dma_semaphore, #tpu.memory_space<semaphore_mem>>, %arg14: memref<!tpu.dma_semaphore, #tpu.memory_space<semaphore_mem>>, %arg15: memref<!tpu.dma_semaphore, #tpu.memory_space<semaphore_mem>>, %arg16: memref<!tpu.dma_semaphore, #tpu.memory_space<semaphore_mem>>) attributes {dimension_semantics = [#tpu.dimension_semantics<core_parallel>, #tpu.dimension_semantics<subcore_parallel>], iteration_bounds = array<i64: 2, 16>, scalar_prefetch = 0 : i64, scratch_operands = 12 : i64, tpu.core_type = #tpu.core_type<sc_vector_subcore>, window_params = [{transform_indices = #map}, {transform_indices = #map}, {transform_indices = #map1}]} {
    %mul3A = arith.constant 16 : i32
    %mul3A_0 = arith.muli %arg0, %mul3A : i32
    %add3A = arith.addi %mul3A_0, %arg1 : i32
    %broadcast_in_dim3A = arith.constant 0.000000e+00 : f32
    %broadcast_in_dim3A_1 = vector.broadcast %broadcast_in_dim3A : f32 to vector<16xf32>
    %scan3A = arith.constant 0 : i32
    %scan3A_2 = arith.constant 0 : i32
    %scan3A_3 = arith.constant 160 : i32
    %scan3A_4 = arith.addi %scan3A_2, %scan3A_3 : i32
    %scan3A_5 = arith.constant 1 : i32
    scf.for %scan3A_321 = %scan3A_2 to %scan3A_4 step %scan3A_5  : i32 {
      %mul3A_322 = arith.constant 4 : i32
      %mul3A_323 = arith.muli %mul3A_322, %scan3A_321 : i32
      %add3A_324 = arith.constant 0 : i32
      %add3A_325 = arith.addi %mul3A_323, %add3A_324 : i32
      %swap3A = arith.index_cast %add3A_325 : i32 to index
      %swap3A_326 = arith.constant 0 : index
      %swap3A_327 = tpu.vector_load %arg8[%swap3A, %swap3A_326] {strides = array<i32>} : memref<5000x16xf32, #tpu.memory_space<vmem>>, vector<16xf32>,
      tpu.vector_store %arg8[%swap3A, %swap3A_326], %broadcast_in_dim3A_1 {strides = array<i32>} : memref<5000x16xf32, #tpu.memory_space<vmem>>, vector<16xf32>,
      %mul3A_328 = arith.constant 4 : i32
      %mul3A_329 = arith.muli %mul3A_328, %scan3A_321 : i32
      %add3A_330 = arith.constant 1 : i32
      %add3A_331 = arith.addi %mul3A_329, %add3A_330 : i32
      %swap3A_332 = arith.index_cast %add3A_331 : i32 to index
      %swap3A_333 = arith.constant 0 : index
      %swap3A_334 = tpu.vector_load %arg8[%swap3A_332, %swap3A_333] {strides = array<i32>} : memref<5000x16xf32, #tpu.memory_space<vmem>>, vector<16xf32>,
      tpu.vector_store %arg8[%swap3A_332, %swap3A_333], %broadcast_in_dim3A_1 {strides = array<i32>} : memref<5000x16xf32, #tpu.memory_space<vmem>>, vector<16xf32>,
      %mul3A_335 = arith.constant 4 : i32
      %mul3A_336 = arith.muli %mul3A_335, %scan3A_321 : i32
      %add3A_337 = arith.constant 2 : i32
      %add3A_338 = arith.addi %mul3A_336, %add3A_337 : i32
      %swap3A_339 = arith.index_cast %add3A_338 : i32 to index
      %swap3A_340 = arith.constant 0 : index
      %swap3A_341 = tpu.vector_load %arg8[%swap3A_339, %swap3A_340] {strides = array<i32>} : memref<5000x16xf32, #tpu.memory_space<vmem>>, vector<16xf32>,
      tpu.vector_store %arg8[%swap3A_339, %swap3A_340], %broadcast_in_dim3A_1 {strides = array<i32>} : memref<5000x16xf32, #tpu.memory_space<vmem>>, vector<16xf32>,
      %mul3A_342 = arith.constant 4 : i32
      %mul3A_343 = arith.muli %mul3A_342, %scan3A_321 : i32
      %add3A_344 = arith.constant 3 : i32
      %add3A_345 = arith.addi %mul3A_343, %add3A_344 : i32
      %swap3A_346 = arith.index_cast %add3A_345 : i32 to index
      %swap3A_347 = arith.constant 0 : index
      %swap3A_348 = tpu.vector_load %arg8[%swap3A_346, %swap3A_347] {strides = array<i32>} : memref<5000x16xf32, #tpu.memory_space<vmem>>, vector<16xf32>,
      tpu.vector_store %arg8[%swap3A_346, %swap3A_347], %broadcast_in_dim3A_1 {strides = array<i32>} : memref<5000x16xf32, #tpu.memory_space<vmem>>, vector<16xf32>,
    }
    %scan3A_6 = arith.constant 160 : i32
    %mul3A_7 = arith.constant 640 : i32
    %mul3A_8 = arith.muli %arg1, %mul3A_7 : i32
    "tpu.region"() ({
      %run_scoped3A_321 = tpu.sem_alloc : memref<!tpu.dma_semaphore, #tpu.memory_space<semaphore_mem>>
      %dma_start3A_322 = arith.constant 0 : i32
      %dma_start3A_323 = arith.constant 0 : i32
      %dma_start3A_324 = tpu.memref_slice %arg8[%dma_start3A_322, %dma_start3A_323] : memref<5000x16xf32, #tpu.memory_space<vmem>> -> memref<640x16xf32, #tpu.memory_space<vmem>>
      %dma_start3A_325 = arith.constant 0 : i32
      %dma_start3A_326 = tpu.memref_slice %arg5[%mul3A_8, %dma_start3A_325] : memref<10240x16xf32, #tpu.memory_space<vmem_shared>> -> memref<640x16xf32, #tpu.memory_space<vmem_shared>>
      %dma_start3A_327 = arith.constant 0 : i32
      %dma_start3A_328 = tpu.memref_slice %arg5[%mul3A_8, %dma_start3A_327] : memref<10240x16xf32, #tpu.memory_space<vmem_shared>> -> memref<640x16xf32, #tpu.memory_space<vmem_shared>>
      %dma_start3A_329 = arith.constant 0 : i32
      %dma_start3A_330 = arith.constant 0 : i32
      %dma_start3A_331 = tpu.memref_slice %arg8[%dma_start3A_329, %dma_start3A_330] : memref<5000x16xf32, #tpu.memory_space<vmem>> -> memref<640x16xf32, #tpu.memory_space<vmem>>
      tpu.enqueue_dma source(%dma_start3A_331 : memref<640x16xf32, #tpu.memory_space<vmem>>) target(%dma_start3A_328 : memref<640x16xf32, #tpu.memory_space<vmem_shared>>) target_semaphore(%run_scoped3A_321 : memref<!tpu.dma_semaphore, #tpu.memory_space<semaphore_mem>>)
      %dma_wait3A_332 = arith.constant 0 : i32
      %dma_wait3A_333 = arith.constant 0 : i32
      %dma_wait3A_334 = tpu.memref_slice %arg8[%dma_wait3A_332, %dma_wait3A_333] : memref<5000x16xf32, #tpu.memory_space<vmem>> -> memref<640x16xf32, #tpu.memory_space<vmem>>
      %dma_wait3A_335 = arith.constant 0 : i32
      %dma_wait3A_336 = tpu.memref_slice %arg5[%mul3A_8, %dma_wait3A_335] : memref<10240x16xf32, #tpu.memory_space<vmem_shared>> -> memref<640x16xf32, #tpu.memory_space<vmem_shared>>
      %dma_wait3A_337 = arith.constant 0 : i32
      %dma_wait3A_338 = tpu.memref_slice %arg5[%mul3A_8, %dma_wait3A_337] : memref<10240x16xf32, #tpu.memory_space<vmem_shared>> -> memref<640x16xf32, #tpu.memory_space<vmem_shared>>
      %dma_wait3A_339 = arith.constant 0 : i32
      %dma_wait3A_340 = arith.constant 0 : i32
      %dma_wait3A_341 = tpu.memref_slice %arg8[%dma_wait3A_339, %dma_wait3A_340] : memref<5000x16xf32, #tpu.memory_space<vmem>> -> memref<640x16xf32, #tpu.memory_space<vmem>>
      tpu.wait_dma2 semaphore(%run_scoped3A_321 : memref<!tpu.dma_semaphore, #tpu.memory_space<semaphore_mem>>) src(%dma_wait3A_341 : memref<640x16xf32, #tpu.memory_space<vmem>>) dst(%dma_wait3A_338 : memref<640x16xf32, #tpu.memory_space<vmem_shared>>)
      tpu.yield
    }) : () -> ()
    %mul3A_9 = arith.constant 5000 : i32
    %mul3A_10 = arith.muli %add3A, %mul3A_9 : i32
    %run_scoped3A = arith.constant 0 : i32
    "tpu.region"() ({
      %run_scoped3A_321 = tpu.sem_alloc : memref<!tpu.dma_semaphore, #tpu.memory_space<semaphore_mem>>
      %dma_start3A_322 = tpu.memref_slice %arg3[%run_scoped3A, %mul3A_10] : memref<2x160000xi32, #tpu.memory_space<hbm>> -> memref<1x5000xi32, #tpu.memory_space<hbm>>
      %dma_start3A_323 = tpu.memref_squeeze %dma_start3A_322 : memref<1x5000xi32, #tpu.memory_space<hbm>> -> memref<5000xi32, #tpu.memory_space<hbm>>
      %dma_start3A_324 = tpu.memref_slice %arg3[%run_scoped3A, %mul3A_10] : memref<2x160000xi32, #tpu.memory_space<hbm>> -> memref<1x5000xi32, #tpu.memory_space<hbm>>
      %dma_start3A_325 = tpu.memref_squeeze %dma_start3A_324 : memref<1x5000xi32, #tpu.memory_space<hbm>> -> memref<5000xi32, #tpu.memory_space<hbm>>
      tpu.enqueue_dma source(%dma_start3A_325 : memref<5000xi32, #tpu.memory_space<hbm>>) target(%arg6 : memref<5000xi32, #tpu.memory_space<vmem>>) target_semaphore(%run_scoped3A_321 : memref<!tpu.dma_semaphore, #tpu.memory_space<semaphore_mem>>)
      %dma_wait3A_326 = tpu.memref_slice %arg3[%run_scoped3A, %mul3A_10] : memref<2x160000xi32, #tpu.memory_space<hbm>> -> memref<1x5000xi32, #tpu.memory_space<hbm>>
      %dma_wait3A_327 = tpu.memref_squeeze %dma_wait3A_326 : memref<1x5000xi32, #tpu.memory_space<hbm>> -> memref<5000xi32, #tpu.memory_space<hbm>>
      %dma_wait3A_328 = tpu.memref_slice %arg3[%run_scoped3A, %mul3A_10] : memref<2x160000xi32, #tpu.memory_space<hbm>> -> memref<1x5000xi32, #tpu.memory_space<hbm>>
      %dma_wait3A_329 = tpu.memref_squeeze %dma_wait3A_328 : memref<1x5000xi32, #tpu.memory_space<hbm>> -> memref<5000xi32, #tpu.memory_space<hbm>>
      tpu.wait_dma2 semaphore(%run_scoped3A_321 : memref<!tpu.dma_semaphore, #tpu.memory_space<semaphore_mem>>) src(%dma_wait3A_329 : memref<5000xi32, #tpu.memory_space<hbm>>) dst(%arg6 : memref<5000xi32, #tpu.memory_space<vmem>>)
      tpu.yield
    }) : () -> ()
    %mul3A_11 = arith.constant 5000 : i32
    %mul3A_12 = arith.muli %add3A, %mul3A_11 : i32
    %run_scoped3A_13 = arith.constant 1 : i32
    "tpu.region"() ({
      %run_scoped3A_321 = tpu.sem_alloc : memref<!tpu.dma_semaphore, #tpu.memory_space<semaphore_mem>>
      %dma_start3A_322 = tpu.memref_slice %arg3[%run_scoped3A_13, %mul3A_12] : memref<2x160000xi32, #tpu.memory_space<hbm>> -> memref<1x5000xi32, #tpu.memory_space<hbm>>
      %dma_start3A_323 = tpu.memref_squeeze %dma_start3A_322 : memref<1x5000xi32, #tpu.memory_space<hbm>> -> memref<5000xi32, #tpu.memory_space<hbm>>
      %dma_start3A_324 = tpu.memref_slice %arg3[%run_scoped3A_13, %mul3A_12] : memref<2x160000xi32, #tpu.memory_space<hbm>> -> memref<1x5000xi32, #tpu.memory_space<hbm>>
      %dma_start3A_325 = tpu.memref_squeeze %dma_start3A_324 : memref<1x5000xi32, #tpu.memory_space<hbm>> -> memref<5000xi32, #tpu.memory_space<hbm>>
      tpu.enqueue_dma source(%dma_start3A_325 : memref<5000xi32, #tpu.memory_space<hbm>>) target(%arg7 : memref<5000xi32, #tpu.memory_space<vmem>>) target_semaphore(%run_scoped3A_321 : memref<!tpu.dma_semaphore, #tpu.memory_space<semaphore_mem>>)
      %dma_wait3A_326 = tpu.memref_slice %arg3[%run_scoped3A_13, %mul3A_12] : memref<2x160000xi32, #tpu.memory_space<hbm>> -> memref<1x5000xi32, #tpu.memory_space<hbm>>
      %dma_wait3A_327 = tpu.memref_squeeze %dma_wait3A_326 : memref<1x5000xi32, #tpu.memory_space<hbm>> -> memref<5000xi32, #tpu.memory_space<hbm>>
      %dma_wait3A_328 = tpu.memref_slice %arg3[%run_scoped3A_13, %mul3A_12] : memref<2x160000xi32, #tpu.memory_space<hbm>> -> memref<1x5000xi32, #tpu.memory_space<hbm>>
      %dma_wait3A_329 = tpu.memref_squeeze %dma_wait3A_328 : memref<1x5000xi32, #tpu.memory_space<hbm>> -> memref<5000xi32, #tpu.memory_space<hbm>>
      tpu.wait_dma2 semaphore(%run_scoped3A_321 : memref<!tpu.dma_semaphore, #tpu.memory_space<semaphore_mem>>) src(%dma_wait3A_329 : memref<5000xi32, #tpu.memory_space<hbm>>) dst(%arg7 : memref<5000xi32, #tpu.memory_space<vmem>>)
      tpu.yield
    }) : () -> ()
    %barrier3A = arith.constant 0 : index
    tpu.barrier barrier_id(%barrier3A)
    %scan3A_14 = arith.constant 0 : i32
    %scan3A_15 = arith.constant 0 : i32
    %scan3A_16 = arith.constant 6 : i32
    %scan3A_17 = arith.addi %scan3A_15, %scan3A_16 : i32
    %scan3A_18 = arith.constant 1 : i32
    scf.for %scan3A_321 = %scan3A_15 to %scan3A_17 step %scan3A_18  : i32 {
      %add3A_322 = arith.constant 0 : i32
      %add3A_323 = arith.addi %add3A_322, %scan3A_321 : i32
      %mul3A_324 = arith.constant 104 : i32
      %mul3A_325 = arith.muli %add3A_323, %mul3A_324 : i32
      %mul3A_326 = arith.constant 104 : i32
      %mul3A_327 = arith.muli %add3A_323, %mul3A_326 : i32
      %dma_start3A_328 = arith.constant 0 : i32
      %dma_start3A_329 = tpu.memref_slice %arg8[%mul3A_327, %dma_start3A_328] : memref<5000x16xf32, #tpu.memory_space<vmem>> -> memref<104x16xf32, #tpu.memory_space<vmem>>
      %dma_start3A_330 = tpu.memref_slice %arg6[%mul3A_325] : memref<5000xi32, #tpu.memory_space<vmem>> -> memref<104xi32, #tpu.memory_space<vmem>>
      %dma_start3A_331 = arith.constant 0 : i32
      %dma_start3A_332 = arith.constant 0 : i32
      %dma_start3A_333 = tpu.memref_slice %arg2[%dma_start3A_331, %dma_start3A_332] : memref<10240x16xf32, #tpu.memory_space<hbm>> -> memref<10240x16xf32, #tpu.memory_space<hbm>>
      tpu.enqueue_indirect_dma source(%dma_start3A_333 : memref<10240x16xf32, #tpu.memory_space<hbm>>) target(%dma_start3A_329 : memref<104x16xf32, #tpu.memory_space<vmem>>) offsets(%dma_start3A_330 : memref<104xi32, #tpu.memory_space<vmem>>) semaphore(%arg9 : memref<!tpu.dma_semaphore, #tpu.memory_space<semaphore_mem>>)
    }
    %scan3A_19 = arith.constant 6 : i32
    %scan3A_20 = arith.constant 0 : i32
    %scan3A_21 = arith.constant 0 : i32
    %scan3A_22 = arith.constant 6 : i32
    %scan3A_23 = arith.addi %scan3A_21, %scan3A_22 : i32
    %scan3A_24 = arith.constant 1 : i32
    scf.for %scan3A_321 = %scan3A_21 to %scan3A_23 step %scan3A_24  : i32 {
      %add3A_322 = arith.constant 6 : i32
      %add3A_323 = arith.addi %add3A_322, %scan3A_321 : i32
      %mul3A_324 = arith.constant 104 : i32
      %mul3A_325 = arith.muli %add3A_323, %mul3A_324 : i32
      %mul3A_326 = arith.constant 104 : i32
      %mul3A_327 = arith.muli %add3A_323, %mul3A_326 : i32
      %dma_start3A_328 = arith.constant 0 : i32
      %dma_start3A_329 = tpu.memref_slice %arg8[%mul3A_327, %dma_start3A_328] : memref<5000x16xf32, #tpu.memory_space<vmem>> -> memref<104x16xf32, #tpu.memory_space<vmem>>
      %dma_start3A_330 = tpu.memref_slice %arg6[%mul3A_325] : memref<5000xi32, #tpu.memory_space<vmem>> -> memref<104xi32, #tpu.memory_space<vmem>>
      %dma_start3A_331 = arith.constant 0 : i32
      %dma_start3A_332 = arith.constant 0 : i32
      %dma_start3A_333 = tpu.memref_slice %arg2[%dma_start3A_331, %dma_start3A_332] : memref<10240x16xf32, #tpu.memory_space<hbm>> -> memref<10240x16xf32, #tpu.memory_space<hbm>>
      tpu.enqueue_indirect_dma source(%dma_start3A_333 : memref<10240x16xf32, #tpu.memory_space<hbm>>) target(%dma_start3A_329 : memref<104x16xf32, #tpu.memory_space<vmem>>) offsets(%dma_start3A_330 : memref<104xi32, #tpu.memory_space<vmem>>) semaphore(%arg10 : memref<!tpu.dma_semaphore, #tpu.memory_space<semaphore_mem>>)
    }
    %scan3A_25 = arith.constant 6 : i32
    %scan3A_26 = arith.constant 0 : i32
    %scan3A_27 = arith.constant 0 : i32
    %scan3A_28 = arith.constant 6 : i32
    %scan3A_29 = arith.addi %scan3A_27, %scan3A_28 : i32
    %scan3A_30 = arith.constant 1 : i32
    scf.for %scan3A_321 = %scan3A_27 to %scan3A_29 step %scan3A_30  : i32 {
      %add3A_322 = arith.constant 12 : i32
      %add3A_323 = arith.addi %add3A_322, %scan3A_321 : i32
      %mul3A_324 = arith.constant 104 : i32
      %mul3A_325 = arith.muli %add3A_323, %mul3A_324 : i32
      %mul3A_326 = arith.constant 104 : i32
      %mul3A_327 = arith.muli %add3A_323, %mul3A_326 : i32
      %dma_start3A_328 = arith.constant 0 : i32
      %dma_start3A_329 = tpu.memref_slice %arg8[%mul3A_327, %dma_start3A_328] : memref<5000x16xf32, #tpu.memory_space<vmem>> -> memref<104x16xf32, #tpu.memory_space<vmem>>
      %dma_start3A_330 = tpu.memref_slice %arg6[%mul3A_325] : memref<5000xi32, #tpu.memory_space<vmem>> -> memref<104xi32, #tpu.memory_space<vmem>>
      %dma_start3A_331 = arith.constant 0 : i32
      %dma_start3A_332 = arith.constant 0 : i32
      %dma_start3A_333 = tpu.memref_slice %arg2[%dma_start3A_331, %dma_start3A_332] : memref<10240x16xf32, #tpu.memory_space<hbm>> -> memref<10240x16xf32, #tpu.memory_space<hbm>>
      tpu.enqueue_indirect_dma source(%dma_start3A_333 : memref<10240x16xf32, #tpu.memory_space<hbm>>) target(%dma_start3A_329 : memref<104x16xf32, #tpu.memory_space<vmem>>) offsets(%dma_start3A_330 : memref<104xi32, #tpu.memory_space<vmem>>) semaphore(%arg11 : memref<!tpu.dma_semaphore, #tpu.memory_space<semaphore_mem>>)
    }
    %scan3A_31 = arith.constant 6 : i32
    %scan3A_32 = arith.constant 0 : i32
    %scan3A_33 = arith.constant 0 : i32
    %scan3A_34 = arith.constant 6 : i32
    %scan3A_35 = arith.addi %scan3A_33, %scan3A_34 : i32
    %scan3A_36 = arith.constant 1 : i32
    scf.for %scan3A_321 = %scan3A_33 to %scan3A_35 step %scan3A_36  : i32 {
      %add3A_322 = arith.constant 18 : i32
      %add3A_323 = arith.addi %add3A_322, %scan3A_321 : i32
      %mul3A_324 = arith.constant 104 : i32
      %mul3A_325 = arith.muli %add3A_323, %mul3A_324 : i32
      %mul3A_326 = arith.constant 104 : i32
      %mul3A_327 = arith.muli %add3A_323, %mul3A_326 : i32
      %dma_start3A_328 = arith.constant 0 : i32
      %dma_start3A_329 = tpu.memref_slice %arg8[%mul3A_327, %dma_start3A_328] : memref<5000x16xf32, #tpu.memory_space<vmem>> -> memref<104x16xf32, #tpu.memory_space<vmem>>
      %dma_start3A_330 = tpu.memref_slice %arg6[%mul3A_325] : memref<5000xi32, #tpu.memory_space<vmem>> -> memref<104xi32, #tpu.memory_space<vmem>>
      %dma_start3A_331 = arith.constant 0 : i32
      %dma_start3A_332 = arith.constant 0 : i32
      %dma_start3A_333 = tpu.memref_slice %arg2[%dma_start3A_331, %dma_start3A_332] : memref<10240x16xf32, #tpu.memory_space<hbm>> -> memref<10240x16xf32, #tpu.memory_space<hbm>>
      tpu.enqueue_indirect_dma source(%dma_start3A_333 : memref<10240x16xf32, #tpu.memory_space<hbm>>) target(%dma_start3A_329 : memref<104x16xf32, #tpu.memory_space<vmem>>) offsets(%dma_start3A_330 : memref<104xi32, #tpu.memory_space<vmem>>) semaphore(%arg12 : memref<!tpu.dma_semaphore, #tpu.memory_space<semaphore_mem>>)
    }
    %scan3A_37 = arith.constant 6 : i32
    %scan3A_38 = arith.constant 0 : i32
    %scan3A_39 = arith.constant 0 : i32
    %scan3A_40 = arith.constant 6 : i32
    %scan3A_41 = arith.addi %scan3A_39, %scan3A_40 : i32
    %scan3A_42 = arith.constant 1 : i32
    scf.for %scan3A_321 = %scan3A_39 to %scan3A_41 step %scan3A_42  : i32 {
      %add3A_322 = arith.constant 24 : i32
      %add3A_323 = arith.addi %add3A_322, %scan3A_321 : i32
      %mul3A_324 = arith.constant 104 : i32
      %mul3A_325 = arith.muli %add3A_323, %mul3A_324 : i32
      %mul3A_326 = arith.constant 104 : i32
      %mul3A_327 = arith.muli %add3A_323, %mul3A_326 : i32
      %dma_start3A_328 = arith.constant 0 : i32
      %dma_start3A_329 = tpu.memref_slice %arg8[%mul3A_327, %dma_start3A_328] : memref<5000x16xf32, #tpu.memory_space<vmem>> -> memref<104x16xf32, #tpu.memory_space<vmem>>
      %dma_start3A_330 = tpu.memref_slice %arg6[%mul3A_325] : memref<5000xi32, #tpu.memory_space<vmem>> -> memref<104xi32, #tpu.memory_space<vmem>>
      %dma_start3A_331 = arith.constant 0 : i32
      %dma_start3A_332 = arith.constant 0 : i32
      %dma_start3A_333 = tpu.memref_slice %arg2[%dma_start3A_331, %dma_start3A_332] : memref<10240x16xf32, #tpu.memory_space<hbm>> -> memref<10240x16xf32, #tpu.memory_space<hbm>>
      tpu.enqueue_indirect_dma source(%dma_start3A_333 : memref<10240x16xf32, #tpu.memory_space<hbm>>) target(%dma_start3A_329 : memref<104x16xf32, #tpu.memory_space<vmem>>) offsets(%dma_start3A_330 : memref<104xi32, #tpu.memory_space<vmem>>) semaphore(%arg13 : memref<!tpu.dma_semaphore, #tpu.memory_space<semaphore_mem>>)
    }
    %scan3A_43 = arith.constant 6 : i32
    %scan3A_44 = arith.constant 0 : i32
    %scan3A_45 = arith.constant 0 : i32
    %scan3A_46 = arith.constant 6 : i32
    %scan3A_47 = arith.addi %scan3A_45, %scan3A_46 : i32
    %scan3A_48 = arith.constant 1 : i32
    scf.for %scan3A_321 = %scan3A_45 to %scan3A_47 step %scan3A_48  : i32 {
      %add3A_322 = arith.constant 30 : i32
      %add3A_323 = arith.addi %add3A_322, %scan3A_321 : i32
      %mul3A_324 = arith.constant 104 : i32
      %mul3A_325 = arith.muli %add3A_323, %mul3A_324 : i32
      %mul3A_326 = arith.constant 104 : i32
      %mul3A_327 = arith.muli %add3A_323, %mul3A_326 : i32
      %dma_start3A_328 = arith.constant 0 : i32
      %dma_start3A_329 = tpu.memref_slice %arg8[%mul3A_327, %dma_start3A_328] : memref<5000x16xf32, #tpu.memory_space<vmem>> -> memref<104x16xf32, #tpu.memory_space<vmem>>
      %dma_start3A_330 = tpu.memref_slice %arg6[%mul3A_325] : memref<5000xi32, #tpu.memory_space<vmem>> -> memref<104xi32, #tpu.memory_space<vmem>>
      %dma_start3A_331 = arith.constant 0 : i32
      %dma_start3A_332 = arith.constant 0 : i32
      %dma_start3A_333 = tpu.memref_slice %arg2[%dma_start3A_331, %dma_start3A_332] : memref<10240x16xf32, #tpu.memory_space<hbm>> -> memref<10240x16xf32, #tpu.memory_space<hbm>>
      tpu.enqueue_indirect_dma source(%dma_start3A_333 : memref<10240x16xf32, #tpu.memory_space<hbm>>) target(%dma_start3A_329 : memref<104x16xf32, #tpu.memory_space<vmem>>) offsets(%dma_start3A_330 : memref<104xi32, #tpu.memory_space<vmem>>) semaphore(%arg14 : memref<!tpu.dma_semaphore, #tpu.memory_space<semaphore_mem>>)
    }
    %scan3A_49 = arith.constant 6 : i32
    %scan3A_50 = arith.constant 0 : i32
    %scan3A_51 = arith.constant 0 : i32
    %scan3A_52 = arith.constant 6 : i32
    %scan3A_53 = arith.addi %scan3A_51, %scan3A_52 : i32
    %scan3A_54 = arith.constant 1 : i32
    scf.for %scan3A_321 = %scan3A_51 to %scan3A_53 step %scan3A_54  : i32 {
      %add3A_322 = arith.constant 36 : i32
      %add3A_323 = arith.addi %add3A_322, %scan3A_321 : i32
      %mul3A_324 = arith.constant 104 : i32
      %mul3A_325 = arith.muli %add3A_323, %mul3A_324 : i32
      %mul3A_326 = arith.constant 104 : i32
      %mul3A_327 = arith.muli %add3A_323, %mul3A_326 : i32
      %dma_start3A_328 = arith.constant 0 : i32
      %dma_start3A_329 = tpu.memref_slice %arg8[%mul3A_327, %dma_start3A_328] : memref<5000x16xf32, #tpu.memory_space<vmem>> -> memref<104x16xf32, #tpu.memory_space<vmem>>
      %dma_start3A_330 = tpu.memref_slice %arg6[%mul3A_325] : memref<5000xi32, #tpu.memory_space<vmem>> -> memref<104xi32, #tpu.memory_space<vmem>>
      %dma_start3A_331 = arith.constant 0 : i32
      %dma_start3A_332 = arith.constant 0 : i32
      %dma_start3A_333 = tpu.memref_slice %arg2[%dma_start3A_331, %dma_start3A_332] : memref<10240x16xf32, #tpu.memory_space<hbm>> -> memref<10240x16xf32, #tpu.memory_space<hbm>>
      tpu.enqueue_indirect_dma source(%dma_start3A_333 : memref<10240x16xf32, #tpu.memory_space<hbm>>) target(%dma_start3A_329 : memref<104x16xf32, #tpu.memory_space<vmem>>) offsets(%dma_start3A_330 : memref<104xi32, #tpu.memory_space<vmem>>) semaphore(%arg15 : memref<!tpu.dma_semaphore, #tpu.memory_space<semaphore_mem>>)
    }
    %scan3A_55 = arith.constant 6 : i32
    %scan3A_56 = arith.constant 0 : i32
    %scan3A_57 = arith.constant 0 : i32
    %scan3A_58 = arith.constant 6 : i32
    %scan3A_59 = arith.addi %scan3A_57, %scan3A_58 : i32
    %scan3A_60 = arith.constant 1 : i32
    scf.for %scan3A_321 = %scan3A_57 to %scan3A_59 step %scan3A_60  : i32 {
      %add3A_322 = arith.constant 42 : i32
      %add3A_323 = arith.addi %add3A_322, %scan3A_321 : i32
      %mul3A_324 = arith.constant 104 : i32
      %mul3A_325 = arith.muli %add3A_323, %mul3A_324 : i32
      %mul3A_326 = arith.constant 104 : i32
      %mul3A_327 = arith.muli %add3A_323, %mul3A_326 : i32
      %dma_start3A_328 = arith.constant 0 : i32
      %dma_start3A_329 = tpu.memref_slice %arg8[%mul3A_327, %dma_start3A_328] : memref<5000x16xf32, #tpu.memory_space<vmem>> -> memref<104x16xf32, #tpu.memory_space<vmem>>
      %dma_start3A_330 = tpu.memref_slice %arg6[%mul3A_325] : memref<5000xi32, #tpu.memory_space<vmem>> -> memref<104xi32, #tpu.memory_space<vmem>>
      %dma_start3A_331 = arith.constant 0 : i32
      %dma_start3A_332 = arith.constant 0 : i32
      %dma_start3A_333 = tpu.memref_slice %arg2[%dma_start3A_331, %dma_start3A_332] : memref<10240x16xf32, #tpu.memory_space<hbm>> -> memref<10240x16xf32, #tpu.memory_space<hbm>>
      tpu.enqueue_indirect_dma source(%dma_start3A_333 : memref<10240x16xf32, #tpu.memory_space<hbm>>) target(%dma_start3A_329 : memref<104x16xf32, #tpu.memory_space<vmem>>) offsets(%dma_start3A_330 : memref<104xi32, #tpu.memory_space<vmem>>) semaphore(%arg16 : memref<!tpu.dma_semaphore, #tpu.memory_space<semaphore_mem>>)
    }
    %scan3A_61 = arith.constant 6 : i32
    %dma_start3A = arith.constant 4992 : i32
    %dma_start3A_62 = arith.constant 0 : i32
    %dma_start3A_63 = tpu.memref_slice %arg8[%dma_start3A, %dma_start3A_62] : memref<5000x16xf32, #tpu.memory_space<vmem>> -> memref<8x16xf32, #tpu.memory_space<vmem>>
    %dma_start3A_64 = arith.constant 4992 : i32
    %dma_start3A_65 = tpu.memref_slice %arg6[%dma_start3A_64] : memref<5000xi32, #tpu.memory_space<vmem>> -> memref<8xi32, #tpu.memory_space<vmem>>
    %dma_start3A_66 = arith.constant 0 : i32
    %dma_start3A_67 = arith.constant 0 : i32
    %dma_start3A_68 = tpu.memref_slice %arg2[%dma_start3A_66, %dma_start3A_67] : memref<10240x16xf32, #tpu.memory_space<hbm>> -> memref<10240x16xf32, #tpu.memory_space<hbm>>
    tpu.enqueue_indirect_dma source(%dma_start3A_68 : memref<10240x16xf32, #tpu.memory_space<hbm>>) target(%dma_start3A_63 : memref<8x16xf32, #tpu.memory_space<vmem>>) offsets(%dma_start3A_65 : memref<8xi32, #tpu.memory_space<vmem>>) semaphore(%arg16 : memref<!tpu.dma_semaphore, #tpu.memory_space<semaphore_mem>>)
    %dma_wait3A = arith.constant 0 : i32
    %dma_wait3A_69 = arith.constant 0 : i32
    %dma_wait3A_70 = tpu.memref_slice %arg8[%dma_wait3A, %dma_wait3A_69] : memref<5000x16xf32, #tpu.memory_space<vmem>> -> memref<624x16xf32, #tpu.memory_space<vmem>>
    %dma_wait3A_71 = arith.constant 0 : i32
    %dma_wait3A_72 = arith.constant 0 : i32
    %dma_wait3A_73 = tpu.memref_slice %arg2[%dma_wait3A_71, %dma_wait3A_72] : memref<10240x16xf32, #tpu.memory_space<hbm>> -> memref<624x16xf32, #tpu.memory_space<hbm>>
    %dma_wait3A_74 = arith.constant 0 : i32
    %dma_wait3A_75 = arith.constant 0 : i32
    %dma_wait3A_76 = tpu.memref_slice %arg8[%dma_wait3A_74, %dma_wait3A_75] : memref<5000x16xf32, #tpu.memory_space<vmem>> -> memref<624x16xf32, #tpu.memory_space<vmem>>
    %dma_wait3A_77 = arith.constant 0 : i32
    %dma_wait3A_78 = arith.constant 0 : i32
    %dma_wait3A_79 = tpu.memref_slice %arg2[%dma_wait3A_77, %dma_wait3A_78] : memref<10240x16xf32, #tpu.memory_space<hbm>> -> memref<624x16xf32, #tpu.memory_space<hbm>>
    tpu.wait_dma2 semaphore(%arg9 : memref<!tpu.dma_semaphore, #tpu.memory_space<semaphore_mem>>) src(%dma_wait3A_79 : memref<624x16xf32, #tpu.memory_space<hbm>>) dst(%dma_wait3A_76 : memref<624x16xf32, #tpu.memory_space<vmem>>)
    %scan3A_80 = arith.constant 0 : i32
    %scan3A_81 = arith.constant 0 : i32
    %scan3A_82 = arith.constant 6 : i32
    %scan3A_83 = arith.addi %scan3A_81, %scan3A_82 : i32
    %scan3A_84 = arith.constant 1 : i32
    scf.for %scan3A_321 = %scan3A_81 to %scan3A_83 step %scan3A_84  : i32 {
      %add3A_322 = arith.constant 0 : i32
      %add3A_323 = arith.addi %add3A_322, %scan3A_321 : i32
      %mul3A_324 = arith.constant 104 : i32
      %mul3A_325 = arith.muli %add3A_323, %mul3A_324 : i32
      %mul3A_326 = arith.constant 104 : i32
      %mul3A_327 = arith.muli %add3A_323, %mul3A_326 : i32
      %dma_start3A_328 = arith.constant 0 : i32
      %dma_start3A_329 = tpu.memref_slice %arg8[%mul3A_325, %dma_start3A_328] : memref<5000x16xf32, #tpu.memory_space<vmem>> -> memref<104x16xf32, #tpu.memory_space<vmem>>
      %dma_start3A_330 = tpu.memref_slice %arg7[%mul3A_327] : memref<5000xi32, #tpu.memory_space<vmem>> -> memref<104xi32, #tpu.memory_space<vmem>>
      %dma_start3A_331 = arith.constant 0 : i32
      %dma_start3A_332 = arith.constant 0 : i32
      %dma_start3A_333 = tpu.memref_slice %arg5[%dma_start3A_331, %dma_start3A_332] : memref<10240x16xf32, #tpu.memory_space<vmem_shared>> -> memref<10240x16xf32, #tpu.memory_space<vmem_shared>>
      tpu.enqueue_indirect_dma source(%dma_start3A_329 : memref<104x16xf32, #tpu.memory_space<vmem>>) target(%dma_start3A_333 : memref<10240x16xf32, #tpu.memory_space<vmem_shared>>) offsets(%dma_start3A_330 : memref<104xi32, #tpu.memory_space<vmem>>) semaphore(%arg9 : memref<!tpu.dma_semaphore, #tpu.memory_space<semaphore_mem>>) {add = true}
    }
    %scan3A_85 = arith.constant 6 : i32
    %dma_wait3A_86 = arith.constant 0 : i32
    %dma_wait3A_87 = arith.constant 0 : i32
    %dma_wait3A_88 = tpu.memref_slice %arg8[%dma_wait3A_86, %dma_wait3A_87] : memref<5000x16xf32, #tpu.memory_space<vmem>> -> memref<624x16xf32, #tpu.memory_space<vmem>>
    %dma_wait3A_89 = arith.constant 0 : i32
    %dma_wait3A_90 = arith.constant 0 : i32
    %dma_wait3A_91 = tpu.memref_slice %arg2[%dma_wait3A_89, %dma_wait3A_90] : memref<10240x16xf32, #tpu.memory_space<hbm>> -> memref<624x16xf32, #tpu.memory_space<hbm>>
    %dma_wait3A_92 = arith.constant 0 : i32
    %dma_wait3A_93 = arith.constant 0 : i32
    %dma_wait3A_94 = tpu.memref_slice %arg8[%dma_wait3A_92, %dma_wait3A_93] : memref<5000x16xf32, #tpu.memory_space<vmem>> -> memref<624x16xf32, #tpu.memory_space<vmem>>
    %dma_wait3A_95 = arith.constant 0 : i32
    %dma_wait3A_96 = arith.constant 0 : i32
    %dma_wait3A_97 = tpu.memref_slice %arg2[%dma_wait3A_95, %dma_wait3A_96] : memref<10240x16xf32, #tpu.memory_space<hbm>> -> memref<624x16xf32, #tpu.memory_space<hbm>>
    tpu.wait_dma2 semaphore(%arg10 : memref<!tpu.dma_semaphore, #tpu.memory_space<semaphore_mem>>) src(%dma_wait3A_97 : memref<624x16xf32, #tpu.memory_space<hbm>>) dst(%dma_wait3A_94 : memref<624x16xf32, #tpu.memory_space<vmem>>)
    %scan3A_98 = arith.constant 0 : i32
    %scan3A_99 = arith.constant 0 : i32
    %scan3A_100 = arith.constant 6 : i32
    %scan3A_101 = arith.addi %scan3A_99, %scan3A_100 : i32
    %scan3A_102 = arith.constant 1 : i32
    scf.for %scan3A_321 = %scan3A_99 to %scan3A_101 step %scan3A_102  : i32 {
      %add3A_322 = arith.constant 6 : i32
      %add3A_323 = arith.addi %add3A_322, %scan3A_321 : i32
      %mul3A_324 = arith.constant 104 : i32
      %mul3A_325 = arith.muli %add3A_323, %mul3A_324 : i32
      %mul3A_326 = arith.constant 104 : i32
      %mul3A_327 = arith.muli %add3A_323, %mul3A_326 : i32
      %dma_start3A_328 = arith.constant 0 : i32
      %dma_start3A_329 = tpu.memref_slice %arg8[%mul3A_325, %dma_start3A_328] : memref<5000x16xf32, #tpu.memory_space<vmem>> -> memref<104x16xf32, #tpu.memory_space<vmem>>
      %dma_start3A_330 = tpu.memref_slice %arg7[%mul3A_327] : memref<5000xi32, #tpu.memory_space<vmem>> -> memref<104xi32, #tpu.memory_space<vmem>>
      %dma_start3A_331 = arith.constant 0 : i32
      %dma_start3A_332 = arith.constant 0 : i32
      %dma_start3A_333 = tpu.memref_slice %arg5[%dma_start3A_331, %dma_start3A_332] : memref<10240x16xf32, #tpu.memory_space<vmem_shared>> -> memref<10240x16xf32, #tpu.memory_space<vmem_shared>>
      tpu.enqueue_indirect_dma source(%dma_start3A_329 : memref<104x16xf32, #tpu.memory_space<vmem>>) target(%dma_start3A_333 : memref<10240x16xf32, #tpu.memory_space<vmem_shared>>) offsets(%dma_start3A_330 : memref<104xi32, #tpu.memory_space<vmem>>) semaphore(%arg10 : memref<!tpu.dma_semaphore, #tpu.memory_space<semaphore_mem>>) {add = true}
    }
    %scan3A_103 = arith.constant 6 : i32
    %dma_wait3A_104 = arith.constant 0 : i32
    %dma_wait3A_105 = arith.constant 0 : i32
    %dma_wait3A_106 = tpu.memref_slice %arg8[%dma_wait3A_104, %dma_wait3A_105] : memref<5000x16xf32, #tpu.memory_space<vmem>> -> memref<624x16xf32, #tpu.memory_space<vmem>>
    %dma_wait3A_107 = arith.constant 0 : i32
    %dma_wait3A_108 = arith.constant 0 : i32
    %dma_wait3A_109 = tpu.memref_slice %arg2[%dma_wait3A_107, %dma_wait3A_108] : memref<10240x16xf32, #tpu.memory_space<hbm>> -> memref<624x16xf32, #tpu.memory_space<hbm>>
    %dma_wait3A_110 = arith.constant 0 : i32
    %dma_wait3A_111 = arith.constant 0 : i32
    %dma_wait3A_112 = tpu.memref_slice %arg8[%dma_wait3A_110, %dma_wait3A_111] : memref<5000x16xf32, #tpu.memory_space<vmem>> -> memref<624x16xf32, #tpu.memory_space<vmem>>
    %dma_wait3A_113 = arith.constant 0 : i32
    %dma_wait3A_114 = arith.constant 0 : i32
    %dma_wait3A_115 = tpu.memref_slice %arg2[%dma_wait3A_113, %dma_wait3A_114] : memref<10240x16xf32, #tpu.memory_space<hbm>> -> memref<624x16xf32, #tpu.memory_space<hbm>>
    tpu.wait_dma2 semaphore(%arg11 : memref<!tpu.dma_semaphore, #tpu.memory_space<semaphore_mem>>) src(%dma_wait3A_115 : memref<624x16xf32, #tpu.memory_space<hbm>>) dst(%dma_wait3A_112 : memref<624x16xf32, #tpu.memory_space<vmem>>)
    %scan3A_116 = arith.constant 0 : i32
    %scan3A_117 = arith.constant 0 : i32
    %scan3A_118 = arith.constant 6 : i32
    %scan3A_119 = arith.addi %scan3A_117, %scan3A_118 : i32
    %scan3A_120 = arith.constant 1 : i32
    scf.for %scan3A_321 = %scan3A_117 to %scan3A_119 step %scan3A_120  : i32 {
      %add3A_322 = arith.constant 12 : i32
      %add3A_323 = arith.addi %add3A_322, %scan3A_321 : i32
      %mul3A_324 = arith.constant 104 : i32
      %mul3A_325 = arith.muli %add3A_323, %mul3A_324 : i32
      %mul3A_326 = arith.constant 104 : i32
      %mul3A_327 = arith.muli %add3A_323, %mul3A_326 : i32
      %dma_start3A_328 = arith.constant 0 : i32
      %dma_start3A_329 = tpu.memref_slice %arg8[%mul3A_325, %dma_start3A_328] : memref<5000x16xf32, #tpu.memory_space<vmem>> -> memref<104x16xf32, #tpu.memory_space<vmem>>
      %dma_start3A_330 = tpu.memref_slice %arg7[%mul3A_327] : memref<5000xi32, #tpu.memory_space<vmem>> -> memref<104xi32, #tpu.memory_space<vmem>>
      %dma_start3A_331 = arith.constant 0 : i32
      %dma_start3A_332 = arith.constant 0 : i32
      %dma_start3A_333 = tpu.memref_slice %arg5[%dma_start3A_331, %dma_start3A_332] : memref<10240x16xf32, #tpu.memory_space<vmem_shared>> -> memref<10240x16xf32, #tpu.memory_space<vmem_shared>>
      tpu.enqueue_indirect_dma source(%dma_start3A_329 : memref<104x16xf32, #tpu.memory_space<vmem>>) target(%dma_start3A_333 : memref<10240x16xf32, #tpu.memory_space<vmem_shared>>) offsets(%dma_start3A_330 : memref<104xi32, #tpu.memory_space<vmem>>) semaphore(%arg11 : memref<!tpu.dma_semaphore, #tpu.memory_space<semaphore_mem>>) {add = true}
    }
    %scan3A_121 = arith.constant 6 : i32
    %dma_wait3A_122 = arith.constant 0 : i32
    %dma_wait3A_123 = arith.constant 0 : i32
    %dma_wait3A_124 = tpu.memref_slice %arg8[%dma_wait3A_122, %dma_wait3A_123] : memref<5000x16xf32, #tpu.memory_space<vmem>> -> memref<624x16xf32, #tpu.memory_space<vmem>>
    %dma_wait3A_125 = arith.constant 0 : i32
    %dma_wait3A_126 = arith.constant 0 : i32
    %dma_wait3A_127 = tpu.memref_slice %arg2[%dma_wait3A_125, %dma_wait3A_126] : memref<10240x16xf32, #tpu.memory_space<hbm>> -> memref<624x16xf32, #tpu.memory_space<hbm>>
    %dma_wait3A_128 = arith.constant 0 : i32
    %dma_wait3A_129 = arith.constant 0 : i32
    %dma_wait3A_130 = tpu.memref_slice %arg8[%dma_wait3A_128, %dma_wait3A_129] : memref<5000x16xf32, #tpu.memory_space<vmem>> -> memref<624x16xf32, #tpu.memory_space<vmem>>
    %dma_wait3A_131 = arith.constant 0 : i32
    %dma_wait3A_132 = arith.constant 0 : i32
    %dma_wait3A_133 = tpu.memref_slice %arg2[%dma_wait3A_131, %dma_wait3A_132] : memref<10240x16xf32, #tpu.memory_space<hbm>> -> memref<624x16xf32, #tpu.memory_space<hbm>>
    tpu.wait_dma2 semaphore(%arg12 : memref<!tpu.dma_semaphore, #tpu.memory_space<semaphore_mem>>) src(%dma_wait3A_133 : memref<624x16xf32, #tpu.memory_space<hbm>>) dst(%dma_wait3A_130 : memref<624x16xf32, #tpu.memory_space<vmem>>)
    %scan3A_134 = arith.constant 0 : i32
    %scan3A_135 = arith.constant 0 : i32
    %scan3A_136 = arith.constant 6 : i32
    %scan3A_137 = arith.addi %scan3A_135, %scan3A_136 : i32
    %scan3A_138 = arith.constant 1 : i32
    scf.for %scan3A_321 = %scan3A_135 to %scan3A_137 step %scan3A_138  : i32 {
      %add3A_322 = arith.constant 18 : i32
      %add3A_323 = arith.addi %add3A_322, %scan3A_321 : i32
      %mul3A_324 = arith.constant 104 : i32
      %mul3A_325 = arith.muli %add3A_323, %mul3A_324 : i32
      %mul3A_326 = arith.constant 104 : i32
      %mul3A_327 = arith.muli %add3A_323, %mul3A_326 : i32
      %dma_start3A_328 = arith.constant 0 : i32
      %dma_start3A_329 = tpu.memref_slice %arg8[%mul3A_325, %dma_start3A_328] : memref<5000x16xf32, #tpu.memory_space<vmem>> -> memref<104x16xf32, #tpu.memory_space<vmem>>
      %dma_start3A_330 = tpu.memref_slice %arg7[%mul3A_327] : memref<5000xi32, #tpu.memory_space<vmem>> -> memref<104xi32, #tpu.memory_space<vmem>>
      %dma_start3A_331 = arith.constant 0 : i32
      %dma_start3A_332 = arith.constant 0 : i32
      %dma_start3A_333 = tpu.memref_slice %arg5[%dma_start3A_331, %dma_start3A_332] : memref<10240x16xf32, #tpu.memory_space<vmem_shared>> -> memref<10240x16xf32, #tpu.memory_space<vmem_shared>>
      tpu.enqueue_indirect_dma source(%dma_start3A_329 : memref<104x16xf32, #tpu.memory_space<vmem>>) target(%dma_start3A_333 : memref<10240x16xf32, #tpu.memory_space<vmem_shared>>) offsets(%dma_start3A_330 : memref<104xi32, #tpu.memory_space<vmem>>) semaphore(%arg12 : memref<!tpu.dma_semaphore, #tpu.memory_space<semaphore_mem>>) {add = true}
    }
    %scan3A_139 = arith.constant 6 : i32
    %dma_wait3A_140 = arith.constant 0 : i32
    %dma_wait3A_141 = arith.constant 0 : i32
    %dma_wait3A_142 = tpu.memref_slice %arg8[%dma_wait3A_140, %dma_wait3A_141] : memref<5000x16xf32, #tpu.memory_space<vmem>> -> memref<624x16xf32, #tpu.memory_space<vmem>>
    %dma_wait3A_143 = arith.constant 0 : i32
    %dma_wait3A_144 = arith.constant 0 : i32
    %dma_wait3A_145 = tpu.memref_slice %arg2[%dma_wait3A_143, %dma_wait3A_144] : memref<10240x16xf32, #tpu.memory_space<hbm>> -> memref<624x16xf32, #tpu.memory_space<hbm>>
    %dma_wait3A_146 = arith.constant 0 : i32
    %dma_wait3A_147 = arith.constant 0 : i32
    %dma_wait3A_148 = tpu.memref_slice %arg8[%dma_wait3A_146, %dma_wait3A_147] : memref<5000x16xf32, #tpu.memory_space<vmem>> -> memref<624x16xf32, #tpu.memory_space<vmem>>
    %dma_wait3A_149 = arith.constant 0 : i32
    %dma_wait3A_150 = arith.constant 0 : i32
    %dma_wait3A_151 = tpu.memref_slice %arg2[%dma_wait3A_149, %dma_wait3A_150] : memref<10240x16xf32, #tpu.memory_space<hbm>> -> memref<624x16xf32, #tpu.memory_space<hbm>>
    tpu.wait_dma2 semaphore(%arg13 : memref<!tpu.dma_semaphore, #tpu.memory_space<semaphore_mem>>) src(%dma_wait3A_151 : memref<624x16xf32, #tpu.memory_space<hbm>>) dst(%dma_wait3A_148 : memref<624x16xf32, #tpu.memory_space<vmem>>)
    %scan3A_152 = arith.constant 0 : i32
    %scan3A_153 = arith.constant 0 : i32
    %scan3A_154 = arith.constant 6 : i32
    %scan3A_155 = arith.addi %scan3A_153, %scan3A_154 : i32
    %scan3A_156 = arith.constant 1 : i32
    scf.for %scan3A_321 = %scan3A_153 to %scan3A_155 step %scan3A_156  : i32 {
      %add3A_322 = arith.constant 24 : i32
      %add3A_323 = arith.addi %add3A_322, %scan3A_321 : i32
      %mul3A_324 = arith.constant 104 : i32
      %mul3A_325 = arith.muli %add3A_323, %mul3A_324 : i32
      %mul3A_326 = arith.constant 104 : i32
      %mul3A_327 = arith.muli %add3A_323, %mul3A_326 : i32
      %dma_start3A_328 = arith.constant 0 : i32
      %dma_start3A_329 = tpu.memref_slice %arg8[%mul3A_325, %dma_start3A_328] : memref<5000x16xf32, #tpu.memory_space<vmem>> -> memref<104x16xf32, #tpu.memory_space<vmem>>
      %dma_start3A_330 = tpu.memref_slice %arg7[%mul3A_327] : memref<5000xi32, #tpu.memory_space<vmem>> -> memref<104xi32, #tpu.memory_space<vmem>>
      %dma_start3A_331 = arith.constant 0 : i32
      %dma_start3A_332 = arith.constant 0 : i32
      %dma_start3A_333 = tpu.memref_slice %arg5[%dma_start3A_331, %dma_start3A_332] : memref<10240x16xf32, #tpu.memory_space<vmem_shared>> -> memref<10240x16xf32, #tpu.memory_space<vmem_shared>>
      tpu.enqueue_indirect_dma source(%dma_start3A_329 : memref<104x16xf32, #tpu.memory_space<vmem>>) target(%dma_start3A_333 : memref<10240x16xf32, #tpu.memory_space<vmem_shared>>) offsets(%dma_start3A_330 : memref<104xi32, #tpu.memory_space<vmem>>) semaphore(%arg13 : memref<!tpu.dma_semaphore, #tpu.memory_space<semaphore_mem>>) {add = true}
    }
    %scan3A_157 = arith.constant 6 : i32
    %dma_wait3A_158 = arith.constant 0 : i32
    %dma_wait3A_159 = arith.constant 0 : i32
    %dma_wait3A_160 = tpu.memref_slice %arg8[%dma_wait3A_158, %dma_wait3A_159] : memref<5000x16xf32, #tpu.memory_space<vmem>> -> memref<624x16xf32, #tpu.memory_space<vmem>>
    %dma_wait3A_161 = arith.constant 0 : i32
    %dma_wait3A_162 = arith.constant 0 : i32
    %dma_wait3A_163 = tpu.memref_slice %arg2[%dma_wait3A_161, %dma_wait3A_162] : memref<10240x16xf32, #tpu.memory_space<hbm>> -> memref<624x16xf32, #tpu.memory_space<hbm>>
    %dma_wait3A_164 = arith.constant 0 : i32
    %dma_wait3A_165 = arith.constant 0 : i32
    %dma_wait3A_166 = tpu.memref_slice %arg8[%dma_wait3A_164, %dma_wait3A_165] : memref<5000x16xf32, #tpu.memory_space<vmem>> -> memref<624x16xf32, #tpu.memory_space<vmem>>
    %dma_wait3A_167 = arith.constant 0 : i32
    %dma_wait3A_168 = arith.constant 0 : i32
    %dma_wait3A_169 = tpu.memref_slice %arg2[%dma_wait3A_167, %dma_wait3A_168] : memref<10240x16xf32, #tpu.memory_space<hbm>> -> memref<624x16xf32, #tpu.memory_space<hbm>>
    tpu.wait_dma2 semaphore(%arg14 : memref<!tpu.dma_semaphore, #tpu.memory_space<semaphore_mem>>) src(%dma_wait3A_169 : memref<624x16xf32, #tpu.memory_space<hbm>>) dst(%dma_wait3A_166 : memref<624x16xf32, #tpu.memory_space<vmem>>)
    %scan3A_170 = arith.constant 0 : i32
    %scan3A_171 = arith.constant 0 : i32
    %scan3A_172 = arith.constant 6 : i32
    %scan3A_173 = arith.addi %scan3A_171, %scan3A_172 : i32
    %scan3A_174 = arith.constant 1 : i32
    scf.for %scan3A_321 = %scan3A_171 to %scan3A_173 step %scan3A_174  : i32 {
      %add3A_322 = arith.constant 30 : i32
      %add3A_323 = arith.addi %add3A_322, %scan3A_321 : i32
      %mul3A_324 = arith.constant 104 : i32
      %mul3A_325 = arith.muli %add3A_323, %mul3A_324 : i32
      %mul3A_326 = arith.constant 104 : i32
      %mul3A_327 = arith.muli %add3A_323, %mul3A_326 : i32
      %dma_start3A_328 = arith.constant 0 : i32
      %dma_start3A_329 = tpu.memref_slice %arg8[%mul3A_325, %dma_start3A_328] : memref<5000x16xf32, #tpu.memory_space<vmem>> -> memref<104x16xf32, #tpu.memory_space<vmem>>
      %dma_start3A_330 = tpu.memref_slice %arg7[%mul3A_327] : memref<5000xi32, #tpu.memory_space<vmem>> -> memref<104xi32, #tpu.memory_space<vmem>>
      %dma_start3A_331 = arith.constant 0 : i32
      %dma_start3A_332 = arith.constant 0 : i32
      %dma_start3A_333 = tpu.memref_slice %arg5[%dma_start3A_331, %dma_start3A_332] : memref<10240x16xf32, #tpu.memory_space<vmem_shared>> -> memref<10240x16xf32, #tpu.memory_space<vmem_shared>>
      tpu.enqueue_indirect_dma source(%dma_start3A_329 : memref<104x16xf32, #tpu.memory_space<vmem>>) target(%dma_start3A_333 : memref<10240x16xf32, #tpu.memory_space<vmem_shared>>) offsets(%dma_start3A_330 : memref<104xi32, #tpu.memory_space<vmem>>) semaphore(%arg14 : memref<!tpu.dma_semaphore, #tpu.memory_space<semaphore_mem>>) {add = true}
    }
    %scan3A_175 = arith.constant 6 : i32
    %dma_wait3A_176 = arith.constant 0 : i32
    %dma_wait3A_177 = arith.constant 0 : i32
    %dma_wait3A_178 = tpu.memref_slice %arg8[%dma_wait3A_176, %dma_wait3A_177] : memref<5000x16xf32, #tpu.memory_space<vmem>> -> memref<624x16xf32, #tpu.memory_space<vmem>>
    %dma_wait3A_179 = arith.constant 0 : i32
    %dma_wait3A_180 = arith.constant 0 : i32
    %dma_wait3A_181 = tpu.memref_slice %arg2[%dma_wait3A_179, %dma_wait3A_180] : memref<10240x16xf32, #tpu.memory_space<hbm>> -> memref<624x16xf32, #tpu.memory_space<hbm>>
    %dma_wait3A_182 = arith.constant 0 : i32
    %dma_wait3A_183 = arith.constant 0 : i32
    %dma_wait3A_184 = tpu.memref_slice %arg8[%dma_wait3A_182, %dma_wait3A_183] : memref<5000x16xf32, #tpu.memory_space<vmem>> -> memref<624x16xf32, #tpu.memory_space<vmem>>
    %dma_wait3A_185 = arith.constant 0 : i32
    %dma_wait3A_186 = arith.constant 0 : i32
    %dma_wait3A_187 = tpu.memref_slice %arg2[%dma_wait3A_185, %dma_wait3A_186] : memref<10240x16xf32, #tpu.memory_space<hbm>> -> memref<624x16xf32, #tpu.memory_space<hbm>>
    tpu.wait_dma2 semaphore(%arg15 : memref<!tpu.dma_semaphore, #tpu.memory_space<semaphore_mem>>) src(%dma_wait3A_187 : memref<624x16xf32, #tpu.memory_space<hbm>>) dst(%dma_wait3A_184 : memref<624x16xf32, #tpu.memory_space<vmem>>)
    %scan3A_188 = arith.constant 0 : i32
    %scan3A_189 = arith.constant 0 : i32
    %scan3A_190 = arith.constant 6 : i32
    %scan3A_191 = arith.addi %scan3A_189, %scan3A_190 : i32
    %scan3A_192 = arith.constant 1 : i32
    scf.for %scan3A_321 = %scan3A_189 to %scan3A_191 step %scan3A_192  : i32 {
      %add3A_322 = arith.constant 36 : i32
      %add3A_323 = arith.addi %add3A_322, %scan3A_321 : i32
      %mul3A_324 = arith.constant 104 : i32
      %mul3A_325 = arith.muli %add3A_323, %mul3A_324 : i32
      %mul3A_326 = arith.constant 104 : i32
      %mul3A_327 = arith.muli %add3A_323, %mul3A_326 : i32
      %dma_start3A_328 = arith.constant 0 : i32
      %dma_start3A_329 = tpu.memref_slice %arg8[%mul3A_325, %dma_start3A_328] : memref<5000x16xf32, #tpu.memory_space<vmem>> -> memref<104x16xf32, #tpu.memory_space<vmem>>
      %dma_start3A_330 = tpu.memref_slice %arg7[%mul3A_327] : memref<5000xi32, #tpu.memory_space<vmem>> -> memref<104xi32, #tpu.memory_space<vmem>>
      %dma_start3A_331 = arith.constant 0 : i32
      %dma_start3A_332 = arith.constant 0 : i32
      %dma_start3A_333 = tpu.memref_slice %arg5[%dma_start3A_331, %dma_start3A_332] : memref<10240x16xf32, #tpu.memory_space<vmem_shared>> -> memref<10240x16xf32, #tpu.memory_space<vmem_shared>>
      tpu.enqueue_indirect_dma source(%dma_start3A_329 : memref<104x16xf32, #tpu.memory_space<vmem>>) target(%dma_start3A_333 : memref<10240x16xf32, #tpu.memory_space<vmem_shared>>) offsets(%dma_start3A_330 : memref<104xi32, #tpu.memory_space<vmem>>) semaphore(%arg15 : memref<!tpu.dma_semaphore, #tpu.memory_space<semaphore_mem>>) {add = true}
    }
    %scan3A_193 = arith.constant 6 : i32
    %dma_wait3A_194 = arith.constant 0 : i32
    %dma_wait3A_195 = arith.constant 0 : i32
    %dma_wait3A_196 = tpu.memref_slice %arg8[%dma_wait3A_194, %dma_wait3A_195] : memref<5000x16xf32, #tpu.memory_space<vmem>> -> memref<632x16xf32, #tpu.memory_space<vmem>>
    %dma_wait3A_197 = arith.constant 0 : i32
    %dma_wait3A_198 = arith.constant 0 : i32
    %dma_wait3A_199 = tpu.memref_slice %arg2[%dma_wait3A_197, %dma_wait3A_198] : memref<10240x16xf32, #tpu.memory_space<hbm>> -> memref<632x16xf32, #tpu.memory_space<hbm>>
    %dma_wait3A_200 = arith.constant 0 : i32
    %dma_wait3A_201 = arith.constant 0 : i32
    %dma_wait3A_202 = tpu.memref_slice %arg8[%dma_wait3A_200, %dma_wait3A_201] : memref<5000x16xf32, #tpu.memory_space<vmem>> -> memref<632x16xf32, #tpu.memory_space<vmem>>
    %dma_wait3A_203 = arith.constant 0 : i32
    %dma_wait3A_204 = arith.constant 0 : i32
    %dma_wait3A_205 = tpu.memref_slice %arg2[%dma_wait3A_203, %dma_wait3A_204] : memref<10240x16xf32, #tpu.memory_space<hbm>> -> memref<632x16xf32, #tpu.memory_space<hbm>>
    tpu.wait_dma2 semaphore(%arg16 : memref<!tpu.dma_semaphore, #tpu.memory_space<semaphore_mem>>) src(%dma_wait3A_205 : memref<632x16xf32, #tpu.memory_space<hbm>>) dst(%dma_wait3A_202 : memref<632x16xf32, #tpu.memory_space<vmem>>)
    %scan3A_206 = arith.constant 0 : i32
    %scan3A_207 = arith.constant 0 : i32
    %scan3A_208 = arith.constant 6 : i32
    %scan3A_209 = arith.addi %scan3A_207, %scan3A_208 : i32
    %scan3A_210 = arith.constant 1 : i32
    scf.for %scan3A_321 = %scan3A_207 to %scan3A_209 step %scan3A_210  : i32 {
      %add3A_322 = arith.constant 42 : i32
      %add3A_323 = arith.addi %add3A_322, %scan3A_321 : i32
      %mul3A_324 = arith.constant 104 : i32
      %mul3A_325 = arith.muli %add3A_323, %mul3A_324 : i32
      %mul3A_326 = arith.constant 104 : i32
      %mul3A_327 = arith.muli %add3A_323, %mul3A_326 : i32
      %dma_start3A_328 = arith.constant 0 : i32
      %dma_start3A_329 = tpu.memref_slice %arg8[%mul3A_325, %dma_start3A_328] : memref<5000x16xf32, #tpu.memory_space<vmem>> -> memref<104x16xf32, #tpu.memory_space<vmem>>
      %dma_start3A_330 = tpu.memref_slice %arg7[%mul3A_327] : memref<5000xi32, #tpu.memory_space<vmem>> -> memref<104xi32, #tpu.memory_space<vmem>>
      %dma_start3A_331 = arith.constant 0 : i32
      %dma_start3A_332 = arith.constant 0 : i32
      %dma_start3A_333 = tpu.memref_slice %arg5[%dma_start3A_331, %dma_start3A_332] : memref<10240x16xf32, #tpu.memory_space<vmem_shared>> -> memref<10240x16xf32, #tpu.memory_space<vmem_shared>>
      tpu.enqueue_indirect_dma source(%dma_start3A_329 : memref<104x16xf32, #tpu.memory_space<vmem>>) target(%dma_start3A_333 : memref<10240x16xf32, #tpu.memory_space<vmem_shared>>) offsets(%dma_start3A_330 : memref<104xi32, #tpu.memory_space<vmem>>) semaphore(%arg16 : memref<!tpu.dma_semaphore, #tpu.memory_space<semaphore_mem>>) {add = true}
    }
    %scan3A_211 = arith.constant 6 : i32
    %dma_start3A_212 = arith.constant 4992 : i32
    %dma_start3A_213 = arith.constant 0 : i32
    %dma_start3A_214 = tpu.memref_slice %arg8[%dma_start3A_212, %dma_start3A_213] : memref<5000x16xf32, #tpu.memory_space<vmem>> -> memref<8x16xf32, #tpu.memory_space<vmem>>
    %dma_start3A_215 = arith.constant 4992 : i32
    %dma_start3A_216 = tpu.memref_slice %arg7[%dma_start3A_215] : memref<5000xi32, #tpu.memory_space<vmem>> -> memref<8xi32, #tpu.memory_space<vmem>>
    %dma_start3A_217 = arith.constant 0 : i32
    %dma_start3A_218 = arith.constant 0 : i32
    %dma_start3A_219 = tpu.memref_slice %arg5[%dma_start3A_217, %dma_start3A_218] : memref<10240x16xf32, #tpu.memory_space<vmem_shared>> -> memref<10240x16xf32, #tpu.memory_space<vmem_shared>>
    tpu.enqueue_indirect_dma source(%dma_start3A_214 : memref<8x16xf32, #tpu.memory_space<vmem>>) target(%dma_start3A_219 : memref<10240x16xf32, #tpu.memory_space<vmem_shared>>) offsets(%dma_start3A_216 : memref<8xi32, #tpu.memory_space<vmem>>) semaphore(%arg16 : memref<!tpu.dma_semaphore, #tpu.memory_space<semaphore_mem>>) {add = true}
    %dma_wait3A_220 = arith.constant 0 : i32
    %dma_wait3A_221 = arith.constant 0 : i32
    %dma_wait3A_222 = tpu.memref_slice %arg8[%dma_wait3A_220, %dma_wait3A_221] : memref<5000x16xf32, #tpu.memory_space<vmem>> -> memref<624x16xf32, #tpu.memory_space<vmem>>
    %dma_wait3A_223 = arith.constant 0 : i32
    %dma_wait3A_224 = arith.constant 0 : i32
    %dma_wait3A_225 = tpu.memref_slice %arg2[%dma_wait3A_223, %dma_wait3A_224] : memref<10240x16xf32, #tpu.memory_space<hbm>> -> memref<624x16xf32, #tpu.memory_space<hbm>>
    %dma_wait3A_226 = arith.constant 0 : i32
    %dma_wait3A_227 = arith.constant 0 : i32
    %dma_wait3A_228 = tpu.memref_slice %arg8[%dma_wait3A_226, %dma_wait3A_227] : memref<5000x16xf32, #tpu.memory_space<vmem>> -> memref<624x16xf32, #tpu.memory_space<vmem>>
    %dma_wait3A_229 = arith.constant 0 : i32
    %dma_wait3A_230 = arith.constant 0 : i32
    %dma_wait3A_231 = tpu.memref_slice %arg2[%dma_wait3A_229, %dma_wait3A_230] : memref<10240x16xf32, #tpu.memory_space<hbm>> -> memref<624x16xf32, #tpu.memory_space<hbm>>
    tpu.wait_dma2 semaphore(%arg9 : memref<!tpu.dma_semaphore, #tpu.memory_space<semaphore_mem>>) src(%dma_wait3A_231 : memref<624x16xf32, #tpu.memory_space<hbm>>) dst(%dma_wait3A_228 : memref<624x16xf32, #tpu.memory_space<vmem>>)
    %dma_wait3A_232 = arith.constant 0 : i32
    %dma_wait3A_233 = arith.constant 0 : i32
    %dma_wait3A_234 = tpu.memref_slice %arg8[%dma_wait3A_232, %dma_wait3A_233] : memref<5000x16xf32, #tpu.memory_space<vmem>> -> memref<624x16xf32, #tpu.memory_space<vmem>>
    %dma_wait3A_235 = arith.constant 0 : i32
    %dma_wait3A_236 = arith.constant 0 : i32
    %dma_wait3A_237 = tpu.memref_slice %arg2[%dma_wait3A_235, %dma_wait3A_236] : memref<10240x16xf32, #tpu.memory_space<hbm>> -> memref<624x16xf32, #tpu.memory_space<hbm>>
    %dma_wait3A_238 = arith.constant 0 : i32
    %dma_wait3A_239 = arith.constant 0 : i32
    %dma_wait3A_240 = tpu.memref_slice %arg8[%dma_wait3A_238, %dma_wait3A_239] : memref<5000x16xf32, #tpu.memory_space<vmem>> -> memref<624x16xf32, #tpu.memory_space<vmem>>
    %dma_wait3A_241 = arith.constant 0 : i32
    %dma_wait3A_242 = arith.constant 0 : i32
    %dma_wait3A_243 = tpu.memref_slice %arg2[%dma_wait3A_241, %dma_wait3A_242] : memref<10240x16xf32, #tpu.memory_space<hbm>> -> memref<624x16xf32, #tpu.memory_space<hbm>>
    tpu.wait_dma2 semaphore(%arg10 : memref<!tpu.dma_semaphore, #tpu.memory_space<semaphore_mem>>) src(%dma_wait3A_243 : memref<624x16xf32, #tpu.memory_space<hbm>>) dst(%dma_wait3A_240 : memref<624x16xf32, #tpu.memory_space<vmem>>)
    %dma_wait3A_244 = arith.constant 0 : i32
    %dma_wait3A_245 = arith.constant 0 : i32
    %dma_wait3A_246 = tpu.memref_slice %arg8[%dma_wait3A_244, %dma_wait3A_245] : memref<5000x16xf32, #tpu.memory_space<vmem>> -> memref<624x16xf32, #tpu.memory_space<vmem>>
    %dma_wait3A_247 = arith.constant 0 : i32
    %dma_wait3A_248 = arith.constant 0 : i32
    %dma_wait3A_249 = tpu.memref_slice %arg2[%dma_wait3A_247, %dma_wait3A_248] : memref<10240x16xf32, #tpu.memory_space<hbm>> -> memref<624x16xf32, #tpu.memory_space<hbm>>
    %dma_wait3A_250 = arith.constant 0 : i32
    %dma_wait3A_251 = arith.constant 0 : i32
    %dma_wait3A_252 = tpu.memref_slice %arg8[%dma_wait3A_250, %dma_wait3A_251] : memref<5000x16xf32, #tpu.memory_space<vmem>> -> memref<624x16xf32, #tpu.memory_space<vmem>>
    %dma_wait3A_253 = arith.constant 0 : i32
    %dma_wait3A_254 = arith.constant 0 : i32
    %dma_wait3A_255 = tpu.memref_slice %arg2[%dma_wait3A_253, %dma_wait3A_254] : memref<10240x16xf32, #tpu.memory_space<hbm>> -> memref<624x16xf32, #tpu.memory_space<hbm>>
    tpu.wait_dma2 semaphore(%arg11 : memref<!tpu.dma_semaphore, #tpu.memory_space<semaphore_mem>>) src(%dma_wait3A_255 : memref<624x16xf32, #tpu.memory_space<hbm>>) dst(%dma_wait3A_252 : memref<624x16xf32, #tpu.memory_space<vmem>>)
    %dma_wait3A_256 = arith.constant 0 : i32
    %dma_wait3A_257 = arith.constant 0 : i32
    %dma_wait3A_258 = tpu.memref_slice %arg8[%dma_wait3A_256, %dma_wait3A_257] : memref<5000x16xf32, #tpu.memory_space<vmem>> -> memref<624x16xf32, #tpu.memory_space<vmem>>
    %dma_wait3A_259 = arith.constant 0 : i32
    %dma_wait3A_260 = arith.constant 0 : i32
    %dma_wait3A_261 = tpu.memref_slice %arg2[%dma_wait3A_259, %dma_wait3A_260] : memref<10240x16xf32, #tpu.memory_space<hbm>> -> memref<624x16xf32, #tpu.memory_space<hbm>>
    %dma_wait3A_262 = arith.constant 0 : i32
    %dma_wait3A_263 = arith.constant 0 : i32
    %dma_wait3A_264 = tpu.memref_slice %arg8[%dma_wait3A_262, %dma_wait3A_263] : memref<5000x16xf32, #tpu.memory_space<vmem>> -> memref<624x16xf32, #tpu.memory_space<vmem>>
    %dma_wait3A_265 = arith.constant 0 : i32
    %dma_wait3A_266 = arith.constant 0 : i32
    %dma_wait3A_267 = tpu.memref_slice %arg2[%dma_wait3A_265, %dma_wait3A_266] : memref<10240x16xf32, #tpu.memory_space<hbm>> -> memref<624x16xf32, #tpu.memory_space<hbm>>
    tpu.wait_dma2 semaphore(%arg12 : memref<!tpu.dma_semaphore, #tpu.memory_space<semaphore_mem>>) src(%dma_wait3A_267 : memref<624x16xf32, #tpu.memory_space<hbm>>) dst(%dma_wait3A_264 : memref<624x16xf32, #tpu.memory_space<vmem>>)
    %dma_wait3A_268 = arith.constant 0 : i32
    %dma_wait3A_269 = arith.constant 0 : i32
    %dma_wait3A_270 = tpu.memref_slice %arg8[%dma_wait3A_268, %dma_wait3A_269] : memref<5000x16xf32, #tpu.memory_space<vmem>> -> memref<624x16xf32, #tpu.memory_space<vmem>>
    %dma_wait3A_271 = arith.constant 0 : i32
    %dma_wait3A_272 = arith.constant 0 : i32
    %dma_wait3A_273 = tpu.memref_slice %arg2[%dma_wait3A_271, %dma_wait3A_272] : memref<10240x16xf32, #tpu.memory_space<hbm>> -> memref<624x16xf32, #tpu.memory_space<hbm>>
    %dma_wait3A_274 = arith.constant 0 : i32
    %dma_wait3A_275 = arith.constant 0 : i32
    %dma_wait3A_276 = tpu.memref_slice %arg8[%dma_wait3A_274, %dma_wait3A_275] : memref<5000x16xf32, #tpu.memory_space<vmem>> -> memref<624x16xf32, #tpu.memory_space<vmem>>
    %dma_wait3A_277 = arith.constant 0 : i32
    %dma_wait3A_278 = arith.constant 0 : i32
    %dma_wait3A_279 = tpu.memref_slice %arg2[%dma_wait3A_277, %dma_wait3A_278] : memref<10240x16xf32, #tpu.memory_space<hbm>> -> memref<624x16xf32, #tpu.memory_space<hbm>>
    tpu.wait_dma2 semaphore(%arg13 : memref<!tpu.dma_semaphore, #tpu.memory_space<semaphore_mem>>) src(%dma_wait3A_279 : memref<624x16xf32, #tpu.memory_space<hbm>>) dst(%dma_wait3A_276 : memref<624x16xf32, #tpu.memory_space<vmem>>)
    %dma_wait3A_280 = arith.constant 0 : i32
    %dma_wait3A_281 = arith.constant 0 : i32
    %dma_wait3A_282 = tpu.memref_slice %arg8[%dma_wait3A_280, %dma_wait3A_281] : memref<5000x16xf32, #tpu.memory_space<vmem>> -> memref<624x16xf32, #tpu.memory_space<vmem>>
    %dma_wait3A_283 = arith.constant 0 : i32
    %dma_wait3A_284 = arith.constant 0 : i32
    %dma_wait3A_285 = tpu.memref_slice %arg2[%dma_wait3A_283, %dma_wait3A_284] : memref<10240x16xf32, #tpu.memory_space<hbm>> -> memref<624x16xf32, #tpu.memory_space<hbm>>
    %dma_wait3A_286 = arith.constant 0 : i32
    %dma_wait3A_287 = arith.constant 0 : i32
    %dma_wait3A_288 = tpu.memref_slice %arg8[%dma_wait3A_286, %dma_wait3A_287] : memref<5000x16xf32, #tpu.memory_space<vmem>> -> memref<624x16xf32, #tpu.memory_space<vmem>>
    %dma_wait3A_289 = arith.constant 0 : i32
    %dma_wait3A_290 = arith.constant 0 : i32
    %dma_wait3A_291 = tpu.memref_slice %arg2[%dma_wait3A_289, %dma_wait3A_290] : memref<10240x16xf32, #tpu.memory_space<hbm>> -> memref<624x16xf32, #tpu.memory_space<hbm>>
    tpu.wait_dma2 semaphore(%arg14 : memref<!tpu.dma_semaphore, #tpu.memory_space<semaphore_mem>>) src(%dma_wait3A_291 : memref<624x16xf32, #tpu.memory_space<hbm>>) dst(%dma_wait3A_288 : memref<624x16xf32, #tpu.memory_space<vmem>>)
    %dma_wait3A_292 = arith.constant 0 : i32
    %dma_wait3A_293 = arith.constant 0 : i32
    %dma_wait3A_294 = tpu.memref_slice %arg8[%dma_wait3A_292, %dma_wait3A_293] : memref<5000x16xf32, #tpu.memory_space<vmem>> -> memref<624x16xf32, #tpu.memory_space<vmem>>
    %dma_wait3A_295 = arith.constant 0 : i32
    %dma_wait3A_296 = arith.constant 0 : i32
    %dma_wait3A_297 = tpu.memref_slice %arg2[%dma_wait3A_295, %dma_wait3A_296] : memref<10240x16xf32, #tpu.memory_space<hbm>> -> memref<624x16xf32, #tpu.memory_space<hbm>>
    %dma_wait3A_298 = arith.constant 0 : i32
    %dma_wait3A_299 = arith.constant 0 : i32
    %dma_wait3A_300 = tpu.memref_slice %arg8[%dma_wait3A_298, %dma_wait3A_299] : memref<5000x16xf32, #tpu.memory_space<vmem>> -> memref<624x16xf32, #tpu.memory_space<vmem>>
    %dma_wait3A_301 = arith.constant 0 : i32
    %dma_wait3A_302 = arith.constant 0 : i32
    %dma_wait3A_303 = tpu.memref_slice %arg2[%dma_wait3A_301, %dma_wait3A_302] : memref<10240x16xf32, #tpu.memory_space<hbm>> -> memref<624x16xf32, #tpu.memory_space<hbm>>
    tpu.wait_dma2 semaphore(%arg15 : memref<!tpu.dma_semaphore, #tpu.memory_space<semaphore_mem>>) src(%dma_wait3A_303 : memref<624x16xf32, #tpu.memory_space<hbm>>) dst(%dma_wait3A_300 : memref<624x16xf32, #tpu.memory_space<vmem>>)
    %dma_wait3A_304 = arith.constant 0 : i32
    %dma_wait3A_305 = arith.constant 0 : i32
    %dma_wait3A_306 = tpu.memref_slice %arg8[%dma_wait3A_304, %dma_wait3A_305] : memref<5000x16xf32, #tpu.memory_space<vmem>> -> memref<632x16xf32, #tpu.memory_space<vmem>>
    %dma_wait3A_307 = arith.constant 0 : i32
    %dma_wait3A_308 = arith.constant 0 : i32
    %dma_wait3A_309 = tpu.memref_slice %arg2[%dma_wait3A_307, %dma_wait3A_308] : memref<10240x16xf32, #tpu.memory_space<hbm>> -> memref<632x16xf32, #tpu.memory_space<hbm>>
    %dma_wait3A_310 = arith.constant 0 : i32
    %dma_wait3A_311 = arith.constant 0 : i32
    %dma_wait3A_312 = tpu.memref_slice %arg8[%dma_wait3A_310, %dma_wait3A_311] : memref<5000x16xf32, #tpu.memory_space<vmem>> -> memref<632x16xf32, #tpu.memory_space<vmem>>
    %dma_wait3A_313 = arith.constant 0 : i32
    %dma_wait3A_314 = arith.constant 0 : i32
    %dma_wait3A_315 = tpu.memref_slice %arg2[%dma_wait3A_313, %dma_wait3A_314] : memref<10240x16xf32, #tpu.memory_space<hbm>> -> memref<632x16xf32, #tpu.memory_space<hbm>>
    tpu.wait_dma2 semaphore(%arg16 : memref<!tpu.dma_semaphore, #tpu.memory_space<semaphore_mem>>) src(%dma_wait3A_315 : memref<632x16xf32, #tpu.memory_space<hbm>>) dst(%dma_wait3A_312 : memref<632x16xf32, #tpu.memory_space<vmem>>)
    %barrier3A_316 = arith.constant 0 : index
    tpu.barrier barrier_id(%barrier3A_316)
    %mul3A_317 = arith.constant 640 : i32
    %mul3A_318 = arith.muli %arg1, %mul3A_317 : i32
    %mul3A_319 = arith.constant 640 : i32
    %mul3A_320 = arith.muli %arg1, %mul3A_319 : i32
    "tpu.region"() ({
      %run_scoped3A_321 = tpu.sem_alloc : memref<!tpu.dma_semaphore, #tpu.memory_space<semaphore_mem>>
      %dma_start3A_322 = arith.constant 0 : i32
      %dma_start3A_323 = tpu.memref_slice %arg4[%arg0, %mul3A_320, %dma_start3A_322] : memref<2x10240x16xf32, #tpu.memory_space<hbm>> -> memref<1x640x16xf32, #tpu.memory_space<hbm>>
      %dma_start3A_324 = tpu.memref_squeeze %dma_start3A_323 : memref<1x640x16xf32, #tpu.memory_space<hbm>> -> memref<640x16xf32, #tpu.memory_space<hbm>>
      %dma_start3A_325 = arith.constant 0 : i32
      %dma_start3A_326 = tpu.memref_slice %arg5[%mul3A_318, %dma_start3A_325] : memref<10240x16xf32, #tpu.memory_space<vmem_shared>> -> memref<640x16xf32, #tpu.memory_space<vmem_shared>>
      tpu.enqueue_dma source(%dma_start3A_326 : memref<640x16xf32, #tpu.memory_space<vmem_shared>>) target(%dma_start3A_324 : memref<640x16xf32, #tpu.memory_space<hbm>>) target_semaphore(%run_scoped3A_321 : memref<!tpu.dma_semaphore, #tpu.memory_space<semaphore_mem>>)
      %dma_wait3A_327 = arith.constant 0 : i32
      %dma_wait3A_328 = tpu.memref_slice %arg4[%arg0, %mul3A_320, %dma_wait3A_327] : memref<2x10240x16xf32, #tpu.memory_space<hbm>> -> memref<1x640x16xf32, #tpu.memory_space<hbm>>
      %dma_wait3A_329 = tpu.memref_squeeze %dma_wait3A_328 : memref<1x640x16xf32, #tpu.memory_space<hbm>> -> memref<640x16xf32, #tpu.memory_space<hbm>>
      %dma_wait3A_330 = arith.constant 0 : i32
      %dma_wait3A_331 = tpu.memref_slice %arg5[%mul3A_318, %dma_wait3A_330] : memref<10240x16xf32, #tpu.memory_space<vmem_shared>> -> memref<640x16xf32, #tpu.memory_space<vmem_shared>>
      tpu.wait_dma2 semaphore(%run_scoped3A_321 : memref<!tpu.dma_semaphore, #tpu.memory_space<semaphore_mem>>) src(%dma_wait3A_331 : memref<640x16xf32, #tpu.memory_space<vmem_shared>>) dst(%dma_wait3A_329 : memref<640x16xf32, #tpu.memory_space<hbm>>)
      tpu.yield
    }) : () -> ()
    return
  }
}

#map = affine_map<(d0, d1) -> (0, 0, 0)>
#map1 = affine_map<(d0, d1) -> (0, 0)>
module attributes {stable_mosaic.version = 14 : i64} {
  func.func @l2_kernel(%arg0: i32, %arg1: i32, %arg2: memref<2x10240x16xf32, #tpu.memory_space<hbm>>, %arg3: memref<10240x16xf32, #tpu.memory_space<hbm>>, %arg4: memref<10240x16xf32, #tpu.memory_space<hbm>>, %arg5: memref<10240x128xf32, #tpu.memory_space<hbm>>, %arg6: memref<320x16xf32, #tpu.memory_space<vmem>>, %arg7: memref<320x16xf32, #tpu.memory_space<vmem>>, %arg8: memref<320x16xf32, #tpu.memory_space<vmem>>, %arg9: memref<320x16xf32, #tpu.memory_space<vmem>>) attributes {dimension_semantics = [#tpu.dimension_semantics<core_parallel>, #tpu.dimension_semantics<subcore_parallel>], iteration_bounds = array<i64: 2, 16>, scalar_prefetch = 0 : i64, scratch_operands = 4 : i64, tpu.core_type = #tpu.core_type<sc_vector_subcore>, window_params = [{transform_indices = #map}, {transform_indices = #map1}, {transform_indices = #map1}, {transform_indices = #map1}]} {
    %mul3A = arith.constant 16 : i32
    %mul3A_0 = arith.muli %arg0, %mul3A : i32
    %add3A = arith.addi %mul3A_0, %arg1 : i32
    %mul3A_1 = arith.constant 320 : i32
    %mul3A_2 = arith.muli %add3A, %mul3A_1 : i32
    %run_scoped3A = arith.constant 0 : i32
    "tpu.region"() ({
      %run_scoped3A_9 = tpu.sem_alloc : memref<!tpu.dma_semaphore, #tpu.memory_space<semaphore_mem>>
      %dma_start3A = arith.constant 0 : i32
      %dma_start3A_10 = tpu.memref_slice %arg2[%run_scoped3A, %mul3A_2, %dma_start3A] : memref<2x10240x16xf32, #tpu.memory_space<hbm>> -> memref<1x320x16xf32, #tpu.memory_space<hbm>>
      %dma_start3A_11 = tpu.memref_squeeze %dma_start3A_10 : memref<1x320x16xf32, #tpu.memory_space<hbm>> -> memref<320x16xf32, #tpu.memory_space<hbm>>
      %dma_start3A_12 = arith.constant 0 : i32
      %dma_start3A_13 = tpu.memref_slice %arg2[%run_scoped3A, %mul3A_2, %dma_start3A_12] : memref<2x10240x16xf32, #tpu.memory_space<hbm>> -> memref<1x320x16xf32, #tpu.memory_space<hbm>>
      %dma_start3A_14 = tpu.memref_squeeze %dma_start3A_13 : memref<1x320x16xf32, #tpu.memory_space<hbm>> -> memref<320x16xf32, #tpu.memory_space<hbm>>
      tpu.enqueue_dma source(%dma_start3A_14 : memref<320x16xf32, #tpu.memory_space<hbm>>) target(%arg6 : memref<320x16xf32, #tpu.memory_space<vmem>>) target_semaphore(%run_scoped3A_9 : memref<!tpu.dma_semaphore, #tpu.memory_space<semaphore_mem>>)
      %dma_wait3A = arith.constant 0 : i32
      %dma_wait3A_15 = tpu.memref_slice %arg2[%run_scoped3A, %mul3A_2, %dma_wait3A] : memref<2x10240x16xf32, #tpu.memory_space<hbm>> -> memref<1x320x16xf32, #tpu.memory_space<hbm>>
      %dma_wait3A_16 = tpu.memref_squeeze %dma_wait3A_15 : memref<1x320x16xf32, #tpu.memory_space<hbm>> -> memref<320x16xf32, #tpu.memory_space<hbm>>
      %dma_wait3A_17 = arith.constant 0 : i32
      %dma_wait3A_18 = tpu.memref_slice %arg2[%run_scoped3A, %mul3A_2, %dma_wait3A_17] : memref<2x10240x16xf32, #tpu.memory_space<hbm>> -> memref<1x320x16xf32, #tpu.memory_space<hbm>>
      %dma_wait3A_19 = tpu.memref_squeeze %dma_wait3A_18 : memref<1x320x16xf32, #tpu.memory_space<hbm>> -> memref<320x16xf32, #tpu.memory_space<hbm>>
      tpu.wait_dma2 semaphore(%run_scoped3A_9 : memref<!tpu.dma_semaphore, #tpu.memory_space<semaphore_mem>>) src(%dma_wait3A_19 : memref<320x16xf32, #tpu.memory_space<hbm>>) dst(%arg6 : memref<320x16xf32, #tpu.memory_space<vmem>>)
      tpu.yield
    }) : () -> ()
    %run_scoped3A_3 = arith.constant 1 : i32
    "tpu.region"() ({
      %run_scoped3A_9 = tpu.sem_alloc : memref<!tpu.dma_semaphore, #tpu.memory_space<semaphore_mem>>
      %dma_start3A = arith.constant 0 : i32
      %dma_start3A_10 = tpu.memref_slice %arg2[%run_scoped3A_3, %mul3A_2, %dma_start3A] : memref<2x10240x16xf32, #tpu.memory_space<hbm>> -> memref<1x320x16xf32, #tpu.memory_space<hbm>>
      %dma_start3A_11 = tpu.memref_squeeze %dma_start3A_10 : memref<1x320x16xf32, #tpu.memory_space<hbm>> -> memref<320x16xf32, #tpu.memory_space<hbm>>
      %dma_start3A_12 = arith.constant 0 : i32
      %dma_start3A_13 = tpu.memref_slice %arg2[%run_scoped3A_3, %mul3A_2, %dma_start3A_12] : memref<2x10240x16xf32, #tpu.memory_space<hbm>> -> memref<1x320x16xf32, #tpu.memory_space<hbm>>
      %dma_start3A_14 = tpu.memref_squeeze %dma_start3A_13 : memref<1x320x16xf32, #tpu.memory_space<hbm>> -> memref<320x16xf32, #tpu.memory_space<hbm>>
      tpu.enqueue_dma source(%dma_start3A_14 : memref<320x16xf32, #tpu.memory_space<hbm>>) target(%arg7 : memref<320x16xf32, #tpu.memory_space<vmem>>) target_semaphore(%run_scoped3A_9 : memref<!tpu.dma_semaphore, #tpu.memory_space<semaphore_mem>>)
      %dma_wait3A = arith.constant 0 : i32
      %dma_wait3A_15 = tpu.memref_slice %arg2[%run_scoped3A_3, %mul3A_2, %dma_wait3A] : memref<2x10240x16xf32, #tpu.memory_space<hbm>> -> memref<1x320x16xf32, #tpu.memory_space<hbm>>
      %dma_wait3A_16 = tpu.memref_squeeze %dma_wait3A_15 : memref<1x320x16xf32, #tpu.memory_space<hbm>> -> memref<320x16xf32, #tpu.memory_space<hbm>>
      %dma_wait3A_17 = arith.constant 0 : i32
      %dma_wait3A_18 = tpu.memref_slice %arg2[%run_scoped3A_3, %mul3A_2, %dma_wait3A_17] : memref<2x10240x16xf32, #tpu.memory_space<hbm>> -> memref<1x320x16xf32, #tpu.memory_space<hbm>>
      %dma_wait3A_19 = tpu.memref_squeeze %dma_wait3A_18 : memref<1x320x16xf32, #tpu.memory_space<hbm>> -> memref<320x16xf32, #tpu.memory_space<hbm>>
      tpu.wait_dma2 semaphore(%run_scoped3A_9 : memref<!tpu.dma_semaphore, #tpu.memory_space<semaphore_mem>>) src(%dma_wait3A_19 : memref<320x16xf32, #tpu.memory_space<hbm>>) dst(%arg7 : memref<320x16xf32, #tpu.memory_space<vmem>>)
      tpu.yield
    }) : () -> ()
    "tpu.region"() ({
      %run_scoped3A_9 = tpu.sem_alloc : memref<!tpu.dma_semaphore, #tpu.memory_space<semaphore_mem>>
      %dma_start3A = arith.constant 0 : i32
      %dma_start3A_10 = tpu.memref_slice %arg3[%mul3A_2, %dma_start3A] : memref<10240x16xf32, #tpu.memory_space<hbm>> -> memref<320x16xf32, #tpu.memory_space<hbm>>
      %dma_start3A_11 = arith.constant 0 : i32
      %dma_start3A_12 = tpu.memref_slice %arg3[%mul3A_2, %dma_start3A_11] : memref<10240x16xf32, #tpu.memory_space<hbm>> -> memref<320x16xf32, #tpu.memory_space<hbm>>
      tpu.enqueue_dma source(%dma_start3A_12 : memref<320x16xf32, #tpu.memory_space<hbm>>) target(%arg8 : memref<320x16xf32, #tpu.memory_space<vmem>>) target_semaphore(%run_scoped3A_9 : memref<!tpu.dma_semaphore, #tpu.memory_space<semaphore_mem>>)
      %dma_wait3A = arith.constant 0 : i32
      %dma_wait3A_13 = tpu.memref_slice %arg3[%mul3A_2, %dma_wait3A] : memref<10240x16xf32, #tpu.memory_space<hbm>> -> memref<320x16xf32, #tpu.memory_space<hbm>>
      %dma_wait3A_14 = arith.constant 0 : i32
      %dma_wait3A_15 = tpu.memref_slice %arg3[%mul3A_2, %dma_wait3A_14] : memref<10240x16xf32, #tpu.memory_space<hbm>> -> memref<320x16xf32, #tpu.memory_space<hbm>>
      tpu.wait_dma2 semaphore(%run_scoped3A_9 : memref<!tpu.dma_semaphore, #tpu.memory_space<semaphore_mem>>) src(%dma_wait3A_15 : memref<320x16xf32, #tpu.memory_space<hbm>>) dst(%arg8 : memref<320x16xf32, #tpu.memory_space<vmem>>)
      tpu.yield
    }) : () -> ()
    "tpu.region"() ({
      %run_scoped3A_9 = tpu.sem_alloc : memref<!tpu.dma_semaphore, #tpu.memory_space<semaphore_mem>>
      %dma_start3A = arith.constant 0 : i32
      %dma_start3A_10 = tpu.memref_slice %arg4[%mul3A_2, %dma_start3A] : memref<10240x16xf32, #tpu.memory_space<hbm>> -> memref<320x16xf32, #tpu.memory_space<hbm>>
      %dma_start3A_11 = arith.constant 0 : i32
      %dma_start3A_12 = tpu.memref_slice %arg4[%mul3A_2, %dma_start3A_11] : memref<10240x16xf32, #tpu.memory_space<hbm>> -> memref<320x16xf32, #tpu.memory_space<hbm>>
      tpu.enqueue_dma source(%dma_start3A_12 : memref<320x16xf32, #tpu.memory_space<hbm>>) target(%arg9 : memref<320x16xf32, #tpu.memory_space<vmem>>) target_semaphore(%run_scoped3A_9 : memref<!tpu.dma_semaphore, #tpu.memory_space<semaphore_mem>>)
      %dma_wait3A = arith.constant 0 : i32
      %dma_wait3A_13 = tpu.memref_slice %arg4[%mul3A_2, %dma_wait3A] : memref<10240x16xf32, #tpu.memory_space<hbm>> -> memref<320x16xf32, #tpu.memory_space<hbm>>
      %dma_wait3A_14 = arith.constant 0 : i32
      %dma_wait3A_15 = tpu.memref_slice %arg4[%mul3A_2, %dma_wait3A_14] : memref<10240x16xf32, #tpu.memory_space<hbm>> -> memref<320x16xf32, #tpu.memory_space<hbm>>
      tpu.wait_dma2 semaphore(%run_scoped3A_9 : memref<!tpu.dma_semaphore, #tpu.memory_space<semaphore_mem>>) src(%dma_wait3A_15 : memref<320x16xf32, #tpu.memory_space<hbm>>) dst(%arg9 : memref<320x16xf32, #tpu.memory_space<vmem>>)
      tpu.yield
    }) : () -> ()
    %scan3A = arith.constant 0 : i32
    %scan3A_4 = arith.constant 0 : i32
    %scan3A_5 = arith.constant 80 : i32
    %scan3A_6 = arith.addi %scan3A_4, %scan3A_5 : i32
    %scan3A_7 = arith.constant 1 : i32
    scf.for %scan3A_9 = %scan3A_4 to %scan3A_6 step %scan3A_7  : i32 {
      %mul3A_10 = arith.constant 4 : i32
      %mul3A_11 = arith.muli %mul3A_10, %scan3A_9 : i32
      %add3A_12 = arith.constant 0 : i32
      %add3A_13 = arith.addi %mul3A_11, %add3A_12 : i32
      %get3A = arith.index_cast %add3A_13 : i32 to index
      %get3A_14 = arith.constant 0 : index
      %get3A_15 = tpu.vector_load %arg9[%get3A, %get3A_14] {strides = array<i32>} : memref<320x16xf32, #tpu.memory_space<vmem>>, vector<16xf32>,
      %get3A_16 = arith.index_cast %add3A_13 : i32 to index
      %get3A_17 = arith.constant 0 : index
      %get3A_18 = tpu.vector_load %arg6[%get3A_16, %get3A_17] {strides = array<i32>} : memref<320x16xf32, #tpu.memory_space<vmem>>, vector<16xf32>,
      %get3A_19 = arith.index_cast %add3A_13 : i32 to index
      %get3A_20 = arith.constant 0 : index
      %get3A_21 = tpu.vector_load %arg7[%get3A_19, %get3A_20] {strides = array<i32>} : memref<320x16xf32, #tpu.memory_space<vmem>>, vector<16xf32>,
      %add3A_22 = arith.addf %get3A_18, %get3A_21 : vector<16xf32>
      %get3A_23 = arith.index_cast %add3A_13 : i32 to index
      %get3A_24 = arith.constant 0 : index
      %get3A_25 = tpu.vector_load %arg8[%get3A_23, %get3A_24] {strides = array<i32>} : memref<320x16xf32, #tpu.memory_space<vmem>>, vector<16xf32>,
      %add3A_26 = arith.addf %add3A_22, %get3A_25 : vector<16xf32>
      %mul3A_27 = arith.mulf %get3A_15, %add3A_26 : vector<16xf32>
      %swap3A = arith.index_cast %add3A_13 : i32 to index
      %swap3A_28 = arith.constant 0 : index
      %swap3A_29 = tpu.vector_load %arg8[%swap3A, %swap3A_28] {strides = array<i32>} : memref<320x16xf32, #tpu.memory_space<vmem>>, vector<16xf32>,
      tpu.vector_store %arg8[%swap3A, %swap3A_28], %mul3A_27 {strides = array<i32>} : memref<320x16xf32, #tpu.memory_space<vmem>>, vector<16xf32>,
      %mul3A_30 = arith.constant 4 : i32
      %mul3A_31 = arith.muli %mul3A_30, %scan3A_9 : i32
      %add3A_32 = arith.constant 1 : i32
      %add3A_33 = arith.addi %mul3A_31, %add3A_32 : i32
      %get3A_34 = arith.index_cast %add3A_33 : i32 to index
      %get3A_35 = arith.constant 0 : index
      %get3A_36 = tpu.vector_load %arg9[%get3A_34, %get3A_35] {strides = array<i32>} : memref<320x16xf32, #tpu.memory_space<vmem>>, vector<16xf32>,
      %get3A_37 = arith.index_cast %add3A_33 : i32 to index
      %get3A_38 = arith.constant 0 : index
      %get3A_39 = tpu.vector_load %arg6[%get3A_37, %get3A_38] {strides = array<i32>} : memref<320x16xf32, #tpu.memory_space<vmem>>, vector<16xf32>,
      %get3A_40 = arith.index_cast %add3A_33 : i32 to index
      %get3A_41 = arith.constant 0 : index
      %get3A_42 = tpu.vector_load %arg7[%get3A_40, %get3A_41] {strides = array<i32>} : memref<320x16xf32, #tpu.memory_space<vmem>>, vector<16xf32>,
      %add3A_43 = arith.addf %get3A_39, %get3A_42 : vector<16xf32>
      %get3A_44 = arith.index_cast %add3A_33 : i32 to index
      %get3A_45 = arith.constant 0 : index
      %get3A_46 = tpu.vector_load %arg8[%get3A_44, %get3A_45] {strides = array<i32>} : memref<320x16xf32, #tpu.memory_space<vmem>>, vector<16xf32>,
      %add3A_47 = arith.addf %add3A_43, %get3A_46 : vector<16xf32>
      %mul3A_48 = arith.mulf %get3A_36, %add3A_47 : vector<16xf32>
      %swap3A_49 = arith.index_cast %add3A_33 : i32 to index
      %swap3A_50 = arith.constant 0 : index
      %swap3A_51 = tpu.vector_load %arg8[%swap3A_49, %swap3A_50] {strides = array<i32>} : memref<320x16xf32, #tpu.memory_space<vmem>>, vector<16xf32>,
      tpu.vector_store %arg8[%swap3A_49, %swap3A_50], %mul3A_48 {strides = array<i32>} : memref<320x16xf32, #tpu.memory_space<vmem>>, vector<16xf32>,
      %mul3A_52 = arith.constant 4 : i32
      %mul3A_53 = arith.muli %mul3A_52, %scan3A_9 : i32
      %add3A_54 = arith.constant 2 : i32
      %add3A_55 = arith.addi %mul3A_53, %add3A_54 : i32
      %get3A_56 = arith.index_cast %add3A_55 : i32 to index
      %get3A_57 = arith.constant 0 : index
      %get3A_58 = tpu.vector_load %arg9[%get3A_56, %get3A_57] {strides = array<i32>} : memref<320x16xf32, #tpu.memory_space<vmem>>, vector<16xf32>,
      %get3A_59 = arith.index_cast %add3A_55 : i32 to index
      %get3A_60 = arith.constant 0 : index
      %get3A_61 = tpu.vector_load %arg6[%get3A_59, %get3A_60] {strides = array<i32>} : memref<320x16xf32, #tpu.memory_space<vmem>>, vector<16xf32>,
      %get3A_62 = arith.index_cast %add3A_55 : i32 to index
      %get3A_63 = arith.constant 0 : index
      %get3A_64 = tpu.vector_load %arg7[%get3A_62, %get3A_63] {strides = array<i32>} : memref<320x16xf32, #tpu.memory_space<vmem>>, vector<16xf32>,
      %add3A_65 = arith.addf %get3A_61, %get3A_64 : vector<16xf32>
      %get3A_66 = arith.index_cast %add3A_55 : i32 to index
      %get3A_67 = arith.constant 0 : index
      %get3A_68 = tpu.vector_load %arg8[%get3A_66, %get3A_67] {strides = array<i32>} : memref<320x16xf32, #tpu.memory_space<vmem>>, vector<16xf32>,
      %add3A_69 = arith.addf %add3A_65, %get3A_68 : vector<16xf32>
      %mul3A_70 = arith.mulf %get3A_58, %add3A_69 : vector<16xf32>
      %swap3A_71 = arith.index_cast %add3A_55 : i32 to index
      %swap3A_72 = arith.constant 0 : index
      %swap3A_73 = tpu.vector_load %arg8[%swap3A_71, %swap3A_72] {strides = array<i32>} : memref<320x16xf32, #tpu.memory_space<vmem>>, vector<16xf32>,
      tpu.vector_store %arg8[%swap3A_71, %swap3A_72], %mul3A_70 {strides = array<i32>} : memref<320x16xf32, #tpu.memory_space<vmem>>, vector<16xf32>,
      %mul3A_74 = arith.constant 4 : i32
      %mul3A_75 = arith.muli %mul3A_74, %scan3A_9 : i32
      %add3A_76 = arith.constant 3 : i32
      %add3A_77 = arith.addi %mul3A_75, %add3A_76 : i32
      %get3A_78 = arith.index_cast %add3A_77 : i32 to index
      %get3A_79 = arith.constant 0 : index
      %get3A_80 = tpu.vector_load %arg9[%get3A_78, %get3A_79] {strides = array<i32>} : memref<320x16xf32, #tpu.memory_space<vmem>>, vector<16xf32>,
      %get3A_81 = arith.index_cast %add3A_77 : i32 to index
      %get3A_82 = arith.constant 0 : index
      %get3A_83 = tpu.vector_load %arg6[%get3A_81, %get3A_82] {strides = array<i32>} : memref<320x16xf32, #tpu.memory_space<vmem>>, vector<16xf32>,
      %get3A_84 = arith.index_cast %add3A_77 : i32 to index
      %get3A_85 = arith.constant 0 : index
      %get3A_86 = tpu.vector_load %arg7[%get3A_84, %get3A_85] {strides = array<i32>} : memref<320x16xf32, #tpu.memory_space<vmem>>, vector<16xf32>,
      %add3A_87 = arith.addf %get3A_83, %get3A_86 : vector<16xf32>
      %get3A_88 = arith.index_cast %add3A_77 : i32 to index
      %get3A_89 = arith.constant 0 : index
      %get3A_90 = tpu.vector_load %arg8[%get3A_88, %get3A_89] {strides = array<i32>} : memref<320x16xf32, #tpu.memory_space<vmem>>, vector<16xf32>,
      %add3A_91 = arith.addf %add3A_87, %get3A_90 : vector<16xf32>
      %mul3A_92 = arith.mulf %get3A_80, %add3A_91 : vector<16xf32>
      %swap3A_93 = arith.index_cast %add3A_77 : i32 to index
      %swap3A_94 = arith.constant 0 : index
      %swap3A_95 = tpu.vector_load %arg8[%swap3A_93, %swap3A_94] {strides = array<i32>} : memref<320x16xf32, #tpu.memory_space<vmem>>, vector<16xf32>,
      tpu.vector_store %arg8[%swap3A_93, %swap3A_94], %mul3A_92 {strides = array<i32>} : memref<320x16xf32, #tpu.memory_space<vmem>>, vector<16xf32>,
    }
    %scan3A_8 = arith.constant 80 : i32
    "tpu.region"() ({
      %run_scoped3A_9 = tpu.sem_alloc : memref<!tpu.dma_semaphore, #tpu.memory_space<semaphore_mem>>
      %dma_start3A = arith.constant 0 : i32
      %dma_start3A_10 = tpu.memref_slice %arg5[%mul3A_2, %dma_start3A] : memref<10240x128xf32, #tpu.memory_space<hbm>> -> memref<320x16xf32, #tpu.memory_space<hbm>>
      %dma_start3A_11 = arith.constant 0 : i32
      %dma_start3A_12 = tpu.memref_slice %arg5[%mul3A_2, %dma_start3A_11] : memref<10240x128xf32, #tpu.memory_space<hbm>> -> memref<320x16xf32, #tpu.memory_space<hbm>>
      tpu.enqueue_dma source(%arg8 : memref<320x16xf32, #tpu.memory_space<vmem>>) target(%dma_start3A_12 : memref<320x16xf32, #tpu.memory_space<hbm>>) target_semaphore(%run_scoped3A_9 : memref<!tpu.dma_semaphore, #tpu.memory_space<semaphore_mem>>)
      %dma_wait3A = arith.constant 0 : i32
      %dma_wait3A_13 = tpu.memref_slice %arg5[%mul3A_2, %dma_wait3A] : memref<10240x128xf32, #tpu.memory_space<hbm>> -> memref<320x16xf32, #tpu.memory_space<hbm>>
      %dma_wait3A_14 = arith.constant 0 : i32
      %dma_wait3A_15 = tpu.memref_slice %arg5[%mul3A_2, %dma_wait3A_14] : memref<10240x128xf32, #tpu.memory_space<hbm>> -> memref<320x16xf32, #tpu.memory_space<hbm>>
      tpu.wait_dma2 semaphore(%run_scoped3A_9 : memref<!tpu.dma_semaphore, #tpu.memory_space<semaphore_mem>>) src(%arg8 : memref<320x16xf32, #tpu.memory_space<vmem>>) dst(%dma_wait3A_15 : memref<320x16xf32, #tpu.memory_space<hbm>>)
      tpu.yield
    }) : () -> ()
    return
  }
}

module attributes {stable_mosaic.version = 14 : i64} {
  func.func @body(%arg0: i32, %arg1: memref<2000x256xf32, #tpu.memory_space<vmem>>, %arg2: memref<256x128xf32, #tpu.memory_space<vmem>>, %arg3: memref<2000x128xf32, #tpu.memory_space<vmem>>) attributes {dimension_semantics = [#tpu.dimension_semantics<arbitrary>], iteration_bounds = array<i64: 5>, scalar_prefetch = 0 : i64, scratch_operands = 0 : i64, tpu.core_type = #tpu.core_type<tc>, window_params = [{transform_indices = @transform_0, window_bounds = array<i64: 2000, 256>}, {pipeline_mode = #tpu.pipeline_mode<synchronous>, transform_indices = @transform_1, window_bounds = array<i64: 256, 128>}, {transform_indices = @transform_2, window_bounds = array<i64: 2000, 128>}]} {
    %get3A = arith.constant 0 : index
    %get3A_0 = arith.constant 0 : index
    %get3A_1 = vector.load %arg1[%get3A, %get3A_0] : memref<2000x256xf32, #tpu.memory_space<vmem>>, vector<2000x256xf32>
    %get3A_2 = arith.constant 0 : index
    %get3A_3 = arith.constant 0 : index
    %get3A_4 = vector.load %arg2[%get3A_2, %get3A_3] : memref<256x128xf32, #tpu.memory_space<vmem>>, vector<256x128xf32>
    %dot_general3A = arith.constant dense<0.000000e+00> : vector<2000x128xf32>
    %dot_general3A_5 = tpu.matmul %get3A_1, %get3A_4, %dot_general3A {dimension_numbers = #tpu.dot_dimension_numbers<[1], [0], [0], [1], [0, 0, 1, 1], [], []>, transpose_lhs_hint = false} : vector<2000x256xf32>, vector<256x128xf32>, vector<2000x128xf32> -> vector<2000x128xf32>
    %swap3A = arith.constant 0 : index
    %swap3A_6 = arith.constant 0 : index
    %swap3A_7 = vector.load %arg3[%swap3A, %swap3A_6] : memref<2000x128xf32, #tpu.memory_space<vmem>>, vector<2000x128xf32>
    tpu.vector_store %arg3[%swap3A, %swap3A_6], %dot_general3A_5 {strides = array<i32>} : memref<2000x128xf32, #tpu.memory_space<vmem>>, vector<2000x128xf32>,
    return
  }
  func.func @transform_0(%arg0: i32) -> (i32, i32) {
    %c0_i32 = arith.constant 0 : i32
    %c0_i32_0 = arith.constant 0 : i32
    return %arg0, %c0_i32 : i32, i32
  }
  func.func @transform_1(%arg0: i32) -> (i32, i32) {
    %c0_i32 = arith.constant 0 : i32
    %c0_i32_0 = arith.constant 0 : i32
    %c0_i32_1 = arith.constant 0 : i32
    return %c0_i32, %c0_i32_0 : i32, i32
  }
  func.func @transform_2(%arg0: i32) -> (i32, i32) {
    %c0_i32 = arith.constant 0 : i32
    %c0_i32_0 = arith.constant 0 : i32
    return %arg0, %c0_i32 : i32, i32
  }
}

module attributes {stable_mosaic.version = 14 : i64} {
  func.func @body(%arg0: i32, %arg1: memref<2048x128xf32, #tpu.memory_space<vmem>>, %arg2: memref<16x16xf32, #tpu.memory_space<vmem>>, %arg3: memref<1x16xf32, #tpu.memory_space<vmem>>, %arg4: memref<16x2048xf32, #tpu.memory_space<vmem>>) attributes {dimension_semantics = [#tpu.dimension_semantics<arbitrary>], iteration_bounds = array<i64: 5>, scalar_prefetch = 0 : i64, scratch_operands = 0 : i64, tpu.core_type = #tpu.core_type<tc>, window_params = [{transform_indices = @transform_0, window_bounds = array<i64: 2048, 128>}, {pipeline_mode = #tpu.pipeline_mode<synchronous>, transform_indices = @transform_1, window_bounds = array<i64: 16, 16>}, {pipeline_mode = #tpu.pipeline_mode<synchronous>, transform_indices = @transform_2, window_bounds = array<i64: 1, 16>}, {transform_indices = @transform_3, window_bounds = array<i64: 16, 2048>}]} {
    %get3A = arith.constant 0 : index
    %get3A_0 = arith.constant 0 : index
    %get3A_1 = vector.load %arg1[%get3A, %get3A_0] : memref<2048x128xf32, #tpu.memory_space<vmem>>, vector<2048x16xf32>
    %get3A_2 = arith.constant 0 : index
    %get3A_3 = arith.constant 0 : index
    %get3A_4 = vector.load %arg2[%get3A_2, %get3A_3] : memref<16x16xf32, #tpu.memory_space<vmem>>, vector<16x16xf32>
    %dot_general3A = arith.constant dense<0.000000e+00> : vector<2048x16xf32>
    %dot_general3A_5 = tpu.matmul %get3A_1, %get3A_4, %dot_general3A {dimension_numbers = #tpu.dot_dimension_numbers<[1], [0], [0], [1], [0, 0, 1, 1], [], []>, transpose_lhs_hint = false} : vector<2048x16xf32>, vector<16x16xf32>, vector<2048x16xf32> -> vector<2048x16xf32>
    %get3A_6 = arith.constant 0 : index
    %get3A_7 = arith.constant 0 : index
    %get3A_8 = vector.load %arg3[%get3A_6, %get3A_7] : memref<1x16xf32, #tpu.memory_space<vmem>>, vector<1x16xf32>
    %add3A = vector.broadcast %get3A_8 : vector<1x16xf32> to vector<2048x16xf32>
    %add3A_9 = arith.addf %dot_general3A_5, %add3A : vector<2048x16xf32>
    %reduce_max3A = arith.constant dense<0xFF800000> : vector<2048xf32>
    %reduce_max3A_10 = vector.multi_reduction <maximumf>, %add3A_9, %reduce_max3A [1] : vector<2048x16xf32> to vector<2048xf32>
    %broadcast_in_dim3A = vector.shape_cast %reduce_max3A_10 : vector<2048xf32> to vector<2048x1xf32>
    %sub3A = vector.broadcast %broadcast_in_dim3A : vector<2048x1xf32> to vector<2048x16xf32>
    %sub3A_11 = arith.subf %add3A_9, %sub3A : vector<2048x16xf32>
    %exp3A = math.exp %sub3A_11 : vector<2048x16xf32>
    %reduce_sum3A = arith.constant dense<0.000000e+00> : vector<2048xf32>
    %reduce_sum3A_12 = vector.multi_reduction <add>, %exp3A, %reduce_sum3A [1] : vector<2048x16xf32> to vector<2048xf32>
    %broadcast_in_dim3A_13 = vector.shape_cast %reduce_sum3A_12 : vector<2048xf32> to vector<2048x1xf32>
    %log3A = math.log %broadcast_in_dim3A_13 : vector<2048x1xf32>
    %add3A_14 = arith.addf %log3A, %broadcast_in_dim3A : vector<2048x1xf32>
    %sub3A_15 = vector.broadcast %add3A_14 : vector<2048x1xf32> to vector<2048x16xf32>
    %sub3A_16 = arith.subf %add3A_9, %sub3A_15 : vector<2048x16xf32>
    %transpose3A = tpu.transpose %sub3A_16, [1, 0] : vector<2048x16xf32> -> vector<16x2048xf32>
    %swap3A = arith.constant 0 : index
    %swap3A_17 = arith.constant 0 : index
    %swap3A_18 = vector.load %arg4[%swap3A, %swap3A_17] : memref<16x2048xf32, #tpu.memory_space<vmem>>, vector<16x2048xf32>
    tpu.vector_store %arg4[%swap3A, %swap3A_17], %transpose3A {strides = array<i32>} : memref<16x2048xf32, #tpu.memory_space<vmem>>, vector<16x2048xf32>,
    return
  }
  func.func @transform_0(%arg0: i32) -> (i32, i32) {
    %c0_i32 = arith.constant 0 : i32
    %c0_i32_0 = arith.constant 0 : i32
    return %arg0, %c0_i32 : i32, i32
  }
  func.func @transform_1(%arg0: i32) -> (i32, i32) {
    %c0_i32 = arith.constant 0 : i32
    %c0_i32_0 = arith.constant 0 : i32
    %c0_i32_1 = arith.constant 0 : i32
    return %c0_i32, %c0_i32_0 : i32, i32
  }
  func.func @transform_2(%arg0: i32) -> (i32, i32) {
    %c0_i32 = arith.constant 0 : i32
    %c0_i32_0 = arith.constant 0 : i32
    %c0_i32_1 = arith.constant 0 : i32
    return %c0_i32, %c0_i32_0 : i32, i32
  }
  func.func @transform_3(%arg0: i32) -> (i32, i32) {
    %c0_i32 = arith.constant 0 : i32
    %c0_i32_0 = arith.constant 0 : i32
    return %c0_i32, %arg0 : i32, i32
  }
}

</mosaic_0001>

<sc_bundles>
// kernel: kernel.10.cloned.1.call-start
scs
__scs_entry_jumppad:
0x0: {  	(pc) =	sbr.rel $0x88, $3  }
0x1: {  	(tag) =	ssettag $0x0;
	lr =	simm.s32 $0x1  }
0x2: {  	[smem:$0x3F9B] =	sst lr;
	_ =	strace $0xD0000000  }
0x3: {  	_ = 	snop  }
0x4: {  	_ = 	snop  }
0x5: {  	_ = 	snop  }
0x6: {  	_ = 	snop  }
0x7: {  	_ = 	snop  }
__scs_overlays_trampoline_lowered:
0x8: {  	[smem:$0x3FAA] =	sst s0  }
0x9: {  	[smem:$0x3FAB] =	sst s1  }
0xa: {  	[smem:$0x3FAC] =	sst s2  }
0xb: {  	[smem:$0x3FAD] =	sst s3  }
0xc: {  	[smem:$0x3FAE] =	sst s4  }
0xd: {  	[smem:$0x3FAF] =	sst s5  }
0xe: {  	[smem:$0x3FB0] =	sst s6  }
0xf: {  	[smem:$0x3FB1] =	sst s7  }
0x10: {  	[smem:$0x3FB2] =	sst s8  }
0x11: {  	[smem:$0x3FB3] =	sst s9;
	s0 =	simm.s32 @!p0 $0x0  }
0x12: {  	s1 =	sld [smem:$0x3F99];
	s0 =	simm.s32 @p0 $0x1  }
0x13: {  	[smem:$0x3FB4] =	sst s0;
	s0 =	simm.s32 @!p1 $0x0  }
0x14: {  	s2 =	sld [smem:$0x3F98];
	s0 =	simm.s32 @p1 $0x1  }
0x15: {  	[smem:$0x3FB5] =	sst s0;
	s0 =	simm.s32 @!p2 $0x0  }
0x16: {  	s3 =	sld [smem:$0x3FDB];
	s0 =	simm.s32 @p2 $0x1  }
0x17: {  	s4 =	simm.s32 $0x1BF5;
	[smem:$0x3FB7] =	sst s0  }
0x18: {  	s0 =	sld [smem:$0x3F9A];
	_ =	swait.ge [sflag:s4], $0x0  }
0x19: {  	s7 =	sld [smem:$0x3F9B]  }
0x1a: {  	s8 =	sadd.s32 $0xFFFFE003, lr  }
0x1b: {  	s9 =	sadd.s32 $0xFFFFFEF7, lr;
	s5 =	simm.s32 $0xFFFFFFFF;
	p2 =	slt.u32 s8, $0xFFFFF086  }
0x1c: {  	p1 =	slt.u32 s9, $0xF7A;
	s5 =	simm.s32 @!p2 $0x0  }
0x1d: {  	s5 =	simm.s32 @p1 $0x1;
	p0 =	seq.s32 s7, s2  }
0x1e: {  	s7 =	smul.u32 @!p0 $0xF7A, s2;
	p2 =	seq.s32 @!p0 s5, $0x0  }
0x1f: {  	s9 =	smul.u32 $0xF7A, s1;
	s8 =	simm.s32 @!p0 $0x1BF5;
	p2 =	por !p2, p0  }
0x20: {  	[sflag:s8] =	ssyncset.s32 @!p0 $0xFFFFF086;
	s6 =	sadd.s32 @!p0 s3, s7;
	s7 =	simm.s32 @!p0 $0x108  }
0x21: {  	s3 =	sadd.s32 s3, s9;
	s6 =	sadd.s32 @!p0 $0x88, s6;
	s7 =	simm.s32 @p2 $0x1082  }
0x22: {  	[simem:s7], [sflag:s8] =	dma.local @!p0 [hbm:s6], $0xF7A  }
0x23: {  	s9 =	sor.u32 $0xD0000000, s2;
	s6 =	simm.s32 $0x108;
	_ =	swait.ge @!p0 [sflag:s8], $0x0  }
0x24: {  	s3 =	sadd.s32 $0x88, s3;
	s6 =	simm.s32 @!p1 $0x1082;
	[sflag:s4] =	ssyncset.s32 $0xFFFFF086  }
0x25: {  	[simem:s6], [sflag:s4] =	dma.local [hbm:s3], $0xF7A  }
0x26: {  	[smem:$0x3F9B] =	sst s1;
	(tag) =	ssettag s2;
	_ =	strace s9  }
0x27: {  	s1 =	sld [smem:$0x3FAB]  }
0x28: {  	s2 =	sld [smem:$0x3FAC]  }
0x29: {  	s4 =	sld [smem:$0x3FAE]  }
0x2a: {  	p0 =	seq.s32 s5, $0x0;
	s5 =	sld [smem:$0x3FAF]  }
0x2b: {  	s6 =	sld [smem:$0x3FB0]  }
0x2c: {  	s7 =	sld [smem:$0x3FB1]  }
0x2d: {  	s3 =	simm.s32 $0x108;
	s8 =	sld [smem:$0x3FB2]  }
0x2e: {  	s3 =	simm.s32 @!p0 $0x1082;
	s9 =	sld [smem:$0x3FB3]  }
0x2f: {  	lr =	sadd.s32 s0, s3;
	s0 =	sld [smem:$0x3FAA]  }
0x30: {  	s3 =	sld [smem:$0x3FAD]  }
0x31: {  	[smem:$0x3FB6] =	sst s10  }
0x32: {  	s10 =	sld [smem:$0x3FB4];
	_ =	sdelay $0x3  }
0x33: {  	p0 =	seq.s32 s10, $0x1;
	s10 =	sld [smem:$0x3FB6];
	_ =	sdelay $0x3  }
0x34: {  	[smem:$0x3FB6] =	sst s10  }
0x35: {  	s10 =	sld [smem:$0x3FB5];
	_ =	sdelay $0x3  }
0x36: {  	p1 =	seq.s32 s10, $0x1;
	s10 =	sld [smem:$0x3FB6];
	_ =	sdelay $0x3  }
0x37: {  	[smem:$0x3FB6] =	sst s10  }
0x38: {  	s10 =	sld [smem:$0x3FB7]  }
0x39: {  	_ = 	snop;
	(pc) =	sbr.ind lr, $3  }
0x3a: {  	_ = 	snop  }
0x3b: {  	_ = 	snop  }
0x3c: {  	p2 =	seq.s32 s10, $0x1;
	s10 =	sld [smem:$0x3FB6]  }
0x3d: {  	_ =	shalt  }
0x3e: {  	_ =	shalt  }
0x3f: {  	_ =	shalt  }
0x40: {  	_ =	shalt  }
0x41: {  	_ =	shalt  }
0x42: {  	_ =	shalt  }
0x43: {  	_ =	shalt  }
0x44: {  	_ =	shalt  }
0x45: {  	_ =	shalt  }
0x46: {  	_ =	shalt  }
0x47: {  	_ =	shalt  }
0x48: {  	_ =	shalt  }
0x49: {  	_ =	shalt  }
0x4a: {  	_ =	shalt  }
0x4b: {  	_ =	shalt  }
0x4c: {  	_ =	shalt  }
0x4d: {  	_ =	shalt  }
0x4e: {  	_ =	shalt  }
0x4f: {  	_ =	shalt  }
0x50: {  	_ =	shalt  }
0x51: {  	_ =	shalt  }
0x52: {  	_ =	shalt  }
0x53: {  	_ =	shalt  }
0x54: {  	_ =	shalt  }
0x55: {  	_ =	shalt  }
0x56: {  	_ =	shalt  }
0x57: {  	_ =	shalt  }
0x58: {  	_ =	shalt  }
0x59: {  	_ =	shalt  }
0x5a: {  	_ =	shalt  }
0x5b: {  	_ =	shalt  }
0x5c: {  	_ =	shalt  }
0x5d: {  	_ =	shalt  }
0x5e: {  	_ =	shalt  }
0x5f: {  	_ =	shalt  }
0x60: {  	_ =	shalt  }
0x61: {  	_ =	shalt  }
0x62: {  	_ =	shalt  }
0x63: {  	_ =	shalt  }
0x64: {  	_ =	shalt  }
0x65: {  	_ =	shalt  }
0x66: {  	_ =	shalt  }
0x67: {  	_ =	shalt  }
0x68: {  	_ =	shalt  }
0x69: {  	_ =	shalt  }
0x6a: {  	_ =	shalt  }
0x6b: {  	_ =	shalt  }
0x6c: {  	_ =	shalt  }
0x6d: {  	_ =	shalt  }
0x6e: {  	_ =	shalt  }
0x6f: {  	_ =	shalt  }
0x70: {  	_ =	shalt  }
0x71: {  	_ =	shalt  }
0x72: {  	_ =	shalt  }
0x73: {  	_ =	shalt  }
0x74: {  	_ =	shalt  }
0x75: {  	_ =	shalt  }
0x76: {  	_ =	shalt  }
0x77: {  	_ =	shalt  }
0x78: {  	_ =	shalt  }
0x79: {  	_ =	shalt  }
0x7a: {  	_ =	shalt  }
0x7b: {  	_ =	shalt  }
0x7c: {  	_ =	shalt  }
0x7d: {  	_ =	shalt  }
0x7e: {  	_ =	shalt  }
0x7f: {  	_ =	shalt  }
0x80: {  	_ =	shalt  }
0x81: {  	_ =	shalt  }
0x82: {  	_ =	shalt  }
0x83: {  	_ =	shalt  }
0x84: {  	_ =	shalt  }
0x85: {  	_ =	shalt  }
0x86: {  	_ =	shalt  }
0x87: {  	_ =	shalt  }
.Lfunc_end0:
.L_simem_size_0:
called_computation_lowered:
.L_overlay_start_0:
0x88: {  	s2 =	sld [smem:$0x3FD9]  }
0x89: {  	s3 =	sld [smem:$0x3FFE];
	_ =	sdelay $0x1  }
0x8a: {  	s1 =	srdreg.scid  }
0x8b: {  	s0 =	sand.u32 $0x1, s1  }
0x8c: {  	s16 =	sshll.u32 s0, $0xA;
	s2 =	sadd.s32 s3, s2  }
0x8d: {  	s2 =	sadd.s32 s2, s16  }
0x8e: {  	[smem:$0x3FC2] =	sst s2  }
0x8f: {  	_ = 	snop  }
0x90: {  	(tm) =	ssettm $0x1  }
0x91: {  	s17 =	sld [smem:$0x3FFB];
	_ =	sdelay $0x3  }
0x92: {  	_ =	strace s17  }
0x93: {  	s2 =	sld [smem:$0x3FFC];
	_ =	sdelay $0x3  }
0x94: {  	_ =	strace s2  }
0x95: {  	s2 =	sld [smem:$0x3FFD];
	_ =	sdelay $0x3  }
0x96: {  	_ =	strace s2  }
0x97: {  	_ =	strace $0x8FFFFFFF  }
0x98: {  	s18 =	sld [smem:$0x3FDB];
	_ =	sdelay $0x1  }
0x99: {  	s19 =	simm.s32 $_scs_section_size  }
0x9a: {  	s4 =	simm.s32 $_size__tile_overlayer_lowered;
	s5 =	simm.s32 $_tile_overlayer_lowered  }
0x9b: {  	s22 =	simm.s32 $0x1BFF;
	s21 =	sshll.u32 s5, $0x1;
	s2 =	sadd.s32 s19, s18  }
0x9c: {  	s6 =	simm.s32 $0x0;
	s20 =	sshll.u32 s4, $0x1;
	s4 =	sadd.s32 s21, s2  }
0x9d: {  	[timem:s6], [sflag:s22] =	dma.local [hbm:s4], s20  }
0x9e: {  	_ =	swait.ge [sflag:s22], s20  }
0x9f: {  	s3 =	ssub.s32 $0x0, s20;
	[sflag:s22] =	ssyncset.done $0x0  }
0xa0: {  	[sflag:s22] =	ssyncadd.s32 s3;
	_ =	sdelay $0x1  }
0xa1: {  	s23 =	simm.s32 $0x1B8B  }
0xa2: {  	_ =	swait.ge [sflag:s23], $0x1  }
0xa3: {  	[sflag:s23] =	ssyncset.done $0x0  }
0xa4: {  	s25 =	simm.s32 $0x1B8E;
	s24 =	sld [smem:$0x3FFE];
	[sflag:s23] =	ssyncadd.s32 $0xFFFFFFFF  }
0xa5: {  	s26 =	simm.s32 $execute0_lowered;
	[smem:$0x3FD2] =	sst s25  }
0xa6: {  	s4 =	sshll.u32 s26, $0x1;
	_ =	strace $0x80000046;
	[dreg:$0x1] =	wrdreg $0xFFFFFFFF  }
0xa7: {  	s28 =	simm.s32 $_size_execute0_lowered;
	s2 =	sadd.s32 s2, s4;
	[dreg:$0x0] =	wrdreg $0x0  }
0xa8: {  	s4 =	sshll.u32 s28, $0x1;
	[dreg:$0x2] =	wrdreg s2  }
0xa9: {  	[dreg:$0x3] =	wrdreg s4  }
0xaa: {  	[dreg:$0x4] =	wrdreg $0xC0  }
0xab: {  	_ =	task [dreg:s6], $0x5FFFF  }
0xac: {  	[dreg:$0x1] =	wrdreg $0xFFFFFFFF  }
0xad: {  	[dreg:$0x0] =	wrdreg $0x60  }
0xae: {  	[dreg:$0x2] =	wrdreg s24  }
0xaf: {  	[dreg:$0x3] =	wrdreg $0x0  }
0xb0: {  	[dreg:$0x4] =	wrdreg $0x9  }
0xb1: {  	_ =	task.clear_ibuf [dreg:s6], $0x5FFFF;
	_ =	strace $0x90000046  }
0xb2: {  	s29 =	simm.s32 $0x9;
	_ =	strace $0x80000048  }
0xb3: {  	_ =	swait.ge [sflag:s29], $0x1  }
0xb4: {  	[sflag:s29] =	ssyncadd.s32 $0xFFFFFFFF  }
0xb5: {  	_ =	strace $0x90000048  }
0xb6: {  	_ =	sfence  }
0xb7: {  	s30 =	sld [smem:$0x0];
	_ =	sdelay $0x2  }
0xb8: {  	s31 =	sshll.u32 s1, $0xD;
	s1 =	sshrl.u32 s1, $0x2  }
0xb9: {  	s3 =	sand.u32 $0x4000, s31;
	s1 =	sadd.s32 s1, s30  }
0xba: {  	s0 =	sor.u32 s3, s0;
	s1 =	sshll.u32 s1, $0x11  }
0xbb: {  	s0 =	sor.u32 s1, s0  }
0xbc: {  	s0 =	sadd.s32 $0x8F2B, s0  }
0xbd: {  	[sflag:s0] =	ssyncadd.remote.s32 $0x1  }
0xbe: {  	_ =	sfence.sel $0xFFFF  }
0xbf: {  	[dreg:$0x0] =	wrdreg $0xFFFFFFFF;
	(pc) =	sbr.abs _section_cstart, $3  }
0xc0: {  	[dreg:$0x1] =	wrdreg $0xFFFFFFFF  }
0xc1: {  	_ =	task.clear_ibuf [dreg:s6], $0x2FFFF;
	_ =	strace $0x9FFFFFFF  }
0xc2: {  	(tm) =	ssettm $0x7FFFFFFF  }
0xc3: {  	_ =	shalt  }
tec
execute0_lowered:
.L_overlay_start_1:
0x0: {  	(tag) =	ssettag $0x1  }
0x1: {  	s5 =	rddreg [dreg:$0x0]  }
0x2: {  	s0 =	srdreg.scid;
	s2 =	rddreg [dreg:$0x1]  }
0x3: {  	s3 =	simm.s32 $0x0;
	s11 =	simm.s32 $0x2;
	s12 =	simm.s32 $0x280  }
0x4: {  	s13 =	simm.s32 $0x68;
	s14 =	simm.s32 $0x2990;
	s15 =	simm.s32 $0x10  }
0x5: {  	s16 =	simm.s32 $0x2980;
	s17 =	simm.s32 $0x1;
	s18 =	simm.s32 $0x2B40  }
0x6: {  	s19 =	simm.s32 $0x0;
	s4 =	sand.u32 $0x1, s0;
	s0 =	stileid.u32  }
0x7: {  	[smem:$0x7FF] =	sst s3;
	s1 =	sshll.u32 s4, $0x4;
	s8 =	smul.u32 $0xA00, s0  }
0x8: {  	s4 =	ssub.s32 $0x2, s4;
	s9 =	smul.u32 $0x2710, s0;
	s6 =	sor.u32 s0, s1  }
0x9: {  	s1 =	rddreg [dreg:$0x2];
	_ =	strace $0x80000047;
	s7 =	smul.u32 $0x280, s6  }
0xa: {  	s10 =	sshrl.u32 s4, $0x1;
	s6 =	smul.u32 $0x500, s6;
	s30 =	sshrl.u32 s8, $0x2  }
0xb: {  	s10 =	ssub.s32 s4, s10;
	s31 =	sshrl.u32 s9, $0x3;
	s4 =	sadd.s32 s30, s2  }
0xc: {  	s8 =	smax.u32 s10, $0x1;
	s10 =	simm.s32 $0x2A00;
	s7 =	sadd.s32 s7, s5  }
0xd: {  	s5 =	sadd.s32 s5, s31;
	s6 =	sshrl.u32 s6, $0x2;
	s9 =	sadd.s32 $0x140, s4  }
0xe: {  	v0 =	vimm.f32 $0.0e+00;
	v1 =	vimm.f32 $1.000000000e+00;
	s5 =	sadd.s32 $0x7220, s5;
	s6 =	sadd.s32 s6, s2;
	s7 =	sadd.s32 $0xC200, s7  }
.LBB2_1:
0xf: {  	[tilespmem:$0x2A00] =	vst v0  }
0x10: {  	[tilespmem:$0x2A10] =	vst v0  }
0x11: {  	[tilespmem:$0x2A20] =	vst v0  }
0x12: {  	[tilespmem:$0x2A30] =	vst v0  }
0x13: {  	[tilespmem:$0x2A40] =	vst v0  }
0x14: {  	[tilespmem:$0x2A50] =	vst v0  }
0x15: {  	[tilespmem:$0x2A60] =	vst v0  }
0x16: {  	[tilespmem:$0x2A70] =	vst v0  }
0x17: {  	[tilespmem:$0x2A80] =	vst v0  }
0x18: {  	[tilespmem:$0x2A90] =	vst v0  }
0x19: {  	[tilespmem:$0x2AA0] =	vst v0  }
0x1a: {  	[tilespmem:$0x2AB0] =	vst v0  }
0x1b: {  	[tilespmem:$0x2AC0] =	vst v0  }
0x1c: {  	[tilespmem:$0x2AD0] =	vst v0  }
0x1d: {  	[tilespmem:$0x2AE0] =	vst v0  }
0x1e: {  	[tilespmem:$0x2AF0] =	vst v0  }
0x1f: {  	[tilespmem:$0x2B00] =	vst v0  }
0x20: {  	[tilespmem:$0x2B10] =	vst v0  }
0x21: {  	[tilespmem:$0x2B20] =	vst v0  }
0x22: {  	[tilespmem:$0x2B30] =	vst v0  }
0x23: {  	[spmem:s4] =	stream.linear.scatter [tilespmem:s10], [sflag:$0x2], $0x140, $0x38;
	[tilespmem:$0x3F40] =	vst v63  }
0x24: {  	_ =	swait.ge [sflag:s11], $0x140  }
0x25: {  	[sflag:s11] =	ssyncset.done $0x0  }
0x26: {  	[sflag:s11] =	ssyncadd.s32 $0xFFFFFEC0  }
0x27: {  	[spmem:s9] =	stream.linear.scatter [tilespmem:s10], [sflag:$0x2], $0x140, $0x38;
	[tilespmem:$0x3F40] =	vst v63  }
0x28: {  	_ =	swait.ge [sflag:s11], $0x140  }
0x29: {  	[sflag:s11] =	ssyncset.done $0x0  }
0x2a: {  	[sflag:s11] =	ssyncadd.s32 $0xFFFFFEC0  }
0x2b: {  	[tilespmem:$0x2990] =	vst v1  }
0x2c: {  	[tilespmem:$0x29A0] =	vst v1  }
0x2d: {  	[tilespmem:$0x29B0] =	vst v1  }
0x2e: {  	[tilespmem:$0x29C0] =	vst v1  }
0x2f: {  	[tilespmem:$0x29D0] =	vst v1  }
0x30: {  	[tilespmem:$0x29E0] =	vst v1  }
0x31: {  	[tilespmem:$0x29F0] =	vst v1  }
0x32: {  	[tilespmem:s12], [sflag:$0x2] =	stream.linear.gather [hbm4b:s5+s3], $0x2710, $0x38;
	[tilespmem:$0x3F40] =	vst v63  }
0x33: {  	_ =	swait.ge [sflag:s11], $0x2710  }
0x34: {  	[sflag:s11] =	ssyncset.done $0x0  }
0x35: {  	[sflag:s11] =	ssyncadd.s32 $0xFFFFD8F0  }
0x36: {  	s20 =	simm.s32 $0x1A0;
	s21 =	simm.s32 $0x280;
	[bflag:$0x0] =	sbarrier.arrive $0xFFFF  }
.LBB2_2:
0x37: {  	[spmem:s2] =	stream.indirect.scatter.add.f32 [tilespmem:s14], [sflag:$0x1], $0x1, s21, s13, $0xb8;
	[tilespmem:$0x3F40] =	vst v63  }
0x38: {  	s21 =	smov.u32 s20;
	p0 =	sne.s32 s20, $0x9A60  }
.Ltmp0:
0x39: {  	s20 =	sadd.s32 $0x1A0, s20;
	(pc) =	sbr.rel @p0 .LBB2_2-.Ltmp0, $3  }
0x3a: {  	_ =	sdelay $0x1  }
0x3b: {  	s21 =	sshra.s32 s21, $0x2  }
0x3c: {  	s21 =	sadd.s32 $0x280, s21  }
0x3d: {  	[spmem:s2] =	stream.indirect.scatter.add.f32 [tilespmem:s14], [sflag:$0x1], $0x1, s21, s13, $0xb8;
	[tilespmem:$0x3F40] =	vst v63  }
0x3e: {  	_ = 	snop  }
0x3f: {  	[spmem:s2] =	stream.indirect.scatter.add.f32 [tilespmem:s14], [sflag:$0x1], $0x1, s16, s15, $0xb8;
	[tilespmem:$0x3F40] =	vst v63  }
0x40: {  	_ =	swait.ge [sflag:s17], $0x68  }
0x41: {  	s20 =	simm.s32 $0x5F;
	[sflag:s17] =	ssyncset.done $0x0  }
.LBB2_4:
0x42: {  	p0 =	sne.s32 s20, $0x1;
	s20 =	sadd.s32 $0xFFFFFFFF, s20;
	[sflag:s17] =	ssyncadd.s32 $0xFFFFFF98  }
.Ltmp1:
0x43: {  	(pc) =	sbr.rel @p0 .LBB2_4-.Ltmp1, $3  }
0x44: {  	_ =	sdelay $0x1  }
0x45: {  	_ =	swait.ge [sflag:s17], $0x68  }
0x46: {  	[sflag:s17] =	ssyncset.done $0x0  }
0x47: {  	[sflag:s17] =	ssyncadd.s32 $0xFFFFFF98  }
0x48: {  	_ =	swait.ge [sflag:s17], $0x10  }
0x49: {  	[sflag:s17] =	ssyncset.done $0x0  }
0x4a: {  	[sflag:s17] =	ssyncadd.s32 $0xFFFFFFF0  }
0x4b: {  	[bflag:$0x0] =	sbarrier.arrive $0xFFFF  }
0x4c: {  	[tilespmem:s10], [sflag:$0x2] =	stream.linear.gather [spmem:s6], $0x140, $0x38;
	[tilespmem:$0x3F40] =	vst v63  }
0x4d: {  	_ =	swait.ge [sflag:s11], $0x140  }
0x4e: {  	[sflag:s11] =	ssyncset.done $0x0  }
0x4f: {  	s20 =	simm.s32 $0x0;
	s21 =	simm.s32 $0x40;
	[sflag:s11] =	ssyncadd.s32 $0xFFFFFEC0  }
.LBB2_6:
0x50: {  	p0 =	sne.s32 s21, $0x4C0;
	v2 =	vld [tilespmem:s20+$0x2A00];
	_ =	sdelay $0x4  }
0x51: {  	v2 =	vadd.f32 $1.000000000e+00, v2;
	_ =	sdelay $0x1  }
0x52: {  	v3 =	vshrl.u32 v2, $0x1;
	v2 =	vmul.f32 $5.000000000e-01, v2  }
0x53: {  	v3 =	vsub.s32 $0x5F3759DF, v3  }
0x54: {  	v4 =	vmul.f32 v3, v2;
	_ =	sdelay $0x1  }
0x55: {  	v4 =	vmul.f32 v3, v4;
	_ =	sdelay $0x1  }
0x56: {  	v4 =	vsub.f32 $1.500000000e+00, v4;
	_ =	sdelay $0x1  }
0x57: {  	v3 =	vmul.f32 v3, v4;
	_ =	sdelay $0x1  }
0x58: {  	v4 =	vmul.f32 v3, v2;
	_ =	sdelay $0x1  }
0x59: {  	v4 =	vmul.f32 v4, v3;
	_ =	sdelay $0x1  }
0x5a: {  	v4 =	vsub.f32 $1.500000000e+00, v4;
	_ =	sdelay $0x1  }
0x5b: {  	v3 =	vmul.f32 v4, v3;
	_ =	sdelay $0x1  }
0x5c: {  	v2 =	vmul.f32 v3, v2;
	_ =	sdelay $0x1  }
0x5d: {  	v2 =	vmul.f32 v2, v3;
	_ =	sdelay $0x1  }
.Ltmp2:
0x5e: {  	v2 =	vsub.f32 $1.500000000e+00, v2;
	(pc) =	sbr.rel @p0 .LBB2_6-.Ltmp2, $3  }
0x5f: {  	_ = 	snop  }
0x60: {  	v2 =	vmul.f32 v2, v3;
	_ =	sdelay $0x1  }
0x61: {  	[tilespmem:s20+$0x2A00] =	vst v2;
	s20 =	sshra.s32 s21, $0x2;
	s21 =	sadd.s32 $0x40, s21  }
0x62: {  	v2 =	vld [tilespmem:s20+$0x2A00];
	_ =	sdelay $0x4  }
0x63: {  	v2 =	vadd.f32 $1.000000000e+00, v2;
	_ =	sdelay $0x1  }
0x64: {  	v3 =	vshrl.u32 v2, $0x1;
	v2 =	vmul.f32 $5.000000000e-01, v2  }
0x65: {  	v3 =	vsub.s32 $0x5F3759DF, v3  }
0x66: {  	v4 =	vmul.f32 v3, v2;
	_ =	sdelay $0x1  }
0x67: {  	v4 =	vmul.f32 v3, v4;
	_ =	sdelay $0x1  }
0x68: {  	v4 =	vsub.f32 $1.500000000e+00, v4;
	_ =	sdelay $0x1  }
0x69: {  	v3 =	vmul.f32 v3, v4;
	_ =	sdelay $0x1  }
0x6a: {  	v4 =	vmul.f32 v3, v2;
	_ =	sdelay $0x1  }
0x6b: {  	v4 =	vmul.f32 v4, v3;
	_ =	sdelay $0x1  }
0x6c: {  	v4 =	vsub.f32 $1.500000000e+00, v4;
	_ =	sdelay $0x1  }
0x6d: {  	v3 =	vmul.f32 v4, v3;
	_ =	sdelay $0x1  }
0x6e: {  	s21 =	simm.s32 $0x0;
	v2 =	vmul.f32 v3, v2  }
0x6f: {  	v4 =	vmov s21  }
0x70: {  	v4 =	vand.u32 $0xFFFFFFFC, v4;
	v2 =	vmul.f32 v2, v3  }
0x71: {  	v4 =	vbroadcast v4, $0x0  }
0x72: {  	v2 =	vsub.f32 $1.500000000e+00, v2;
	_ =	sdelay $0x1  }
0x73: {  	s30 =	simm.s32 $0x1;
	v2 =	vmul.f32 v2, v3  }
0x74: {  	v3 =	vmov s30  }
0x75: {  	[tilespmem:s20+$0x2A00] =	vst v2;
	v2 =	vand.u32 $0xFFFFFFFD, v3  }
0x76: {  	v3 =	vld.idx.msk [tilespmem:v4+s10+$0x0], $0xffff;
	v2 =	vbroadcast v2, $0x0;
	_ =	sdelay $0x2  }
0x77: {  	s31 =	simm.s32 $0x2  }
0x78: {  	s20 =	simm.s32 $0x2B60;
	v4 =	vmov s31  }
0x79: {  	[tilespmem:s20+$0xFFFFFFE0] =	vst v3;
	v3 =	vand.u32 $0xFFFFFFFE, v4  }
0x7a: {  	v2 =	vld.idx.msk [tilespmem:v2+s10+$0x0], $0xffff;
	v3 =	vbroadcast v3, $0x0;
	_ =	sdelay $0x4  }
0x7b: {  	[tilespmem:s20+$0xFFFFFFF0] =	vst v2  }
0x7c: {  	s22 =	simm.s32 $0x3;
	v3 =	vld.idx.msk [tilespmem:v3+s10+$0x0], $0xffff  }
0x7d: {  	v2 =	vmov s22;
	_ =	sdelay $0x2  }
0x7e: {  	s23 =	simm.s32 $0x4;
	s21 =	simm.s32 $0x7;
	s22 =	simm.s32 $0xB  }
.LBB2_8:
0x7f: {  	p0 =	sne.s32 s22, $0x13F;
	v4 =	vmov s23;
	[tilespmem:s20+$0x0] =	vst v3  }
0x80: {  	v3 =	vand.u32 $0xFFFFFFFC, v4;
	v2 =	vld.idx.msk [tilespmem:v2+s10+$0x0], $0xffff  }
0x81: {  	v3 =	vbroadcast v3, $0x0;
	_ =	sdelay $0x3  }
0x82: {  	s23 =	sadd.s32 $0xFFFFFFFE, s21  }
0x83: {  	v4 =	vmov s23;
	[tilespmem:s20+$0x10] =	vst v2  }
0x84: {  	v2 =	vld.idx.msk [tilespmem:v3+s10+$0x0], $0xffff;
	v3 =	vand.u32 $0xFFFFFFFD, v4  }
0x85: {  	v3 =	vbroadcast v3, $0x0;
	_ =	sdelay $0x3  }
0x86: {  	s23 =	sadd.s32 $0xFFFFFFFF, s21;
	s20 =	sadd.s32 $0x40, s20  }
0x87: {  	[tilespmem:s20+$0xFFFFFFE0] =	vst v2;
	v2 =	vmov s23  }
0x88: {  	v3 =	vld.idx.msk [tilespmem:v3+s10+$0x0], $0xffff;
	v2 =	vand.u32 $0xFFFFFFFE, v2  }
0x89: {  	v2 =	vbroadcast v2, $0x0;
	_ =	sdelay $0x4  }
0x8a: {  	[tilespmem:s20+$0xFFFFFFF0] =	vst v3  }
0x8b: {  	v3 =	vld.idx.msk [tilespmem:v2+s10+$0x0], $0xffff  }
.Ltmp3:
0x8c: {  	(pc) =	sbr.rel @p0 .LBB2_8-.Ltmp3, $2  }
0x8d: {  	v2 =	vmov s21;
	s21 =	smov.u32 s22;
	_ =	sdelay $0x2  }
0x8e: {  	s22 =	sadd.s32 $0x4, s22;
	s23 =	sadd.s32 $0xFFFFFFFD, s21  }
0x8f: {  	_ =	sdelay $0x1  }
0x90: {  	v4 =	vmov s23  }
0x91: {  	[tilespmem:s20+$0x0] =	vst v3;
	v3 =	vand.u32 $0xFFFFFFFC, v4  }
0x92: {  	v2 =	vld.idx.msk [tilespmem:v2+s10+$0x0], $0xffff;
	v3 =	vbroadcast v3, $0x0;
	_ =	sdelay $0x2  }
0x93: {  	s22 =	sadd.s32 $0xFFFFFFFE, s21  }
0x94: {  	v62 =	vmov s22  }
0x95: {  	[tilespmem:s20+$0x10] =	vst v2;
	v2 =	vand.u32 $0xFFFFFFFD, v62  }
0x96: {  	v2 =	vbroadcast v2, $0x0;
	v3 =	vld.idx.msk [tilespmem:v3+s10+$0x0], $0xffff;
	_ =	sdelay $0x2  }
0x97: {  	s30 =	sadd.s32 $0xFFFFFFFF, s21  }
0x98: {  	s31 =	sadd.s32 $0x40, s20;
	v63 =	vmov s30  }
0x99: {  	[tilespmem:s31+$0xFFFFFFE0] =	vst v3;
	v3 =	vand.u32 $0xFFFFFFFE, v63  }
0x9a: {  	v2 =	vld.idx.msk [tilespmem:v2+s10+$0x0], $0xffff;
	v3 =	vbroadcast v3, $0x0;
	_ =	sdelay $0x4  }
0x9b: {  	[tilespmem:s31+$0xFFFFFFF0] =	vst v2  }
0x9c: {  	v2 =	vld.idx.msk [tilespmem:v3+s10+$0x0], $0xffff  }
0x9d: {  	v3 =	vmov s21;
	_ =	sdelay $0x3  }
0x9e: {  	[tilespmem:s31+$0x0] =	vst v2  }
0x9f: {  	v2 =	vld.idx.msk [tilespmem:v3+s10+$0x0], $0xffff;
	_ =	sdelay $0x2  }
0xa0: {  	s19 =	sadd.s32 $0x1, s19  }
0xa1: {  	p0 =	sne.s32 s19, s8  }
.Ltmp4:
0xa2: {  	[tilespmem:s31+$0x10] =	vst v2;
	(pc) =	sbr.rel @p0 .LBB2_1-.Ltmp4, $4  }
0xa3: {  	[hbm4b:s7+s3] =	stream.linear.scatter [tilespmem:s18], [sflag:$0x2], $0x1400, $0x38;
	[tilespmem:$0x3F40] =	vst v63  }
0xa4: {  	_ =	swait.ge [sflag:s11], $0x1400  }
0xa5: {  	[sflag:s11] =	ssyncset.done $0x0  }
0xa6: {  	[sflag:s11] =	ssyncadd.s32 $0xFFFFEC00  }
0xa7: {  	_ =	sfence.sel $0x180000  }
0xa8: {  	[bflag:$0x0] =	sbarrier.arrive $0xFFFF  }
0xa9: {  	p0 =	sne.s32 s0, $0x0;
	_ =	strace $0x90000047  }
0xaa: {  	s0 =	sadd.s32 @!p0 $0x100000, s1;
	[bflag:$0x2] =	sbarrier.arrive $0xFFFF  }
0xab: {  	[sflag:s0] =	ssyncadd.tile.s32 @!p0 $0x1;
	_ =	shalt  }
.Lfunc_end2:
_tile_overlayer_lowered:
.L_overlay_start_2:
0xac: {  	(tag) =	ssettag $0x2  }
0xad: {  	s0 =	rddreg [dreg:$0x0];
	s2 =	stileid.u32  }
0xae: {  	s1 =	rddreg [dreg:$0x1];
	p0 =	sne.s32 s2, $0x0  }
0xaf: {  	s3 =	rddreg [dreg:$0x2];
	[bflag:$0x3] =	sbarrier.arrive $0xFFFF;
	s2 =	simm.s32 @!p0 $0x1C02  }
0xb0: {  	[timem:s3], [sflag:s2] =	dma.local @!p0 [hbm:s0], s1  }
0xb1: {  	s0 =	simm.s32 @!p0 $0x2  }
0xb2: {  	_ =	swait.ge @!p0 [sflag:s0], s1  }
0xb3: {  	s1 =	ssub.s32 @!p0 $0x0, s1;
	[sflag:s0] =	ssyncset.done @!p0 $0x0  }
0xb4: {  	[sflag:s0] =	ssyncadd.s32 @!p0 s1  }
0xb5: {  	[bflag:$0x3] =	sbarrier.arrive $0xFFFF  }
0xb6: {  	_ =	shalt  }

// kernel: kernel.13.cloned.1.call-start
scs
__scs_entry_jumppad:
0x0: {  	(pc) =	sbr.rel $0x88, $3  }
0x1: {  	(tag) =	ssettag $0x0;
	lr =	simm.s32 $0x1  }
0x2: {  	[smem:$0x3F9B] =	sst lr;
	_ =	strace $0xD0000000  }
0x3: {  	_ = 	snop  }
0x4: {  	_ = 	snop  }
0x5: {  	_ = 	snop  }
0x6: {  	_ = 	snop  }
0x7: {  	_ = 	snop  }
__scs_overlays_trampoline_lowered:
0x8: {  	[smem:$0x3FAA] =	sst s0  }
0x9: {  	[smem:$0x3FAB] =	sst s1  }
0xa: {  	[smem:$0x3FAC] =	sst s2  }
0xb: {  	[smem:$0x3FAD] =	sst s3  }
0xc: {  	[smem:$0x3FAE] =	sst s4  }
0xd: {  	[smem:$0x3FAF] =	sst s5  }
0xe: {  	[smem:$0x3FB0] =	sst s6  }
0xf: {  	[smem:$0x3FB1] =	sst s7  }
0x10: {  	[smem:$0x3FB2] =	sst s8  }
0x11: {  	[smem:$0x3FB3] =	sst s9;
	s0 =	simm.s32 @!p0 $0x0  }
0x12: {  	s1 =	sld [smem:$0x3F99];
	s0 =	simm.s32 @p0 $0x1  }
0x13: {  	[smem:$0x3FB4] =	sst s0;
	s0 =	simm.s32 @!p1 $0x0  }
0x14: {  	s2 =	sld [smem:$0x3F98];
	s0 =	simm.s32 @p1 $0x1  }
0x15: {  	[smem:$0x3FB5] =	sst s0;
	s0 =	simm.s32 @!p2 $0x0  }
0x16: {  	s3 =	sld [smem:$0x3FDB];
	s0 =	simm.s32 @p2 $0x1  }
0x17: {  	s4 =	simm.s32 $0x1BF5;
	[smem:$0x3FB7] =	sst s0  }
0x18: {  	s0 =	sld [smem:$0x3F9A];
	_ =	swait.ge [sflag:s4], $0x0  }
0x19: {  	s7 =	sld [smem:$0x3F9B]  }
0x1a: {  	s8 =	sadd.s32 $0xFFFFE003, lr  }
0x1b: {  	s9 =	sadd.s32 $0xFFFFFEF7, lr;
	s5 =	simm.s32 $0xFFFFFFFF;
	p2 =	slt.u32 s8, $0xFFFFF086  }
0x1c: {  	p1 =	slt.u32 s9, $0xF7A;
	s5 =	simm.s32 @!p2 $0x0  }
0x1d: {  	s5 =	simm.s32 @p1 $0x1;
	p0 =	seq.s32 s7, s2  }
0x1e: {  	s7 =	smul.u32 @!p0 $0xF7A, s2;
	p2 =	seq.s32 @!p0 s5, $0x0  }
0x1f: {  	s9 =	smul.u32 $0xF7A, s1;
	s8 =	simm.s32 @!p0 $0x1BF5;
	p2 =	por !p2, p0  }
0x20: {  	[sflag:s8] =	ssyncset.s32 @!p0 $0xFFFFF086;
	s6 =	sadd.s32 @!p0 s3, s7;
	s7 =	simm.s32 @!p0 $0x108  }
0x21: {  	s3 =	sadd.s32 s3, s9;
	s6 =	sadd.s32 @!p0 $0x88, s6;
	s7 =	simm.s32 @p2 $0x1082  }
0x22: {  	[simem:s7], [sflag:s8] =	dma.local @!p0 [hbm:s6], $0xF7A  }
0x23: {  	s9 =	sor.u32 $0xD0000000, s2;
	s6 =	simm.s32 $0x108;
	_ =	swait.ge @!p0 [sflag:s8], $0x0  }
0x24: {  	s3 =	sadd.s32 $0x88, s3;
	s6 =	simm.s32 @!p1 $0x1082;
	[sflag:s4] =	ssyncset.s32 $0xFFFFF086  }
0x25: {  	[simem:s6], [sflag:s4] =	dma.local [hbm:s3], $0xF7A  }
0x26: {  	[smem:$0x3F9B] =	sst s1;
	(tag) =	ssettag s2;
	_ =	strace s9  }
0x27: {  	s1 =	sld [smem:$0x3FAB]  }
0x28: {  	s2 =	sld [smem:$0x3FAC]  }
0x29: {  	s4 =	sld [smem:$0x3FAE]  }
0x2a: {  	p0 =	seq.s32 s5, $0x0;
	s5 =	sld [smem:$0x3FAF]  }
0x2b: {  	s6 =	sld [smem:$0x3FB0]  }
0x2c: {  	s7 =	sld [smem:$0x3FB1]  }
0x2d: {  	s3 =	simm.s32 $0x108;
	s8 =	sld [smem:$0x3FB2]  }
0x2e: {  	s3 =	simm.s32 @!p0 $0x1082;
	s9 =	sld [smem:$0x3FB3]  }
0x2f: {  	lr =	sadd.s32 s0, s3;
	s0 =	sld [smem:$0x3FAA]  }
0x30: {  	s3 =	sld [smem:$0x3FAD]  }
0x31: {  	[smem:$0x3FB6] =	sst s10  }
0x32: {  	s10 =	sld [smem:$0x3FB4];
	_ =	sdelay $0x3  }
0x33: {  	p0 =	seq.s32 s10, $0x1;
	s10 =	sld [smem:$0x3FB6];
	_ =	sdelay $0x3  }
0x34: {  	[smem:$0x3FB6] =	sst s10  }
0x35: {  	s10 =	sld [smem:$0x3FB5];
	_ =	sdelay $0x3  }
0x36: {  	p1 =	seq.s32 s10, $0x1;
	s10 =	sld [smem:$0x3FB6];
	_ =	sdelay $0x3  }
0x37: {  	[smem:$0x3FB6] =	sst s10  }
0x38: {  	s10 =	sld [smem:$0x3FB7]  }
0x39: {  	_ = 	snop;
	(pc) =	sbr.ind lr, $3  }
0x3a: {  	_ = 	snop  }
0x3b: {  	_ = 	snop  }
0x3c: {  	p2 =	seq.s32 s10, $0x1;
	s10 =	sld [smem:$0x3FB6]  }
0x3d: {  	_ =	shalt  }
0x3e: {  	_ =	shalt  }
0x3f: {  	_ =	shalt  }
0x40: {  	_ =	shalt  }
0x41: {  	_ =	shalt  }
0x42: {  	_ =	shalt  }
0x43: {  	_ =	shalt  }
0x44: {  	_ =	shalt  }
0x45: {  	_ =	shalt  }
0x46: {  	_ =	shalt  }
0x47: {  	_ =	shalt  }
0x48: {  	_ =	shalt  }
0x49: {  	_ =	shalt  }
0x4a: {  	_ =	shalt  }
0x4b: {  	_ =	shalt  }
0x4c: {  	_ =	shalt  }
0x4d: {  	_ =	shalt  }
0x4e: {  	_ =	shalt  }
0x4f: {  	_ =	shalt  }
0x50: {  	_ =	shalt  }
0x51: {  	_ =	shalt  }
0x52: {  	_ =	shalt  }
0x53: {  	_ =	shalt  }
0x54: {  	_ =	shalt  }
0x55: {  	_ =	shalt  }
0x56: {  	_ =	shalt  }
0x57: {  	_ =	shalt  }
0x58: {  	_ =	shalt  }
0x59: {  	_ =	shalt  }
0x5a: {  	_ =	shalt  }
0x5b: {  	_ =	shalt  }
0x5c: {  	_ =	shalt  }
0x5d: {  	_ =	shalt  }
0x5e: {  	_ =	shalt  }
0x5f: {  	_ =	shalt  }
0x60: {  	_ =	shalt  }
0x61: {  	_ =	shalt  }
0x62: {  	_ =	shalt  }
0x63: {  	_ =	shalt  }
0x64: {  	_ =	shalt  }
0x65: {  	_ =	shalt  }
0x66: {  	_ =	shalt  }
0x67: {  	_ =	shalt  }
0x68: {  	_ =	shalt  }
0x69: {  	_ =	shalt  }
0x6a: {  	_ =	shalt  }
0x6b: {  	_ =	shalt  }
0x6c: {  	_ =	shalt  }
0x6d: {  	_ =	shalt  }
0x6e: {  	_ =	shalt  }
0x6f: {  	_ =	shalt  }
0x70: {  	_ =	shalt  }
0x71: {  	_ =	shalt  }
0x72: {  	_ =	shalt  }
0x73: {  	_ =	shalt  }
0x74: {  	_ =	shalt  }
0x75: {  	_ =	shalt  }
0x76: {  	_ =	shalt  }
0x77: {  	_ =	shalt  }
0x78: {  	_ =	shalt  }
0x79: {  	_ =	shalt  }
0x7a: {  	_ =	shalt  }
0x7b: {  	_ =	shalt  }
0x7c: {  	_ =	shalt  }
0x7d: {  	_ =	shalt  }
0x7e: {  	_ =	shalt  }
0x7f: {  	_ =	shalt  }
0x80: {  	_ =	shalt  }
0x81: {  	_ =	shalt  }
0x82: {  	_ =	shalt  }
0x83: {  	_ =	shalt  }
0x84: {  	_ =	shalt  }
0x85: {  	_ =	shalt  }
0x86: {  	_ =	shalt  }
0x87: {  	_ =	shalt  }
.Lfunc_end0:
.L_simem_size_0:
called_computation.1_lowered:
.L_overlay_start_0:
0x88: {  	s2 =	sld [smem:$0x3FD9]  }
0x89: {  	s3 =	sld [smem:$0x3FFE];
	_ =	sdelay $0x1  }
0x8a: {  	s1 =	srdreg.scid  }
0x8b: {  	s0 =	sand.u32 $0x1, s1  }
0x8c: {  	s16 =	sshll.u32 s0, $0xA;
	s2 =	sadd.s32 s3, s2  }
0x8d: {  	s2 =	sadd.s32 s2, s16  }
0x8e: {  	[smem:$0x3FC2] =	sst s2  }
0x8f: {  	_ = 	snop  }
0x90: {  	(tm) =	ssettm $0x1  }
0x91: {  	s17 =	sld [smem:$0x3FFB];
	_ =	sdelay $0x3  }
0x92: {  	_ =	strace s17  }
0x93: {  	s2 =	sld [smem:$0x3FFC];
	_ =	sdelay $0x3  }
0x94: {  	_ =	strace s2  }
0x95: {  	s2 =	sld [smem:$0x3FFD];
	_ =	sdelay $0x3  }
0x96: {  	_ =	strace s2  }
0x97: {  	_ =	strace $0x8FFFFFFF  }
0x98: {  	s18 =	sld [smem:$0x3FDB];
	_ =	sdelay $0x1  }
0x99: {  	s19 =	simm.s32 $_scs_section_size  }
0x9a: {  	s4 =	simm.s32 $_size__tile_overlayer_lowered;
	s5 =	simm.s32 $_tile_overlayer_lowered  }
0x9b: {  	s22 =	simm.s32 $0x1BFF;
	s21 =	sshll.u32 s5, $0x1;
	s2 =	sadd.s32 s19, s18  }
0x9c: {  	s6 =	simm.s32 $0x0;
	s20 =	sshll.u32 s4, $0x1;
	s4 =	sadd.s32 s21, s2  }
0x9d: {  	[timem:s6], [sflag:s22] =	dma.local [hbm:s4], s20  }
0x9e: {  	_ =	swait.ge [sflag:s22], s20  }
0x9f: {  	s3 =	ssub.s32 $0x0, s20;
	[sflag:s22] =	ssyncset.done $0x0  }
0xa0: {  	[sflag:s22] =	ssyncadd.s32 s3;
	_ =	sdelay $0x1  }
0xa1: {  	s23 =	simm.s32 $0x1B8B  }
0xa2: {  	_ =	swait.ge [sflag:s23], $0x1  }
0xa3: {  	[sflag:s23] =	ssyncset.done $0x0  }
0xa4: {  	s25 =	simm.s32 $0x1B8E;
	s24 =	sld [smem:$0x3FFE];
	[sflag:s23] =	ssyncadd.s32 $0xFFFFFFFF  }
0xa5: {  	s26 =	simm.s32 $execute0_lowered;
	[smem:$0x3FD2] =	sst s25  }
0xa6: {  	s4 =	sshll.u32 s26, $0x1;
	_ =	strace $0x80000049;
	[dreg:$0x1] =	wrdreg $0xFFFFFFFF  }
0xa7: {  	s28 =	simm.s32 $_size_execute0_lowered;
	s2 =	sadd.s32 s2, s4;
	[dreg:$0x0] =	wrdreg $0x0  }
0xa8: {  	s4 =	sshll.u32 s28, $0x1;
	[dreg:$0x2] =	wrdreg s2  }
0xa9: {  	[dreg:$0x3] =	wrdreg s4  }
0xaa: {  	[dreg:$0x4] =	wrdreg $0xC0  }
0xab: {  	_ =	task [dreg:s6], $0x5FFFF  }
0xac: {  	[dreg:$0x1] =	wrdreg $0xFFFFFFFF  }
0xad: {  	[dreg:$0x0] =	wrdreg $0x60  }
0xae: {  	[dreg:$0x2] =	wrdreg s24  }
0xaf: {  	[dreg:$0x3] =	wrdreg $0x9  }
0xb0: {  	_ =	task.clear_ibuf [dreg:s6], $0x4FFFF;
	_ =	strace $0x90000049  }
0xb1: {  	s29 =	simm.s32 $0x9;
	_ =	strace $0x8000004B  }
0xb2: {  	_ =	swait.ge [sflag:s29], $0x1  }
0xb3: {  	[sflag:s29] =	ssyncadd.s32 $0xFFFFFFFF  }
0xb4: {  	_ =	strace $0x9000004B  }
0xb5: {  	_ =	sfence  }
0xb6: {  	s30 =	sld [smem:$0x0];
	_ =	sdelay $0x2  }
0xb7: {  	s31 =	sshll.u32 s1, $0xD;
	s1 =	sshrl.u32 s1, $0x2  }
0xb8: {  	s3 =	sand.u32 $0x4000, s31;
	s1 =	sadd.s32 s1, s30  }
0xb9: {  	s0 =	sor.u32 s3, s0;
	s1 =	sshll.u32 s1, $0x11  }
0xba: {  	s0 =	sor.u32 s1, s0  }
0xbb: {  	s0 =	sadd.s32 $0x8F2B, s0  }
0xbc: {  	[sflag:s0] =	ssyncadd.remote.s32 $0x1  }
0xbd: {  	_ =	sfence.sel $0xFFFF  }
0xbe: {  	[dreg:$0x0] =	wrdreg $0xFFFFFFFF;
	(pc) =	sbr.abs _section_cstart, $3  }
0xbf: {  	[dreg:$0x1] =	wrdreg $0xFFFFFFFF  }
0xc0: {  	_ =	task.clear_ibuf [dreg:s6], $0x2FFFF;
	_ =	strace $0x9FFFFFFF  }
0xc1: {  	(tm) =	ssettm $0x7FFFFFFF  }
tec
execute0_lowered:
.L_overlay_start_1:
0x0: {  	(tag) =	ssettag $0x1  }
0x1: {  	s0 =	srdreg.scid  }
0x2: {  	s3 =	sand.u32 $0x1, s0  }
0x3: {  	s4 =	rddreg [dreg:$0x0];
	s0 =	stileid.u32;
	s1 =	sshll.u32 s3, $0x4  }
0x4: {  	s2 =	simm.s32 $0x0;
	s8 =	simm.s32 $0x10;
	s5 =	sor.u32 s0, s1  }
0x5: {  	s9 =	simm.s32 $0x80;
	s10 =	simm.s32 $0x1400;
	s6 =	smul.u32 $0x1400, s5  }
0x6: {  	s11 =	simm.s32 $0x0;
	[smem:$0x7FF] =	sst s2;
	s5 =	smul.u32 $0x280, s5  }
0x7: {  	s3 =	ssub.s32 $0x2, s3;
	s1 =	rddreg [dreg:$0x1];
	_ =	strace $0x8000004A  }
0x8: {  	s7 =	sshrl.u32 s3, $0x1;
	s6 =	sadd.s32 s6, s4;
	s5 =	sadd.s32 s5, s4  }
0x9: {  	s7 =	ssub.s32 s3, s7;
	s3 =	sadd.s32 $0xC200, s5;
	s4 =	sadd.s32 $0x11200, s6  }
0xa: {  	s5 =	sadd.s32 $0x39200, s5;
	s6 =	smax.u32 s7, $0x1;
	s7 =	simm.s32 $0x1  }
.LBB2_1:
0xb: {  	[tilespmem:s2], [sflag:$0x1] =	stream.linear.gather [hbm4b:s3+s2], $0x1400, $0x38;
	[tilespmem:$0x2800] =	vst v63  }
0xc: {  	_ =	swait.ge [sflag:s7], $0x1400  }
0xd: {  	[sflag:s7] =	ssyncset.done $0x0  }
0xe: {  	[sflag:s7] =	ssyncadd.s32 $0xFFFFEC00  }
0xf: {  	[tilespmem:s10], [sflag:$0x1] =	stream.strided.gather [hbm4b:s4+s8], $0x1400, s9, s8, $0x38;
	[tilespmem:$0x2800] =	vst v63  }
0x10: {  	_ =	swait.ge [sflag:s7], $0x1400  }
0x11: {  	[sflag:s7] =	ssyncset.done $0x0  }
0x12: {  	s12 =	simm.s32 $0x0;
	[sflag:s7] =	ssyncadd.s32 $0xFFFFEC00  }
0x13: {  	v5 =	vld [tilespmem:s12+$0x0]  }
0x14: {  	v6 =	vld [tilespmem:s12+$0x10]  }
0x15: {  	v1 =	vld [tilespmem:s12+$0x20]  }
0x16: {  	v0 =	vld [tilespmem:s12+$0x30]  }
0x17: {  	v2 =	vld [tilespmem:s12+$0x1400]  }
0x18: {  	v4 =	vld [tilespmem:s12+$0x1410]  }
0x19: {  	s13 =	simm.s32 $0x100;
	v3 =	vld [tilespmem:s12+$0x1420]  }
.LBB2_2:
0x1a: {  	s14 =	sshra.s32 s13, $0x2;
	p0 =	sne.s32 s13, $0x4F00;
	v7 =	vld [tilespmem:s12+$0x1430];
	v8 =	vmov v1  }
0x1b: {  	v9 =	vld [tilespmem:s14+$0x0];
	v10 =	vmov v0  }
0x1c: {  	v11 =	vld [tilespmem:s14+$0x10];
	v2 =	vmul.f32 v2, v5  }
.Ltmp0:
0x1d: {  	v1 =	vld [tilespmem:s14+$0x20];
	v4 =	vmul.f32 v4, v6;
	(pc) =	sbr.rel @p0 .LBB2_2-.Ltmp0, $4  }
0x1e: {  	v0 =	vld [tilespmem:s14+$0x30];
	[tilespmem:s12+$0x1400] =	vst v2;
	v3 =	vmul.f32 v3, v8  }
0x1f: {  	v2 =	vld [tilespmem:s14+$0x1400];
	[tilespmem:s12+$0x1410] =	vst v4;
	v7 =	vmul.f32 v7, v10  }
0x20: {  	v4 =	vld [tilespmem:s14+$0x1410];
	[tilespmem:s12+$0x1420] =	vst v3;
	v5 =	vmov v9  }
0x21: {  	s13 =	sadd.s32 $0x100, s13;
	v3 =	vld [tilespmem:s14+$0x1420];
	[tilespmem:s12+$0x1430] =	vst v7;
	v6 =	vmov v11;
	s12 =	smov.u32 s14  }
0x22: {  	v7 =	vld [tilespmem:s12+$0x1430];
	_ =	sdelay $0x1  }
0x23: {  	v2 =	vmul.f32 v2, v5  }
0x24: {  	v4 =	vmul.f32 v4, v6  }
0x25: {  	[tilespmem:s12+$0x1400] =	vst v2;
	v1 =	vmul.f32 v3, v1  }
0x26: {  	s11 =	sadd.s32 $0x1, s11;
	[tilespmem:s12+$0x1410] =	vst v4;
	v0 =	vmul.f32 v7, v0  }
0x27: {  	p0 =	sne.s32 s11, s6;
	[tilespmem:s12+$0x1420] =	vst v1  }
.Ltmp1:
0x28: {  	[tilespmem:s12+$0x1430] =	vst v0;
	(pc) =	sbr.rel @p0 .LBB2_1-.Ltmp1, $4  }
0x29: {  	[hbm4b:s5+s2] =	stream.linear.scatter [tilespmem:s10], [sflag:$0x1], $0x1400, $0x38;
	[tilespmem:$0x2800] =	vst v63  }
0x2a: {  	_ =	swait.ge [sflag:s7], $0x1400  }
0x2b: {  	[sflag:s7] =	ssyncset.done $0x0  }
0x2c: {  	[sflag:s7] =	ssyncadd.s32 $0xFFFFEC00  }
0x2d: {  	_ =	sfence.sel $0x180000  }
0x2e: {  	[bflag:$0x0] =	sbarrier.arrive $0xFFFF  }
0x2f: {  	p0 =	sne.s32 s0, $0x0;
	_ =	strace $0x9000004A  }
0x30: {  	s0 =	sadd.s32 @!p0 $0x100000, s1;
	[bflag:$0x2] =	sbarrier.arrive $0xFFFF  }
0x31: {  	[sflag:s0] =	ssyncadd.tile.s32 @!p0 $0x1;
	_ =	shalt  }
.Lfunc_end2:
_tile_overlayer_lowered:
.L_overlay_start_2:
0x32: {  	(tag) =	ssettag $0x2  }
0x33: {  	s0 =	rddreg [dreg:$0x0];
	s2 =	stileid.u32  }
0x34: {  	s1 =	rddreg [dreg:$0x1];
	p0 =	sne.s32 s2, $0x0  }
0x35: {  	s3 =	rddreg [dreg:$0x2];
	[bflag:$0x3] =	sbarrier.arrive $0xFFFF;
	s2 =	simm.s32 @!p0 $0x1C01  }
0x36: {  	[timem:s3], [sflag:s2] =	dma.local @!p0 [hbm:s0], s1  }
0x37: {  	s0 =	simm.s32 @!p0 $0x1  }
0x38: {  	_ =	swait.ge @!p0 [sflag:s0], s1  }
0x39: {  	s1 =	ssub.s32 @!p0 $0x0, s1;
	[sflag:s0] =	ssyncset.done @!p0 $0x0  }
0x3a: {  	[sflag:s0] =	ssyncadd.s32 @!p0 s1  }
0x3b: {  	[bflag:$0x3] =	sbarrier.arrive $0xFFFF  }
0x3c: {  	_ =	shalt  }

// kernel: kernel.16.cloned.1.call-start
scs
__scs_entry_jumppad:
0x0: {  	(pc) =	sbr.rel $0x88, $3  }
0x1: {  	(tag) =	ssettag $0x0;
	lr =	simm.s32 $0x1  }
0x2: {  	[smem:$0x3F9B] =	sst lr;
	_ =	strace $0xD0000000  }
0x3: {  	_ = 	snop  }
0x4: {  	_ = 	snop  }
0x5: {  	_ = 	snop  }
0x6: {  	_ = 	snop  }
0x7: {  	_ = 	snop  }
__scs_overlays_trampoline_lowered:
0x8: {  	[smem:$0x3FAA] =	sst s0  }
0x9: {  	[smem:$0x3FAB] =	sst s1  }
0xa: {  	[smem:$0x3FAC] =	sst s2  }
0xb: {  	[smem:$0x3FAD] =	sst s3  }
0xc: {  	[smem:$0x3FAE] =	sst s4  }
0xd: {  	[smem:$0x3FAF] =	sst s5  }
0xe: {  	[smem:$0x3FB0] =	sst s6  }
0xf: {  	[smem:$0x3FB1] =	sst s7  }
0x10: {  	[smem:$0x3FB2] =	sst s8  }
0x11: {  	[smem:$0x3FB3] =	sst s9;
	s0 =	simm.s32 @!p0 $0x0  }
0x12: {  	s1 =	sld [smem:$0x3F99];
	s0 =	simm.s32 @p0 $0x1  }
0x13: {  	[smem:$0x3FB4] =	sst s0;
	s0 =	simm.s32 @!p1 $0x0  }
0x14: {  	s2 =	sld [smem:$0x3F98];
	s0 =	simm.s32 @p1 $0x1  }
0x15: {  	[smem:$0x3FB5] =	sst s0;
	s0 =	simm.s32 @!p2 $0x0  }
0x16: {  	s3 =	sld [smem:$0x3FDB];
	s0 =	simm.s32 @p2 $0x1  }
0x17: {  	s4 =	simm.s32 $0x1BF5;
	[smem:$0x3FB7] =	sst s0  }
0x18: {  	s0 =	sld [smem:$0x3F9A];
	_ =	swait.ge [sflag:s4], $0x0  }
0x19: {  	s7 =	sld [smem:$0x3F9B]  }
0x1a: {  	s8 =	sadd.s32 $0xFFFFE003, lr  }
0x1b: {  	s9 =	sadd.s32 $0xFFFFFEF7, lr;
	s5 =	simm.s32 $0xFFFFFFFF;
	p2 =	slt.u32 s8, $0xFFFFF086  }
0x1c: {  	p1 =	slt.u32 s9, $0xF7A;
	s5 =	simm.s32 @!p2 $0x0  }
0x1d: {  	s5 =	simm.s32 @p1 $0x1;
	p0 =	seq.s32 s7, s2  }
0x1e: {  	s7 =	smul.u32 @!p0 $0xF7A, s2;
	p2 =	seq.s32 @!p0 s5, $0x0  }
0x1f: {  	s9 =	smul.u32 $0xF7A, s1;
	s8 =	simm.s32 @!p0 $0x1BF5;
	p2 =	por !p2, p0  }
0x20: {  	[sflag:s8] =	ssyncset.s32 @!p0 $0xFFFFF086;
	s6 =	sadd.s32 @!p0 s3, s7;
	s7 =	simm.s32 @!p0 $0x108  }
0x21: {  	s3 =	sadd.s32 s3, s9;
	s6 =	sadd.s32 @!p0 $0x88, s6;
	s7 =	simm.s32 @p2 $0x1082  }
0x22: {  	[simem:s7], [sflag:s8] =	dma.local @!p0 [hbm:s6], $0xF7A  }
0x23: {  	s9 =	sor.u32 $0xD0000000, s2;
	s6 =	simm.s32 $0x108;
	_ =	swait.ge @!p0 [sflag:s8], $0x0  }
0x24: {  	s3 =	sadd.s32 $0x88, s3;
	s6 =	simm.s32 @!p1 $0x1082;
	[sflag:s4] =	ssyncset.s32 $0xFFFFF086  }
0x25: {  	[simem:s6], [sflag:s4] =	dma.local [hbm:s3], $0xF7A  }
0x26: {  	[smem:$0x3F9B] =	sst s1;
	(tag) =	ssettag s2;
	_ =	strace s9  }
0x27: {  	s1 =	sld [smem:$0x3FAB]  }
0x28: {  	s2 =	sld [smem:$0x3FAC]  }
0x29: {  	s4 =	sld [smem:$0x3FAE]  }
0x2a: {  	p0 =	seq.s32 s5, $0x0;
	s5 =	sld [smem:$0x3FAF]  }
0x2b: {  	s6 =	sld [smem:$0x3FB0]  }
0x2c: {  	s7 =	sld [smem:$0x3FB1]  }
0x2d: {  	s3 =	simm.s32 $0x108;
	s8 =	sld [smem:$0x3FB2]  }
0x2e: {  	s3 =	simm.s32 @!p0 $0x1082;
	s9 =	sld [smem:$0x3FB3]  }
0x2f: {  	lr =	sadd.s32 s0, s3;
	s0 =	sld [smem:$0x3FAA]  }
0x30: {  	s3 =	sld [smem:$0x3FAD]  }
0x31: {  	[smem:$0x3FB6] =	sst s10  }
0x32: {  	s10 =	sld [smem:$0x3FB4];
	_ =	sdelay $0x3  }
0x33: {  	p0 =	seq.s32 s10, $0x1;
	s10 =	sld [smem:$0x3FB6];
	_ =	sdelay $0x3  }
0x34: {  	[smem:$0x3FB6] =	sst s10  }
0x35: {  	s10 =	sld [smem:$0x3FB5];
	_ =	sdelay $0x3  }
0x36: {  	p1 =	seq.s32 s10, $0x1;
	s10 =	sld [smem:$0x3FB6];
	_ =	sdelay $0x3  }
0x37: {  	[smem:$0x3FB6] =	sst s10  }
0x38: {  	s10 =	sld [smem:$0x3FB7]  }
0x39: {  	_ = 	snop;
	(pc) =	sbr.ind lr, $3  }
0x3a: {  	_ = 	snop  }
0x3b: {  	_ = 	snop  }
0x3c: {  	p2 =	seq.s32 s10, $0x1;
	s10 =	sld [smem:$0x3FB6]  }
0x3d: {  	_ =	shalt  }
0x3e: {  	_ =	shalt  }
0x3f: {  	_ =	shalt  }
0x40: {  	_ =	shalt  }
0x41: {  	_ =	shalt  }
0x42: {  	_ =	shalt  }
0x43: {  	_ =	shalt  }
0x44: {  	_ =	shalt  }
0x45: {  	_ =	shalt  }
0x46: {  	_ =	shalt  }
0x47: {  	_ =	shalt  }
0x48: {  	_ =	shalt  }
0x49: {  	_ =	shalt  }
0x4a: {  	_ =	shalt  }
0x4b: {  	_ =	shalt  }
0x4c: {  	_ =	shalt  }
0x4d: {  	_ =	shalt  }
0x4e: {  	_ =	shalt  }
0x4f: {  	_ =	shalt  }
0x50: {  	_ =	shalt  }
0x51: {  	_ =	shalt  }
0x52: {  	_ =	shalt  }
0x53: {  	_ =	shalt  }
0x54: {  	_ =	shalt  }
0x55: {  	_ =	shalt  }
0x56: {  	_ =	shalt  }
0x57: {  	_ =	shalt  }
0x58: {  	_ =	shalt  }
0x59: {  	_ =	shalt  }
0x5a: {  	_ =	shalt  }
0x5b: {  	_ =	shalt  }
0x5c: {  	_ =	shalt  }
0x5d: {  	_ =	shalt  }
0x5e: {  	_ =	shalt  }
0x5f: {  	_ =	shalt  }
0x60: {  	_ =	shalt  }
0x61: {  	_ =	shalt  }
0x62: {  	_ =	shalt  }
0x63: {  	_ =	shalt  }
0x64: {  	_ =	shalt  }
0x65: {  	_ =	shalt  }
0x66: {  	_ =	shalt  }
0x67: {  	_ =	shalt  }
0x68: {  	_ =	shalt  }
0x69: {  	_ =	shalt  }
0x6a: {  	_ =	shalt  }
0x6b: {  	_ =	shalt  }
0x6c: {  	_ =	shalt  }
0x6d: {  	_ =	shalt  }
0x6e: {  	_ =	shalt  }
0x6f: {  	_ =	shalt  }
0x70: {  	_ =	shalt  }
0x71: {  	_ =	shalt  }
0x72: {  	_ =	shalt  }
0x73: {  	_ =	shalt  }
0x74: {  	_ =	shalt  }
0x75: {  	_ =	shalt  }
0x76: {  	_ =	shalt  }
0x77: {  	_ =	shalt  }
0x78: {  	_ =	shalt  }
0x79: {  	_ =	shalt  }
0x7a: {  	_ =	shalt  }
0x7b: {  	_ =	shalt  }
0x7c: {  	_ =	shalt  }
0x7d: {  	_ =	shalt  }
0x7e: {  	_ =	shalt  }
0x7f: {  	_ =	shalt  }
0x80: {  	_ =	shalt  }
0x81: {  	_ =	shalt  }
0x82: {  	_ =	shalt  }
0x83: {  	_ =	shalt  }
0x84: {  	_ =	shalt  }
0x85: {  	_ =	shalt  }
0x86: {  	_ =	shalt  }
0x87: {  	_ =	shalt  }
.Lfunc_end0:
.L_simem_size_0:
called_computation.2_lowered:
.L_overlay_start_0:
0x88: {  	s2 =	sld [smem:$0x3FD9]  }
0x89: {  	s3 =	sld [smem:$0x3FFE];
	_ =	sdelay $0x1  }
0x8a: {  	s1 =	srdreg.scid  }
0x8b: {  	s0 =	sand.u32 $0x1, s1  }
0x8c: {  	s16 =	sshll.u32 s0, $0xA;
	s2 =	sadd.s32 s3, s2  }
0x8d: {  	s2 =	sadd.s32 s2, s16  }
0x8e: {  	[smem:$0x3FC2] =	sst s2  }
0x8f: {  	_ = 	snop  }
0x90: {  	(tm) =	ssettm $0x1  }
0x91: {  	s17 =	sld [smem:$0x3FFB];
	_ =	sdelay $0x3  }
0x92: {  	_ =	strace s17  }
0x93: {  	s2 =	sld [smem:$0x3FFC];
	_ =	sdelay $0x3  }
0x94: {  	_ =	strace s2  }
0x95: {  	s2 =	sld [smem:$0x3FFD];
	_ =	sdelay $0x3  }
0x96: {  	_ =	strace s2  }
0x97: {  	_ =	strace $0x8FFFFFFF  }
0x98: {  	s18 =	sld [smem:$0x3FDB];
	_ =	sdelay $0x1  }
0x99: {  	s19 =	simm.s32 $_scs_section_size  }
0x9a: {  	s4 =	simm.s32 $_size__tile_overlayer_lowered;
	s5 =	simm.s32 $_tile_overlayer_lowered  }
0x9b: {  	s22 =	simm.s32 $0x1BFF;
	s21 =	sshll.u32 s5, $0x1;
	s2 =	sadd.s32 s19, s18  }
0x9c: {  	s6 =	simm.s32 $0x0;
	s20 =	sshll.u32 s4, $0x1;
	s4 =	sadd.s32 s21, s2  }
0x9d: {  	[timem:s6], [sflag:s22] =	dma.local [hbm:s4], s20  }
0x9e: {  	_ =	swait.ge [sflag:s22], s20  }
0x9f: {  	s3 =	ssub.s32 $0x0, s20;
	[sflag:s22] =	ssyncset.done $0x0  }
0xa0: {  	[sflag:s22] =	ssyncadd.s32 s3;
	_ =	sdelay $0x1  }
0xa1: {  	s23 =	simm.s32 $0x1B8B  }
0xa2: {  	_ =	swait.ge [sflag:s23], $0x1  }
0xa3: {  	[sflag:s23] =	ssyncset.done $0x0  }
0xa4: {  	s25 =	simm.s32 $0x1B8E;
	s24 =	sld [smem:$0x3FFE];
	[sflag:s23] =	ssyncadd.s32 $0xFFFFFFFF  }
0xa5: {  	s26 =	simm.s32 $execute0_lowered;
	[smem:$0x3FD2] =	sst s25  }
0xa6: {  	s4 =	sshll.u32 s26, $0x1;
	_ =	strace $0x8000004C;
	[dreg:$0x1] =	wrdreg $0xFFFFFFFF  }
0xa7: {  	s28 =	simm.s32 $_size_execute0_lowered;
	s2 =	sadd.s32 s2, s4;
	[dreg:$0x0] =	wrdreg $0x0  }
0xa8: {  	s4 =	sshll.u32 s28, $0x1;
	[dreg:$0x2] =	wrdreg s2  }
0xa9: {  	[dreg:$0x3] =	wrdreg s4  }
0xaa: {  	[dreg:$0x4] =	wrdreg $0xC0  }
0xab: {  	_ =	task [dreg:s6], $0x5FFFF  }
0xac: {  	[dreg:$0x1] =	wrdreg $0xFFFFFFFF  }
0xad: {  	[dreg:$0x0] =	wrdreg $0x60  }
0xae: {  	[dreg:$0x2] =	wrdreg s24  }
0xaf: {  	[dreg:$0x3] =	wrdreg $0x0  }
0xb0: {  	[dreg:$0x4] =	wrdreg $0x9  }
0xb1: {  	_ =	task.clear_ibuf [dreg:s6], $0x5FFFF;
	_ =	strace $0x9000004C  }
0xb2: {  	s29 =	simm.s32 $0x9;
	_ =	strace $0x8000004E  }
0xb3: {  	_ =	swait.ge [sflag:s29], $0x1  }
0xb4: {  	[sflag:s29] =	ssyncadd.s32 $0xFFFFFFFF  }
0xb5: {  	_ =	strace $0x9000004E  }
0xb6: {  	_ =	sfence  }
0xb7: {  	s30 =	sld [smem:$0x0];
	_ =	sdelay $0x2  }
0xb8: {  	s31 =	sshll.u32 s1, $0xD;
	s1 =	sshrl.u32 s1, $0x2  }
0xb9: {  	s3 =	sand.u32 $0x4000, s31;
	s1 =	sadd.s32 s1, s30  }
0xba: {  	s0 =	sor.u32 s3, s0;
	s1 =	sshll.u32 s1, $0x11  }
0xbb: {  	s0 =	sor.u32 s1, s0  }
0xbc: {  	s0 =	sadd.s32 $0x8F2B, s0  }
0xbd: {  	[sflag:s0] =	ssyncadd.remote.s32 $0x1  }
0xbe: {  	_ =	sfence.sel $0xFFFF  }
0xbf: {  	[dreg:$0x0] =	wrdreg $0xFFFFFFFF;
	(pc) =	sbr.abs _section_cstart, $3  }
0xc0: {  	[dreg:$0x1] =	wrdreg $0xFFFFFFFF  }
0xc1: {  	_ =	task.clear_ibuf [dreg:s6], $0x2FFFF;
	_ =	strace $0x9FFFFFFF  }
0xc2: {  	(tm) =	ssettm $0x7FFFFFFF  }
0xc3: {  	_ =	shalt  }
tec
execute0_lowered:
.L_overlay_start_1:
0x0: {  	(tag) =	ssettag $0x1  }
0x1: {  	s0 =	srdreg.scid;
	s3 =	rddreg [dreg:$0x0]  }
0x2: {  	s4 =	stileid.u32;
	s2 =	rddreg [dreg:$0x1];
	s6 =	simm.s32 $0x0  }
0x3: {  	s14 =	simm.s32 $0x68;
	s29 =	simm.s32 $0x0;
	s21 =	simm.s32 $0x3B88  }
0x4: {  	s30 =	simm.s32 $0x6910;
	s23 =	simm.s32 $0x7610;
	s28 =	simm.s32 $0x8310  }
0x5: {  	s19 =	simm.s32 $0x8990;
	s16 =	simm.s32 $0xB710;
	s18 =	simm.s32 $0xBD90  }
0x6: {  	s20 =	simm.s32 $0xC410;
	s22 =	simm.s32 $0xCA90;
	s0 =	sand.u32 $0x1, s0  }
0x7: {  	s24 =	simm.s32 $0xD110;
	s5 =	smul.u32 $0x2800, s4;
	s1 =	sshll.u32 s0, $0x4  }
0x8: {  	[smem:$0x7FF] =	sst s6;
	s25 =	smul.u32 $0x28000, s0;
	s1 =	sor.u32 s4, s1  }
0x9: {  	_ =	strace $0x8000004D;
	s0 =	ssub.s32 $0x2, s0;
	s1 =	smul.u32 $0x1388, s1  }
0xa: {  	s4 =	sadd.s32 $0x39200, s3;
	s7 =	sshrl.u32 s0, $0x1;
	s6 =	sadd.s32 s5, s25  }
0xb: {  	s0 =	ssub.s32 s0, s7;
	s5 =	sadd.s32 s5, s2;
	s1 =	sshrl.u32 s1, $0x3  }
0xc: {  	[dreg:$0x7] =	wrdreg s5;
	s0 =	smax.u32 s0, $0x1;
	s1 =	sadd.s32 s1, s3  }
0xd: {  	s6 =	sshrl.u32 s6, $0x3;
	[dreg:$0x6] =	wrdreg s0;
	s26 =	sadd.s32 $0x2400, s1  }
0xe: {  	s3 =	sadd.s32 s6, s3;
	s1 =	sadd.s32 $0x7220, s1;
	[dreg:$0x3] =	wrdreg s26  }
0xf: {  	s25 =	simm.s32 $0x6290;
	s31 =	sadd.s32 $0x11200, s3;
	[dreg:$0x4] =	wrdreg s1  }
0x10: {  	v0 =	vimm.f32 $0.0e+00;
	[dreg:$0x5] =	wrdreg s31;
	s1 =	simm.s32 $0x9;
	s26 =	simm.s32 $0xD790  }
.LBB2_1:
0x11: {  	s0 =	simm.s32 $0x100;
	s31 =	simm.s32 $0x0  }
.LBB2_2:
0x12: {  	p0 =	sne.s32 s0, $0x9F00;
	[tilespmem:s31+$0x4F40] =	vst v0;
	s17 =	smov.u32 s0;
	s0 =	sadd.s32 $0x100, s0  }
.Ltmp0:
0x13: {  	[tilespmem:s31+$0x4F30] =	vst v0;
	(pc) =	sbr.rel @p0 .LBB2_2-.Ltmp0, $3  }
0x14: {  	[tilespmem:s31+$0x4F10] =	vst v0  }
0x15: {  	[tilespmem:s31+$0x4F20] =	vst v0;
	_ =	sdelay $0x1  }
0x16: {  	s31 =	sshra.s32 s17, $0x2  }
0x17: {  	[tilespmem:s31+$0x4F40] =	vst v0  }
0x18: {  	[tilespmem:s31+$0x4F30] =	vst v0  }
0x19: {  	[tilespmem:s31+$0x4F10] =	vst v0  }
0x1a: {  	[tilespmem:s31+$0x4F20] =	vst v0;
	s5 =	simm.s32 $0x4F10;
	s0 =	rddreg [dreg:$0x7]  }
0x1b: {  	[spmem:s0] =	stream.linear.scatter [tilespmem:s5], [sflag:$0x9], $0x2800, $0x38;
	[tilespmem:$0x18790] =	vst v63  }
0x1c: {  	_ =	swait.ge [sflag:s1], $0x2800  }
0x1d: {  	s9 =	simm.s32 $0x0;
	[sflag:s1] =	ssyncset.done $0x0  }
0x1e: {  	s10 =	simm.s32 $0x2800;
	s17 =	rddreg [dreg:$0x3];
	[sflag:s1] =	ssyncadd.s32 $0xFFFFD800  }
0x1f: {  	[tilespmem:s10], [sflag:$0x9] =	stream.linear.gather [hbm4b:s17+s9], $0x1388, $0x38;
	[tilespmem:$0x18790] =	vst v63  }
0x20: {  	_ =	swait.ge [sflag:s1], $0x1388  }
0x21: {  	[sflag:s1] =	ssyncset.done $0x0  }
0x22: {  	s11 =	rddreg [dreg:$0x4];
	[sflag:s1] =	ssyncadd.s32 $0xFFFFEC78  }
0x23: {  	[tilespmem:s21], [sflag:$0x9] =	stream.linear.gather [hbm4b:s11+s9], $0x1388, $0x38;
	[tilespmem:$0x18790] =	vst v63  }
0x24: {  	_ =	swait.ge [sflag:s1], $0x1388  }
0x25: {  	[sflag:s1] =	ssyncset.done $0x0  }
0x26: {  	[sflag:s1] =	ssyncadd.s32 $0xFFFFEC78  }
0x27: {  	[bflag:$0x0] =	sbarrier.arrive $0xFFFF  }
0x28: {  	[tilespmem:s5], [sflag:$0x1] =	stream.indirect.gather [hbm4b:s4+s14], $0x10, s10, s14, $0xb8;
	[tilespmem:$0x18790] =	vst v63  }
0x29: {  	s12 =	simm.s32 $0x2868;
	s17 =	simm.s32 $0x5590  }
0x2a: {  	[tilespmem:s17], [sflag:$0x1] =	stream.indirect.gather [hbm4b:s4+s14], $0x10, s12, s14, $0xb8;
	[tilespmem:$0x18790] =	vst v63  }
0x2b: {  	s13 =	simm.s32 $0x28D0;
	s31 =	simm.s32 $0x5C10  }
0x2c: {  	[tilespmem:s31], [sflag:$0x1] =	stream.indirect.gather [hbm4b:s4+s14], $0x10, s13, s14, $0xb8;
	[tilespmem:$0x18790] =	vst v63  }
0x2d: {  	s15 =	simm.s32 $0x2938  }
0x2e: {  	[tilespmem:s25], [sflag:$0x1] =	stream.indirect.gather [hbm4b:s4+s14], $0x10, s15, s14, $0xb8;
	[tilespmem:$0x18790] =	vst v63  }
0x2f: {  	s3 =	simm.s32 $0x29A0  }
0x30: {  	[tilespmem:s30], [sflag:$0x1] =	stream.indirect.gather [hbm4b:s4+s14], $0x10, s3, s14, $0xb8;
	[tilespmem:$0x18790] =	vst v63  }
0x31: {  	s6 =	simm.s32 $0x2A08;
	s15 =	simm.s32 $0x6F90  }
0x32: {  	[tilespmem:s15], [sflag:$0x1] =	stream.indirect.gather [hbm4b:s4+s14], $0x10, s6, s14, $0xb8;
	[tilespmem:$0x18790] =	vst v63  }
0x33: {  	s7 =	simm.s32 $0x2A70  }
0x34: {  	[tilespmem:s23], [sflag:$0x2] =	stream.indirect.gather [hbm4b:s4+s14], $0x10, s7, s14, $0xb8;
	[tilespmem:$0x18790] =	vst v63  }
0x35: {  	s8 =	simm.s32 $0x2AD8;
	s7 =	simm.s32 $0x7C90  }
0x36: {  	[tilespmem:s7], [sflag:$0x2] =	stream.indirect.gather [hbm4b:s4+s14], $0x10, s8, s14, $0xb8;
	[tilespmem:$0x18790] =	vst v63  }
0x37: {  	s9 =	simm.s32 $0x2B40  }
0x38: {  	[tilespmem:s28], [sflag:$0x2] =	stream.indirect.gather [hbm4b:s4+s14], $0x10, s9, s14, $0xb8;
	[tilespmem:$0x18790] =	vst v63  }
0x39: {  	s10 =	simm.s32 $0x2BA8  }
0x3a: {  	[tilespmem:s19], [sflag:$0x2] =	stream.indirect.gather [hbm4b:s4+s14], $0x10, s10, s14, $0xb8;
	[tilespmem:$0x18790] =	vst v63  }
0x3b: {  	s11 =	simm.s32 $0x2C10;
	s3 =	simm.s32 $0x9010  }
0x3c: {  	[tilespmem:s3], [sflag:$0x2] =	stream.indirect.gather [hbm4b:s4+s14], $0x10, s11, s14, $0xb8;
	[tilespmem:$0x18790] =	vst v63  }
0x3d: {  	s12 =	simm.s32 $0x2C78;
	s6 =	simm.s32 $0x9690  }
0x3e: {  	[tilespmem:s6], [sflag:$0x2] =	stream.indirect.gather [hbm4b:s4+s14], $0x10, s12, s14, $0xb8;
	[tilespmem:$0x18790] =	vst v63  }
0x3f: {  	s13 =	simm.s32 $0x2CE0;
	s12 =	simm.s32 $0x9D10  }
0x40: {  	[tilespmem:s12], [sflag:$0x3] =	stream.indirect.gather [hbm4b:s4+s14], $0x10, s13, s14, $0xb8;
	[tilespmem:$0x18790] =	vst v63  }
0x41: {  	s8 =	simm.s32 $0x2D48;
	s9 =	simm.s32 $0xA390  }
0x42: {  	[tilespmem:s9], [sflag:$0x3] =	stream.indirect.gather [hbm4b:s4+s14], $0x10, s8, s14, $0xb8;
	[tilespmem:$0x18790] =	vst v63  }
0x43: {  	s10 =	simm.s32 $0x2DB0;
	s8 =	simm.s32 $0xAA10  }
0x44: {  	[tilespmem:s8], [sflag:$0x3] =	stream.indirect.gather [hbm4b:s4+s14], $0x10, s10, s14, $0xb8;
	[tilespmem:$0x18790] =	vst v63  }
0x45: {  	s11 =	simm.s32 $0x2E18;
	s10 =	simm.s32 $0xB090  }
0x46: {  	[tilespmem:s10], [sflag:$0x3] =	stream.indirect.gather [hbm4b:s4+s14], $0x10, s11, s14, $0xb8;
	[tilespmem:$0x18790] =	vst v63  }
0x47: {  	s13 =	simm.s32 $0x2E80  }
0x48: {  	[tilespmem:s16], [sflag:$0x3] =	stream.indirect.gather [hbm4b:s4+s14], $0x10, s13, s14, $0xb8;
	[tilespmem:$0x18790] =	vst v63  }
0x49: {  	s11 =	simm.s32 $0x2EE8  }
0x4a: {  	[tilespmem:s18], [sflag:$0x3] =	stream.indirect.gather [hbm4b:s4+s14], $0x10, s11, s14, $0xb8;
	[tilespmem:$0x18790] =	vst v63  }
0x4b: {  	s13 =	simm.s32 $0x2F50  }
0x4c: {  	[tilespmem:s20], [sflag:$0x4] =	stream.indirect.gather [hbm4b:s4+s14], $0x10, s13, s14, $0xb8;
	[tilespmem:$0x18790] =	vst v63  }
0x4d: {  	s11 =	simm.s32 $0x2FB8  }
0x4e: {  	[tilespmem:s22], [sflag:$0x4] =	stream.indirect.gather [hbm4b:s4+s14], $0x10, s11, s14, $0xb8;
	[tilespmem:$0x18790] =	vst v63  }
0x4f: {  	s13 =	simm.s32 $0x3020  }
0x50: {  	[tilespmem:s24], [sflag:$0x4] =	stream.indirect.gather [hbm4b:s4+s14], $0x10, s13, s14, $0xb8;
	[tilespmem:$0x18790] =	vst v63  }
0x51: {  	s11 =	simm.s32 $0x3088  }
0x52: {  	[tilespmem:s26], [sflag:$0x4] =	stream.indirect.gather [hbm4b:s4+s14], $0x10, s11, s14, $0xb8;
	[tilespmem:$0x18790] =	vst v63  }
0x53: {  	s13 =	simm.s32 $0x30F0;
	s11 =	simm.s32 $0xDE10  }
0x54: {  	[tilespmem:s11], [sflag:$0x4] =	stream.indirect.gather [hbm4b:s4+s14], $0x10, s13, s14, $0xb8;
	[tilespmem:$0x18790] =	vst v63  }
0x55: {  	s11 =	simm.s32 $0x3158;
	s13 =	simm.s32 $0xE490  }
0x56: {  	[tilespmem:s13], [sflag:$0x4] =	stream.indirect.gather [hbm4b:s4+s14], $0x10, s11, s14, $0xb8;
	[tilespmem:$0x18790] =	vst v63  }
0x57: {  	s11 =	simm.s32 $0x31C0;
	s13 =	simm.s32 $0xEB10  }
0x58: {  	[tilespmem:s13], [sflag:$0x5] =	stream.indirect.gather [hbm4b:s4+s14], $0x10, s11, s14, $0xb8;
	[tilespmem:$0x18790] =	vst v63  }
0x59: {  	s11 =	simm.s32 $0x3228;
	s13 =	simm.s32 $0xF190  }
0x5a: {  	[tilespmem:s13], [sflag:$0x5] =	stream.indirect.gather [hbm4b:s4+s14], $0x10, s11, s14, $0xb8;
	[tilespmem:$0x18790] =	vst v63  }
0x5b: {  	s11 =	simm.s32 $0x3290;
	s13 =	simm.s32 $0xF810  }
0x5c: {  	[tilespmem:s13], [sflag:$0x5] =	stream.indirect.gather [hbm4b:s4+s14], $0x10, s11, s14, $0xb8;
	[tilespmem:$0x18790] =	vst v63  }
0x5d: {  	s11 =	simm.s32 $0x32F8;
	s13 =	simm.s32 $0xFE90  }
0x5e: {  	[tilespmem:s13], [sflag:$0x5] =	stream.indirect.gather [hbm4b:s4+s14], $0x10, s11, s14, $0xb8;
	[tilespmem:$0x18790] =	vst v63  }
0x5f: {  	s11 =	simm.s32 $0x3360;
	s13 =	simm.s32 $0x10510  }
0x60: {  	[tilespmem:s13], [sflag:$0x5] =	stream.indirect.gather [hbm4b:s4+s14], $0x10, s11, s14, $0xb8;
	[tilespmem:$0x18790] =	vst v63  }
0x61: {  	s11 =	simm.s32 $0x33C8;
	s13 =	simm.s32 $0x10B90  }
0x62: {  	[tilespmem:s13], [sflag:$0x5] =	stream.indirect.gather [hbm4b:s4+s14], $0x10, s11, s14, $0xb8;
	[tilespmem:$0x18790] =	vst v63  }
0x63: {  	s11 =	simm.s32 $0x3430;
	s13 =	simm.s32 $0x11210  }
0x64: {  	[tilespmem:s13], [sflag:$0x6] =	stream.indirect.gather [hbm4b:s4+s14], $0x10, s11, s14, $0xb8;
	[tilespmem:$0x18790] =	vst v63  }
0x65: {  	s11 =	simm.s32 $0x3498;
	s13 =	simm.s32 $0x11890  }
0x66: {  	[tilespmem:s13], [sflag:$0x6] =	stream.indirect.gather [hbm4b:s4+s14], $0x10, s11, s14, $0xb8;
	[tilespmem:$0x18790] =	vst v63  }
0x67: {  	s11 =	simm.s32 $0x3500;
	s13 =	simm.s32 $0x11F10  }
0x68: {  	[tilespmem:s13], [sflag:$0x6] =	stream.indirect.gather [hbm4b:s4+s14], $0x10, s11, s14, $0xb8;
	[tilespmem:$0x18790] =	vst v63  }
0x69: {  	s11 =	simm.s32 $0x3568;
	s13 =	simm.s32 $0x12590  }
0x6a: {  	[tilespmem:s13], [sflag:$0x6] =	stream.indirect.gather [hbm4b:s4+s14], $0x10, s11, s14, $0xb8;
	[tilespmem:$0x18790] =	vst v63  }
0x6b: {  	s11 =	simm.s32 $0x35D0;
	s13 =	simm.s32 $0x12C10  }
0x6c: {  	[tilespmem:s13], [sflag:$0x6] =	stream.indirect.gather [hbm4b:s4+s14], $0x10, s11, s14, $0xb8;
	[tilespmem:$0x18790] =	vst v63  }
0x6d: {  	s11 =	simm.s32 $0x3638;
	s13 =	simm.s32 $0x13290  }
0x6e: {  	[tilespmem:s13], [sflag:$0x6] =	stream.indirect.gather [hbm4b:s4+s14], $0x10, s11, s14, $0xb8;
	[tilespmem:$0x18790] =	vst v63  }
0x6f: {  	s11 =	simm.s32 $0x36A0;
	s13 =	simm.s32 $0x13910  }
0x70: {  	[tilespmem:s13], [sflag:$0x7] =	stream.indirect.gather [hbm4b:s4+s14], $0x10, s11, s14, $0xb8;
	[tilespmem:$0x18790] =	vst v63  }
0x71: {  	s11 =	simm.s32 $0x3708;
	s13 =	simm.s32 $0x13F90  }
0x72: {  	[tilespmem:s13], [sflag:$0x7] =	stream.indirect.gather [hbm4b:s4+s14], $0x10, s11, s14, $0xb8;
	[tilespmem:$0x18790] =	vst v63  }
0x73: {  	s11 =	simm.s32 $0x3770;
	s13 =	simm.s32 $0x14610  }
0x74: {  	[tilespmem:s13], [sflag:$0x7] =	stream.indirect.gather [hbm4b:s4+s14], $0x10, s11, s14, $0xb8;
	[tilespmem:$0x18790] =	vst v63  }
0x75: {  	s11 =	simm.s32 $0x37D8;
	s13 =	simm.s32 $0x14C90  }
0x76: {  	[tilespmem:s13], [sflag:$0x7] =	stream.indirect.gather [hbm4b:s4+s14], $0x10, s11, s14, $0xb8;
	[tilespmem:$0x18790] =	vst v63  }
0x77: {  	s11 =	simm.s32 $0x3840;
	s13 =	simm.s32 $0x15310  }
0x78: {  	[tilespmem:s13], [sflag:$0x7] =	stream.indirect.gather [hbm4b:s4+s14], $0x10, s11, s14, $0xb8;
	[tilespmem:$0x18790] =	vst v63  }
0x79: {  	s11 =	simm.s32 $0x38A8;
	s13 =	simm.s32 $0x15990  }
0x7a: {  	[tilespmem:s13], [sflag:$0x7] =	stream.indirect.gather [hbm4b:s4+s14], $0x10, s11, s14, $0xb8;
	[tilespmem:$0x18790] =	vst v63  }
0x7b: {  	s11 =	simm.s32 $0x3910;
	s13 =	simm.s32 $0x16010  }
0x7c: {  	[tilespmem:s13], [sflag:$0x8] =	stream.indirect.gather [hbm4b:s4+s14], $0x10, s11, s14, $0xb8;
	[tilespmem:$0x18790] =	vst v63  }
0x7d: {  	s11 =	simm.s32 $0x3978;
	s13 =	simm.s32 $0x16690  }
0x7e: {  	[tilespmem:s13], [sflag:$0x8] =	stream.indirect.gather [hbm4b:s4+s14], $0x10, s11, s14, $0xb8;
	[tilespmem:$0x18790] =	vst v63  }
0x7f: {  	s11 =	simm.s32 $0x39E0;
	s13 =	simm.s32 $0x16D10  }
0x80: {  	[tilespmem:s13], [sflag:$0x8] =	stream.indirect.gather [hbm4b:s4+s14], $0x10, s11, s14, $0xb8;
	[tilespmem:$0x18790] =	vst v63  }
0x81: {  	s11 =	simm.s32 $0x3A48;
	s13 =	simm.s32 $0x17390  }
0x82: {  	[tilespmem:s13], [sflag:$0x8] =	stream.indirect.gather [hbm4b:s4+s14], $0x10, s11, s14, $0xb8;
	[tilespmem:$0x18790] =	vst v63  }
0x83: {  	s11 =	simm.s32 $0x3AB0;
	s13 =	simm.s32 $0x17A10  }
0x84: {  	[tilespmem:s13], [sflag:$0x8] =	stream.indirect.gather [hbm4b:s4+s14], $0x10, s11, s14, $0xb8;
	[tilespmem:$0x18790] =	vst v63  }
0x85: {  	s11 =	simm.s32 $0x3B18;
	s13 =	simm.s32 $0x18090  }
0x86: {  	[tilespmem:s13], [sflag:$0x8] =	stream.indirect.gather [hbm4b:s4+s14], $0x10, s11, s14, $0xb8;
	[tilespmem:$0x18790] =	vst v63  }
0x87: {  	s0 =	simm.s32 $0x8;
	s11 =	simm.s32 $0x3B80;
	s13 =	simm.s32 $0x18710  }
0x88: {  	[tilespmem:s13], [sflag:$0x8] =	stream.indirect.gather [hbm4b:s4+s0], $0x10, s11, s0, $0xb8;
	[tilespmem:$0x18790] =	vst v63  }
0x89: {  	s11 =	simm.s32 $0x1  }
0x8a: {  	_ =	swait.ge [sflag:s11], $0x2700  }
0x8b: {  	[sflag:s11] =	ssyncset.done $0x0  }
0x8c: {  	[sflag:s11] =	ssyncadd.s32 $0xFFFFD900  }
0x8d: {  	[spmem:s2] =	stream.indirect.scatter.add.f32 [tilespmem:s5], [sflag:$0x1], $0x10, s21, s14, $0xb8;
	[tilespmem:$0x18790] =	vst v63  }
0x8e: {  	s5 =	simm.s32 $0x3BF0  }
0x8f: {  	[spmem:s2] =	stream.indirect.scatter.add.f32 [tilespmem:s17], [sflag:$0x1], $0x10, s5, s14, $0xb8;
	[tilespmem:$0x18790] =	vst v63  }
0x90: {  	s17 =	simm.s32 $0x3C58  }
0x91: {  	[spmem:s2] =	stream.indirect.scatter.add.f32 [tilespmem:s31], [sflag:$0x1], $0x10, s17, s14, $0xb8;
	[tilespmem:$0x18790] =	vst v63  }
0x92: {  	s31 =	simm.s32 $0x3CC0  }
0x93: {  	[spmem:s2] =	stream.indirect.scatter.add.f32 [tilespmem:s25], [sflag:$0x1], $0x10, s31, s14, $0xb8;
	[tilespmem:$0x18790] =	vst v63  }
0x94: {  	s17 =	simm.s32 $0x3D28  }
0x95: {  	[spmem:s2] =	stream.indirect.scatter.add.f32 [tilespmem:s30], [sflag:$0x1], $0x10, s17, s14, $0xb8;
	[tilespmem:$0x18790] =	vst v63  }
0x96: {  	s5 =	simm.s32 $0x2;
	s31 =	simm.s32 $0x3D90  }
0x97: {  	[spmem:s2] =	stream.indirect.scatter.add.f32 [tilespmem:s15], [sflag:$0x1], $0x10, s31, s14, $0xb8;
	[tilespmem:$0x18790] =	vst v63  }
0x98: {  	_ =	swait.ge [sflag:s5], $0x2700  }
0x99: {  	[sflag:s5] =	ssyncset.done $0x0  }
0x9a: {  	s17 =	simm.s32 $0x3DF8;
	[sflag:s5] =	ssyncadd.s32 $0xFFFFD900  }
0x9b: {  	[spmem:s2] =	stream.indirect.scatter.add.f32 [tilespmem:s23], [sflag:$0x2], $0x10, s17, s14, $0xb8;
	[tilespmem:$0x18790] =	vst v63  }
0x9c: {  	s31 =	simm.s32 $0x3E60  }
0x9d: {  	[spmem:s2] =	stream.indirect.scatter.add.f32 [tilespmem:s7], [sflag:$0x2], $0x10, s31, s14, $0xb8;
	[tilespmem:$0x18790] =	vst v63  }
0x9e: {  	s15 =	simm.s32 $0x3EC8  }
0x9f: {  	[spmem:s2] =	stream.indirect.scatter.add.f32 [tilespmem:s28], [sflag:$0x2], $0x10, s15, s14, $0xb8;
	[tilespmem:$0x18790] =	vst v63  }
0xa0: {  	s17 =	simm.s32 $0x3F30  }
0xa1: {  	[spmem:s2] =	stream.indirect.scatter.add.f32 [tilespmem:s19], [sflag:$0x2], $0x10, s17, s14, $0xb8;
	[tilespmem:$0x18790] =	vst v63  }
0xa2: {  	s31 =	simm.s32 $0x3F98  }
0xa3: {  	[spmem:s2] =	stream.indirect.scatter.add.f32 [tilespmem:s3], [sflag:$0x2], $0x10, s31, s14, $0xb8;
	[tilespmem:$0x18790] =	vst v63  }
0xa4: {  	s15 =	simm.s32 $0x4000;
	s3 =	simm.s32 $0x3  }
0xa5: {  	[spmem:s2] =	stream.indirect.scatter.add.f32 [tilespmem:s6], [sflag:$0x2], $0x10, s15, s14, $0xb8;
	[tilespmem:$0x18790] =	vst v63  }
0xa6: {  	_ =	swait.ge [sflag:s3], $0x2700  }
0xa7: {  	[sflag:s3] =	ssyncset.done $0x0  }
0xa8: {  	s17 =	simm.s32 $0x4068;
	[sflag:s3] =	ssyncadd.s32 $0xFFFFD900  }
0xa9: {  	[spmem:s2] =	stream.indirect.scatter.add.f32 [tilespmem:s12], [sflag:$0x3], $0x10, s17, s14, $0xb8;
	[tilespmem:$0x18790] =	vst v63  }
0xaa: {  	s31 =	simm.s32 $0x40D0  }
0xab: {  	[spmem:s2] =	stream.indirect.scatter.add.f32 [tilespmem:s9], [sflag:$0x3], $0x10, s31, s14, $0xb8;
	[tilespmem:$0x18790] =	vst v63  }
0xac: {  	s7 =	simm.s32 $0x4138  }
0xad: {  	[spmem:s2] =	stream.indirect.scatter.add.f32 [tilespmem:s8], [sflag:$0x3], $0x10, s7, s14, $0xb8;
	[tilespmem:$0x18790] =	vst v63  }
0xae: {  	s9 =	simm.s32 $0x41A0  }
0xaf: {  	[spmem:s2] =	stream.indirect.scatter.add.f32 [tilespmem:s10], [sflag:$0x3], $0x10, s9, s14, $0xb8;
	[tilespmem:$0x18790] =	vst v63  }
0xb0: {  	s10 =	simm.s32 $0x4208  }
0xb1: {  	[spmem:s2] =	stream.indirect.scatter.add.f32 [tilespmem:s16], [sflag:$0x3], $0x10, s10, s14, $0xb8;
	[tilespmem:$0x18790] =	vst v63  }
0xb2: {  	s6 =	simm.s32 $0x4;
	s12 =	simm.s32 $0x4270  }
0xb3: {  	[spmem:s2] =	stream.indirect.scatter.add.f32 [tilespmem:s18], [sflag:$0x3], $0x10, s12, s14, $0xb8;
	[tilespmem:$0x18790] =	vst v63  }
0xb4: {  	_ =	swait.ge [sflag:s6], $0x2700  }
0xb5: {  	[sflag:s6] =	ssyncset.done $0x0  }
0xb6: {  	s15 =	simm.s32 $0x42D8;
	[sflag:s6] =	ssyncadd.s32 $0xFFFFD900  }
0xb7: {  	[spmem:s2] =	stream.indirect.scatter.add.f32 [tilespmem:s20], [sflag:$0x4], $0x10, s15, s14, $0xb8;
	[tilespmem:$0x18790] =	vst v63  }
0xb8: {  	s17 =	simm.s32 $0x4340  }
0xb9: {  	[spmem:s2] =	stream.indirect.scatter.add.f32 [tilespmem:s22], [sflag:$0x4], $0x10, s17, s14, $0xb8;
	[tilespmem:$0x18790] =	vst v63  }
0xba: {  	s31 =	simm.s32 $0x43A8  }
0xbb: {  	[spmem:s2] =	stream.indirect.scatter.add.f32 [tilespmem:s24], [sflag:$0x4], $0x10, s31, s14, $0xb8;
	[tilespmem:$0x18790] =	vst v63  }
0xbc: {  	s8 =	simm.s32 $0x4410  }
0xbd: {  	[spmem:s2] =	stream.indirect.scatter.add.f32 [tilespmem:s26], [sflag:$0x4], $0x10, s8, s14, $0xb8;
	[tilespmem:$0x18790] =	vst v63  }
0xbe: {  	s9 =	simm.s32 $0x4478;
	s10 =	simm.s32 $0xDE10  }
0xbf: {  	[spmem:s2] =	stream.indirect.scatter.add.f32 [tilespmem:s10], [sflag:$0x4], $0x10, s9, s14, $0xb8;
	[tilespmem:$0x18790] =	vst v63  }
0xc0: {  	s7 =	simm.s32 $0x5;
	s12 =	simm.s32 $0x44E0;
	s15 =	simm.s32 $0xE490  }
0xc1: {  	[spmem:s2] =	stream.indirect.scatter.add.f32 [tilespmem:s15], [sflag:$0x4], $0x10, s12, s14, $0xb8;
	[tilespmem:$0x18790] =	vst v63  }
0xc2: {  	_ =	swait.ge [sflag:s7], $0x2700  }
0xc3: {  	[sflag:s7] =	ssyncset.done $0x0  }
0xc4: {  	s17 =	simm.s32 $0x4548;
	s31 =	simm.s32 $0xEB10;
	[sflag:s7] =	ssyncadd.s32 $0xFFFFD900  }
0xc5: {  	[spmem:s2] =	stream.indirect.scatter.add.f32 [tilespmem:s31], [sflag:$0x5], $0x10, s17, s14, $0xb8;
	[tilespmem:$0x18790] =	vst v63  }
0xc6: {  	s9 =	simm.s32 $0x45B0;
	s10 =	simm.s32 $0xF190  }
0xc7: {  	[spmem:s2] =	stream.indirect.scatter.add.f32 [tilespmem:s10], [sflag:$0x5], $0x10, s9, s14, $0xb8;
	[tilespmem:$0x18790] =	vst v63  }
0xc8: {  	s12 =	simm.s32 $0x4618;
	s15 =	simm.s32 $0xF810  }
0xc9: {  	[spmem:s2] =	stream.indirect.scatter.add.f32 [tilespmem:s15], [sflag:$0x5], $0x10, s12, s14, $0xb8;
	[tilespmem:$0x18790] =	vst v63  }
0xca: {  	s17 =	simm.s32 $0x4680;
	s31 =	simm.s32 $0xFE90  }
0xcb: {  	[spmem:s2] =	stream.indirect.scatter.add.f32 [tilespmem:s31], [sflag:$0x5], $0x10, s17, s14, $0xb8;
	[tilespmem:$0x18790] =	vst v63  }
0xcc: {  	s9 =	simm.s32 $0x46E8;
	s10 =	simm.s32 $0x10510  }
0xcd: {  	[spmem:s2] =	stream.indirect.scatter.add.f32 [tilespmem:s10], [sflag:$0x5], $0x10, s9, s14, $0xb8;
	[tilespmem:$0x18790] =	vst v63  }
0xce: {  	s8 =	simm.s32 $0x6;
	s12 =	simm.s32 $0x4750;
	s15 =	simm.s32 $0x10B90  }
0xcf: {  	[spmem:s2] =	stream.indirect.scatter.add.f32 [tilespmem:s15], [sflag:$0x5], $0x10, s12, s14, $0xb8;
	[tilespmem:$0x18790] =	vst v63  }
0xd0: {  	_ =	swait.ge [sflag:s8], $0x2700  }
0xd1: {  	[sflag:s8] =	ssyncset.done $0x0  }
0xd2: {  	s17 =	simm.s32 $0x47B8;
	s31 =	simm.s32 $0x11210;
	[sflag:s8] =	ssyncadd.s32 $0xFFFFD900  }
0xd3: {  	[spmem:s2] =	stream.indirect.scatter.add.f32 [tilespmem:s31], [sflag:$0x6], $0x10, s17, s14, $0xb8;
	[tilespmem:$0x18790] =	vst v63  }
0xd4: {  	s12 =	simm.s32 $0x4820;
	s15 =	simm.s32 $0x11890  }
0xd5: {  	[spmem:s2] =	stream.indirect.scatter.add.f32 [tilespmem:s15], [sflag:$0x6], $0x10, s12, s14, $0xb8;
	[tilespmem:$0x18790] =	vst v63  }
0xd6: {  	s17 =	simm.s32 $0x4888;
	s31 =	simm.s32 $0x11F10  }
0xd7: {  	[spmem:s2] =	stream.indirect.scatter.add.f32 [tilespmem:s31], [sflag:$0x6], $0x10, s17, s14, $0xb8;
	[tilespmem:$0x18790] =	vst v63  }
0xd8: {  	s12 =	simm.s32 $0x48F0;
	s15 =	simm.s32 $0x12590  }
0xd9: {  	[spmem:s2] =	stream.indirect.scatter.add.f32 [tilespmem:s15], [sflag:$0x6], $0x10, s12, s14, $0xb8;
	[tilespmem:$0x18790] =	vst v63  }
0xda: {  	s17 =	simm.s32 $0x4958;
	s31 =	simm.s32 $0x12C10  }
0xdb: {  	[spmem:s2] =	stream.indirect.scatter.add.f32 [tilespmem:s31], [sflag:$0x6], $0x10, s17, s14, $0xb8;
	[tilespmem:$0x18790] =	vst v63  }
0xdc: {  	s9 =	simm.s32 $0x7;
	s12 =	simm.s32 $0x49C0;
	s15 =	simm.s32 $0x13290  }
0xdd: {  	[spmem:s2] =	stream.indirect.scatter.add.f32 [tilespmem:s15], [sflag:$0x6], $0x10, s12, s14, $0xb8;
	[tilespmem:$0x18790] =	vst v63  }
0xde: {  	_ =	swait.ge [sflag:s9], $0x2700  }
0xdf: {  	[sflag:s9] =	ssyncset.done $0x0  }
0xe0: {  	s17 =	simm.s32 $0x4A28;
	s31 =	simm.s32 $0x13910;
	[sflag:s9] =	ssyncadd.s32 $0xFFFFD900  }
0xe1: {  	[spmem:s2] =	stream.indirect.scatter.add.f32 [tilespmem:s31], [sflag:$0x7], $0x10, s17, s14, $0xb8;
	[tilespmem:$0x18790] =	vst v63  }
0xe2: {  	s12 =	simm.s32 $0x4A90;
	s15 =	simm.s32 $0x13F90  }
0xe3: {  	[spmem:s2] =	stream.indirect.scatter.add.f32 [tilespmem:s15], [sflag:$0x7], $0x10, s12, s14, $0xb8;
	[tilespmem:$0x18790] =	vst v63  }
0xe4: {  	s17 =	simm.s32 $0x4AF8;
	s31 =	simm.s32 $0x14610  }
0xe5: {  	[spmem:s2] =	stream.indirect.scatter.add.f32 [tilespmem:s31], [sflag:$0x7], $0x10, s17, s14, $0xb8;
	[tilespmem:$0x18790] =	vst v63  }
0xe6: {  	s12 =	simm.s32 $0x4B60;
	s15 =	simm.s32 $0x14C90  }
0xe7: {  	[spmem:s2] =	stream.indirect.scatter.add.f32 [tilespmem:s15], [sflag:$0x7], $0x10, s12, s14, $0xb8;
	[tilespmem:$0x18790] =	vst v63  }
0xe8: {  	s17 =	simm.s32 $0x4BC8;
	s31 =	simm.s32 $0x15310  }
0xe9: {  	[spmem:s2] =	stream.indirect.scatter.add.f32 [tilespmem:s31], [sflag:$0x7], $0x10, s17, s14, $0xb8;
	[tilespmem:$0x18790] =	vst v63  }
0xea: {  	s12 =	simm.s32 $0x4C30;
	s15 =	simm.s32 $0x15990  }
0xeb: {  	[spmem:s2] =	stream.indirect.scatter.add.f32 [tilespmem:s15], [sflag:$0x7], $0x10, s12, s14, $0xb8;
	[tilespmem:$0x18790] =	vst v63  }
0xec: {  	_ =	swait.ge [sflag:s0], $0x2780  }
0xed: {  	[sflag:s0] =	ssyncset.done $0x0  }
0xee: {  	s17 =	simm.s32 $0x4C98;
	s31 =	simm.s32 $0x16010;
	[sflag:s0] =	ssyncadd.s32 $0xFFFFD880  }
0xef: {  	[spmem:s2] =	stream.indirect.scatter.add.f32 [tilespmem:s31], [sflag:$0x8], $0x10, s17, s14, $0xb8;
	[tilespmem:$0x18790] =	vst v63  }
0xf0: {  	s12 =	simm.s32 $0x4D00;
	s15 =	simm.s32 $0x16690  }
0xf1: {  	[spmem:s2] =	stream.indirect.scatter.add.f32 [tilespmem:s15], [sflag:$0x8], $0x10, s12, s14, $0xb8;
	[tilespmem:$0x18790] =	vst v63  }
0xf2: {  	s17 =	simm.s32 $0x4D68;
	s31 =	simm.s32 $0x16D10  }
0xf3: {  	[spmem:s2] =	stream.indirect.scatter.add.f32 [tilespmem:s31], [sflag:$0x8], $0x10, s17, s14, $0xb8;
	[tilespmem:$0x18790] =	vst v63  }
0xf4: {  	s12 =	simm.s32 $0x4DD0;
	s15 =	simm.s32 $0x17390  }
0xf5: {  	[spmem:s2] =	stream.indirect.scatter.add.f32 [tilespmem:s15], [sflag:$0x8], $0x10, s12, s14, $0xb8;
	[tilespmem:$0x18790] =	vst v63  }
0xf6: {  	s17 =	simm.s32 $0x4E38;
	s31 =	simm.s32 $0x17A10  }
0xf7: {  	[spmem:s2] =	stream.indirect.scatter.add.f32 [tilespmem:s31], [sflag:$0x8], $0x10, s17, s14, $0xb8;
	[tilespmem:$0x18790] =	vst v63  }
0xf8: {  	s15 =	simm.s32 $0x4EA0;
	s17 =	simm.s32 $0x18090  }
0xf9: {  	[spmem:s2] =	stream.indirect.scatter.add.f32 [tilespmem:s17], [sflag:$0x8], $0x10, s15, s14, $0xb8;
	[tilespmem:$0x18790] =	vst v63  }
0xfa: {  	s13 =	simm.s32 $0x18710;
	s31 =	simm.s32 $0x4F08  }
0xfb: {  	[spmem:s2] =	stream.indirect.scatter.add.f32 [tilespmem:s13], [sflag:$0x8], $0x10, s31, s0, $0xb8;
	[tilespmem:$0x18790] =	vst v63  }
0xfc: {  	_ =	swait.ge [sflag:s11], $0x2700  }
0xfd: {  	[sflag:s11] =	ssyncset.done $0x0  }
0xfe: {  	[sflag:s11] =	ssyncadd.s32 $0xFFFFD900  }
0xff: {  	_ =	swait.ge [sflag:s5], $0x2700  }
0x100: {  	[sflag:s5] =	ssyncset.done $0x0  }
0x101: {  	[sflag:s5] =	ssyncadd.s32 $0xFFFFD900  }
0x102: {  	_ =	swait.ge [sflag:s3], $0x2700  }
0x103: {  	[sflag:s3] =	ssyncset.done $0x0  }
0x104: {  	[sflag:s3] =	ssyncadd.s32 $0xFFFFD900  }
0x105: {  	_ =	swait.ge [sflag:s6], $0x2700  }
0x106: {  	[sflag:s6] =	ssyncset.done $0x0  }
0x107: {  	[sflag:s6] =	ssyncadd.s32 $0xFFFFD900  }
0x108: {  	_ =	swait.ge [sflag:s7], $0x2700  }
0x109: {  	[sflag:s7] =	ssyncset.done $0x0  }
0x10a: {  	[sflag:s7] =	ssyncadd.s32 $0xFFFFD900  }
0x10b: {  	_ =	swait.ge [sflag:s8], $0x2700  }
0x10c: {  	[sflag:s8] =	ssyncset.done $0x0  }
0x10d: {  	[sflag:s8] =	ssyncadd.s32 $0xFFFFD900  }
0x10e: {  	_ =	swait.ge [sflag:s9], $0x2700  }
0x10f: {  	[sflag:s9] =	ssyncset.done $0x0  }
0x110: {  	[sflag:s9] =	ssyncadd.s32 $0xFFFFD900  }
0x111: {  	_ =	swait.ge [sflag:s0], $0x2780  }
0x112: {  	[sflag:s0] =	ssyncset.done $0x0  }
0x113: {  	[sflag:s0] =	ssyncadd.s32 $0xFFFFD880  }
0x114: {  	s11 =	stileid.u32;
	[bflag:$0x0] =	sbarrier.arrive $0xFFFF  }
0x115: {  	s0 =	sshll.u32 s11, $0x6;
	s12 =	rddreg [dreg:$0x7]  }
0x116: {  	s0 =	sor.u32 $0x1C09, s0;
	s15 =	rddreg [dreg:$0x5];
	s13 =	sshrl.u32 s12, $0x3  }
0x117: {  	[hbm:s15], [sflag:s0] =	dma.local [spmem:s13], $0x500  }
0x118: {  	_ =	swait.ge [sflag:s1], $0x500  }
0x119: {  	s29 =	sadd.s32 $0x1, s29;
	s31 =	rddreg [dreg:$0x6]  }
0x11a: {  	p0 =	sne.s32 s29, s31  }
.Ltmp1:
0x11b: {  	_ = 	snop;
	(pc) =	sbr.rel @p0 .LBB2_1-.Ltmp1, $3  }
0x11c: {  	_ =	sdelay $0x1  }
0x11d: {  	[sflag:s1] =	ssyncset.done $0x0  }
0x11e: {  	[sflag:s1] =	ssyncadd.s32 $0xFFFFFB00  }
0x11f: {  	_ =	sfence.sel $0x180000  }
0x120: {  	[bflag:$0x0] =	sbarrier.arrive $0xFFFF  }
0x121: {  	_ =	strace $0x9000004D  }
0x122: {  	s0 =	stileid.u32;
	[bflag:$0x2] =	sbarrier.arrive $0xFFFF  }
0x123: {  	p0 =	sne.s32 s0, $0x0;
	s0 =	rddreg [dreg:$0x2]  }
0x124: {  	s0 =	sadd.s32 @!p0 $0x100000, s0  }
0x125: {  	[sflag:s0] =	ssyncadd.tile.s32 @!p0 $0x1;
	_ =	shalt  }
.Lfunc_end2:
_tile_overlayer_lowered:
.L_overlay_start_2:
0x126: {  	(tag) =	ssettag $0x2  }
0x127: {  	s0 =	rddreg [dreg:$0x0];
	s2 =	stileid.u32  }
0x128: {  	s1 =	rddreg [dreg:$0x1];
	p0 =	sne.s32 s2, $0x0  }
0x129: {  	s3 =	rddreg [dreg:$0x2];
	[bflag:$0x3] =	sbarrier.arrive $0xFFFF;
	s2 =	simm.s32 @!p0 $0x1C09  }
0x12a: {  	[timem:s3], [sflag:s2] =	dma.local @!p0 [hbm:s0], s1  }
0x12b: {  	s0 =	simm.s32 @!p0 $0x9  }
0x12c: {  	_ =	swait.ge @!p0 [sflag:s0], s1  }
0x12d: {  	s1 =	ssub.s32 @!p0 $0x0, s1;
	[sflag:s0] =	ssyncset.done @!p0 $0x0  }
0x12e: {  	[sflag:s0] =	ssyncadd.s32 @!p0 s1  }
0x12f: {  	[bflag:$0x3] =	sbarrier.arrive $0xFFFF  }
0x130: {  	_ =	shalt  }

// kernel: kernel.19.cloned.1.call-start
scs
__scs_entry_jumppad:
0x0: {  	(pc) =	sbr.rel $0x88, $3  }
0x1: {  	(tag) =	ssettag $0x0;
	lr =	simm.s32 $0x1  }
0x2: {  	[smem:$0x3F9B] =	sst lr;
	_ =	strace $0xD0000000  }
0x3: {  	_ = 	snop  }
0x4: {  	_ = 	snop  }
0x5: {  	_ = 	snop  }
0x6: {  	_ = 	snop  }
0x7: {  	_ = 	snop  }
__scs_overlays_trampoline_lowered:
0x8: {  	[smem:$0x3FAA] =	sst s0  }
0x9: {  	[smem:$0x3FAB] =	sst s1  }
0xa: {  	[smem:$0x3FAC] =	sst s2  }
0xb: {  	[smem:$0x3FAD] =	sst s3  }
0xc: {  	[smem:$0x3FAE] =	sst s4  }
0xd: {  	[smem:$0x3FAF] =	sst s5  }
0xe: {  	[smem:$0x3FB0] =	sst s6  }
0xf: {  	[smem:$0x3FB1] =	sst s7  }
0x10: {  	[smem:$0x3FB2] =	sst s8  }
0x11: {  	[smem:$0x3FB3] =	sst s9;
	s0 =	simm.s32 @!p0 $0x0  }
0x12: {  	s1 =	sld [smem:$0x3F99];
	s0 =	simm.s32 @p0 $0x1  }
0x13: {  	[smem:$0x3FB4] =	sst s0;
	s0 =	simm.s32 @!p1 $0x0  }
0x14: {  	s2 =	sld [smem:$0x3F98];
	s0 =	simm.s32 @p1 $0x1  }
0x15: {  	[smem:$0x3FB5] =	sst s0;
	s0 =	simm.s32 @!p2 $0x0  }
0x16: {  	s3 =	sld [smem:$0x3FDB];
	s0 =	simm.s32 @p2 $0x1  }
0x17: {  	s4 =	simm.s32 $0x1BF5;
	[smem:$0x3FB7] =	sst s0  }
0x18: {  	s0 =	sld [smem:$0x3F9A];
	_ =	swait.ge [sflag:s4], $0x0  }
0x19: {  	s7 =	sld [smem:$0x3F9B]  }
0x1a: {  	s8 =	sadd.s32 $0xFFFFE003, lr  }
0x1b: {  	s9 =	sadd.s32 $0xFFFFFEF7, lr;
	s5 =	simm.s32 $0xFFFFFFFF;
	p2 =	slt.u32 s8, $0xFFFFF086  }
0x1c: {  	p1 =	slt.u32 s9, $0xF7A;
	s5 =	simm.s32 @!p2 $0x0  }
0x1d: {  	s5 =	simm.s32 @p1 $0x1;
	p0 =	seq.s32 s7, s2  }
0x1e: {  	s7 =	smul.u32 @!p0 $0xF7A, s2;
	p2 =	seq.s32 @!p0 s5, $0x0  }
0x1f: {  	s9 =	smul.u32 $0xF7A, s1;
	s8 =	simm.s32 @!p0 $0x1BF5;
	p2 =	por !p2, p0  }
0x20: {  	[sflag:s8] =	ssyncset.s32 @!p0 $0xFFFFF086;
	s6 =	sadd.s32 @!p0 s3, s7;
	s7 =	simm.s32 @!p0 $0x108  }
0x21: {  	s3 =	sadd.s32 s3, s9;
	s6 =	sadd.s32 @!p0 $0x88, s6;
	s7 =	simm.s32 @p2 $0x1082  }
0x22: {  	[simem:s7], [sflag:s8] =	dma.local @!p0 [hbm:s6], $0xF7A  }
0x23: {  	s9 =	sor.u32 $0xD0000000, s2;
	s6 =	simm.s32 $0x108;
	_ =	swait.ge @!p0 [sflag:s8], $0x0  }
0x24: {  	s3 =	sadd.s32 $0x88, s3;
	s6 =	simm.s32 @!p1 $0x1082;
	[sflag:s4] =	ssyncset.s32 $0xFFFFF086  }
0x25: {  	[simem:s6], [sflag:s4] =	dma.local [hbm:s3], $0xF7A  }
0x26: {  	[smem:$0x3F9B] =	sst s1;
	(tag) =	ssettag s2;
	_ =	strace s9  }
0x27: {  	s1 =	sld [smem:$0x3FAB]  }
0x28: {  	s2 =	sld [smem:$0x3FAC]  }
0x29: {  	s4 =	sld [smem:$0x3FAE]  }
0x2a: {  	p0 =	seq.s32 s5, $0x0;
	s5 =	sld [smem:$0x3FAF]  }
0x2b: {  	s6 =	sld [smem:$0x3FB0]  }
0x2c: {  	s7 =	sld [smem:$0x3FB1]  }
0x2d: {  	s3 =	simm.s32 $0x108;
	s8 =	sld [smem:$0x3FB2]  }
0x2e: {  	s3 =	simm.s32 @!p0 $0x1082;
	s9 =	sld [smem:$0x3FB3]  }
0x2f: {  	lr =	sadd.s32 s0, s3;
	s0 =	sld [smem:$0x3FAA]  }
0x30: {  	s3 =	sld [smem:$0x3FAD]  }
0x31: {  	[smem:$0x3FB6] =	sst s10  }
0x32: {  	s10 =	sld [smem:$0x3FB4];
	_ =	sdelay $0x3  }
0x33: {  	p0 =	seq.s32 s10, $0x1;
	s10 =	sld [smem:$0x3FB6];
	_ =	sdelay $0x3  }
0x34: {  	[smem:$0x3FB6] =	sst s10  }
0x35: {  	s10 =	sld [smem:$0x3FB5];
	_ =	sdelay $0x3  }
0x36: {  	p1 =	seq.s32 s10, $0x1;
	s10 =	sld [smem:$0x3FB6];
	_ =	sdelay $0x3  }
0x37: {  	[smem:$0x3FB6] =	sst s10  }
0x38: {  	s10 =	sld [smem:$0x3FB7]  }
0x39: {  	_ = 	snop;
	(pc) =	sbr.ind lr, $3  }
0x3a: {  	_ = 	snop  }
0x3b: {  	_ = 	snop  }
0x3c: {  	p2 =	seq.s32 s10, $0x1;
	s10 =	sld [smem:$0x3FB6]  }
0x3d: {  	_ =	shalt  }
0x3e: {  	_ =	shalt  }
0x3f: {  	_ =	shalt  }
0x40: {  	_ =	shalt  }
0x41: {  	_ =	shalt  }
0x42: {  	_ =	shalt  }
0x43: {  	_ =	shalt  }
0x44: {  	_ =	shalt  }
0x45: {  	_ =	shalt  }
0x46: {  	_ =	shalt  }
0x47: {  	_ =	shalt  }
0x48: {  	_ =	shalt  }
0x49: {  	_ =	shalt  }
0x4a: {  	_ =	shalt  }
0x4b: {  	_ =	shalt  }
0x4c: {  	_ =	shalt  }
0x4d: {  	_ =	shalt  }
0x4e: {  	_ =	shalt  }
0x4f: {  	_ =	shalt  }
0x50: {  	_ =	shalt  }
0x51: {  	_ =	shalt  }
0x52: {  	_ =	shalt  }
0x53: {  	_ =	shalt  }
0x54: {  	_ =	shalt  }
0x55: {  	_ =	shalt  }
0x56: {  	_ =	shalt  }
0x57: {  	_ =	shalt  }
0x58: {  	_ =	shalt  }
0x59: {  	_ =	shalt  }
0x5a: {  	_ =	shalt  }
0x5b: {  	_ =	shalt  }
0x5c: {  	_ =	shalt  }
0x5d: {  	_ =	shalt  }
0x5e: {  	_ =	shalt  }
0x5f: {  	_ =	shalt  }
0x60: {  	_ =	shalt  }
0x61: {  	_ =	shalt  }
0x62: {  	_ =	shalt  }
0x63: {  	_ =	shalt  }
0x64: {  	_ =	shalt  }
0x65: {  	_ =	shalt  }
0x66: {  	_ =	shalt  }
0x67: {  	_ =	shalt  }
0x68: {  	_ =	shalt  }
0x69: {  	_ =	shalt  }
0x6a: {  	_ =	shalt  }
0x6b: {  	_ =	shalt  }
0x6c: {  	_ =	shalt  }
0x6d: {  	_ =	shalt  }
0x6e: {  	_ =	shalt  }
0x6f: {  	_ =	shalt  }
0x70: {  	_ =	shalt  }
0x71: {  	_ =	shalt  }
0x72: {  	_ =	shalt  }
0x73: {  	_ =	shalt  }
0x74: {  	_ =	shalt  }
0x75: {  	_ =	shalt  }
0x76: {  	_ =	shalt  }
0x77: {  	_ =	shalt  }
0x78: {  	_ =	shalt  }
0x79: {  	_ =	shalt  }
0x7a: {  	_ =	shalt  }
0x7b: {  	_ =	shalt  }
0x7c: {  	_ =	shalt  }
0x7d: {  	_ =	shalt  }
0x7e: {  	_ =	shalt  }
0x7f: {  	_ =	shalt  }
0x80: {  	_ =	shalt  }
0x81: {  	_ =	shalt  }
0x82: {  	_ =	shalt  }
0x83: {  	_ =	shalt  }
0x84: {  	_ =	shalt  }
0x85: {  	_ =	shalt  }
0x86: {  	_ =	shalt  }
0x87: {  	_ =	shalt  }
.Lfunc_end0:
.L_simem_size_0:
called_computation.3_lowered:
.L_overlay_start_0:
0x88: {  	s2 =	sld [smem:$0x3FD9]  }
0x89: {  	s3 =	sld [smem:$0x3FFE];
	_ =	sdelay $0x1  }
0x8a: {  	s1 =	srdreg.scid  }
0x8b: {  	s0 =	sand.u32 $0x1, s1  }
0x8c: {  	s17 =	sshll.u32 s0, $0xA;
	s2 =	sadd.s32 s3, s2  }
0x8d: {  	s2 =	sadd.s32 s2, s17  }
0x8e: {  	[smem:$0x3FC2] =	sst s2  }
0x8f: {  	_ = 	snop  }
0x90: {  	s2 =	sld [smem:$0x3FC6];
	(tm) =	ssettm $0x1  }
0x91: {  	s18 =	sld [smem:$0x3FFB];
	_ =	sdelay $0x3  }
0x92: {  	_ =	strace s18  }
0x93: {  	s3 =	sld [smem:$0x3FFC];
	_ =	sdelay $0x3  }
0x94: {  	_ =	strace s3  }
0x95: {  	s3 =	sld [smem:$0x3FFD];
	_ =	sdelay $0x3  }
0x96: {  	_ =	strace s3  }
0x97: {  	_ =	strace $0x8FFFFFFF  }
0x98: {  	s19 =	sld [smem:$0x3FDB];
	_ =	sdelay $0x1  }
0x99: {  	s4 =	simm.s32 $_scs_section_size  }
0x9a: {  	s5 =	simm.s32 $_size__tile_overlayer_lowered;
	s6 =	simm.s32 $_tile_overlayer_lowered  }
0x9b: {  	s22 =	simm.s32 $0x1BFF;
	s21 =	sshll.u32 s6, $0x1;
	s3 =	sadd.s32 s4, s19  }
0x9c: {  	s7 =	simm.s32 $0x0;
	s20 =	sshll.u32 s5, $0x1;
	s5 =	sadd.s32 s21, s3  }
0x9d: {  	[timem:s7], [sflag:s22] =	dma.local [hbm:s5], s20  }
0x9e: {  	_ =	swait.ge [sflag:s22], s20  }
0x9f: {  	s4 =	ssub.s32 $0x0, s20;
	[sflag:s22] =	ssyncset.done $0x0  }
0xa0: {  	[sflag:s22] =	ssyncadd.s32 s4;
	_ =	sdelay $0x1  }
0xa1: {  	s23 =	simm.s32 $0x1B8B  }
0xa2: {  	_ =	swait.ge [sflag:s23], $0x1  }
0xa3: {  	[sflag:s23] =	ssyncset.done $0x0  }
0xa4: {  	s25 =	simm.s32 $0x1B8E;
	s24 =	sld [smem:$0x3FFE];
	[sflag:s23] =	ssyncadd.s32 $0xFFFFFFFF  }
0xa5: {  	s26 =	simm.s32 $execute0_lowered;
	[smem:$0x3FD2] =	sst s25  }
0xa6: {  	s5 =	sshll.u32 s26, $0x1;
	_ =	strace $0x8000004F;
	[dreg:$0x1] =	wrdreg $0xFFFFFFFF  }
0xa7: {  	s28 =	simm.s32 $_size_execute0_lowered;
	s3 =	sadd.s32 s3, s5;
	[dreg:$0x0] =	wrdreg $0x0  }
0xa8: {  	s5 =	sshll.u32 s28, $0x1;
	[dreg:$0x2] =	wrdreg s3  }
0xa9: {  	[dreg:$0x3] =	wrdreg s5  }
0xaa: {  	[dreg:$0x4] =	wrdreg $0xC0  }
0xab: {  	_ =	task [dreg:s7], $0x5FFFF  }
0xac: {  	[dreg:$0x1] =	wrdreg $0xFFFFFFFF  }
0xad: {  	[dreg:$0x0] =	wrdreg $0x60  }
0xae: {  	[dreg:$0x2] =	wrdreg s24  }
0xaf: {  	[dreg:$0x3] =	wrdreg s2  }
0xb0: {  	[dreg:$0x4] =	wrdreg $0x9  }
0xb1: {  	_ =	task.clear_ibuf [dreg:s7], $0x5FFFF;
	_ =	strace $0x9000004F  }
0xb2: {  	s29 =	simm.s32 $0x9;
	_ =	strace $0x80000051  }
0xb3: {  	_ =	swait.ge [sflag:s29], $0x1  }
0xb4: {  	[sflag:s29] =	ssyncadd.s32 $0xFFFFFFFF  }
0xb5: {  	_ =	strace $0x90000051  }
0xb6: {  	_ =	sfence  }
0xb7: {  	s30 =	sld [smem:$0x0];
	_ =	sdelay $0x2  }
0xb8: {  	s31 =	sshll.u32 s1, $0xD;
	s1 =	sshrl.u32 s1, $0x2  }
0xb9: {  	s3 =	sand.u32 $0x4000, s31;
	s1 =	sadd.s32 s1, s30  }
0xba: {  	s0 =	sor.u32 s3, s0;
	s1 =	sshll.u32 s1, $0x11  }
0xbb: {  	s0 =	sor.u32 s1, s0  }
0xbc: {  	s0 =	sadd.s32 $0x8F2B, s0  }
0xbd: {  	[sflag:s0] =	ssyncadd.remote.s32 $0x1  }
0xbe: {  	_ =	sfence.sel $0xFFFF  }
0xbf: {  	[dreg:$0x0] =	wrdreg $0xFFFFFFFF;
	(pc) =	sbr.abs _section_cstart, $3  }
0xc0: {  	[dreg:$0x1] =	wrdreg $0xFFFFFFFF  }
0xc1: {  	_ =	task.clear_ibuf [dreg:s7], $0x2FFFF;
	_ =	strace $0x9FFFFFFF  }
0xc2: {  	(tm) =	ssettm $0x7FFFFFFF  }
0xc3: {  	_ =	shalt  }
tec
execute0_lowered:
.L_overlay_start_1:
0x0: {  	(tag) =	ssettag $0x1  }
0x1: {  	s0 =	srdreg.scid;
	s5 =	rddreg [dreg:$0x0]  }
0x2: {  	s2 =	rddreg [dreg:$0x1];
	s3 =	simm.s32 $0x0;
	s4 =	sand.u32 $0x1, s0  }
0x3: {  	s10 =	simm.s32 $0x1;
	s0 =	stileid.u32;
	s1 =	sshll.u32 s4, $0x4  }
0x4: {  	s11 =	simm.s32 $0x1400;
	s12 =	simm.s32 $0x2800;
	s1 =	sor.u32 s0, s1  }
0x5: {  	s13 =	simm.s32 $0x3C00;
	s14 =	simm.s32 $0x5000;
	s6 =	smul.u32 $0x1400, s1  }
0x6: {  	s15 =	simm.s32 $0x0;
	[smem:$0x7FF] =	sst s3;
	s4 =	ssub.s32 $0x2, s4  }
0x7: {  	s7 =	sshrl.u32 s4, $0x1;
	s1 =	rddreg [dreg:$0x2];
	s6 =	sshrl.u32 s6, $0x3  }
0x8: {  	_ =	strace $0x80000050;
	s9 =	ssub.s32 s4, s7;
	s8 =	sadd.s32 s6, s5  }
0x9: {  	s9 =	smax.u32 s9, $0x1;
	s4 =	sadd.s32 $0x11200, s8;
	s5 =	sadd.s32 $0x16200, s8  }
0xa: {  	s6 =	sadd.s32 $0x39200, s8;
	s7 =	sadd.s32 $0xC200, s8;
	s8 =	sadd.s32 $0x1B200, s8  }
.LBB2_1:
0xb: {  	[tilespmem:s3], [sflag:$0x1] =	stream.linear.gather [hbm4b:s4+s3], $0x1400, $0x38;
	[tilespmem:$0x5010] =	vst v63  }
0xc: {  	_ =	swait.ge [sflag:s10], $0x1400  }
0xd: {  	[sflag:s10] =	ssyncset.done $0x0  }
0xe: {  	[sflag:s10] =	ssyncadd.s32 $0xFFFFEC00  }
0xf: {  	[tilespmem:s11], [sflag:$0x1] =	stream.linear.gather [hbm4b:s5+s3], $0x1400, $0x38;
	[tilespmem:$0x5010] =	vst v63  }
0x10: {  	_ =	swait.ge [sflag:s10], $0x1400  }
0x11: {  	[sflag:s10] =	ssyncset.done $0x0  }
0x12: {  	[sflag:s10] =	ssyncadd.s32 $0xFFFFEC00  }
0x13: {  	[tilespmem:s12], [sflag:$0x1] =	stream.linear.gather [hbm4b:s6+s3], $0x1400, $0x38;
	[tilespmem:$0x5010] =	vst v63  }
0x14: {  	_ =	swait.ge [sflag:s10], $0x1400  }
0x15: {  	[sflag:s10] =	ssyncset.done $0x0  }
0x16: {  	[sflag:s10] =	ssyncadd.s32 $0xFFFFEC00  }
0x17: {  	[tilespmem:s13], [sflag:$0x1] =	stream.linear.gather [hbm4b:s7+s3], $0x1400, $0x38;
	[tilespmem:$0x5010] =	vst v63  }
0x18: {  	_ =	swait.ge [sflag:s10], $0x1400  }
0x19: {  	[sflag:s10] =	ssyncset.done $0x0  }
0x1a: {  	[sflag:s10] =	ssyncadd.s32 $0xFFFFEC00  }
0x1b: {  	[tilespmem:s14], [sflag:$0x1] =	stream.linear.gather [hbm4b:s2+s3], $0x10, $0x38;
	[tilespmem:$0x5010] =	vst v63  }
0x1c: {  	_ =	swait.ge [sflag:s10], $0x10  }
0x1d: {  	[sflag:s10] =	ssyncset.done $0x0  }
0x1e: {  	[sflag:s10] =	ssyncadd.s32 $0xFFFFFFF0  }
0x1f: {  	s17 =	simm.s32 $0x0;
	v0 =	vld [tilespmem:$0x5000]  }
0x20: {  	v8 =	vld [tilespmem:s17+$0x3C00]  }
0x21: {  	v10 =	vld [tilespmem:s17+$0x3C10]  }
0x22: {  	v1 =	vld [tilespmem:s17+$0x0]  }
0x23: {  	v2 =	vld [tilespmem:s17+$0x1400]  }
0x24: {  	v3 =	vld [tilespmem:s17+$0x10]  }
0x25: {  	v4 =	vld [tilespmem:s17+$0x1410]  }
0x26: {  	v5 =	vld [tilespmem:s17+$0x20]  }
0x27: {  	v6 =	vld [tilespmem:s17+$0x1420]  }
0x28: {  	v7 =	vld [tilespmem:s17+$0x30]  }
0x29: {  	v9 =	vld [tilespmem:s17+$0x1430]  }
0x2a: {  	v11 =	vld [tilespmem:s17+$0x2800]  }
0x2b: {  	v12 =	vld [tilespmem:s17+$0x2810]  }
0x2c: {  	v13 =	vld [tilespmem:s17+$0x2820]  }
0x2d: {  	v14 =	vld [tilespmem:s17+$0x2830];
	v1 =	vadd.f32 v2, v1  }
0x2e: {  	v15 =	vld [tilespmem:s17+$0x3C20]  }
0x2f: {  	s16 =	simm.s32 $0x40;
	v16 =	vld [tilespmem:s17+$0x3C30];
	v3 =	vadd.f32 v4, v3;
	v4 =	vadd.f32 v11, v1  }
0x30: {  	v2 =	vld [tilespmem:s16+$0x3C00]  }
0x31: {  	v5 =	vadd.f32 v6, v5;
	v1 =	vld [tilespmem:s16+$0x3C10];
	v6 =	vadd.f32 v12, v3;
	v11 =	vmul.f32 v4, v8  }
0x32: {  	v7 =	vadd.f32 v9, v7;
	v3 =	vld [tilespmem:s16+$0x0]  }
0x33: {  	v9 =	vadd.f32 v13, v5;
	v5 =	vld [tilespmem:s16+$0x10];
	v12 =	vmul.f32 v6, v10;
	v11 =	vadd.f32 v11, v0  }
0x34: {  	v13 =	vadd.f32 v14, v7;
	v7 =	vld [tilespmem:s16+$0x20]  }
0x35: {  	v4 =	vld [tilespmem:s16+$0x1400];
	v9 =	vmul.f32 v9, v15;
	v12 =	vadd.f32 v12, v0;
	v11 =	vmax.f32 v11, $0.0e+00  }
0x36: {  	v6 =	vld [tilespmem:s16+$0x1410];
	v13 =	vmul.f32 v13, v16;
	v11 =	vmul.f32 v11, v8  }
0x37: {  	v14 =	vadd.f32 v9, v0;
	v9 =	vld [tilespmem:s16+$0x30];
	v12 =	vmax.f32 v12, $0.0e+00  }
0x38: {  	v8 =	vld [tilespmem:s16+$0x1420];
	v12 =	vmul.f32 v12, v10;
	[tilespmem:s17+$0x2800] =	vst v11;
	v11 =	vadd.f32 v13, v0  }
0x39: {  	v13 =	vmax.f32 v14, $0.0e+00  }
0x3a: {  	v10 =	vld [tilespmem:s16+$0x1430];
	v13 =	vmul.f32 v13, v15;
	[tilespmem:s17+$0x2810] =	vst v12;
	v12 =	vmax.f32 v11, $0.0e+00  }
0x3b: {  	v12 =	vmul.f32 v12, v16  }
0x3c: {  	s18 =	simm.s32 $0x200;
	v11 =	vld [tilespmem:s16+$0x2800];
	[tilespmem:s17+$0x2820] =	vst v13  }
.LBB2_2:
0x3d: {  	p0 =	sne.s32 s18, $0x4F00;
	v13 =	vld [tilespmem:s16+$0x2810];
	[tilespmem:s17+$0x2830] =	vst v12;
	s17 =	smov.u32 s16  }
0x3e: {  	v12 =	vld [tilespmem:s17+$0x2820]  }
0x3f: {  	v3 =	vadd.f32 v4, v3;
	v4 =	vld [tilespmem:s17+$0x2830]  }
0x40: {  	v5 =	vadd.f32 v6, v5;
	v14 =	vld [tilespmem:s17+$0x3C20]  }
0x41: {  	s16 =	sshra.s32 s18, $0x2;
	v6 =	vadd.f32 v8, v7;
	v3 =	vadd.f32 v11, v3;
	v11 =	vld [tilespmem:s17+$0x3C30]  }
0x42: {  	v7 =	vadd.f32 v10, v9;
	v8 =	vld [tilespmem:s16+$0x3C00];
	v5 =	vadd.f32 v13, v5  }
0x43: {  	v9 =	vld [tilespmem:s16+$0x3C10];
	v10 =	vmul.f32 v3, v2;
	v6 =	vadd.f32 v12, v6  }
0x44: {  	v3 =	vld [tilespmem:s16+$0x0];
	v12 =	vmul.f32 v5, v1;
	v7 =	vadd.f32 v4, v7  }
0x45: {  	v4 =	vld [tilespmem:s16+$0x1400];
	v10 =	vadd.f32 v10, v0;
	v13 =	vmul.f32 v6, v14  }
0x46: {  	v5 =	vld [tilespmem:s16+$0x10];
	v12 =	vadd.f32 v12, v0;
	v15 =	vmul.f32 v7, v11  }
0x47: {  	v6 =	vld [tilespmem:s16+$0x1410];
	v10 =	vmax.f32 v10, $0.0e+00;
	v13 =	vadd.f32 v13, v0  }
.Ltmp0:
0x48: {  	v7 =	vld [tilespmem:s16+$0x20];
	v10 =	vmul.f32 v10, v2;
	v12 =	vmax.f32 v12, $0.0e+00;
	v15 =	vadd.f32 v15, v0;
	v2 =	vmovc v8;
	(pc) =	sbr.rel @p0 .LBB2_2-.Ltmp0, $4  }
0x49: {  	v8 =	vld [tilespmem:s16+$0x1420];
	v12 =	vmul.f32 v12, v1;
	v13 =	vmax.f32 v13, $0.0e+00;
	v1 =	vmov v9  }
0x4a: {  	v9 =	vld [tilespmem:s16+$0x30];
	[tilespmem:s17+$0x2800] =	vst v10;
	v13 =	vmul.f32 v13, v14;
	v14 =	vmax.f32 v15, $0.0e+00  }
0x4b: {  	v10 =	vld [tilespmem:s16+$0x1430];
	[tilespmem:s17+$0x2810] =	vst v12;
	v12 =	vmul.f32 v14, v11  }
0x4c: {  	s18 =	sadd.s32 $0x100, s18;
	v11 =	vld [tilespmem:s16+$0x2800];
	[tilespmem:s17+$0x2820] =	vst v13  }
0x4d: {  	v13 =	vld [tilespmem:s16+$0x2810];
	[tilespmem:s17+$0x2830] =	vst v12  }
0x4e: {  	v12 =	vld [tilespmem:s16+$0x2820]  }
0x4f: {  	v3 =	vadd.f32 v4, v3;
	v55 =	vld [tilespmem:s16+$0x2830]  }
0x50: {  	v5 =	vadd.f32 v6, v5;
	v56 =	vld [tilespmem:s16+$0x3C20]  }
0x51: {  	v7 =	vadd.f32 v8, v7;
	v57 =	vld [tilespmem:s16+$0x3C30];
	v3 =	vadd.f32 v11, v3  }
0x52: {  	v9 =	vadd.f32 v10, v9;
	v5 =	vadd.f32 v13, v5  }
0x53: {  	v3 =	vmul.f32 v3, v2;
	v7 =	vadd.f32 v12, v7  }
0x54: {  	v4 =	vadd.f32 v55, v9;
	v5 =	vmul.f32 v5, v1  }
0x55: {  	v3 =	vadd.f32 v3, v0;
	v7 =	vmul.f32 v7, v56  }
0x56: {  	v4 =	vmul.f32 v4, v57;
	v5 =	vadd.f32 v5, v0  }
0x57: {  	v3 =	vmax.f32 v3, $0.0e+00;
	v7 =	vadd.f32 v7, v0  }
0x58: {  	v60 =	vadd.f32 v4, v0;
	v58 =	vmul.f32 v3, v2;
	v59 =	vmax.f32 v5, $0.0e+00  }
0x59: {  	v61 =	vmul.f32 v59, v1;
	v62 =	vmax.f32 v7, $0.0e+00  }
0x5a: {  	v0 =	vmax.f32 v60, $0.0e+00;
	[tilespmem:s16+$0x2800] =	vst v58;
	v63 =	vmul.f32 v62, v56  }
0x5b: {  	s15 =	sadd.s32 $0x1, s15;
	v0 =	vmul.f32 v0, v57;
	[tilespmem:s16+$0x2810] =	vst v61  }
0x5c: {  	p0 =	sne.s32 s15, s9;
	[tilespmem:s16+$0x2820] =	vst v63  }
.Ltmp1:
0x5d: {  	[tilespmem:s16+$0x2830] =	vst v0;
	(pc) =	sbr.rel @p0 .LBB2_1-.Ltmp1, $4  }
0x5e: {  	[hbm4b:s8+s3] =	stream.linear.scatter [tilespmem:s12], [sflag:$0x1], $0x1400, $0x38;
	[tilespmem:$0x5010] =	vst v63  }
0x5f: {  	_ =	swait.ge [sflag:s10], $0x1400  }
0x60: {  	[sflag:s10] =	ssyncset.done $0x0  }
0x61: {  	[sflag:s10] =	ssyncadd.s32 $0xFFFFEC00  }
0x62: {  	_ =	sfence.sel $0x180000  }
0x63: {  	[bflag:$0x0] =	sbarrier.arrive $0xFFFF  }
0x64: {  	p0 =	sne.s32 s0, $0x0;
	_ =	strace $0x90000050  }
0x65: {  	s0 =	sadd.s32 @!p0 $0x100000, s1;
	[bflag:$0x2] =	sbarrier.arrive $0xFFFF  }
0x66: {  	[sflag:s0] =	ssyncadd.tile.s32 @!p0 $0x1;
	_ =	shalt  }
.Lfunc_end2:
_tile_overlayer_lowered:
.L_overlay_start_2:
0x67: {  	(tag) =	ssettag $0x2  }
0x68: {  	s0 =	rddreg [dreg:$0x0];
	s2 =	stileid.u32  }
0x69: {  	s1 =	rddreg [dreg:$0x1];
	p0 =	sne.s32 s2, $0x0  }
0x6a: {  	s3 =	rddreg [dreg:$0x2];
	[bflag:$0x3] =	sbarrier.arrive $0xFFFF;
	s2 =	simm.s32 @!p0 $0x1C01  }
0x6b: {  	[timem:s3], [sflag:s2] =	dma.local @!p0 [hbm:s0], s1  }
0x6c: {  	s0 =	simm.s32 @!p0 $0x1  }
0x6d: {  	_ =	swait.ge @!p0 [sflag:s0], s1  }
0x6e: {  	s1 =	ssub.s32 @!p0 $0x0, s1;
	[sflag:s0] =	ssyncset.done @!p0 $0x0  }
0x6f: {  	[sflag:s0] =	ssyncadd.s32 @!p0 s1  }
0x70: {  	[bflag:$0x3] =	sbarrier.arrive $0xFFFF  }
0x71: {  	_ =	shalt  }

// kernel: kernel.22.cloned.1.call-start
scs
__scs_entry_jumppad:
0x0: {  	(pc) =	sbr.rel $0x88, $3  }
0x1: {  	(tag) =	ssettag $0x0;
	lr =	simm.s32 $0x1  }
0x2: {  	[smem:$0x3F9B] =	sst lr;
	_ =	strace $0xD0000000  }
0x3: {  	_ = 	snop  }
0x4: {  	_ = 	snop  }
0x5: {  	_ = 	snop  }
0x6: {  	_ = 	snop  }
0x7: {  	_ = 	snop  }
__scs_overlays_trampoline_lowered:
0x8: {  	[smem:$0x3FAA] =	sst s0  }
0x9: {  	[smem:$0x3FAB] =	sst s1  }
0xa: {  	[smem:$0x3FAC] =	sst s2  }
0xb: {  	[smem:$0x3FAD] =	sst s3  }
0xc: {  	[smem:$0x3FAE] =	sst s4  }
0xd: {  	[smem:$0x3FAF] =	sst s5  }
0xe: {  	[smem:$0x3FB0] =	sst s6  }
0xf: {  	[smem:$0x3FB1] =	sst s7  }
0x10: {  	[smem:$0x3FB2] =	sst s8  }
0x11: {  	[smem:$0x3FB3] =	sst s9;
	s0 =	simm.s32 @!p0 $0x0  }
0x12: {  	s1 =	sld [smem:$0x3F99];
	s0 =	simm.s32 @p0 $0x1  }
0x13: {  	[smem:$0x3FB4] =	sst s0;
	s0 =	simm.s32 @!p1 $0x0  }
0x14: {  	s2 =	sld [smem:$0x3F98];
	s0 =	simm.s32 @p1 $0x1  }
0x15: {  	[smem:$0x3FB5] =	sst s0;
	s0 =	simm.s32 @!p2 $0x0  }
0x16: {  	s3 =	sld [smem:$0x3FDB];
	s0 =	simm.s32 @p2 $0x1  }
0x17: {  	s4 =	simm.s32 $0x1BF5;
	[smem:$0x3FB7] =	sst s0  }
0x18: {  	s0 =	sld [smem:$0x3F9A];
	_ =	swait.ge [sflag:s4], $0x0  }
0x19: {  	s7 =	sld [smem:$0x3F9B]  }
0x1a: {  	s8 =	sadd.s32 $0xFFFFE003, lr  }
0x1b: {  	s9 =	sadd.s32 $0xFFFFFEF7, lr;
	s5 =	simm.s32 $0xFFFFFFFF;
	p2 =	slt.u32 s8, $0xFFFFF086  }
0x1c: {  	p1 =	slt.u32 s9, $0xF7A;
	s5 =	simm.s32 @!p2 $0x0  }
0x1d: {  	s5 =	simm.s32 @p1 $0x1;
	p0 =	seq.s32 s7, s2  }
0x1e: {  	s7 =	smul.u32 @!p0 $0xF7A, s2;
	p2 =	seq.s32 @!p0 s5, $0x0  }
0x1f: {  	s9 =	smul.u32 $0xF7A, s1;
	s8 =	simm.s32 @!p0 $0x1BF5;
	p2 =	por !p2, p0  }
0x20: {  	[sflag:s8] =	ssyncset.s32 @!p0 $0xFFFFF086;
	s6 =	sadd.s32 @!p0 s3, s7;
	s7 =	simm.s32 @!p0 $0x108  }
0x21: {  	s3 =	sadd.s32 s3, s9;
	s6 =	sadd.s32 @!p0 $0x88, s6;
	s7 =	simm.s32 @p2 $0x1082  }
0x22: {  	[simem:s7], [sflag:s8] =	dma.local @!p0 [hbm:s6], $0xF7A  }
0x23: {  	s9 =	sor.u32 $0xD0000000, s2;
	s6 =	simm.s32 $0x108;
	_ =	swait.ge @!p0 [sflag:s8], $0x0  }
0x24: {  	s3 =	sadd.s32 $0x88, s3;
	s6 =	simm.s32 @!p1 $0x1082;
	[sflag:s4] =	ssyncset.s32 $0xFFFFF086  }
0x25: {  	[simem:s6], [sflag:s4] =	dma.local [hbm:s3], $0xF7A  }
0x26: {  	[smem:$0x3F9B] =	sst s1;
	(tag) =	ssettag s2;
	_ =	strace s9  }
0x27: {  	s1 =	sld [smem:$0x3FAB]  }
0x28: {  	s2 =	sld [smem:$0x3FAC]  }
0x29: {  	s4 =	sld [smem:$0x3FAE]  }
0x2a: {  	p0 =	seq.s32 s5, $0x0;
	s5 =	sld [smem:$0x3FAF]  }
0x2b: {  	s6 =	sld [smem:$0x3FB0]  }
0x2c: {  	s7 =	sld [smem:$0x3FB1]  }
0x2d: {  	s3 =	simm.s32 $0x108;
	s8 =	sld [smem:$0x3FB2]  }
0x2e: {  	s3 =	simm.s32 @!p0 $0x1082;
	s9 =	sld [smem:$0x3FB3]  }
0x2f: {  	lr =	sadd.s32 s0, s3;
	s0 =	sld [smem:$0x3FAA]  }
0x30: {  	s3 =	sld [smem:$0x3FAD]  }
0x31: {  	[smem:$0x3FB6] =	sst s10  }
0x32: {  	s10 =	sld [smem:$0x3FB4];
	_ =	sdelay $0x3  }
0x33: {  	p0 =	seq.s32 s10, $0x1;
	s10 =	sld [smem:$0x3FB6];
	_ =	sdelay $0x3  }
0x34: {  	[smem:$0x3FB6] =	sst s10  }
0x35: {  	s10 =	sld [smem:$0x3FB5];
	_ =	sdelay $0x3  }
0x36: {  	p1 =	seq.s32 s10, $0x1;
	s10 =	sld [smem:$0x3FB6];
	_ =	sdelay $0x3  }
0x37: {  	[smem:$0x3FB6] =	sst s10  }
0x38: {  	s10 =	sld [smem:$0x3FB7]  }
0x39: {  	_ = 	snop;
	(pc) =	sbr.ind lr, $3  }
0x3a: {  	_ = 	snop  }
0x3b: {  	_ = 	snop  }
0x3c: {  	p2 =	seq.s32 s10, $0x1;
	s10 =	sld [smem:$0x3FB6]  }
0x3d: {  	_ =	shalt  }
0x3e: {  	_ =	shalt  }
0x3f: {  	_ =	shalt  }
0x40: {  	_ =	shalt  }
0x41: {  	_ =	shalt  }
0x42: {  	_ =	shalt  }
0x43: {  	_ =	shalt  }
0x44: {  	_ =	shalt  }
0x45: {  	_ =	shalt  }
0x46: {  	_ =	shalt  }
0x47: {  	_ =	shalt  }
0x48: {  	_ =	shalt  }
0x49: {  	_ =	shalt  }
0x4a: {  	_ =	shalt  }
0x4b: {  	_ =	shalt  }
0x4c: {  	_ =	shalt  }
0x4d: {  	_ =	shalt  }
0x4e: {  	_ =	shalt  }
0x4f: {  	_ =	shalt  }
0x50: {  	_ =	shalt  }
0x51: {  	_ =	shalt  }
0x52: {  	_ =	shalt  }
0x53: {  	_ =	shalt  }
0x54: {  	_ =	shalt  }
0x55: {  	_ =	shalt  }
0x56: {  	_ =	shalt  }
0x57: {  	_ =	shalt  }
0x58: {  	_ =	shalt  }
0x59: {  	_ =	shalt  }
0x5a: {  	_ =	shalt  }
0x5b: {  	_ =	shalt  }
0x5c: {  	_ =	shalt  }
0x5d: {  	_ =	shalt  }
0x5e: {  	_ =	shalt  }
0x5f: {  	_ =	shalt  }
0x60: {  	_ =	shalt  }
0x61: {  	_ =	shalt  }
0x62: {  	_ =	shalt  }
0x63: {  	_ =	shalt  }
0x64: {  	_ =	shalt  }
0x65: {  	_ =	shalt  }
0x66: {  	_ =	shalt  }
0x67: {  	_ =	shalt  }
0x68: {  	_ =	shalt  }
0x69: {  	_ =	shalt  }
0x6a: {  	_ =	shalt  }
0x6b: {  	_ =	shalt  }
0x6c: {  	_ =	shalt  }
0x6d: {  	_ =	shalt  }
0x6e: {  	_ =	shalt  }
0x6f: {  	_ =	shalt  }
0x70: {  	_ =	shalt  }
0x71: {  	_ =	shalt  }
0x72: {  	_ =	shalt  }
0x73: {  	_ =	shalt  }
0x74: {  	_ =	shalt  }
0x75: {  	_ =	shalt  }
0x76: {  	_ =	shalt  }
0x77: {  	_ =	shalt  }
0x78: {  	_ =	shalt  }
0x79: {  	_ =	shalt  }
0x7a: {  	_ =	shalt  }
0x7b: {  	_ =	shalt  }
0x7c: {  	_ =	shalt  }
0x7d: {  	_ =	shalt  }
0x7e: {  	_ =	shalt  }
0x7f: {  	_ =	shalt  }
0x80: {  	_ =	shalt  }
0x81: {  	_ =	shalt  }
0x82: {  	_ =	shalt  }
0x83: {  	_ =	shalt  }
0x84: {  	_ =	shalt  }
0x85: {  	_ =	shalt  }
0x86: {  	_ =	shalt  }
0x87: {  	_ =	shalt  }
.Lfunc_end0:
.L_simem_size_0:
called_computation.4_lowered:
.L_overlay_start_0:
0x88: {  	s2 =	sld [smem:$0x3FD9]  }
0x89: {  	s3 =	sld [smem:$0x3FFE];
	_ =	sdelay $0x1  }
0x8a: {  	s1 =	srdreg.scid  }
0x8b: {  	s0 =	sand.u32 $0x1, s1  }
0x8c: {  	s16 =	sshll.u32 s0, $0xA;
	s2 =	sadd.s32 s3, s2  }
0x8d: {  	s2 =	sadd.s32 s2, s16  }
0x8e: {  	[smem:$0x3FC2] =	sst s2  }
0x8f: {  	_ = 	snop  }
0x90: {  	(tm) =	ssettm $0x1  }
0x91: {  	s17 =	sld [smem:$0x3FFB];
	_ =	sdelay $0x3  }
0x92: {  	_ =	strace s17  }
0x93: {  	s2 =	sld [smem:$0x3FFC];
	_ =	sdelay $0x3  }
0x94: {  	_ =	strace s2  }
0x95: {  	s2 =	sld [smem:$0x3FFD];
	_ =	sdelay $0x3  }
0x96: {  	_ =	strace s2  }
0x97: {  	_ =	strace $0x8FFFFFFF  }
0x98: {  	s18 =	sld [smem:$0x3FDB];
	_ =	sdelay $0x1  }
0x99: {  	s19 =	simm.s32 $_scs_section_size  }
0x9a: {  	s4 =	simm.s32 $_size__tile_overlayer_lowered;
	s5 =	simm.s32 $_tile_overlayer_lowered  }
0x9b: {  	s22 =	simm.s32 $0x1BFF;
	s21 =	sshll.u32 s5, $0x1;
	s2 =	sadd.s32 s19, s18  }
0x9c: {  	s6 =	simm.s32 $0x0;
	s20 =	sshll.u32 s4, $0x1;
	s4 =	sadd.s32 s21, s2  }
0x9d: {  	[timem:s6], [sflag:s22] =	dma.local [hbm:s4], s20  }
0x9e: {  	_ =	swait.ge [sflag:s22], s20  }
0x9f: {  	s3 =	ssub.s32 $0x0, s20;
	[sflag:s22] =	ssyncset.done $0x0  }
0xa0: {  	[sflag:s22] =	ssyncadd.s32 s3;
	_ =	sdelay $0x1  }
0xa1: {  	s23 =	simm.s32 $0x1B8B  }
0xa2: {  	_ =	swait.ge [sflag:s23], $0x1  }
0xa3: {  	[sflag:s23] =	ssyncset.done $0x0  }
0xa4: {  	s25 =	simm.s32 $0x1B8E;
	s24 =	sld [smem:$0x3FFE];
	[sflag:s23] =	ssyncadd.s32 $0xFFFFFFFF  }
0xa5: {  	s26 =	simm.s32 $execute0_lowered;
	[smem:$0x3FD2] =	sst s25  }
0xa6: {  	s4 =	sshll.u32 s26, $0x1;
	_ =	strace $0x80000052;
	[dreg:$0x1] =	wrdreg $0xFFFFFFFF  }
0xa7: {  	s28 =	simm.s32 $_size_execute0_lowered;
	s2 =	sadd.s32 s2, s4;
	[dreg:$0x0] =	wrdreg $0x0  }
0xa8: {  	s4 =	sshll.u32 s28, $0x1;
	[dreg:$0x2] =	wrdreg s2  }
0xa9: {  	[dreg:$0x3] =	wrdreg s4  }
0xaa: {  	[dreg:$0x4] =	wrdreg $0xC0  }
0xab: {  	_ =	task [dreg:s6], $0x5FFFF  }
0xac: {  	[dreg:$0x1] =	wrdreg $0xFFFFFFFF  }
0xad: {  	[dreg:$0x0] =	wrdreg $0x60  }
0xae: {  	[dreg:$0x2] =	wrdreg s24  }
0xaf: {  	[dreg:$0x3] =	wrdreg $0x0  }
0xb0: {  	[dreg:$0x4] =	wrdreg $0x9  }
0xb1: {  	_ =	task.clear_ibuf [dreg:s6], $0x5FFFF;
	_ =	strace $0x90000052  }
0xb2: {  	s29 =	simm.s32 $0x9;
	_ =	strace $0x80000054  }
0xb3: {  	_ =	swait.ge [sflag:s29], $0x1  }
0xb4: {  	[sflag:s29] =	ssyncadd.s32 $0xFFFFFFFF  }
0xb5: {  	_ =	strace $0x90000054  }
0xb6: {  	_ =	sfence  }
0xb7: {  	s30 =	sld [smem:$0x0];
	_ =	sdelay $0x2  }
0xb8: {  	s31 =	sshll.u32 s1, $0xD;
	s1 =	sshrl.u32 s1, $0x2  }
0xb9: {  	s3 =	sand.u32 $0x4000, s31;
	s1 =	sadd.s32 s1, s30  }
0xba: {  	s0 =	sor.u32 s3, s0;
	s1 =	sshll.u32 s1, $0x11  }
0xbb: {  	s0 =	sor.u32 s1, s0  }
0xbc: {  	s0 =	sadd.s32 $0x8F2B, s0  }
0xbd: {  	[sflag:s0] =	ssyncadd.remote.s32 $0x1  }
0xbe: {  	_ =	sfence.sel $0xFFFF  }
0xbf: {  	[dreg:$0x0] =	wrdreg $0xFFFFFFFF;
	(pc) =	sbr.abs _section_cstart, $3  }
0xc0: {  	[dreg:$0x1] =	wrdreg $0xFFFFFFFF  }
0xc1: {  	_ =	task.clear_ibuf [dreg:s6], $0x2FFFF;
	_ =	strace $0x9FFFFFFF  }
0xc2: {  	(tm) =	ssettm $0x7FFFFFFF  }
0xc3: {  	_ =	shalt  }
tec
execute0_lowered:
.L_overlay_start_1:
0x0: {  	(tag) =	ssettag $0x1  }
0x1: {  	s0 =	srdreg.scid;
	s3 =	rddreg [dreg:$0x0]  }
0x2: {  	s4 =	stileid.u32;
	s2 =	rddreg [dreg:$0x1];
	s6 =	simm.s32 $0x0  }
0x3: {  	s14 =	simm.s32 $0x68;
	s29 =	simm.s32 $0x0;
	s21 =	simm.s32 $0x3B88  }
0x4: {  	s30 =	simm.s32 $0x6910;
	s23 =	simm.s32 $0x7610;
	s28 =	simm.s32 $0x8310  }
0x5: {  	s19 =	simm.s32 $0x8990;
	s16 =	simm.s32 $0xB710;
	s18 =	simm.s32 $0xBD90  }
0x6: {  	s20 =	simm.s32 $0xC410;
	s22 =	simm.s32 $0xCA90;
	s0 =	sand.u32 $0x1, s0  }
0x7: {  	s24 =	simm.s32 $0xD110;
	s5 =	smul.u32 $0x2800, s4;
	s1 =	sshll.u32 s0, $0x4  }
0x8: {  	[smem:$0x7FF] =	sst s6;
	s25 =	smul.u32 $0x28000, s0;
	s1 =	sor.u32 s4, s1  }
0x9: {  	_ =	strace $0x80000053;
	s0 =	ssub.s32 $0x2, s0;
	s1 =	smul.u32 $0x1388, s1  }
0xa: {  	s4 =	sadd.s32 $0x1B200, s3;
	s7 =	sshrl.u32 s0, $0x1;
	s6 =	sadd.s32 s5, s25  }
0xb: {  	s0 =	ssub.s32 s0, s7;
	s5 =	sadd.s32 s5, s2;
	s1 =	sshrl.u32 s1, $0x3  }
0xc: {  	[dreg:$0x7] =	wrdreg s5;
	s0 =	smax.u32 s0, $0x1;
	s1 =	sadd.s32 s1, s3  }
0xd: {  	s6 =	sshrl.u32 s6, $0x3;
	[dreg:$0x6] =	wrdreg s0;
	s26 =	sadd.s32 $0x2400, s1  }
0xe: {  	s3 =	sadd.s32 s6, s3;
	s1 =	sadd.s32 $0x7220, s1;
	[dreg:$0x3] =	wrdreg s26  }
0xf: {  	s25 =	simm.s32 $0x6290;
	s31 =	sadd.s32 $0x11200, s3;
	[dreg:$0x4] =	wrdreg s1  }
0x10: {  	v0 =	vimm.f32 $0.0e+00;
	[dreg:$0x5] =	wrdreg s31;
	s1 =	simm.s32 $0x9;
	s26 =	simm.s32 $0xD790  }
.LBB2_1:
0x11: {  	s0 =	simm.s32 $0x100;
	s31 =	simm.s32 $0x0  }
.LBB2_2:
0x12: {  	p0 =	sne.s32 s0, $0x9F00;
	[tilespmem:s31+$0x4F40] =	vst v0;
	s17 =	smov.u32 s0;
	s0 =	sadd.s32 $0x100, s0  }
.Ltmp0:
0x13: {  	[tilespmem:s31+$0x4F30] =	vst v0;
	(pc) =	sbr.rel @p0 .LBB2_2-.Ltmp0, $3  }
0x14: {  	[tilespmem:s31+$0x4F10] =	vst v0  }
0x15: {  	[tilespmem:s31+$0x4F20] =	vst v0;
	_ =	sdelay $0x1  }
0x16: {  	s31 =	sshra.s32 s17, $0x2  }
0x17: {  	[tilespmem:s31+$0x4F40] =	vst v0  }
0x18: {  	[tilespmem:s31+$0x4F30] =	vst v0  }
0x19: {  	[tilespmem:s31+$0x4F10] =	vst v0  }
0x1a: {  	[tilespmem:s31+$0x4F20] =	vst v0;
	s5 =	simm.s32 $0x4F10;
	s0 =	rddreg [dreg:$0x7]  }
0x1b: {  	[spmem:s0] =	stream.linear.scatter [tilespmem:s5], [sflag:$0x9], $0x2800, $0x38;
	[tilespmem:$0x18790] =	vst v63  }
0x1c: {  	_ =	swait.ge [sflag:s1], $0x2800  }
0x1d: {  	s9 =	simm.s32 $0x0;
	[sflag:s1] =	ssyncset.done $0x0  }
0x1e: {  	s10 =	simm.s32 $0x2800;
	s17 =	rddreg [dreg:$0x3];
	[sflag:s1] =	ssyncadd.s32 $0xFFFFD800  }
0x1f: {  	[tilespmem:s10], [sflag:$0x9] =	stream.linear.gather [hbm4b:s17+s9], $0x1388, $0x38;
	[tilespmem:$0x18790] =	vst v63  }
0x20: {  	_ =	swait.ge [sflag:s1], $0x1388  }
0x21: {  	[sflag:s1] =	ssyncset.done $0x0  }
0x22: {  	s11 =	rddreg [dreg:$0x4];
	[sflag:s1] =	ssyncadd.s32 $0xFFFFEC78  }
0x23: {  	[tilespmem:s21], [sflag:$0x9] =	stream.linear.gather [hbm4b:s11+s9], $0x1388, $0x38;
	[tilespmem:$0x18790] =	vst v63  }
0x24: {  	_ =	swait.ge [sflag:s1], $0x1388  }
0x25: {  	[sflag:s1] =	ssyncset.done $0x0  }
0x26: {  	[sflag:s1] =	ssyncadd.s32 $0xFFFFEC78  }
0x27: {  	[bflag:$0x0] =	sbarrier.arrive $0xFFFF  }
0x28: {  	[tilespmem:s5], [sflag:$0x1] =	stream.indirect.gather [hbm4b:s4+s14], $0x10, s10, s14, $0xb8;
	[tilespmem:$0x18790] =	vst v63  }
0x29: {  	s12 =	simm.s32 $0x2868;
	s17 =	simm.s32 $0x5590  }
0x2a: {  	[tilespmem:s17], [sflag:$0x1] =	stream.indirect.gather [hbm4b:s4+s14], $0x10, s12, s14, $0xb8;
	[tilespmem:$0x18790] =	vst v63  }
0x2b: {  	s13 =	simm.s32 $0x28D0;
	s31 =	simm.s32 $0x5C10  }
0x2c: {  	[tilespmem:s31], [sflag:$0x1] =	stream.indirect.gather [hbm4b:s4+s14], $0x10, s13, s14, $0xb8;
	[tilespmem:$0x18790] =	vst v63  }
0x2d: {  	s15 =	simm.s32 $0x2938  }
0x2e: {  	[tilespmem:s25], [sflag:$0x1] =	stream.indirect.gather [hbm4b:s4+s14], $0x10, s15, s14, $0xb8;
	[tilespmem:$0x18790] =	vst v63  }
0x2f: {  	s3 =	simm.s32 $0x29A0  }
0x30: {  	[tilespmem:s30], [sflag:$0x1] =	stream.indirect.gather [hbm4b:s4+s14], $0x10, s3, s14, $0xb8;
	[tilespmem:$0x18790] =	vst v63  }
0x31: {  	s6 =	simm.s32 $0x2A08;
	s15 =	simm.s32 $0x6F90  }
0x32: {  	[tilespmem:s15], [sflag:$0x1] =	stream.indirect.gather [hbm4b:s4+s14], $0x10, s6, s14, $0xb8;
	[tilespmem:$0x18790] =	vst v63  }
0x33: {  	s7 =	simm.s32 $0x2A70  }
0x34: {  	[tilespmem:s23], [sflag:$0x2] =	stream.indirect.gather [hbm4b:s4+s14], $0x10, s7, s14, $0xb8;
	[tilespmem:$0x18790] =	vst v63  }
0x35: {  	s8 =	simm.s32 $0x2AD8;
	s7 =	simm.s32 $0x7C90  }
0x36: {  	[tilespmem:s7], [sflag:$0x2] =	stream.indirect.gather [hbm4b:s4+s14], $0x10, s8, s14, $0xb8;
	[tilespmem:$0x18790] =	vst v63  }
0x37: {  	s9 =	simm.s32 $0x2B40  }
0x38: {  	[tilespmem:s28], [sflag:$0x2] =	stream.indirect.gather [hbm4b:s4+s14], $0x10, s9, s14, $0xb8;
	[tilespmem:$0x18790] =	vst v63  }
0x39: {  	s10 =	simm.s32 $0x2BA8  }
0x3a: {  	[tilespmem:s19], [sflag:$0x2] =	stream.indirect.gather [hbm4b:s4+s14], $0x10, s10, s14, $0xb8;
	[tilespmem:$0x18790] =	vst v63  }
0x3b: {  	s11 =	simm.s32 $0x2C10;
	s3 =	simm.s32 $0x9010  }
0x3c: {  	[tilespmem:s3], [sflag:$0x2] =	stream.indirect.gather [hbm4b:s4+s14], $0x10, s11, s14, $0xb8;
	[tilespmem:$0x18790] =	vst v63  }
0x3d: {  	s12 =	simm.s32 $0x2C78;
	s6 =	simm.s32 $0x9690  }
0x3e: {  	[tilespmem:s6], [sflag:$0x2] =	stream.indirect.gather [hbm4b:s4+s14], $0x10, s12, s14, $0xb8;
	[tilespmem:$0x18790] =	vst v63  }
0x3f: {  	s13 =	simm.s32 $0x2CE0;
	s12 =	simm.s32 $0x9D10  }
0x40: {  	[tilespmem:s12], [sflag:$0x3] =	stream.indirect.gather [hbm4b:s4+s14], $0x10, s13, s14, $0xb8;
	[tilespmem:$0x18790] =	vst v63  }
0x41: {  	s8 =	simm.s32 $0x2D48;
	s9 =	simm.s32 $0xA390  }
0x42: {  	[tilespmem:s9], [sflag:$0x3] =	stream.indirect.gather [hbm4b:s4+s14], $0x10, s8, s14, $0xb8;
	[tilespmem:$0x18790] =	vst v63  }
0x43: {  	s10 =	simm.s32 $0x2DB0;
	s8 =	simm.s32 $0xAA10  }
0x44: {  	[tilespmem:s8], [sflag:$0x3] =	stream.indirect.gather [hbm4b:s4+s14], $0x10, s10, s14, $0xb8;
	[tilespmem:$0x18790] =	vst v63  }
0x45: {  	s11 =	simm.s32 $0x2E18;
	s10 =	simm.s32 $0xB090  }
0x46: {  	[tilespmem:s10], [sflag:$0x3] =	stream.indirect.gather [hbm4b:s4+s14], $0x10, s11, s14, $0xb8;
	[tilespmem:$0x18790] =	vst v63  }
0x47: {  	s13 =	simm.s32 $0x2E80  }
0x48: {  	[tilespmem:s16], [sflag:$0x3] =	stream.indirect.gather [hbm4b:s4+s14], $0x10, s13, s14, $0xb8;
	[tilespmem:$0x18790] =	vst v63  }
0x49: {  	s11 =	simm.s32 $0x2EE8  }
0x4a: {  	[tilespmem:s18], [sflag:$0x3] =	stream.indirect.gather [hbm4b:s4+s14], $0x10, s11, s14, $0xb8;
	[tilespmem:$0x18790] =	vst v63  }
0x4b: {  	s13 =	simm.s32 $0x2F50  }
0x4c: {  	[tilespmem:s20], [sflag:$0x4] =	stream.indirect.gather [hbm4b:s4+s14], $0x10, s13, s14, $0xb8;
	[tilespmem:$0x18790] =	vst v63  }
0x4d: {  	s11 =	simm.s32 $0x2FB8  }
0x4e: {  	[tilespmem:s22], [sflag:$0x4] =	stream.indirect.gather [hbm4b:s4+s14], $0x10, s11, s14, $0xb8;
	[tilespmem:$0x18790] =	vst v63  }
0x4f: {  	s13 =	simm.s32 $0x3020  }
0x50: {  	[tilespmem:s24], [sflag:$0x4] =	stream.indirect.gather [hbm4b:s4+s14], $0x10, s13, s14, $0xb8;
	[tilespmem:$0x18790] =	vst v63  }
0x51: {  	s11 =	simm.s32 $0x3088  }
0x52: {  	[tilespmem:s26], [sflag:$0x4] =	stream.indirect.gather [hbm4b:s4+s14], $0x10, s11, s14, $0xb8;
	[tilespmem:$0x18790] =	vst v63  }
0x53: {  	s13 =	simm.s32 $0x30F0;
	s11 =	simm.s32 $0xDE10  }
0x54: {  	[tilespmem:s11], [sflag:$0x4] =	stream.indirect.gather [hbm4b:s4+s14], $0x10, s13, s14, $0xb8;
	[tilespmem:$0x18790] =	vst v63  }
0x55: {  	s11 =	simm.s32 $0x3158;
	s13 =	simm.s32 $0xE490  }
0x56: {  	[tilespmem:s13], [sflag:$0x4] =	stream.indirect.gather [hbm4b:s4+s14], $0x10, s11, s14, $0xb8;
	[tilespmem:$0x18790] =	vst v63  }
0x57: {  	s11 =	simm.s32 $0x31C0;
	s13 =	simm.s32 $0xEB10  }
0x58: {  	[tilespmem:s13], [sflag:$0x5] =	stream.indirect.gather [hbm4b:s4+s14], $0x10, s11, s14, $0xb8;
	[tilespmem:$0x18790] =	vst v63  }
0x59: {  	s11 =	simm.s32 $0x3228;
	s13 =	simm.s32 $0xF190  }
0x5a: {  	[tilespmem:s13], [sflag:$0x5] =	stream.indirect.gather [hbm4b:s4+s14], $0x10, s11, s14, $0xb8;
	[tilespmem:$0x18790] =	vst v63  }
0x5b: {  	s11 =	simm.s32 $0x3290;
	s13 =	simm.s32 $0xF810  }
0x5c: {  	[tilespmem:s13], [sflag:$0x5] =	stream.indirect.gather [hbm4b:s4+s14], $0x10, s11, s14, $0xb8;
	[tilespmem:$0x18790] =	vst v63  }
0x5d: {  	s11 =	simm.s32 $0x32F8;
	s13 =	simm.s32 $0xFE90  }
0x5e: {  	[tilespmem:s13], [sflag:$0x5] =	stream.indirect.gather [hbm4b:s4+s14], $0x10, s11, s14, $0xb8;
	[tilespmem:$0x18790] =	vst v63  }
0x5f: {  	s11 =	simm.s32 $0x3360;
	s13 =	simm.s32 $0x10510  }
0x60: {  	[tilespmem:s13], [sflag:$0x5] =	stream.indirect.gather [hbm4b:s4+s14], $0x10, s11, s14, $0xb8;
	[tilespmem:$0x18790] =	vst v63  }
0x61: {  	s11 =	simm.s32 $0x33C8;
	s13 =	simm.s32 $0x10B90  }
0x62: {  	[tilespmem:s13], [sflag:$0x5] =	stream.indirect.gather [hbm4b:s4+s14], $0x10, s11, s14, $0xb8;
	[tilespmem:$0x18790] =	vst v63  }
0x63: {  	s11 =	simm.s32 $0x3430;
	s13 =	simm.s32 $0x11210  }
0x64: {  	[tilespmem:s13], [sflag:$0x6] =	stream.indirect.gather [hbm4b:s4+s14], $0x10, s11, s14, $0xb8;
	[tilespmem:$0x18790] =	vst v63  }
0x65: {  	s11 =	simm.s32 $0x3498;
	s13 =	simm.s32 $0x11890  }
0x66: {  	[tilespmem:s13], [sflag:$0x6] =	stream.indirect.gather [hbm4b:s4+s14], $0x10, s11, s14, $0xb8;
	[tilespmem:$0x18790] =	vst v63  }
0x67: {  	s11 =	simm.s32 $0x3500;
	s13 =	simm.s32 $0x11F10  }
0x68: {  	[tilespmem:s13], [sflag:$0x6] =	stream.indirect.gather [hbm4b:s4+s14], $0x10, s11, s14, $0xb8;
	[tilespmem:$0x18790] =	vst v63  }
0x69: {  	s11 =	simm.s32 $0x3568;
	s13 =	simm.s32 $0x12590  }
0x6a: {  	[tilespmem:s13], [sflag:$0x6] =	stream.indirect.gather [hbm4b:s4+s14], $0x10, s11, s14, $0xb8;
	[tilespmem:$0x18790] =	vst v63  }
0x6b: {  	s11 =	simm.s32 $0x35D0;
	s13 =	simm.s32 $0x12C10  }
0x6c: {  	[tilespmem:s13], [sflag:$0x6] =	stream.indirect.gather [hbm4b:s4+s14], $0x10, s11, s14, $0xb8;
	[tilespmem:$0x18790] =	vst v63  }
0x6d: {  	s11 =	simm.s32 $0x3638;
	s13 =	simm.s32 $0x13290  }
0x6e: {  	[tilespmem:s13], [sflag:$0x6] =	stream.indirect.gather [hbm4b:s4+s14], $0x10, s11, s14, $0xb8;
	[tilespmem:$0x18790] =	vst v63  }
0x6f: {  	s11 =	simm.s32 $0x36A0;
	s13 =	simm.s32 $0x13910  }
0x70: {  	[tilespmem:s13], [sflag:$0x7] =	stream.indirect.gather [hbm4b:s4+s14], $0x10, s11, s14, $0xb8;
	[tilespmem:$0x18790] =	vst v63  }
0x71: {  	s11 =	simm.s32 $0x3708;
	s13 =	simm.s32 $0x13F90  }
0x72: {  	[tilespmem:s13], [sflag:$0x7] =	stream.indirect.gather [hbm4b:s4+s14], $0x10, s11, s14, $0xb8;
	[tilespmem:$0x18790] =	vst v63  }
0x73: {  	s11 =	simm.s32 $0x3770;
	s13 =	simm.s32 $0x14610  }
0x74: {  	[tilespmem:s13], [sflag:$0x7] =	stream.indirect.gather [hbm4b:s4+s14], $0x10, s11, s14, $0xb8;
	[tilespmem:$0x18790] =	vst v63  }
0x75: {  	s11 =	simm.s32 $0x37D8;
	s13 =	simm.s32 $0x14C90  }
0x76: {  	[tilespmem:s13], [sflag:$0x7] =	stream.indirect.gather [hbm4b:s4+s14], $0x10, s11, s14, $0xb8;
	[tilespmem:$0x18790] =	vst v63  }
0x77: {  	s11 =	simm.s32 $0x3840;
	s13 =	simm.s32 $0x15310  }
0x78: {  	[tilespmem:s13], [sflag:$0x7] =	stream.indirect.gather [hbm4b:s4+s14], $0x10, s11, s14, $0xb8;
	[tilespmem:$0x18790] =	vst v63  }
0x79: {  	s11 =	simm.s32 $0x38A8;
	s13 =	simm.s32 $0x15990  }
0x7a: {  	[tilespmem:s13], [sflag:$0x7] =	stream.indirect.gather [hbm4b:s4+s14], $0x10, s11, s14, $0xb8;
	[tilespmem:$0x18790] =	vst v63  }
0x7b: {  	s11 =	simm.s32 $0x3910;
	s13 =	simm.s32 $0x16010  }
0x7c: {  	[tilespmem:s13], [sflag:$0x8] =	stream.indirect.gather [hbm4b:s4+s14], $0x10, s11, s14, $0xb8;
	[tilespmem:$0x18790] =	vst v63  }
0x7d: {  	s11 =	simm.s32 $0x3978;
	s13 =	simm.s32 $0x16690  }
0x7e: {  	[tilespmem:s13], [sflag:$0x8] =	stream.indirect.gather [hbm4b:s4+s14], $0x10, s11, s14, $0xb8;
	[tilespmem:$0x18790] =	vst v63  }
0x7f: {  	s11 =	simm.s32 $0x39E0;
	s13 =	simm.s32 $0x16D10  }
0x80: {  	[tilespmem:s13], [sflag:$0x8] =	stream.indirect.gather [hbm4b:s4+s14], $0x10, s11, s14, $0xb8;
	[tilespmem:$0x18790] =	vst v63  }
0x81: {  	s11 =	simm.s32 $0x3A48;
	s13 =	simm.s32 $0x17390  }
0x82: {  	[tilespmem:s13], [sflag:$0x8] =	stream.indirect.gather [hbm4b:s4+s14], $0x10, s11, s14, $0xb8;
	[tilespmem:$0x18790] =	vst v63  }
0x83: {  	s11 =	simm.s32 $0x3AB0;
	s13 =	simm.s32 $0x17A10  }
0x84: {  	[tilespmem:s13], [sflag:$0x8] =	stream.indirect.gather [hbm4b:s4+s14], $0x10, s11, s14, $0xb8;
	[tilespmem:$0x18790] =	vst v63  }
0x85: {  	s11 =	simm.s32 $0x3B18;
	s13 =	simm.s32 $0x18090  }
0x86: {  	[tilespmem:s13], [sflag:$0x8] =	stream.indirect.gather [hbm4b:s4+s14], $0x10, s11, s14, $0xb8;
	[tilespmem:$0x18790] =	vst v63  }
0x87: {  	s0 =	simm.s32 $0x8;
	s11 =	simm.s32 $0x3B80;
	s13 =	simm.s32 $0x18710  }
0x88: {  	[tilespmem:s13], [sflag:$0x8] =	stream.indirect.gather [hbm4b:s4+s0], $0x10, s11, s0, $0xb8;
	[tilespmem:$0x18790] =	vst v63  }
0x89: {  	s11 =	simm.s32 $0x1  }
0x8a: {  	_ =	swait.ge [sflag:s11], $0x2700  }
0x8b: {  	[sflag:s11] =	ssyncset.done $0x0  }
0x8c: {  	[sflag:s11] =	ssyncadd.s32 $0xFFFFD900  }
0x8d: {  	[spmem:s2] =	stream.indirect.scatter.add.f32 [tilespmem:s5], [sflag:$0x1], $0x10, s21, s14, $0xb8;
	[tilespmem:$0x18790] =	vst v63  }
0x8e: {  	s5 =	simm.s32 $0x3BF0  }
0x8f: {  	[spmem:s2] =	stream.indirect.scatter.add.f32 [tilespmem:s17], [sflag:$0x1], $0x10, s5, s14, $0xb8;
	[tilespmem:$0x18790] =	vst v63  }
0x90: {  	s17 =	simm.s32 $0x3C58  }
0x91: {  	[spmem:s2] =	stream.indirect.scatter.add.f32 [tilespmem:s31], [sflag:$0x1], $0x10, s17, s14, $0xb8;
	[tilespmem:$0x18790] =	vst v63  }
0x92: {  	s31 =	simm.s32 $0x3CC0  }
0x93: {  	[spmem:s2] =	stream.indirect.scatter.add.f32 [tilespmem:s25], [sflag:$0x1], $0x10, s31, s14, $0xb8;
	[tilespmem:$0x18790] =	vst v63  }
0x94: {  	s17 =	simm.s32 $0x3D28  }
0x95: {  	[spmem:s2] =	stream.indirect.scatter.add.f32 [tilespmem:s30], [sflag:$0x1], $0x10, s17, s14, $0xb8;
	[tilespmem:$0x18790] =	vst v63  }
0x96: {  	s5 =	simm.s32 $0x2;
	s31 =	simm.s32 $0x3D90  }
0x97: {  	[spmem:s2] =	stream.indirect.scatter.add.f32 [tilespmem:s15], [sflag:$0x1], $0x10, s31, s14, $0xb8;
	[tilespmem:$0x18790] =	vst v63  }
0x98: {  	_ =	swait.ge [sflag:s5], $0x2700  }
0x99: {  	[sflag:s5] =	ssyncset.done $0x0  }
0x9a: {  	s17 =	simm.s32 $0x3DF8;
	[sflag:s5] =	ssyncadd.s32 $0xFFFFD900  }
0x9b: {  	[spmem:s2] =	stream.indirect.scatter.add.f32 [tilespmem:s23], [sflag:$0x2], $0x10, s17, s14, $0xb8;
	[tilespmem:$0x18790] =	vst v63  }
0x9c: {  	s31 =	simm.s32 $0x3E60  }
0x9d: {  	[spmem:s2] =	stream.indirect.scatter.add.f32 [tilespmem:s7], [sflag:$0x2], $0x10, s31, s14, $0xb8;
	[tilespmem:$0x18790] =	vst v63  }
0x9e: {  	s15 =	simm.s32 $0x3EC8  }
0x9f: {  	[spmem:s2] =	stream.indirect.scatter.add.f32 [tilespmem:s28], [sflag:$0x2], $0x10, s15, s14, $0xb8;
	[tilespmem:$0x18790] =	vst v63  }
0xa0: {  	s17 =	simm.s32 $0x3F30  }
0xa1: {  	[spmem:s2] =	stream.indirect.scatter.add.f32 [tilespmem:s19], [sflag:$0x2], $0x10, s17, s14, $0xb8;
	[tilespmem:$0x18790] =	vst v63  }
0xa2: {  	s31 =	simm.s32 $0x3F98  }
0xa3: {  	[spmem:s2] =	stream.indirect.scatter.add.f32 [tilespmem:s3], [sflag:$0x2], $0x10, s31, s14, $0xb8;
	[tilespmem:$0x18790] =	vst v63  }
0xa4: {  	s15 =	simm.s32 $0x4000;
	s3 =	simm.s32 $0x3  }
0xa5: {  	[spmem:s2] =	stream.indirect.scatter.add.f32 [tilespmem:s6], [sflag:$0x2], $0x10, s15, s14, $0xb8;
	[tilespmem:$0x18790] =	vst v63  }
0xa6: {  	_ =	swait.ge [sflag:s3], $0x2700  }
0xa7: {  	[sflag:s3] =	ssyncset.done $0x0  }
0xa8: {  	s17 =	simm.s32 $0x4068;
	[sflag:s3] =	ssyncadd.s32 $0xFFFFD900  }
0xa9: {  	[spmem:s2] =	stream.indirect.scatter.add.f32 [tilespmem:s12], [sflag:$0x3], $0x10, s17, s14, $0xb8;
	[tilespmem:$0x18790] =	vst v63  }
0xaa: {  	s31 =	simm.s32 $0x40D0  }
0xab: {  	[spmem:s2] =	stream.indirect.scatter.add.f32 [tilespmem:s9], [sflag:$0x3], $0x10, s31, s14, $0xb8;
	[tilespmem:$0x18790] =	vst v63  }
0xac: {  	s7 =	simm.s32 $0x4138  }
0xad: {  	[spmem:s2] =	stream.indirect.scatter.add.f32 [tilespmem:s8], [sflag:$0x3], $0x10, s7, s14, $0xb8;
	[tilespmem:$0x18790] =	vst v63  }
0xae: {  	s9 =	simm.s32 $0x41A0  }
0xaf: {  	[spmem:s2] =	stream.indirect.scatter.add.f32 [tilespmem:s10], [sflag:$0x3], $0x10, s9, s14, $0xb8;
	[tilespmem:$0x18790] =	vst v63  }
0xb0: {  	s10 =	simm.s32 $0x4208  }
0xb1: {  	[spmem:s2] =	stream.indirect.scatter.add.f32 [tilespmem:s16], [sflag:$0x3], $0x10, s10, s14, $0xb8;
	[tilespmem:$0x18790] =	vst v63  }
0xb2: {  	s6 =	simm.s32 $0x4;
	s12 =	simm.s32 $0x4270  }
0xb3: {  	[spmem:s2] =	stream.indirect.scatter.add.f32 [tilespmem:s18], [sflag:$0x3], $0x10, s12, s14, $0xb8;
	[tilespmem:$0x18790] =	vst v63  }
0xb4: {  	_ =	swait.ge [sflag:s6], $0x2700  }
0xb5: {  	[sflag:s6] =	ssyncset.done $0x0  }
0xb6: {  	s15 =	simm.s32 $0x42D8;
	[sflag:s6] =	ssyncadd.s32 $0xFFFFD900  }
0xb7: {  	[spmem:s2] =	stream.indirect.scatter.add.f32 [tilespmem:s20], [sflag:$0x4], $0x10, s15, s14, $0xb8;
	[tilespmem:$0x18790] =	vst v63  }
0xb8: {  	s17 =	simm.s32 $0x4340  }
0xb9: {  	[spmem:s2] =	stream.indirect.scatter.add.f32 [tilespmem:s22], [sflag:$0x4], $0x10, s17, s14, $0xb8;
	[tilespmem:$0x18790] =	vst v63  }
0xba: {  	s31 =	simm.s32 $0x43A8  }
0xbb: {  	[spmem:s2] =	stream.indirect.scatter.add.f32 [tilespmem:s24], [sflag:$0x4], $0x10, s31, s14, $0xb8;
	[tilespmem:$0x18790] =	vst v63  }
0xbc: {  	s8 =	simm.s32 $0x4410  }
0xbd: {  	[spmem:s2] =	stream.indirect.scatter.add.f32 [tilespmem:s26], [sflag:$0x4], $0x10, s8, s14, $0xb8;
	[tilespmem:$0x18790] =	vst v63  }
0xbe: {  	s9 =	simm.s32 $0x4478;
	s10 =	simm.s32 $0xDE10  }
0xbf: {  	[spmem:s2] =	stream.indirect.scatter.add.f32 [tilespmem:s10], [sflag:$0x4], $0x10, s9, s14, $0xb8;
	[tilespmem:$0x18790] =	vst v63  }
0xc0: {  	s7 =	simm.s32 $0x5;
	s12 =	simm.s32 $0x44E0;
	s15 =	simm.s32 $0xE490  }
0xc1: {  	[spmem:s2] =	stream.indirect.scatter.add.f32 [tilespmem:s15], [sflag:$0x4], $0x10, s12, s14, $0xb8;
	[tilespmem:$0x18790] =	vst v63  }
0xc2: {  	_ =	swait.ge [sflag:s7], $0x2700  }
0xc3: {  	[sflag:s7] =	ssyncset.done $0x0  }
0xc4: {  	s17 =	simm.s32 $0x4548;
	s31 =	simm.s32 $0xEB10;
	[sflag:s7] =	ssyncadd.s32 $0xFFFFD900  }
0xc5: {  	[spmem:s2] =	stream.indirect.scatter.add.f32 [tilespmem:s31], [sflag:$0x5], $0x10, s17, s14, $0xb8;
	[tilespmem:$0x18790] =	vst v63  }
0xc6: {  	s9 =	simm.s32 $0x45B0;
	s10 =	simm.s32 $0xF190  }
0xc7: {  	[spmem:s2] =	stream.indirect.scatter.add.f32 [tilespmem:s10], [sflag:$0x5], $0x10, s9, s14, $0xb8;
	[tilespmem:$0x18790] =	vst v63  }
0xc8: {  	s12 =	simm.s32 $0x4618;
	s15 =	simm.s32 $0xF810  }
0xc9: {  	[spmem:s2] =	stream.indirect.scatter.add.f32 [tilespmem:s15], [sflag:$0x5], $0x10, s12, s14, $0xb8;
	[tilespmem:$0x18790] =	vst v63  }
0xca: {  	s17 =	simm.s32 $0x4680;
	s31 =	simm.s32 $0xFE90  }
0xcb: {  	[spmem:s2] =	stream.indirect.scatter.add.f32 [tilespmem:s31], [sflag:$0x5], $0x10, s17, s14, $0xb8;
	[tilespmem:$0x18790] =	vst v63  }
0xcc: {  	s9 =	simm.s32 $0x46E8;
	s10 =	simm.s32 $0x10510  }
0xcd: {  	[spmem:s2] =	stream.indirect.scatter.add.f32 [tilespmem:s10], [sflag:$0x5], $0x10, s9, s14, $0xb8;
	[tilespmem:$0x18790] =	vst v63  }
0xce: {  	s8 =	simm.s32 $0x6;
	s12 =	simm.s32 $0x4750;
	s15 =	simm.s32 $0x10B90  }
0xcf: {  	[spmem:s2] =	stream.indirect.scatter.add.f32 [tilespmem:s15], [sflag:$0x5], $0x10, s12, s14, $0xb8;
	[tilespmem:$0x18790] =	vst v63  }
0xd0: {  	_ =	swait.ge [sflag:s8], $0x2700  }
0xd1: {  	[sflag:s8] =	ssyncset.done $0x0  }
0xd2: {  	s17 =	simm.s32 $0x47B8;
	s31 =	simm.s32 $0x11210;
	[sflag:s8] =	ssyncadd.s32 $0xFFFFD900  }
0xd3: {  	[spmem:s2] =	stream.indirect.scatter.add.f32 [tilespmem:s31], [sflag:$0x6], $0x10, s17, s14, $0xb8;
	[tilespmem:$0x18790] =	vst v63  }
0xd4: {  	s12 =	simm.s32 $0x4820;
	s15 =	simm.s32 $0x11890  }
0xd5: {  	[spmem:s2] =	stream.indirect.scatter.add.f32 [tilespmem:s15], [sflag:$0x6], $0x10, s12, s14, $0xb8;
	[tilespmem:$0x18790] =	vst v63  }
0xd6: {  	s17 =	simm.s32 $0x4888;
	s31 =	simm.s32 $0x11F10  }
0xd7: {  	[spmem:s2] =	stream.indirect.scatter.add.f32 [tilespmem:s31], [sflag:$0x6], $0x10, s17, s14, $0xb8;
	[tilespmem:$0x18790] =	vst v63  }
0xd8: {  	s12 =	simm.s32 $0x48F0;
	s15 =	simm.s32 $0x12590  }
0xd9: {  	[spmem:s2] =	stream.indirect.scatter.add.f32 [tilespmem:s15], [sflag:$0x6], $0x10, s12, s14, $0xb8;
	[tilespmem:$0x18790] =	vst v63  }
0xda: {  	s17 =	simm.s32 $0x4958;
	s31 =	simm.s32 $0x12C10  }
0xdb: {  	[spmem:s2] =	stream.indirect.scatter.add.f32 [tilespmem:s31], [sflag:$0x6], $0x10, s17, s14, $0xb8;
	[tilespmem:$0x18790] =	vst v63  }
0xdc: {  	s9 =	simm.s32 $0x7;
	s12 =	simm.s32 $0x49C0;
	s15 =	simm.s32 $0x13290  }
0xdd: {  	[spmem:s2] =	stream.indirect.scatter.add.f32 [tilespmem:s15], [sflag:$0x6], $0x10, s12, s14, $0xb8;
	[tilespmem:$0x18790] =	vst v63  }
0xde: {  	_ =	swait.ge [sflag:s9], $0x2700  }
0xdf: {  	[sflag:s9] =	ssyncset.done $0x0  }
0xe0: {  	s17 =	simm.s32 $0x4A28;
	s31 =	simm.s32 $0x13910;
	[sflag:s9] =	ssyncadd.s32 $0xFFFFD900  }
0xe1: {  	[spmem:s2] =	stream.indirect.scatter.add.f32 [tilespmem:s31], [sflag:$0x7], $0x10, s17, s14, $0xb8;
	[tilespmem:$0x18790] =	vst v63  }
0xe2: {  	s12 =	simm.s32 $0x4A90;
	s15 =	simm.s32 $0x13F90  }
0xe3: {  	[spmem:s2] =	stream.indirect.scatter.add.f32 [tilespmem:s15], [sflag:$0x7], $0x10, s12, s14, $0xb8;
	[tilespmem:$0x18790] =	vst v63  }
0xe4: {  	s17 =	simm.s32 $0x4AF8;
	s31 =	simm.s32 $0x14610  }
0xe5: {  	[spmem:s2] =	stream.indirect.scatter.add.f32 [tilespmem:s31], [sflag:$0x7], $0x10, s17, s14, $0xb8;
	[tilespmem:$0x18790] =	vst v63  }
0xe6: {  	s12 =	simm.s32 $0x4B60;
	s15 =	simm.s32 $0x14C90  }
0xe7: {  	[spmem:s2] =	stream.indirect.scatter.add.f32 [tilespmem:s15], [sflag:$0x7], $0x10, s12, s14, $0xb8;
	[tilespmem:$0x18790] =	vst v63  }
0xe8: {  	s17 =	simm.s32 $0x4BC8;
	s31 =	simm.s32 $0x15310  }
0xe9: {  	[spmem:s2] =	stream.indirect.scatter.add.f32 [tilespmem:s31], [sflag:$0x7], $0x10, s17, s14, $0xb8;
	[tilespmem:$0x18790] =	vst v63  }
0xea: {  	s12 =	simm.s32 $0x4C30;
	s15 =	simm.s32 $0x15990  }
0xeb: {  	[spmem:s2] =	stream.indirect.scatter.add.f32 [tilespmem:s15], [sflag:$0x7], $0x10, s12, s14, $0xb8;
	[tilespmem:$0x18790] =	vst v63  }
0xec: {  	_ =	swait.ge [sflag:s0], $0x2780  }
0xed: {  	[sflag:s0] =	ssyncset.done $0x0  }
0xee: {  	s17 =	simm.s32 $0x4C98;
	s31 =	simm.s32 $0x16010;
	[sflag:s0] =	ssyncadd.s32 $0xFFFFD880  }
0xef: {  	[spmem:s2] =	stream.indirect.scatter.add.f32 [tilespmem:s31], [sflag:$0x8], $0x10, s17, s14, $0xb8;
	[tilespmem:$0x18790] =	vst v63  }
0xf0: {  	s12 =	simm.s32 $0x4D00;
	s15 =	simm.s32 $0x16690  }
0xf1: {  	[spmem:s2] =	stream.indirect.scatter.add.f32 [tilespmem:s15], [sflag:$0x8], $0x10, s12, s14, $0xb8;
	[tilespmem:$0x18790] =	vst v63  }
0xf2: {  	s17 =	simm.s32 $0x4D68;
	s31 =	simm.s32 $0x16D10  }
0xf3: {  	[spmem:s2] =	stream.indirect.scatter.add.f32 [tilespmem:s31], [sflag:$0x8], $0x10, s17, s14, $0xb8;
	[tilespmem:$0x18790] =	vst v63  }
0xf4: {  	s12 =	simm.s32 $0x4DD0;
	s15 =	simm.s32 $0x17390  }
0xf5: {  	[spmem:s2] =	stream.indirect.scatter.add.f32 [tilespmem:s15], [sflag:$0x8], $0x10, s12, s14, $0xb8;
	[tilespmem:$0x18790] =	vst v63  }
0xf6: {  	s17 =	simm.s32 $0x4E38;
	s31 =	simm.s32 $0x17A10  }
0xf7: {  	[spmem:s2] =	stream.indirect.scatter.add.f32 [tilespmem:s31], [sflag:$0x8], $0x10, s17, s14, $0xb8;
	[tilespmem:$0x18790] =	vst v63  }
0xf8: {  	s15 =	simm.s32 $0x4EA0;
	s17 =	simm.s32 $0x18090  }
0xf9: {  	[spmem:s2] =	stream.indirect.scatter.add.f32 [tilespmem:s17], [sflag:$0x8], $0x10, s15, s14, $0xb8;
	[tilespmem:$0x18790] =	vst v63  }
0xfa: {  	s13 =	simm.s32 $0x18710;
	s31 =	simm.s32 $0x4F08  }
0xfb: {  	[spmem:s2] =	stream.indirect.scatter.add.f32 [tilespmem:s13], [sflag:$0x8], $0x10, s31, s0, $0xb8;
	[tilespmem:$0x18790] =	vst v63  }
0xfc: {  	_ =	swait.ge [sflag:s11], $0x2700  }
0xfd: {  	[sflag:s11] =	ssyncset.done $0x0  }
0xfe: {  	[sflag:s11] =	ssyncadd.s32 $0xFFFFD900  }
0xff: {  	_ =	swait.ge [sflag:s5], $0x2700  }
0x100: {  	[sflag:s5] =	ssyncset.done $0x0  }
0x101: {  	[sflag:s5] =	ssyncadd.s32 $0xFFFFD900  }
0x102: {  	_ =	swait.ge [sflag:s3], $0x2700  }
0x103: {  	[sflag:s3] =	ssyncset.done $0x0  }
0x104: {  	[sflag:s3] =	ssyncadd.s32 $0xFFFFD900  }
0x105: {  	_ =	swait.ge [sflag:s6], $0x2700  }
0x106: {  	[sflag:s6] =	ssyncset.done $0x0  }
0x107: {  	[sflag:s6] =	ssyncadd.s32 $0xFFFFD900  }
0x108: {  	_ =	swait.ge [sflag:s7], $0x2700  }
0x109: {  	[sflag:s7] =	ssyncset.done $0x0  }
0x10a: {  	[sflag:s7] =	ssyncadd.s32 $0xFFFFD900  }
0x10b: {  	_ =	swait.ge [sflag:s8], $0x2700  }
0x10c: {  	[sflag:s8] =	ssyncset.done $0x0  }
0x10d: {  	[sflag:s8] =	ssyncadd.s32 $0xFFFFD900  }
0x10e: {  	_ =	swait.ge [sflag:s9], $0x2700  }
0x10f: {  	[sflag:s9] =	ssyncset.done $0x0  }
0x110: {  	[sflag:s9] =	ssyncadd.s32 $0xFFFFD900  }
0x111: {  	_ =	swait.ge [sflag:s0], $0x2780  }
0x112: {  	[sflag:s0] =	ssyncset.done $0x0  }
0x113: {  	[sflag:s0] =	ssyncadd.s32 $0xFFFFD880  }
0x114: {  	s11 =	stileid.u32;
	[bflag:$0x0] =	sbarrier.arrive $0xFFFF  }
0x115: {  	s0 =	sshll.u32 s11, $0x6;
	s12 =	rddreg [dreg:$0x7]  }
0x116: {  	s0 =	sor.u32 $0x1C09, s0;
	s15 =	rddreg [dreg:$0x5];
	s13 =	sshrl.u32 s12, $0x3  }
0x117: {  	[hbm:s15], [sflag:s0] =	dma.local [spmem:s13], $0x500  }
0x118: {  	_ =	swait.ge [sflag:s1], $0x500  }
0x119: {  	s29 =	sadd.s32 $0x1, s29;
	s31 =	rddreg [dreg:$0x6]  }
0x11a: {  	p0 =	sne.s32 s29, s31  }
.Ltmp1:
0x11b: {  	_ = 	snop;
	(pc) =	sbr.rel @p0 .LBB2_1-.Ltmp1, $3  }
0x11c: {  	_ =	sdelay $0x1  }
0x11d: {  	[sflag:s1] =	ssyncset.done $0x0  }
0x11e: {  	[sflag:s1] =	ssyncadd.s32 $0xFFFFFB00  }
0x11f: {  	_ =	sfence.sel $0x180000  }
0x120: {  	[bflag:$0x0] =	sbarrier.arrive $0xFFFF  }
0x121: {  	_ =	strace $0x90000053  }
0x122: {  	s0 =	stileid.u32;
	[bflag:$0x2] =	sbarrier.arrive $0xFFFF  }
0x123: {  	p0 =	sne.s32 s0, $0x0;
	s0 =	rddreg [dreg:$0x2]  }
0x124: {  	s0 =	sadd.s32 @!p0 $0x100000, s0  }
0x125: {  	[sflag:s0] =	ssyncadd.tile.s32 @!p0 $0x1;
	_ =	shalt  }
.Lfunc_end2:
_tile_overlayer_lowered:
.L_overlay_start_2:
0x126: {  	(tag) =	ssettag $0x2  }
0x127: {  	s0 =	rddreg [dreg:$0x0];
	s2 =	stileid.u32  }
0x128: {  	s1 =	rddreg [dreg:$0x1];
	p0 =	sne.s32 s2, $0x0  }
0x129: {  	s3 =	rddreg [dreg:$0x2];
	[bflag:$0x3] =	sbarrier.arrive $0xFFFF;
	s2 =	simm.s32 @!p0 $0x1C09  }
0x12a: {  	[timem:s3], [sflag:s2] =	dma.local @!p0 [hbm:s0], s1  }
0x12b: {  	s0 =	simm.s32 @!p0 $0x9  }
0x12c: {  	_ =	swait.ge @!p0 [sflag:s0], s1  }
0x12d: {  	s1 =	ssub.s32 @!p0 $0x0, s1;
	[sflag:s0] =	ssyncset.done @!p0 $0x0  }
0x12e: {  	[sflag:s0] =	ssyncadd.s32 @!p0 s1  }
0x12f: {  	[bflag:$0x3] =	sbarrier.arrive $0xFFFF  }
0x130: {  	_ =	shalt  }

// kernel: kernel.25.cloned.1.call-start
scs
__scs_entry_jumppad:
0x0: {  	(pc) =	sbr.rel $0x88, $3  }
0x1: {  	(tag) =	ssettag $0x0;
	lr =	simm.s32 $0x1  }
0x2: {  	[smem:$0x3F9B] =	sst lr;
	_ =	strace $0xD0000000  }
0x3: {  	_ = 	snop  }
0x4: {  	_ = 	snop  }
0x5: {  	_ = 	snop  }
0x6: {  	_ = 	snop  }
0x7: {  	_ = 	snop  }
__scs_overlays_trampoline_lowered:
0x8: {  	[smem:$0x3FAA] =	sst s0  }
0x9: {  	[smem:$0x3FAB] =	sst s1  }
0xa: {  	[smem:$0x3FAC] =	sst s2  }
0xb: {  	[smem:$0x3FAD] =	sst s3  }
0xc: {  	[smem:$0x3FAE] =	sst s4  }
0xd: {  	[smem:$0x3FAF] =	sst s5  }
0xe: {  	[smem:$0x3FB0] =	sst s6  }
0xf: {  	[smem:$0x3FB1] =	sst s7  }
0x10: {  	[smem:$0x3FB2] =	sst s8  }
0x11: {  	[smem:$0x3FB3] =	sst s9;
	s0 =	simm.s32 @!p0 $0x0  }
0x12: {  	s1 =	sld [smem:$0x3F99];
	s0 =	simm.s32 @p0 $0x1  }
0x13: {  	[smem:$0x3FB4] =	sst s0;
	s0 =	simm.s32 @!p1 $0x0  }
0x14: {  	s2 =	sld [smem:$0x3F98];
	s0 =	simm.s32 @p1 $0x1  }
0x15: {  	[smem:$0x3FB5] =	sst s0;
	s0 =	simm.s32 @!p2 $0x0  }
0x16: {  	s3 =	sld [smem:$0x3FDB];
	s0 =	simm.s32 @p2 $0x1  }
0x17: {  	s4 =	simm.s32 $0x1BF5;
	[smem:$0x3FB7] =	sst s0  }
0x18: {  	s0 =	sld [smem:$0x3F9A];
	_ =	swait.ge [sflag:s4], $0x0  }
0x19: {  	s7 =	sld [smem:$0x3F9B]  }
0x1a: {  	s8 =	sadd.s32 $0xFFFFE003, lr  }
0x1b: {  	s9 =	sadd.s32 $0xFFFFFEF7, lr;
	s5 =	simm.s32 $0xFFFFFFFF;
	p2 =	slt.u32 s8, $0xFFFFF086  }
0x1c: {  	p1 =	slt.u32 s9, $0xF7A;
	s5 =	simm.s32 @!p2 $0x0  }
0x1d: {  	s5 =	simm.s32 @p1 $0x1;
	p0 =	seq.s32 s7, s2  }
0x1e: {  	s7 =	smul.u32 @!p0 $0xF7A, s2;
	p2 =	seq.s32 @!p0 s5, $0x0  }
0x1f: {  	s9 =	smul.u32 $0xF7A, s1;
	s8 =	simm.s32 @!p0 $0x1BF5;
	p2 =	por !p2, p0  }
0x20: {  	[sflag:s8] =	ssyncset.s32 @!p0 $0xFFFFF086;
	s6 =	sadd.s32 @!p0 s3, s7;
	s7 =	simm.s32 @!p0 $0x108  }
0x21: {  	s3 =	sadd.s32 s3, s9;
	s6 =	sadd.s32 @!p0 $0x88, s6;
	s7 =	simm.s32 @p2 $0x1082  }
0x22: {  	[simem:s7], [sflag:s8] =	dma.local @!p0 [hbm:s6], $0xF7A  }
0x23: {  	s9 =	sor.u32 $0xD0000000, s2;
	s6 =	simm.s32 $0x108;
	_ =	swait.ge @!p0 [sflag:s8], $0x0  }
0x24: {  	s3 =	sadd.s32 $0x88, s3;
	s6 =	simm.s32 @!p1 $0x1082;
	[sflag:s4] =	ssyncset.s32 $0xFFFFF086  }
0x25: {  	[simem:s6], [sflag:s4] =	dma.local [hbm:s3], $0xF7A  }
0x26: {  	[smem:$0x3F9B] =	sst s1;
	(tag) =	ssettag s2;
	_ =	strace s9  }
0x27: {  	s1 =	sld [smem:$0x3FAB]  }
0x28: {  	s2 =	sld [smem:$0x3FAC]  }
0x29: {  	s4 =	sld [smem:$0x3FAE]  }
0x2a: {  	p0 =	seq.s32 s5, $0x0;
	s5 =	sld [smem:$0x3FAF]  }
0x2b: {  	s6 =	sld [smem:$0x3FB0]  }
0x2c: {  	s7 =	sld [smem:$0x3FB1]  }
0x2d: {  	s3 =	simm.s32 $0x108;
	s8 =	sld [smem:$0x3FB2]  }
0x2e: {  	s3 =	simm.s32 @!p0 $0x1082;
	s9 =	sld [smem:$0x3FB3]  }
0x2f: {  	lr =	sadd.s32 s0, s3;
	s0 =	sld [smem:$0x3FAA]  }
0x30: {  	s3 =	sld [smem:$0x3FAD]  }
0x31: {  	[smem:$0x3FB6] =	sst s10  }
0x32: {  	s10 =	sld [smem:$0x3FB4];
	_ =	sdelay $0x3  }
0x33: {  	p0 =	seq.s32 s10, $0x1;
	s10 =	sld [smem:$0x3FB6];
	_ =	sdelay $0x3  }
0x34: {  	[smem:$0x3FB6] =	sst s10  }
0x35: {  	s10 =	sld [smem:$0x3FB5];
	_ =	sdelay $0x3  }
0x36: {  	p1 =	seq.s32 s10, $0x1;
	s10 =	sld [smem:$0x3FB6];
	_ =	sdelay $0x3  }
0x37: {  	[smem:$0x3FB6] =	sst s10  }
0x38: {  	s10 =	sld [smem:$0x3FB7]  }
0x39: {  	_ = 	snop;
	(pc) =	sbr.ind lr, $3  }
0x3a: {  	_ = 	snop  }
0x3b: {  	_ = 	snop  }
0x3c: {  	p2 =	seq.s32 s10, $0x1;
	s10 =	sld [smem:$0x3FB6]  }
0x3d: {  	_ =	shalt  }
0x3e: {  	_ =	shalt  }
0x3f: {  	_ =	shalt  }
0x40: {  	_ =	shalt  }
0x41: {  	_ =	shalt  }
0x42: {  	_ =	shalt  }
0x43: {  	_ =	shalt  }
0x44: {  	_ =	shalt  }
0x45: {  	_ =	shalt  }
0x46: {  	_ =	shalt  }
0x47: {  	_ =	shalt  }
0x48: {  	_ =	shalt  }
0x49: {  	_ =	shalt  }
0x4a: {  	_ =	shalt  }
0x4b: {  	_ =	shalt  }
0x4c: {  	_ =	shalt  }
0x4d: {  	_ =	shalt  }
0x4e: {  	_ =	shalt  }
0x4f: {  	_ =	shalt  }
0x50: {  	_ =	shalt  }
0x51: {  	_ =	shalt  }
0x52: {  	_ =	shalt  }
0x53: {  	_ =	shalt  }
0x54: {  	_ =	shalt  }
0x55: {  	_ =	shalt  }
0x56: {  	_ =	shalt  }
0x57: {  	_ =	shalt  }
0x58: {  	_ =	shalt  }
0x59: {  	_ =	shalt  }
0x5a: {  	_ =	shalt  }
0x5b: {  	_ =	shalt  }
0x5c: {  	_ =	shalt  }
0x5d: {  	_ =	shalt  }
0x5e: {  	_ =	shalt  }
0x5f: {  	_ =	shalt  }
0x60: {  	_ =	shalt  }
0x61: {  	_ =	shalt  }
0x62: {  	_ =	shalt  }
0x63: {  	_ =	shalt  }
0x64: {  	_ =	shalt  }
0x65: {  	_ =	shalt  }
0x66: {  	_ =	shalt  }
0x67: {  	_ =	shalt  }
0x68: {  	_ =	shalt  }
0x69: {  	_ =	shalt  }
0x6a: {  	_ =	shalt  }
0x6b: {  	_ =	shalt  }
0x6c: {  	_ =	shalt  }
0x6d: {  	_ =	shalt  }
0x6e: {  	_ =	shalt  }
0x6f: {  	_ =	shalt  }
0x70: {  	_ =	shalt  }
0x71: {  	_ =	shalt  }
0x72: {  	_ =	shalt  }
0x73: {  	_ =	shalt  }
0x74: {  	_ =	shalt  }
0x75: {  	_ =	shalt  }
0x76: {  	_ =	shalt  }
0x77: {  	_ =	shalt  }
0x78: {  	_ =	shalt  }
0x79: {  	_ =	shalt  }
0x7a: {  	_ =	shalt  }
0x7b: {  	_ =	shalt  }
0x7c: {  	_ =	shalt  }
0x7d: {  	_ =	shalt  }
0x7e: {  	_ =	shalt  }
0x7f: {  	_ =	shalt  }
0x80: {  	_ =	shalt  }
0x81: {  	_ =	shalt  }
0x82: {  	_ =	shalt  }
0x83: {  	_ =	shalt  }
0x84: {  	_ =	shalt  }
0x85: {  	_ =	shalt  }
0x86: {  	_ =	shalt  }
0x87: {  	_ =	shalt  }
.Lfunc_end0:
.L_simem_size_0:
called_computation.5_lowered:
.L_overlay_start_0:
0x88: {  	s2 =	sld [smem:$0x3FD9]  }
0x89: {  	s3 =	sld [smem:$0x3FFE];
	_ =	sdelay $0x1  }
0x8a: {  	s1 =	srdreg.scid  }
0x8b: {  	s0 =	sand.u32 $0x1, s1  }
0x8c: {  	s16 =	sshll.u32 s0, $0xA;
	s2 =	sadd.s32 s3, s2  }
0x8d: {  	s2 =	sadd.s32 s2, s16  }
0x8e: {  	[smem:$0x3FC2] =	sst s2  }
0x8f: {  	_ = 	snop  }
0x90: {  	(tm) =	ssettm $0x1  }
0x91: {  	s17 =	sld [smem:$0x3FFB];
	_ =	sdelay $0x3  }
0x92: {  	_ =	strace s17  }
0x93: {  	s2 =	sld [smem:$0x3FFC];
	_ =	sdelay $0x3  }
0x94: {  	_ =	strace s2  }
0x95: {  	s2 =	sld [smem:$0x3FFD];
	_ =	sdelay $0x3  }
0x96: {  	_ =	strace s2  }
0x97: {  	_ =	strace $0x8FFFFFFF  }
0x98: {  	s18 =	sld [smem:$0x3FDB];
	_ =	sdelay $0x1  }
0x99: {  	s19 =	simm.s32 $_scs_section_size  }
0x9a: {  	s4 =	simm.s32 $_size__tile_overlayer_lowered;
	s5 =	simm.s32 $_tile_overlayer_lowered  }
0x9b: {  	s22 =	simm.s32 $0x1BFF;
	s21 =	sshll.u32 s5, $0x1;
	s2 =	sadd.s32 s19, s18  }
0x9c: {  	s6 =	simm.s32 $0x0;
	s20 =	sshll.u32 s4, $0x1;
	s4 =	sadd.s32 s21, s2  }
0x9d: {  	[timem:s6], [sflag:s22] =	dma.local [hbm:s4], s20  }
0x9e: {  	_ =	swait.ge [sflag:s22], s20  }
0x9f: {  	s3 =	ssub.s32 $0x0, s20;
	[sflag:s22] =	ssyncset.done $0x0  }
0xa0: {  	[sflag:s22] =	ssyncadd.s32 s3;
	_ =	sdelay $0x1  }
0xa1: {  	s23 =	simm.s32 $0x1B8B  }
0xa2: {  	_ =	swait.ge [sflag:s23], $0x1  }
0xa3: {  	[sflag:s23] =	ssyncset.done $0x0  }
0xa4: {  	s25 =	simm.s32 $0x1B8E;
	s24 =	sld [smem:$0x3FFE];
	[sflag:s23] =	ssyncadd.s32 $0xFFFFFFFF  }
0xa5: {  	s26 =	simm.s32 $execute0_lowered;
	[smem:$0x3FD2] =	sst s25  }
0xa6: {  	s4 =	sshll.u32 s26, $0x1;
	_ =	strace $0x80000055;
	[dreg:$0x1] =	wrdreg $0xFFFFFFFF  }
0xa7: {  	s28 =	simm.s32 $_size_execute0_lowered;
	s2 =	sadd.s32 s2, s4;
	[dreg:$0x0] =	wrdreg $0x0  }
0xa8: {  	s4 =	sshll.u32 s28, $0x1;
	[dreg:$0x2] =	wrdreg s2  }
0xa9: {  	[dreg:$0x3] =	wrdreg s4  }
0xaa: {  	[dreg:$0x4] =	wrdreg $0xC0  }
0xab: {  	_ =	task [dreg:s6], $0x5FFFF  }
0xac: {  	[dreg:$0x1] =	wrdreg $0xFFFFFFFF  }
0xad: {  	[dreg:$0x0] =	wrdreg $0x60  }
0xae: {  	[dreg:$0x2] =	wrdreg s24  }
0xaf: {  	[dreg:$0x3] =	wrdreg $0x9  }
0xb0: {  	_ =	task.clear_ibuf [dreg:s6], $0x4FFFF;
	_ =	strace $0x90000055  }
0xb1: {  	s29 =	simm.s32 $0x9;
	_ =	strace $0x80000057  }
0xb2: {  	_ =	swait.ge [sflag:s29], $0x1  }
0xb3: {  	[sflag:s29] =	ssyncadd.s32 $0xFFFFFFFF  }
0xb4: {  	_ =	strace $0x90000057  }
0xb5: {  	_ =	sfence  }
0xb6: {  	s30 =	sld [smem:$0x0];
	_ =	sdelay $0x2  }
0xb7: {  	s31 =	sshll.u32 s1, $0xD;
	s1 =	sshrl.u32 s1, $0x2  }
0xb8: {  	s3 =	sand.u32 $0x4000, s31;
	s1 =	sadd.s32 s1, s30  }
0xb9: {  	s0 =	sor.u32 s3, s0;
	s1 =	sshll.u32 s1, $0x11  }
0xba: {  	s0 =	sor.u32 s1, s0  }
0xbb: {  	s0 =	sadd.s32 $0x8F2B, s0  }
0xbc: {  	[sflag:s0] =	ssyncadd.remote.s32 $0x1  }
0xbd: {  	_ =	sfence.sel $0xFFFF  }
0xbe: {  	[dreg:$0x0] =	wrdreg $0xFFFFFFFF;
	(pc) =	sbr.abs _section_cstart, $3  }
0xbf: {  	[dreg:$0x1] =	wrdreg $0xFFFFFFFF  }
0xc0: {  	_ =	task.clear_ibuf [dreg:s6], $0x2FFFF;
	_ =	strace $0x9FFFFFFF  }
0xc1: {  	(tm) =	ssettm $0x7FFFFFFF  }
tec
execute0_lowered:
.L_overlay_start_1:
0x0: {  	(tag) =	ssettag $0x1  }
0x1: {  	s0 =	srdreg.scid;
	s4 =	rddreg [dreg:$0x0];
	s2 =	simm.s32 $0x0  }
0x2: {  	s10 =	simm.s32 $0x1400;
	s11 =	simm.s32 $0x2800;
	s3 =	sand.u32 $0x1, s0  }
0x3: {  	s12 =	simm.s32 $0x3C00;
	s0 =	stileid.u32;
	s1 =	sshll.u32 s3, $0x4  }
0x4: {  	s13 =	simm.s32 $0x10;
	s14 =	simm.s32 $0x80;
	s1 =	sor.u32 s0, s1  }
0x5: {  	[smem:$0x7FF] =	sst s2;
	s3 =	ssub.s32 $0x2, s3;
	s5 =	smul.u32 $0x1400, s1  }
0x6: {  	s15 =	simm.s32 $0x0;
	s7 =	sshrl.u32 s3, $0x1;
	s1 =	rddreg [dreg:$0x1]  }
0x7: {  	_ =	strace $0x80000056;
	s6 =	sshrl.u32 s5, $0x3;
	s8 =	sadd.s32 s5, s4  }
0x8: {  	s9 =	ssub.s32 s3, s7;
	s6 =	sadd.s32 s6, s4;
	s7 =	sadd.s32 $0x20200, s8  }
0x9: {  	s8 =	smax.u32 s9, $0x1;
	s9 =	simm.s32 $0x1;
	s3 =	sadd.s32 $0x11200, s6  }
0xa: {  	s4 =	sadd.s32 $0x16200, s6;
	s5 =	sadd.s32 $0x1B200, s6;
	s6 =	sadd.s32 $0xC200, s6  }
.LBB2_1:
0xb: {  	[tilespmem:s2], [sflag:$0x1] =	stream.linear.gather [hbm4b:s3+s2], $0x1400, $0x38;
	[tilespmem:$0x5000] =	vst v63  }
0xc: {  	_ =	swait.ge [sflag:s9], $0x1400  }
0xd: {  	[sflag:s9] =	ssyncset.done $0x0  }
0xe: {  	[sflag:s9] =	ssyncadd.s32 $0xFFFFEC00  }
0xf: {  	[tilespmem:s10], [sflag:$0x1] =	stream.linear.gather [hbm4b:s4+s2], $0x1400, $0x38;
	[tilespmem:$0x5000] =	vst v63  }
0x10: {  	_ =	swait.ge [sflag:s9], $0x1400  }
0x11: {  	[sflag:s9] =	ssyncset.done $0x0  }
0x12: {  	[sflag:s9] =	ssyncadd.s32 $0xFFFFEC00  }
0x13: {  	[tilespmem:s11], [sflag:$0x1] =	stream.linear.gather [hbm4b:s5+s2], $0x1400, $0x38;
	[tilespmem:$0x5000] =	vst v63  }
0x14: {  	_ =	swait.ge [sflag:s9], $0x1400  }
0x15: {  	[sflag:s9] =	ssyncset.done $0x0  }
0x16: {  	[sflag:s9] =	ssyncadd.s32 $0xFFFFEC00  }
0x17: {  	[tilespmem:s12], [sflag:$0x1] =	stream.linear.gather [hbm4b:s6+s2], $0x1400, $0x38;
	[tilespmem:$0x5000] =	vst v63  }
0x18: {  	_ =	swait.ge [sflag:s9], $0x1400  }
0x19: {  	[sflag:s9] =	ssyncset.done $0x0  }
0x1a: {  	s16 =	simm.s32 $0x0;
	[sflag:s9] =	ssyncadd.s32 $0xFFFFEC00  }
0x1b: {  	v1 =	vld [tilespmem:s16+$0x3C00]  }
0x1c: {  	v0 =	vld [tilespmem:s16+$0x3C10]  }
0x1d: {  	v2 =	vld [tilespmem:s16+$0x0]  }
0x1e: {  	v3 =	vld [tilespmem:s16+$0x1400]  }
0x1f: {  	v4 =	vld [tilespmem:s16+$0x10]  }
0x20: {  	v7 =	vld [tilespmem:s16+$0x1410]  }
0x21: {  	v5 =	vld [tilespmem:s16+$0x20]  }
0x22: {  	v9 =	vld [tilespmem:s16+$0x1420]  }
0x23: {  	v6 =	vld [tilespmem:s16+$0x30]  }
0x24: {  	v8 =	vld [tilespmem:s16+$0x1430]  }
0x25: {  	s17 =	simm.s32 $0x100;
	v10 =	vld [tilespmem:s16+$0x2800]  }
.LBB2_2:
0x26: {  	p0 =	sne.s32 s17, $0x4F00;
	v11 =	vld [tilespmem:s16+$0x2810]  }
0x27: {  	v12 =	vld [tilespmem:s16+$0x2820]  }
0x28: {  	v2 =	vadd.f32 v3, v2;
	v3 =	vld [tilespmem:s16+$0x2830]  }
0x29: {  	v4 =	vadd.f32 v7, v4;
	v7 =	vld [tilespmem:s16+$0x3C20]  }
0x2a: {  	s18 =	sshra.s32 s17, $0x2;
	v5 =	vadd.f32 v9, v5;
	v2 =	vadd.f32 v10, v2;
	v9 =	vld [tilespmem:s16+$0x3C30]  }
0x2b: {  	v6 =	vadd.f32 v8, v6;
	v10 =	vld [tilespmem:s18+$0x3C00];
	v4 =	vadd.f32 v11, v4  }
0x2c: {  	v8 =	vld [tilespmem:s18+$0x3C10];
	v1 =	vmul.f32 v2, v1;
	v5 =	vadd.f32 v12, v5  }
0x2d: {  	v2 =	vld [tilespmem:s18+$0x0];
	v0 =	vmul.f32 v4, v0;
	v6 =	vadd.f32 v3, v6  }
0x2e: {  	v3 =	vld [tilespmem:s18+$0x1400];
	[tilespmem:s16+$0x2800] =	vst v1;
	v5 =	vmul.f32 v5, v7  }
0x2f: {  	v4 =	vld [tilespmem:s18+$0x10];
	[tilespmem:s16+$0x2810] =	vst v0;
	v6 =	vmul.f32 v6, v9  }
0x30: {  	v7 =	vld [tilespmem:s18+$0x1410];
	[tilespmem:s16+$0x2820] =	vst v5;
	v1 =	vmov v10  }
.Ltmp0:
0x31: {  	v5 =	vld [tilespmem:s18+$0x20];
	[tilespmem:s16+$0x2830] =	vst v6;
	v0 =	vmov v8;
	s16 =	smov.u32 s18;
	(pc) =	sbr.rel @p0 .LBB2_2-.Ltmp0, $4  }
0x32: {  	v9 =	vld [tilespmem:s16+$0x1420]  }
0x33: {  	v6 =	vld [tilespmem:s16+$0x30]  }
0x34: {  	v8 =	vld [tilespmem:s16+$0x1430]  }
0x35: {  	s17 =	sadd.s32 $0x100, s17;
	v10 =	vld [tilespmem:s16+$0x2800]  }
0x36: {  	v11 =	vld [tilespmem:s16+$0x2810]  }
0x37: {  	v12 =	vld [tilespmem:s16+$0x2820]  }
0x38: {  	v2 =	vadd.f32 v3, v2;
	v58 =	vld [tilespmem:s16+$0x2830]  }
0x39: {  	v4 =	vadd.f32 v7, v4;
	v59 =	vld [tilespmem:s16+$0x3C20]  }
0x3a: {  	v60 =	vld [tilespmem:s16+$0x3C30];
	v5 =	vadd.f32 v9, v5;
	v2 =	vadd.f32 v10, v2  }
0x3b: {  	v6 =	vadd.f32 v8, v6;
	v4 =	vadd.f32 v11, v4  }
0x3c: {  	v61 =	vadd.f32 v12, v5;
	v1 =	vmul.f32 v2, v1  }
0x3d: {  	v3 =	vadd.f32 v58, v6;
	v0 =	vmul.f32 v4, v0  }
0x3e: {  	v62 =	vmul.f32 v61, v59;
	[tilespmem:s16+$0x2800] =	vst v1  }
0x3f: {  	s15 =	sadd.s32 $0x1, s15;
	v63 =	vmul.f32 v3, v60;
	[tilespmem:s16+$0x2810] =	vst v0  }
0x40: {  	p0 =	sne.s32 s15, s8;
	[tilespmem:s16+$0x2820] =	vst v62  }
.Ltmp1:
0x41: {  	[tilespmem:s16+$0x2830] =	vst v63;
	(pc) =	sbr.rel @p0 .LBB2_1-.Ltmp1, $4  }
0x42: {  	[hbm4b:s7+s13] =	stream.strided.scatter [tilespmem:s11], [sflag:$0x1], $0x1400, s14, s13, $0x38;
	[tilespmem:$0x5000] =	vst v63  }
0x43: {  	_ =	swait.ge [sflag:s9], $0x1400  }
0x44: {  	[sflag:s9] =	ssyncset.done $0x0  }
0x45: {  	[sflag:s9] =	ssyncadd.s32 $0xFFFFEC00  }
0x46: {  	_ =	sfence.sel $0x180000  }
0x47: {  	[bflag:$0x0] =	sbarrier.arrive $0xFFFF  }
0x48: {  	p0 =	sne.s32 s0, $0x0;
	_ =	strace $0x90000056  }
0x49: {  	s0 =	sadd.s32 @!p0 $0x100000, s1;
	[bflag:$0x2] =	sbarrier.arrive $0xFFFF  }
0x4a: {  	[sflag:s0] =	ssyncadd.tile.s32 @!p0 $0x1;
	_ =	shalt  }
.Lfunc_end2:
_tile_overlayer_lowered:
.L_overlay_start_2:
0x4b: {  	(tag) =	ssettag $0x2  }
0x4c: {  	s0 =	rddreg [dreg:$0x0];
	s2 =	stileid.u32  }
0x4d: {  	s1 =	rddreg [dreg:$0x1];
	p0 =	sne.s32 s2, $0x0  }
0x4e: {  	s3 =	rddreg [dreg:$0x2];
	[bflag:$0x3] =	sbarrier.arrive $0xFFFF;
	s2 =	simm.s32 @!p0 $0x1C01  }
0x4f: {  	[timem:s3], [sflag:s2] =	dma.local @!p0 [hbm:s0], s1  }
0x50: {  	s0 =	simm.s32 @!p0 $0x1  }
0x51: {  	_ =	swait.ge @!p0 [sflag:s0], s1  }
0x52: {  	s1 =	ssub.s32 @!p0 $0x0, s1;
	[sflag:s0] =	ssyncset.done @!p0 $0x0  }
0x53: {  	[sflag:s0] =	ssyncadd.s32 @!p0 s1  }
0x54: {  	[bflag:$0x3] =	sbarrier.arrive $0xFFFF  }
0x55: {  	_ =	shalt  }

</sc_bundles>
